<compile_context>
chip_gen: v7x
topology: tpu7x:2x2x1
jax: 0.10.2.dev20260603
libtpu: 0.0.44.dev20260713+nightly
codegen_flags: <defaults>
</compile_context>

<pallas_src>
import functools

import jax
import jax.numpy as jnp
from jax import lax
from jax.experimental import pallas as pl
from jax.experimental.pallas import tpu as pltpu
from jax.experimental.pallas import tpu_sc as plsc

N = 10000
E = 320000
D = 128
H = 4
C1 = 64
C2 = 32
EPS = 1e-5

NPAD = 10240
NR = NPAD // 128
KCH = 128
EPAD = 16 * KCH * 162
PER_TILE = EPAD // 16
NCH = PER_TILE // KCH
BN = 1024



def _k1_body(x_ref, w_ref, a_ref, ht_ref, aa_ref):
    h = jnp.dot(x_ref[...], w_ref[...], preferred_element_type=jnp.float32)
    for hh in range(H):
        ht_ref[:, hh, :] = h[:, hh * C1 : (hh + 1) * C1]
    aa_ref[...] = jnp.dot(h, a_ref[...], preferred_element_type=jnp.float32)


def _tc_layer1(xp, W1, A1):
    return pl.pallas_call(
        _k1_body,
        grid=(NPAD // BN,),
        in_specs=[
            pl.BlockSpec((BN, D), lambda i: (i, 0)),
            pl.BlockSpec((D, H * C1), lambda i: (0, 0)),
            pl.BlockSpec((H * C1, 2 * H), lambda i: (0, 0)),
        ],
        out_specs=[
            pl.BlockSpec((BN, H, C1), lambda i: (i, 0, 0)),
            pl.BlockSpec((BN, 2 * H), lambda i: (i, 0)),
        ],
        out_shape=[
            jax.ShapeDtypeStruct((NPAD, H, C1), jnp.float32),
            jax.ShapeDtypeStruct((NPAD, 2 * H), jnp.float32),
        ],
    )(xp, W1, A1)


def _k2_body(acc_ref, b_ref, g_ref, be_ref, rm_ref, rv_ref, w_ref, a_ref,
             ht_ref, aa_ref):
    h = jnp.concatenate(
        [acc_ref[0, 0], acc_ref[0, 1], acc_ref[1, 0], acc_ref[1, 1]],
        axis=-1) + b_ref[...]
    h = (h - rm_ref[...]) / jnp.sqrt(rv_ref[...] + EPS) * g_ref[...] + be_ref[...]
    z = jnp.where(h > 0, h, jnp.exp(h) - 1.0)
    h2 = jnp.dot(z, w_ref[...], preferred_element_type=jnp.float32)
    for hh in range(H):
        ht_ref[:, hh, :] = h2[:, hh * C2 : (hh + 1) * C2]
    aa_ref[...] = jnp.dot(h2, a_ref[...], preferred_element_type=jnp.float32)


def _tc_layer2(acc1, b1, g1, be1, rm1, rv1, W2, A2):
    vec = lambda: pl.BlockSpec((1, H * C1), lambda i: (0, 0))
    return pl.pallas_call(
        _k2_body,
        grid=(NPAD // BN,),
        in_specs=[
            pl.BlockSpec((2, 2, BN, C1), lambda i: (0, 0, i, 0)),
            vec(), vec(), vec(), vec(), vec(),
            pl.BlockSpec((H * C1, H * C2), lambda i: (0, 0)),
            pl.BlockSpec((H * C2, 2 * H), lambda i: (0, 0)),
        ],
        out_specs=[
            pl.BlockSpec((BN, H, C2), lambda i: (i, 0, 0)),
            pl.BlockSpec((BN, 2 * H), lambda i: (i, 0)),
        ],
        out_shape=[
            jax.ShapeDtypeStruct((NPAD, H, C2), jnp.float32),
            jax.ShapeDtypeStruct((NPAD, 2 * H), jnp.float32),
        ],
    )(acc1, b1, g1, be1, rm1, rv1, W2, A2)


def _k3_body(acc_ref, b_ref, g_ref, be_ref, rm_ref, rv_ref, w_ref, bfc_ref,
             out_ref):
    h = jnp.concatenate(
        [acc_ref[0, 0], acc_ref[0, 1], acc_ref[1, 0], acc_ref[1, 1]],
        axis=-1) + b_ref[...]
    h = (h - rm_ref[...]) / jnp.sqrt(rv_ref[...] + EPS) * g_ref[...] + be_ref[...]
    z = jnp.where(h > 0, h, jnp.exp(h) - 1.0)
    out_ref[...] = jnp.dot(z, w_ref[...], preferred_element_type=jnp.float32) + bfc_ref[...]


def _tc_final(acc2, b2, g2, be2, rm2, rv2, Wfc, bfc):
    vec = lambda: pl.BlockSpec((1, H * C2), lambda i: (0, 0))
    return pl.pallas_call(
        _k3_body,
        grid=(NPAD // BN,),
        in_specs=[
            pl.BlockSpec((2, 2, BN, C2), lambda i: (0, 0, i, 0)),
            vec(), vec(), vec(), vec(), vec(),
            pl.BlockSpec((H * C2, 1), lambda i: (0, 0)),
            pl.BlockSpec((1, 1), lambda i: (0, 0)),
        ],
        out_specs=pl.BlockSpec((BN, 1), lambda i: (i, 0)),
        out_shape=jax.ShapeDtypeStruct((NPAD, 1), jnp.float32),
    )(acc2, b2, g2, be2, rm2, rv2, Wfc, bfc)



_PASSB = True
_PASSA = True

def _make_sc_edge_kernel(C):
    mesh = plsc.VectorSubcoreMesh(core_axis_name="c", subcore_axis_name="s")
    scratch = [
        pltpu.VMEM((PER_TILE,), jnp.int32),
        pltpu.VMEM((PER_TILE,), jnp.int32),
        pltpu.VMEM((NPAD,), jnp.float32),
        pltpu.VMEM((NPAD,), jnp.float32),
        pltpu.VMEM((NR, 128), jnp.float32),
        pltpu.VMEM((KCH, C), jnp.float32),
        pltpu.VMEM((KCH,), jnp.int32),
        pltpu.VMEM((KCH,), jnp.int32),
        pltpu.VMEM((KCH,), jnp.float32),
        pltpu.VMEM((NR,), jnp.int32),
        pltpu.VMEM_SHARED((NPAD, C), jnp.float32),
        pltpu.VMEM_SHARED((NR, 128), jnp.float32),
        pltpu.SemaphoreType.DMA,
    ]
    NSL = NPAD // 16

    @functools.partial(
        pl.kernel,
        out_type=jax.ShapeDtypeStruct((2, 2, NPAD, C), jnp.float32),
        mesh=mesh,
        scratch_types=scratch,
        compiler_params=pltpu.CompilerParams(
            needs_layout_passes=False, use_tc_tiling_on_sc=False),
    )
    def k(ht, srcg, dstg, asad, out, srcb, dstb, tas, tad, den, rows,
          gidx, sidx, al, pidx, acc, den_sh, sem):
        c = lax.axis_index("c")
        s = lax.axis_index("s")
        base_e = s * PER_TILE

        pltpu.sync_copy(srcg.at[pl.ds(base_e, PER_TILE)], srcb)
        pltpu.sync_copy(dstg.at[pl.ds(base_e, PER_TILE)], dstb)

        z16f = jnp.zeros((16,), jnp.float32)
        lanes = lax.iota(jnp.int32, 16)

        def _zrows(r, _):
            for kk in range(C // 16):
                rows[r, pl.ds(kk * 16, 16)] = z16f
            return 0
        lax.fori_loop(0, KCH, _zrows, 0)

        def _pini(i, _):
            pidx[pl.ds(i * 16, 16)] = lanes + i * 16
            return 0
        lax.fori_loop(0, NR // 16, _pini, 0)

        for g in range(2):
            hh = 2 * g + c

            pltpu.sync_copy(asad.at[hh, 0], tas)
            pltpu.sync_copy(asad.at[hh, 1], tad)

            def _zden(r, _):
                for kk in range(8):
                    den[r, pl.ds(kk * 16, 16)] = z16f
                return 0
            lax.fori_loop(0, NR, _zden, 0)
            for kk in range(NSL // KCH):
                pltpu.sync_copy(rows, acc.at[pl.ds(s * NSL + kk * KCH, KCH)])
            pltpu.sync_copy(den.at[pl.ds(0, NR // 16)],
                            den_sh.at[pl.ds(s * (NR // 16), NR // 16)])
            plsc.subcore_barrier()

            def _passA(gg, _):
                o = gg * 16
                sv = srcb[pl.ds(o, 16)]
                dv = dstb[pl.ds(o, 16)]
                dhi = lax.shift_right_logical(dv, 7)
                dlo = lax.bitwise_and(dv, 127)
                ev = plsc.load_gather(tas, [sv]) + plsc.load_gather(tad, [dv])
                ev = jnp.where(ev > 0, ev, 0.2 * ev)
                plsc.addupdate_scatter(den, [dhi, dlo], jnp.exp(ev))
                return 0
            if _PASSA:
                lax.fori_loop(0, PER_TILE // 16, _passA, 0)
                pltpu.sync_copy(den, den_sh.at[pidx], add=True)
            plsc.subcore_barrier()
            pltpu.sync_copy(den_sh, den)

            def _chunk(ch, _):
                eb = ch * KCH

                def _idx(gg, _):
                    o = eb + gg * 16
                    gidx[pl.ds(gg * 16, 16)] = srcb[pl.ds(o, 16)] * H + hh
                    sidx[pl.ds(gg * 16, 16)] = dstb[pl.ds(o, 16)]
                    return 0
                lax.fori_loop(0, KCH // 16, _idx, 0)

                cp = pltpu.async_copy(ht.at[gidx], rows, sem)

                def _alpha(gg, _):
                    o = eb + gg * 16
                    sv = srcb[pl.ds(o, 16)]
                    dv = dstb[pl.ds(o, 16)]
                    dhi = lax.shift_right_logical(dv, 7)
                    dlo = lax.bitwise_and(dv, 127)
                    ev = plsc.load_gather(tas, [sv]) + plsc.load_gather(tad, [dv])
                    ev = jnp.where(ev > 0, ev, 0.2 * ev)
                    dd = plsc.load_gather(den, [dhi, dlo])
                    al[pl.ds(gg * 16, 16)] = jnp.exp(ev) / (dd + 1e-16)
                    return 0
                lax.fori_loop(0, KCH // 16, _alpha, 0)

                cp.wait()

                def _scale(gg, _):
                    av = al[pl.ds(gg * 16, 16)]
                    for l in range(16):
                        r = gg * 16 + l
                        a0 = av[l]
                        for kk in range(C // 16):
                            rows[r, pl.ds(kk * 16, 16)] = (
                                rows[r, pl.ds(kk * 16, 16)] * a0)
                    return 0
                lax.fori_loop(0, KCH // 16, _scale, 0)

                pltpu.sync_copy(rows, acc.at[sidx], add=True)
                return 0
            if _PASSB:
                lax.fori_loop(0, NCH, _chunk, 0)

            plsc.subcore_barrier()
            pltpu.sync_copy(acc.at[pl.ds(s * NSL, NSL)],
                            out.at[g, c, pl.ds(s * NSL, NSL)])
            if g == 0:
                def _zrows2(r, _):
                    for kk in range(C // 16):
                        rows[r, pl.ds(kk * 16, 16)] = z16f
                    return 0
                lax.fori_loop(0, KCH, _zrows2, 0)

    return k


_sc_edge_l1 = _make_sc_edge_kernel(C1)
_sc_edge_l2 = _make_sc_edge_kernel(C2)


def _attn_mats(a_s, a_d, ch):
    eyeH = jnp.eye(H, dtype=jnp.float32)
    As = (a_s[:, :, None] * eyeH[:, None, :]).reshape(H * ch, H)
    Ad = (a_d[:, :, None] * eyeH[:, None, :]).reshape(H * ch, H)
    return jnp.concatenate([As, Ad], axis=1)


_PERM = (0, 4, 1, 5, 2, 6, 3, 7)


def kernel(x, edge_index, W1, a_src1, a_dst1, b1, g1, be1, rm1, rv1,
           W2, a_src2, a_dst2, b2, g2, be2, rm2, rv2, Wfc, bfc):
    loops = jnp.arange(N, dtype=jnp.int32)
    padi = jnp.full((EPAD - E - N,), N, jnp.int32)
    src = jnp.concatenate([edge_index[0], loops, padi])
    dst = jnp.concatenate([edge_index[1], loops, padi])

    xp = jnp.zeros((NPAD, D), jnp.float32).at[:N].set(x)

    ht1, aa1 = _tc_layer1(xp, W1, _attn_mats(a_src1, a_dst1, C1))
    asad1 = aa1.T[jnp.array(_PERM)].reshape(H, 2, NPAD)
    acc1 = _sc_edge_l1(ht1.reshape(H * NPAD, C1), src, dst, asad1)

    ht2, aa2 = _tc_layer2(acc1, b1.reshape(1, -1), g1.reshape(1, -1),
                          be1.reshape(1, -1), rm1.reshape(1, -1),
                          rv1.reshape(1, -1), W2,
                          _attn_mats(a_src2, a_dst2, C2))
    asad2 = aa2.T[jnp.array(_PERM)].reshape(H, 2, NPAD)
    acc2 = _sc_edge_l2(ht2.reshape(H * NPAD, C2), src, dst, asad2)

    y = _tc_final(acc2, b2.reshape(1, -1), g2.reshape(1, -1),
                  be2.reshape(1, -1), rm2.reshape(1, -1),
                  rv2.reshape(1, -1), Wfc, bfc.reshape(1, 1))
    return y[:N]

# --- scband reference (transcript-rebuilt; emitter-appended) ---
"""Pipeline reference for scband-bangalore-gat-83193516524091 (READ-ONLY COPY).

The authoritative reference and input builder live on the scoring server;
editing this copy changes nothing except your own understanding.
"""

import jax, jax.numpy as jnp
import numpy as np

N = 10000
E = 320000
D = 128
H = 4
C1 = 64
C2 = 32
EPS = 1e-5


def setup_inputs(seed: int = 0) -> dict:
    key = jax.random.key(seed)
    k = lambda i: jax.random.fold_in(key, i)
    inp = {}
    inp['x'] = jax.random.normal(k(0), (N, D), dtype=jnp.float32)
    inp['edge_index'] = jax.random.randint(k(1), (2, E), 0, N, dtype=jnp.int32)
    inp['W1'] = jax.random.normal(k(2), (D, H * C1), dtype=jnp.float32) * 0.1
    inp['a_src1'] = jax.random.normal(k(3), (H, C1), dtype=jnp.float32) * 0.1
    inp['a_dst1'] = jax.random.normal(k(4), (H, C1), dtype=jnp.float32) * 0.1
    inp['b1'] = jnp.zeros((H * C1,), dtype=jnp.float32)
    inp['g1'] = jnp.ones((H * C1,), dtype=jnp.float32) + 0.1 * jax.random.normal(k(5), (H * C1,), dtype=jnp.float32)
    inp['be1'] = 0.1 * jax.random.normal(k(6), (H * C1,), dtype=jnp.float32)
    inp['rm1'] = 0.01 * jax.random.normal(k(7), (H * C1,), dtype=jnp.float32)
    inp['rv1'] = jnp.ones((H * C1,), dtype=jnp.float32) + 0.1 * jax.random.uniform(k(8), (H * C1,), dtype=jnp.float32)
    inp['W2'] = jax.random.normal(k(9), (H * C1, H * C2), dtype=jnp.float32) * 0.05
    inp['a_src2'] = jax.random.normal(k(10), (H, C2), dtype=jnp.float32) * 0.1
    inp['a_dst2'] = jax.random.normal(k(11), (H, C2), dtype=jnp.float32) * 0.1
    inp['b2'] = jnp.zeros((H * C2,), dtype=jnp.float32)
    inp['g2'] = jnp.ones((H * C2,), dtype=jnp.float32) + 0.1 * jax.random.normal(k(12), (H * C2,), dtype=jnp.float32)
    inp['be2'] = 0.1 * jax.random.normal(k(13), (H * C2,), dtype=jnp.float32)
    inp['rm2'] = 0.01 * jax.random.normal(k(14), (H * C2,), dtype=jnp.float32)
    inp['rv2'] = jnp.ones((H * C2,), dtype=jnp.float32) + 0.1 * jax.random.uniform(k(15), (H * C2,), dtype=jnp.float32)
    inp['Wfc'] = jax.random.normal(k(16), (H * C2, 1), dtype=jnp.float32) * 0.1
    inp['bfc'] = jnp.zeros((1,), dtype=jnp.float32)
    return inp


def _bn_eval(x, g, b, rm, rv):
    return (x - rm) / jnp.sqrt(rv + EPS) * g + b


def _gat_layer(x, ei, W, a_s, a_d, bias, heads, ch):
    n = x.shape[0]
    loops = jnp.arange(n, dtype=ei.dtype)
    ei = jnp.concatenate([ei, jnp.stack([loops, loops])], axis=1)
    src, dst = ei[0], ei[1]
    h = (x @ W).reshape(n, heads, ch)
    alpha_src = (h * a_s[None, :, :]).sum(-1)
    alpha_dst = (h * a_d[None, :, :]).sum(-1)
    e = jax.nn.leaky_relu(alpha_src[src] + alpha_dst[dst], negative_slope=0.2)
    emax = jax.ops.segment_max(e, dst, num_segments=n)
    emax = jax.lax.stop_gradient(jnp.where(jnp.isfinite(emax), emax, 0.0))
    ee = jnp.exp(e - emax[dst])
    den = jax.ops.segment_sum(ee, dst, num_segments=n)
    alpha = ee / (den[dst] + 1e-16)
    out = jax.ops.segment_sum(h[src] * alpha[:, :, None], dst, num_segments=n)
    return out.reshape(n, heads * ch) + bias


def reference(x, edge_index, W1, a_src1, a_dst1, b1, g1, be1, rm1, rv1, W2, a_src2, a_dst2, b2, g2, be2, rm2, rv2, Wfc, bfc):
    h = _gat_layer(x, edge_index, W1, a_src1, a_dst1, b1, H, C1)
    h = jax.nn.elu(_bn_eval(h, g1, be1, rm1, rv1))
    h = _gat_layer(h, edge_index, W2, a_src2, a_dst2, b2, H, C2)
    h = jax.nn.elu(_bn_eval(h, g2, be2, rm2, rv2))
    return h @ Wfc + bfc

if __name__ == "__main__":
    import jax
    _d = setup_inputs()
    print(jax.jit(kernel)(*tuple(_d.values())))

</pallas_src>

<mosaic_0001>
#map = affine_map<(d0, d1) -> (0, 0)>
#map1 = affine_map<(d0, d1) -> (0)>
#map2 = affine_map<(d0, d1) -> (0, 0, 0)>
#map3 = affine_map<(d0, d1) -> (0, 0, 0, 0)>
module attributes {stable_mosaic.version = 14 : i64} {
  func.func @k(%arg0: i32, %arg1: i32, %arg2: memref<40960x64xf32, #tpu.memory_space<hbm>>, %arg3: memref<331776xi32, #tpu.memory_space<hbm>>, %arg4: memref<331776xi32, #tpu.memory_space<hbm>>, %arg5: memref<4x2x10240xf32, #tpu.memory_space<hbm>>, %arg6: memref<2x2x10240x64xf32, #tpu.memory_space<hbm>>, %arg7: memref<20736xi32, #tpu.memory_space<vmem>>, %arg8: memref<20736xi32, #tpu.memory_space<vmem>>, %arg9: memref<10240xf32, #tpu.memory_space<vmem>>, %arg10: memref<10240xf32, #tpu.memory_space<vmem>>, %arg11: memref<80x128xf32, #tpu.memory_space<vmem>>, %arg12: memref<128x64xf32, #tpu.memory_space<vmem>>, %arg13: memref<128xi32, #tpu.memory_space<vmem>>, %arg14: memref<128xi32, #tpu.memory_space<vmem>>, %arg15: memref<128xf32, #tpu.memory_space<vmem>>, %arg16: memref<80xi32, #tpu.memory_space<vmem>>, %arg17: memref<10240x64xf32, #tpu.memory_space<vmem_shared>>, %arg18: memref<80x128xf32, #tpu.memory_space<vmem_shared>>, %arg19: memref<!tpu.dma_semaphore, #tpu.memory_space<semaphore_mem>>) attributes {dimension_semantics = [#tpu.dimension_semantics<core_parallel>, #tpu.dimension_semantics<subcore_parallel>], iteration_bounds = array<i64: 2, 16>, scalar_prefetch = 0 : i64, scratch_operands = 13 : i64, tpu.core_type = #tpu.core_type<sc_vector_subcore>, window_params = [{transform_indices = #map}, {transform_indices = #map1}, {transform_indices = #map1}, {transform_indices = #map2}, {transform_indices = #map3}]} {
    %mul3A = arith.constant 20736 : i32
    %mul3A_0 = arith.muli %arg1, %mul3A : i32
    "tpu.region"() ({
      %run_scoped3A_129 = tpu.sem_alloc : memref<!tpu.dma_semaphore, #tpu.memory_space<semaphore_mem>>
      %dma_start3A = tpu.memref_slice %arg3[%mul3A_0] : memref<331776xi32, #tpu.memory_space<hbm>> -> memref<20736xi32, #tpu.memory_space<hbm>>
      %dma_start3A_130 = tpu.memref_slice %arg3[%mul3A_0] : memref<331776xi32, #tpu.memory_space<hbm>> -> memref<20736xi32, #tpu.memory_space<hbm>>
      tpu.enqueue_dma source(%dma_start3A_130 : memref<20736xi32, #tpu.memory_space<hbm>>) target(%arg7 : memref<20736xi32, #tpu.memory_space<vmem>>) target_semaphore(%run_scoped3A_129 : memref<!tpu.dma_semaphore, #tpu.memory_space<semaphore_mem>>)
      %dma_wait3A = tpu.memref_slice %arg3[%mul3A_0] : memref<331776xi32, #tpu.memory_space<hbm>> -> memref<20736xi32, #tpu.memory_space<hbm>>
      %dma_wait3A_131 = tpu.memref_slice %arg3[%mul3A_0] : memref<331776xi32, #tpu.memory_space<hbm>> -> memref<20736xi32, #tpu.memory_space<hbm>>
      tpu.wait_dma2 semaphore(%run_scoped3A_129 : memref<!tpu.dma_semaphore, #tpu.memory_space<semaphore_mem>>) src(%dma_wait3A_131 : memref<20736xi32, #tpu.memory_space<hbm>>) dst(%arg7 : memref<20736xi32, #tpu.memory_space<vmem>>)
      tpu.yield
    }) : () -> ()
    "tpu.region"() ({
      %run_scoped3A_129 = tpu.sem_alloc : memref<!tpu.dma_semaphore, #tpu.memory_space<semaphore_mem>>
      %dma_start3A = tpu.memref_slice %arg4[%mul3A_0] : memref<331776xi32, #tpu.memory_space<hbm>> -> memref<20736xi32, #tpu.memory_space<hbm>>
      %dma_start3A_130 = tpu.memref_slice %arg4[%mul3A_0] : memref<331776xi32, #tpu.memory_space<hbm>> -> memref<20736xi32, #tpu.memory_space<hbm>>
      tpu.enqueue_dma source(%dma_start3A_130 : memref<20736xi32, #tpu.memory_space<hbm>>) target(%arg8 : memref<20736xi32, #tpu.memory_space<vmem>>) target_semaphore(%run_scoped3A_129 : memref<!tpu.dma_semaphore, #tpu.memory_space<semaphore_mem>>)
      %dma_wait3A = tpu.memref_slice %arg4[%mul3A_0] : memref<331776xi32, #tpu.memory_space<hbm>> -> memref<20736xi32, #tpu.memory_space<hbm>>
      %dma_wait3A_131 = tpu.memref_slice %arg4[%mul3A_0] : memref<331776xi32, #tpu.memory_space<hbm>> -> memref<20736xi32, #tpu.memory_space<hbm>>
      tpu.wait_dma2 semaphore(%run_scoped3A_129 : memref<!tpu.dma_semaphore, #tpu.memory_space<semaphore_mem>>) src(%dma_wait3A_131 : memref<20736xi32, #tpu.memory_space<hbm>>) dst(%arg8 : memref<20736xi32, #tpu.memory_space<vmem>>)
      tpu.yield
    }) : () -> ()
    %broadcast_in_dim3A = arith.constant 0.000000e+00 : f32
    %broadcast_in_dim3A_1 = vector.broadcast %broadcast_in_dim3A : f32 to vector<16xf32>
    %iota3A = tpu.iota {dimensions = array<i32: 0>} : vector<16xi32>
    %scan3A = arith.constant 0 : i32
    %scan3A_2 = arith.constant 0 : i32
    %scan3A_3 = arith.constant 128 : i32
    %scan3A_4 = arith.addi %scan3A_2, %scan3A_3 : i32
    %scan3A_5 = arith.constant 1 : i32
    %scan3A_6 = scf.for %scan3A_129 = %scan3A_2 to %scan3A_4 step %scan3A_5 iter_args(%scan3A_130 = %scan3A) -> (i32)  : i32 {
      %swap3A = arith.index_cast %scan3A_129 : i32 to index
      %swap3A_131 = arith.constant 0 : index
      %swap3A_132 = tpu.vector_load %arg12[%swap3A, %swap3A_131] {strides = array<i32>} : memref<128x64xf32, #tpu.memory_space<vmem>>, vector<16xf32>,
      tpu.vector_store %arg12[%swap3A, %swap3A_131], %broadcast_in_dim3A_1 {strides = array<i32>} : memref<128x64xf32, #tpu.memory_space<vmem>>, vector<16xf32>,
      %swap3A_133 = arith.index_cast %scan3A_129 : i32 to index
      %swap3A_134 = arith.constant 16 : index
      %swap3A_135 = tpu.vector_load %arg12[%swap3A_133, %swap3A_134] {strides = array<i32>} : memref<128x64xf32, #tpu.memory_space<vmem>>, vector<16xf32>,
      tpu.vector_store %arg12[%swap3A_133, %swap3A_134], %broadcast_in_dim3A_1 {strides = array<i32>} : memref<128x64xf32, #tpu.memory_space<vmem>>, vector<16xf32>,
      %swap3A_136 = arith.index_cast %scan3A_129 : i32 to index
      %swap3A_137 = arith.constant 32 : index
      %swap3A_138 = tpu.vector_load %arg12[%swap3A_136, %swap3A_137] {strides = array<i32>} : memref<128x64xf32, #tpu.memory_space<vmem>>, vector<16xf32>,
      tpu.vector_store %arg12[%swap3A_136, %swap3A_137], %broadcast_in_dim3A_1 {strides = array<i32>} : memref<128x64xf32, #tpu.memory_space<vmem>>, vector<16xf32>,
      %swap3A_139 = arith.index_cast %scan3A_129 : i32 to index
      %swap3A_140 = arith.constant 48 : index
      %swap3A_141 = tpu.vector_load %arg12[%swap3A_139, %swap3A_140] {strides = array<i32>} : memref<128x64xf32, #tpu.memory_space<vmem>>, vector<16xf32>,
      tpu.vector_store %arg12[%swap3A_139, %swap3A_140], %broadcast_in_dim3A_1 {strides = array<i32>} : memref<128x64xf32, #tpu.memory_space<vmem>>, vector<16xf32>,
      %scan3A_142 = arith.constant 0 : i32
      scf.yield %scan3A_142 : i32
    }
    %scan3A_7 = arith.constant 128 : i32
    %scan3A_8 = arith.constant 0 : i32
    %scan3A_9 = arith.constant 0 : i32
    %scan3A_10 = arith.constant 5 : i32
    %scan3A_11 = arith.addi %scan3A_9, %scan3A_10 : i32
    %scan3A_12 = arith.constant 1 : i32
    %scan3A_13 = scf.for %scan3A_129 = %scan3A_9 to %scan3A_11 step %scan3A_12 iter_args(%scan3A_130 = %scan3A_8) -> (i32)  : i32 {
      %mul3A_131 = arith.constant 16 : i32
      %mul3A_132 = arith.muli %scan3A_129, %mul3A_131 : i32
      %add3A_133 = vector.broadcast %mul3A_132 : i32 to vector<16xi32>
      %add3A_134 = arith.addi %iota3A, %add3A_133 : vector<16xi32>
      %mul3A_135 = arith.constant 16 : i32
      %mul3A_136 = arith.muli %scan3A_129, %mul3A_135 : i32
      %swap3A = arith.index_cast %mul3A_136 : i32 to index
      %swap3A_137 = tpu.vector_load %arg16[%swap3A] {strides = array<i32>} : memref<80xi32, #tpu.memory_space<vmem>>, vector<16xi32>,
      tpu.vector_store %arg16[%swap3A], %add3A_134 {strides = array<i32>} : memref<80xi32, #tpu.memory_space<vmem>>, vector<16xi32>,
      %scan3A_138 = arith.constant 0 : i32
      scf.yield %scan3A_138 : i32
    }
    %scan3A_14 = arith.constant 5 : i32
    %add3A = arith.constant 0 : i32
    %add3A_15 = arith.addi %add3A, %arg0 : i32
    %run_scoped3A = arith.constant 0 : i32
    "tpu.region"() ({
      %run_scoped3A_129 = tpu.sem_alloc : memref<!tpu.dma_semaphore, #tpu.memory_space<semaphore_mem>>
      %dma_start3A = arith.constant 0 : i32
      %dma_start3A_130 = tpu.memref_slice %arg5[%add3A_15, %run_scoped3A, %dma_start3A] : memref<4x2x10240xf32, #tpu.memory_space<hbm>> -> memref<1x1x10240xf32, #tpu.memory_space<hbm>>
      %dma_start3A_131 = tpu.memref_squeeze %dma_start3A_130 : memref<1x1x10240xf32, #tpu.memory_space<hbm>> -> memref<10240xf32, #tpu.memory_space<hbm>>
      %dma_start3A_132 = arith.constant 0 : i32
      %dma_start3A_133 = tpu.memref_slice %arg5[%add3A_15, %run_scoped3A, %dma_start3A_132] : memref<4x2x10240xf32, #tpu.memory_space<hbm>> -> memref<1x1x10240xf32, #tpu.memory_space<hbm>>
      %dma_start3A_134 = tpu.memref_squeeze %dma_start3A_133 : memref<1x1x10240xf32, #tpu.memory_space<hbm>> -> memref<10240xf32, #tpu.memory_space<hbm>>
      tpu.enqueue_dma source(%dma_start3A_134 : memref<10240xf32, #tpu.memory_space<hbm>>) target(%arg9 : memref<10240xf32, #tpu.memory_space<vmem>>) target_semaphore(%run_scoped3A_129 : memref<!tpu.dma_semaphore, #tpu.memory_space<semaphore_mem>>)
      %dma_wait3A = arith.constant 0 : i32
      %dma_wait3A_135 = tpu.memref_slice %arg5[%add3A_15, %run_scoped3A, %dma_wait3A] : memref<4x2x10240xf32, #tpu.memory_space<hbm>> -> memref<1x1x10240xf32, #tpu.memory_space<hbm>>
      %dma_wait3A_136 = tpu.memref_squeeze %dma_wait3A_135 : memref<1x1x10240xf32, #tpu.memory_space<hbm>> -> memref<10240xf32, #tpu.memory_space<hbm>>
      %dma_wait3A_137 = arith.constant 0 : i32
      %dma_wait3A_138 = tpu.memref_slice %arg5[%add3A_15, %run_scoped3A, %dma_wait3A_137] : memref<4x2x10240xf32, #tpu.memory_space<hbm>> -> memref<1x1x10240xf32, #tpu.memory_space<hbm>>
      %dma_wait3A_139 = tpu.memref_squeeze %dma_wait3A_138 : memref<1x1x10240xf32, #tpu.memory_space<hbm>> -> memref<10240xf32, #tpu.memory_space<hbm>>
      tpu.wait_dma2 semaphore(%run_scoped3A_129 : memref<!tpu.dma_semaphore, #tpu.memory_space<semaphore_mem>>) src(%dma_wait3A_139 : memref<10240xf32, #tpu.memory_space<hbm>>) dst(%arg9 : memref<10240xf32, #tpu.memory_space<vmem>>)
      tpu.yield
    }) : () -> ()
    %run_scoped3A_16 = arith.constant 1 : i32
    "tpu.region"() ({
      %run_scoped3A_129 = tpu.sem_alloc : memref<!tpu.dma_semaphore, #tpu.memory_space<semaphore_mem>>
      %dma_start3A = arith.constant 0 : i32
      %dma_start3A_130 = tpu.memref_slice %arg5[%add3A_15, %run_scoped3A_16, %dma_start3A] : memref<4x2x10240xf32, #tpu.memory_space<hbm>> -> memref<1x1x10240xf32, #tpu.memory_space<hbm>>
      %dma_start3A_131 = tpu.memref_squeeze %dma_start3A_130 : memref<1x1x10240xf32, #tpu.memory_space<hbm>> -> memref<10240xf32, #tpu.memory_space<hbm>>
      %dma_start3A_132 = arith.constant 0 : i32
      %dma_start3A_133 = tpu.memref_slice %arg5[%add3A_15, %run_scoped3A_16, %dma_start3A_132] : memref<4x2x10240xf32, #tpu.memory_space<hbm>> -> memref<1x1x10240xf32, #tpu.memory_space<hbm>>
      %dma_start3A_134 = tpu.memref_squeeze %dma_start3A_133 : memref<1x1x10240xf32, #tpu.memory_space<hbm>> -> memref<10240xf32, #tpu.memory_space<hbm>>
      tpu.enqueue_dma source(%dma_start3A_134 : memref<10240xf32, #tpu.memory_space<hbm>>) target(%arg10 : memref<10240xf32, #tpu.memory_space<vmem>>) target_semaphore(%run_scoped3A_129 : memref<!tpu.dma_semaphore, #tpu.memory_space<semaphore_mem>>)
      %dma_wait3A = arith.constant 0 : i32
      %dma_wait3A_135 = tpu.memref_slice %arg5[%add3A_15, %run_scoped3A_16, %dma_wait3A] : memref<4x2x10240xf32, #tpu.memory_space<hbm>> -> memref<1x1x10240xf32, #tpu.memory_space<hbm>>
      %dma_wait3A_136 = tpu.memref_squeeze %dma_wait3A_135 : memref<1x1x10240xf32, #tpu.memory_space<hbm>> -> memref<10240xf32, #tpu.memory_space<hbm>>
      %dma_wait3A_137 = arith.constant 0 : i32
      %dma_wait3A_138 = tpu.memref_slice %arg5[%add3A_15, %run_scoped3A_16, %dma_wait3A_137] : memref<4x2x10240xf32, #tpu.memory_space<hbm>> -> memref<1x1x10240xf32, #tpu.memory_space<hbm>>
      %dma_wait3A_139 = tpu.memref_squeeze %dma_wait3A_138 : memref<1x1x10240xf32, #tpu.memory_space<hbm>> -> memref<10240xf32, #tpu.memory_space<hbm>>
      tpu.wait_dma2 semaphore(%run_scoped3A_129 : memref<!tpu.dma_semaphore, #tpu.memory_space<semaphore_mem>>) src(%dma_wait3A_139 : memref<10240xf32, #tpu.memory_space<hbm>>) dst(%arg10 : memref<10240xf32, #tpu.memory_space<vmem>>)
      tpu.yield
    }) : () -> ()
    %scan3A_17 = arith.constant 0 : i32
    %scan3A_18 = arith.constant 0 : i32
    %scan3A_19 = arith.constant 80 : i32
    %scan3A_20 = arith.addi %scan3A_18, %scan3A_19 : i32
    %scan3A_21 = arith.constant 1 : i32
    %scan3A_22 = scf.for %scan3A_129 = %scan3A_18 to %scan3A_20 step %scan3A_21 iter_args(%scan3A_130 = %scan3A_17) -> (i32)  : i32 {
      %swap3A = arith.index_cast %scan3A_129 : i32 to index
      %swap3A_131 = arith.constant 0 : index
      %swap3A_132 = tpu.vector_load %arg11[%swap3A, %swap3A_131] {strides = array<i32>} : memref<80x128xf32, #tpu.memory_space<vmem>>, vector<16xf32>,
      tpu.vector_store %arg11[%swap3A, %swap3A_131], %broadcast_in_dim3A_1 {strides = array<i32>} : memref<80x128xf32, #tpu.memory_space<vmem>>, vector<16xf32>,
      %swap3A_133 = arith.index_cast %scan3A_129 : i32 to index
      %swap3A_134 = arith.constant 16 : index
      %swap3A_135 = tpu.vector_load %arg11[%swap3A_133, %swap3A_134] {strides = array<i32>} : memref<80x128xf32, #tpu.memory_space<vmem>>, vector<16xf32>,
      tpu.vector_store %arg11[%swap3A_133, %swap3A_134], %broadcast_in_dim3A_1 {strides = array<i32>} : memref<80x128xf32, #tpu.memory_space<vmem>>, vector<16xf32>,
      %swap3A_136 = arith.index_cast %scan3A_129 : i32 to index
      %swap3A_137 = arith.constant 32 : index
      %swap3A_138 = tpu.vector_load %arg11[%swap3A_136, %swap3A_137] {strides = array<i32>} : memref<80x128xf32, #tpu.memory_space<vmem>>, vector<16xf32>,
      tpu.vector_store %arg11[%swap3A_136, %swap3A_137], %broadcast_in_dim3A_1 {strides = array<i32>} : memref<80x128xf32, #tpu.memory_space<vmem>>, vector<16xf32>,
      %swap3A_139 = arith.index_cast %scan3A_129 : i32 to index
      %swap3A_140 = arith.constant 48 : index
      %swap3A_141 = tpu.vector_load %arg11[%swap3A_139, %swap3A_140] {strides = array<i32>} : memref<80x128xf32, #tpu.memory_space<vmem>>, vector<16xf32>,
      tpu.vector_store %arg11[%swap3A_139, %swap3A_140], %broadcast_in_dim3A_1 {strides = array<i32>} : memref<80x128xf32, #tpu.memory_space<vmem>>, vector<16xf32>,
      %swap3A_142 = arith.index_cast %scan3A_129 : i32 to index
      %swap3A_143 = arith.constant 64 : index
      %swap3A_144 = tpu.vector_load %arg11[%swap3A_142, %swap3A_143] {strides = array<i32>} : memref<80x128xf32, #tpu.memory_space<vmem>>, vector<16xf32>,
      tpu.vector_store %arg11[%swap3A_142, %swap3A_143], %broadcast_in_dim3A_1 {strides = array<i32>} : memref<80x128xf32, #tpu.memory_space<vmem>>, vector<16xf32>,
      %swap3A_145 = arith.index_cast %scan3A_129 : i32 to index
      %swap3A_146 = arith.constant 80 : index
      %swap3A_147 = tpu.vector_load %arg11[%swap3A_145, %swap3A_146] {strides = array<i32>} : memref<80x128xf32, #tpu.memory_space<vmem>>, vector<16xf32>,
      tpu.vector_store %arg11[%swap3A_145, %swap3A_146], %broadcast_in_dim3A_1 {strides = array<i32>} : memref<80x128xf32, #tpu.memory_space<vmem>>, vector<16xf32>,
      %swap3A_148 = arith.index_cast %scan3A_129 : i32 to index
      %swap3A_149 = arith.constant 96 : index
      %swap3A_150 = tpu.vector_load %arg11[%swap3A_148, %swap3A_149] {strides = array<i32>} : memref<80x128xf32, #tpu.memory_space<vmem>>, vector<16xf32>,
      tpu.vector_store %arg11[%swap3A_148, %swap3A_149], %broadcast_in_dim3A_1 {strides = array<i32>} : memref<80x128xf32, #tpu.memory_space<vmem>>, vector<16xf32>,
      %swap3A_151 = arith.index_cast %scan3A_129 : i32 to index
      %swap3A_152 = arith.constant 112 : index
      %swap3A_153 = tpu.vector_load %arg11[%swap3A_151, %swap3A_152] {strides = array<i32>} : memref<80x128xf32, #tpu.memory_space<vmem>>, vector<16xf32>,
      tpu.vector_store %arg11[%swap3A_151, %swap3A_152], %broadcast_in_dim3A_1 {strides = array<i32>} : memref<80x128xf32, #tpu.memory_space<vmem>>, vector<16xf32>,
      %scan3A_154 = arith.constant 0 : i32
      scf.yield %scan3A_154 : i32
    }
    %scan3A_23 = arith.constant 80 : i32
    %mul3A_24 = arith.constant 640 : i32
    %mul3A_25 = arith.muli %arg1, %mul3A_24 : i32
    %add3A_26 = arith.constant 0 : i32
    %add3A_27 = arith.addi %mul3A_25, %add3A_26 : i32
    "tpu.region"() ({
      %run_scoped3A_129 = tpu.sem_alloc : memref<!tpu.dma_semaphore, #tpu.memory_space<semaphore_mem>>
      %dma_start3A = arith.constant 0 : i32
      %dma_start3A_130 = tpu.memref_slice %arg17[%add3A_27, %dma_start3A] : memref<10240x64xf32, #tpu.memory_space<vmem_shared>> -> memref<128x64xf32, #tpu.memory_space<vmem_shared>>
      %dma_start3A_131 = arith.constant 0 : i32
      %dma_start3A_132 = tpu.memref_slice %arg17[%add3A_27, %dma_start3A_131] : memref<10240x64xf32, #tpu.memory_space<vmem_shared>> -> memref<128x64xf32, #tpu.memory_space<vmem_shared>>
      tpu.enqueue_dma source(%arg12 : memref<128x64xf32, #tpu.memory_space<vmem>>) target(%dma_start3A_132 : memref<128x64xf32, #tpu.memory_space<vmem_shared>>) target_semaphore(%run_scoped3A_129 : memref<!tpu.dma_semaphore, #tpu.memory_space<semaphore_mem>>)
      %dma_wait3A = arith.constant 0 : i32
      %dma_wait3A_133 = tpu.memref_slice %arg17[%add3A_27, %dma_wait3A] : memref<10240x64xf32, #tpu.memory_space<vmem_shared>> -> memref<128x64xf32, #tpu.memory_space<vmem_shared>>
      %dma_wait3A_134 = arith.constant 0 : i32
      %dma_wait3A_135 = tpu.memref_slice %arg17[%add3A_27, %dma_wait3A_134] : memref<10240x64xf32, #tpu.memory_space<vmem_shared>> -> memref<128x64xf32, #tpu.memory_space<vmem_shared>>
      tpu.wait_dma2 semaphore(%run_scoped3A_129 : memref<!tpu.dma_semaphore, #tpu.memory_space<semaphore_mem>>) src(%arg12 : memref<128x64xf32, #tpu.memory_space<vmem>>) dst(%dma_wait3A_135 : memref<128x64xf32, #tpu.memory_space<vmem_shared>>)
      tpu.yield
    }) : () -> ()
    %mul3A_28 = arith.constant 640 : i32
    %mul3A_29 = arith.muli %arg1, %mul3A_28 : i32
    %add3A_30 = arith.constant 128 : i32
    %add3A_31 = arith.addi %mul3A_29, %add3A_30 : i32
    "tpu.region"() ({
      %run_scoped3A_129 = tpu.sem_alloc : memref<!tpu.dma_semaphore, #tpu.memory_space<semaphore_mem>>
      %dma_start3A = arith.constant 0 : i32
      %dma_start3A_130 = tpu.memref_slice %arg17[%add3A_31, %dma_start3A] : memref<10240x64xf32, #tpu.memory_space<vmem_shared>> -> memref<128x64xf32, #tpu.memory_space<vmem_shared>>
      %dma_start3A_131 = arith.constant 0 : i32
      %dma_start3A_132 = tpu.memref_slice %arg17[%add3A_31, %dma_start3A_131] : memref<10240x64xf32, #tpu.memory_space<vmem_shared>> -> memref<128x64xf32, #tpu.memory_space<vmem_shared>>
      tpu.enqueue_dma source(%arg12 : memref<128x64xf32, #tpu.memory_space<vmem>>) target(%dma_start3A_132 : memref<128x64xf32, #tpu.memory_space<vmem_shared>>) target_semaphore(%run_scoped3A_129 : memref<!tpu.dma_semaphore, #tpu.memory_space<semaphore_mem>>)
      %dma_wait3A = arith.constant 0 : i32
      %dma_wait3A_133 = tpu.memref_slice %arg17[%add3A_31, %dma_wait3A] : memref<10240x64xf32, #tpu.memory_space<vmem_shared>> -> memref<128x64xf32, #tpu.memory_space<vmem_shared>>
      %dma_wait3A_134 = arith.constant 0 : i32
      %dma_wait3A_135 = tpu.memref_slice %arg17[%add3A_31, %dma_wait3A_134] : memref<10240x64xf32, #tpu.memory_space<vmem_shared>> -> memref<128x64xf32, #tpu.memory_space<vmem_shared>>
      tpu.wait_dma2 semaphore(%run_scoped3A_129 : memref<!tpu.dma_semaphore, #tpu.memory_space<semaphore_mem>>) src(%arg12 : memref<128x64xf32, #tpu.memory_space<vmem>>) dst(%dma_wait3A_135 : memref<128x64xf32, #tpu.memory_space<vmem_shared>>)
      tpu.yield
    }) : () -> ()
    %mul3A_32 = arith.constant 640 : i32
    %mul3A_33 = arith.muli %arg1, %mul3A_32 : i32
    %add3A_34 = arith.constant 256 : i32
    %add3A_35 = arith.addi %mul3A_33, %add3A_34 : i32
    "tpu.region"() ({
      %run_scoped3A_129 = tpu.sem_alloc : memref<!tpu.dma_semaphore, #tpu.memory_space<semaphore_mem>>
      %dma_start3A = arith.constant 0 : i32
      %dma_start3A_130 = tpu.memref_slice %arg17[%add3A_35, %dma_start3A] : memref<10240x64xf32, #tpu.memory_space<vmem_shared>> -> memref<128x64xf32, #tpu.memory_space<vmem_shared>>
      %dma_start3A_131 = arith.constant 0 : i32
      %dma_start3A_132 = tpu.memref_slice %arg17[%add3A_35, %dma_start3A_131] : memref<10240x64xf32, #tpu.memory_space<vmem_shared>> -> memref<128x64xf32, #tpu.memory_space<vmem_shared>>
      tpu.enqueue_dma source(%arg12 : memref<128x64xf32, #tpu.memory_space<vmem>>) target(%dma_start3A_132 : memref<128x64xf32, #tpu.memory_space<vmem_shared>>) target_semaphore(%run_scoped3A_129 : memref<!tpu.dma_semaphore, #tpu.memory_space<semaphore_mem>>)
      %dma_wait3A = arith.constant 0 : i32
      %dma_wait3A_133 = tpu.memref_slice %arg17[%add3A_35, %dma_wait3A] : memref<10240x64xf32, #tpu.memory_space<vmem_shared>> -> memref<128x64xf32, #tpu.memory_space<vmem_shared>>
      %dma_wait3A_134 = arith.constant 0 : i32
      %dma_wait3A_135 = tpu.memref_slice %arg17[%add3A_35, %dma_wait3A_134] : memref<10240x64xf32, #tpu.memory_space<vmem_shared>> -> memref<128x64xf32, #tpu.memory_space<vmem_shared>>
      tpu.wait_dma2 semaphore(%run_scoped3A_129 : memref<!tpu.dma_semaphore, #tpu.memory_space<semaphore_mem>>) src(%arg12 : memref<128x64xf32, #tpu.memory_space<vmem>>) dst(%dma_wait3A_135 : memref<128x64xf32, #tpu.memory_space<vmem_shared>>)
      tpu.yield
    }) : () -> ()
    %mul3A_36 = arith.constant 640 : i32
    %mul3A_37 = arith.muli %arg1, %mul3A_36 : i32
    %add3A_38 = arith.constant 384 : i32
    %add3A_39 = arith.addi %mul3A_37, %add3A_38 : i32
    "tpu.region"() ({
      %run_scoped3A_129 = tpu.sem_alloc : memref<!tpu.dma_semaphore, #tpu.memory_space<semaphore_mem>>
      %dma_start3A = arith.constant 0 : i32
      %dma_start3A_130 = tpu.memref_slice %arg17[%add3A_39, %dma_start3A] : memref<10240x64xf32, #tpu.memory_space<vmem_shared>> -> memref<128x64xf32, #tpu.memory_space<vmem_shared>>
      %dma_start3A_131 = arith.constant 0 : i32
      %dma_start3A_132 = tpu.memref_slice %arg17[%add3A_39, %dma_start3A_131] : memref<10240x64xf32, #tpu.memory_space<vmem_shared>> -> memref<128x64xf32, #tpu.memory_space<vmem_shared>>
      tpu.enqueue_dma source(%arg12 : memref<128x64xf32, #tpu.memory_space<vmem>>) target(%dma_start3A_132 : memref<128x64xf32, #tpu.memory_space<vmem_shared>>) target_semaphore(%run_scoped3A_129 : memref<!tpu.dma_semaphore, #tpu.memory_space<semaphore_mem>>)
      %dma_wait3A = arith.constant 0 : i32
      %dma_wait3A_133 = tpu.memref_slice %arg17[%add3A_39, %dma_wait3A] : memref<10240x64xf32, #tpu.memory_space<vmem_shared>> -> memref<128x64xf32, #tpu.memory_space<vmem_shared>>
      %dma_wait3A_134 = arith.constant 0 : i32
      %dma_wait3A_135 = tpu.memref_slice %arg17[%add3A_39, %dma_wait3A_134] : memref<10240x64xf32, #tpu.memory_space<vmem_shared>> -> memref<128x64xf32, #tpu.memory_space<vmem_shared>>
      tpu.wait_dma2 semaphore(%run_scoped3A_129 : memref<!tpu.dma_semaphore, #tpu.memory_space<semaphore_mem>>) src(%arg12 : memref<128x64xf32, #tpu.memory_space<vmem>>) dst(%dma_wait3A_135 : memref<128x64xf32, #tpu.memory_space<vmem_shared>>)
      tpu.yield
    }) : () -> ()
    %mul3A_40 = arith.constant 640 : i32
    %mul3A_41 = arith.muli %arg1, %mul3A_40 : i32
    %add3A_42 = arith.constant 512 : i32
    %add3A_43 = arith.addi %mul3A_41, %add3A_42 : i32
    "tpu.region"() ({
      %run_scoped3A_129 = tpu.sem_alloc : memref<!tpu.dma_semaphore, #tpu.memory_space<semaphore_mem>>
      %dma_start3A = arith.constant 0 : i32
      %dma_start3A_130 = tpu.memref_slice %arg17[%add3A_43, %dma_start3A] : memref<10240x64xf32, #tpu.memory_space<vmem_shared>> -> memref<128x64xf32, #tpu.memory_space<vmem_shared>>
      %dma_start3A_131 = arith.constant 0 : i32
      %dma_start3A_132 = tpu.memref_slice %arg17[%add3A_43, %dma_start3A_131] : memref<10240x64xf32, #tpu.memory_space<vmem_shared>> -> memref<128x64xf32, #tpu.memory_space<vmem_shared>>
      tpu.enqueue_dma source(%arg12 : memref<128x64xf32, #tpu.memory_space<vmem>>) target(%dma_start3A_132 : memref<128x64xf32, #tpu.memory_space<vmem_shared>>) target_semaphore(%run_scoped3A_129 : memref<!tpu.dma_semaphore, #tpu.memory_space<semaphore_mem>>)
      %dma_wait3A = arith.constant 0 : i32
      %dma_wait3A_133 = tpu.memref_slice %arg17[%add3A_43, %dma_wait3A] : memref<10240x64xf32, #tpu.memory_space<vmem_shared>> -> memref<128x64xf32, #tpu.memory_space<vmem_shared>>
      %dma_wait3A_134 = arith.constant 0 : i32
      %dma_wait3A_135 = tpu.memref_slice %arg17[%add3A_43, %dma_wait3A_134] : memref<10240x64xf32, #tpu.memory_space<vmem_shared>> -> memref<128x64xf32, #tpu.memory_space<vmem_shared>>
      tpu.wait_dma2 semaphore(%run_scoped3A_129 : memref<!tpu.dma_semaphore, #tpu.memory_space<semaphore_mem>>) src(%arg12 : memref<128x64xf32, #tpu.memory_space<vmem>>) dst(%dma_wait3A_135 : memref<128x64xf32, #tpu.memory_space<vmem_shared>>)
      tpu.yield
    }) : () -> ()
    %mul3A_44 = arith.constant 5 : i32
    %mul3A_45 = arith.muli %arg1, %mul3A_44 : i32
    "tpu.region"() ({
      %run_scoped3A_129 = tpu.sem_alloc : memref<!tpu.dma_semaphore, #tpu.memory_space<semaphore_mem>>
      %dma_start3A = arith.constant 0 : i32
      %dma_start3A_130 = arith.constant 0 : i32
      %dma_start3A_131 = tpu.memref_slice %arg11[%dma_start3A, %dma_start3A_130] : memref<80x128xf32, #tpu.memory_space<vmem>> -> memref<5x128xf32, #tpu.memory_space<vmem>>
      %dma_start3A_132 = arith.constant 0 : i32
      %dma_start3A_133 = tpu.memref_slice %arg18[%mul3A_45, %dma_start3A_132] : memref<80x128xf32, #tpu.memory_space<vmem_shared>> -> memref<5x128xf32, #tpu.memory_space<vmem_shared>>
      %dma_start3A_134 = arith.constant 0 : i32
      %dma_start3A_135 = tpu.memref_slice %arg18[%mul3A_45, %dma_start3A_134] : memref<80x128xf32, #tpu.memory_space<vmem_shared>> -> memref<5x128xf32, #tpu.memory_space<vmem_shared>>
      %dma_start3A_136 = arith.constant 0 : i32
      %dma_start3A_137 = arith.constant 0 : i32
      %dma_start3A_138 = tpu.memref_slice %arg11[%dma_start3A_136, %dma_start3A_137] : memref<80x128xf32, #tpu.memory_space<vmem>> -> memref<5x128xf32, #tpu.memory_space<vmem>>
      tpu.enqueue_dma source(%dma_start3A_138 : memref<5x128xf32, #tpu.memory_space<vmem>>) target(%dma_start3A_135 : memref<5x128xf32, #tpu.memory_space<vmem_shared>>) target_semaphore(%run_scoped3A_129 : memref<!tpu.dma_semaphore, #tpu.memory_space<semaphore_mem>>)
      %dma_wait3A = arith.constant 0 : i32
      %dma_wait3A_139 = arith.constant 0 : i32
      %dma_wait3A_140 = tpu.memref_slice %arg11[%dma_wait3A, %dma_wait3A_139] : memref<80x128xf32, #tpu.memory_space<vmem>> -> memref<5x128xf32, #tpu.memory_space<vmem>>
      %dma_wait3A_141 = arith.constant 0 : i32
      %dma_wait3A_142 = tpu.memref_slice %arg18[%mul3A_45, %dma_wait3A_141] : memref<80x128xf32, #tpu.memory_space<vmem_shared>> -> memref<5x128xf32, #tpu.memory_space<vmem_shared>>
      %dma_wait3A_143 = arith.constant 0 : i32
      %dma_wait3A_144 = tpu.memref_slice %arg18[%mul3A_45, %dma_wait3A_143] : memref<80x128xf32, #tpu.memory_space<vmem_shared>> -> memref<5x128xf32, #tpu.memory_space<vmem_shared>>
      %dma_wait3A_145 = arith.constant 0 : i32
      %dma_wait3A_146 = arith.constant 0 : i32
      %dma_wait3A_147 = tpu.memref_slice %arg11[%dma_wait3A_145, %dma_wait3A_146] : memref<80x128xf32, #tpu.memory_space<vmem>> -> memref<5x128xf32, #tpu.memory_space<vmem>>
      tpu.wait_dma2 semaphore(%run_scoped3A_129 : memref<!tpu.dma_semaphore, #tpu.memory_space<semaphore_mem>>) src(%dma_wait3A_147 : memref<5x128xf32, #tpu.memory_space<vmem>>) dst(%dma_wait3A_144 : memref<5x128xf32, #tpu.memory_space<vmem_shared>>)
      tpu.yield
    }) : () -> ()
    %barrier3A = arith.constant 0 : index
    tpu.barrier barrier_id(%barrier3A)
    %scan3A_46 = arith.constant 0 : i32
    %scan3A_47 = arith.constant 0 : i32
    %scan3A_48 = arith.constant 1296 : i32
    %scan3A_49 = arith.addi %scan3A_47, %scan3A_48 : i32
    %scan3A_50 = arith.constant 1 : i32
    %scan3A_51 = scf.for %scan3A_129 = %scan3A_47 to %scan3A_49 step %scan3A_50 iter_args(%scan3A_130 = %scan3A_46) -> (i32)  : i32 {
      %mul3A_131 = arith.constant 16 : i32
      %mul3A_132 = arith.muli %scan3A_129, %mul3A_131 : i32
      %get3A = arith.index_cast %mul3A_132 : i32 to index
      %get3A_133 = tpu.vector_load %arg7[%get3A] {strides = array<i32>} : memref<20736xi32, #tpu.memory_space<vmem>>, vector<16xi32>,
      %get3A_134 = arith.index_cast %mul3A_132 : i32 to index
      %get3A_135 = tpu.vector_load %arg8[%get3A_134] {strides = array<i32>} : memref<20736xi32, #tpu.memory_space<vmem>>, vector<16xi32>,
      %shift_right_logical3A = arith.constant 7 : i32
      %shift_right_logical3A_136 = vector.broadcast %shift_right_logical3A : i32 to vector<16xi32>
      %shift_right_logical3A_137 = arith.shrui %get3A_135, %shift_right_logical3A_136 : vector<16xi32>
      %and3A = arith.constant 127 : i32
      %and3A_138 = vector.broadcast %and3A : i32 to vector<16xi32>
      %and3A_139 = arith.andi %get3A_135, %and3A_138 : vector<16xi32>
      %gather3A = tpu.vector_load_idx %arg9[%get3A_133] : memref<10240xf32, #tpu.memory_space<vmem>>[vector<16xi32>], vector<16xf32>,
      %gather3A_140 = tpu.vector_load_idx %arg10[%get3A_135] : memref<10240xf32, #tpu.memory_space<vmem>>[vector<16xi32>], vector<16xf32>,
      %add3A_141 = arith.addf %gather3A, %gather3A_140 : vector<16xf32>
      %gt3A = arith.constant 0.000000e+00 : f32
      %gt3A_142 = vector.broadcast %gt3A : f32 to vector<16xf32>
      %gt3A_143 = arith.cmpf ogt, %add3A_141, %gt3A_142 : vector<16xf32>
      %mul3A_144 = arith.constant 2.000000e-01 : f32
      %mul3A_145 = vector.broadcast %mul3A_144 : f32 to vector<16xf32>
      %mul3A_146 = arith.mulf %mul3A_145, %add3A_141 : vector<16xf32>
      %select_n3A = arith.select %gt3A_143, %add3A_141, %mul3A_146 : vector<16xi1>, vector<16xf32>
      %exp3A = math.exp %select_n3A : vector<16xf32>
      tpu.vector_store_idx %arg11[%shift_right_logical3A_137, %and3A_139], %exp3A {add = true} : memref<80x128xf32, #tpu.memory_space<vmem>>[vector<16xi32>, vector<16xi32>], vector<16xf32>,
      %scan3A_147 = arith.constant 0 : i32
      scf.yield %scan3A_147 : i32
    }
    %scan3A_52 = arith.constant 1296 : i32
    "tpu.region"() ({
      %run_scoped3A_129 = tpu.sem_alloc : memref<!tpu.dma_semaphore, #tpu.memory_space<semaphore_mem>>
      %dma_start3A = arith.constant 0 : i32
      %dma_start3A_130 = arith.constant 0 : i32
      %dma_start3A_131 = tpu.memref_slice %arg18[%dma_start3A, %dma_start3A_130] : memref<80x128xf32, #tpu.memory_space<vmem_shared>> -> memref<80x128xf32, #tpu.memory_space<vmem_shared>>
      tpu.enqueue_indirect_dma source(%arg11 : memref<80x128xf32, #tpu.memory_space<vmem>>) target(%dma_start3A_131 : memref<80x128xf32, #tpu.memory_space<vmem_shared>>) offsets(%arg16 : memref<80xi32, #tpu.memory_space<vmem>>) semaphore(%run_scoped3A_129 : memref<!tpu.dma_semaphore, #tpu.memory_space<semaphore_mem>>) {add = true}
      %dma_wait3A = arith.constant 0 : i32
      %dma_wait3A_132 = arith.constant 0 : i32
      %dma_wait3A_133 = tpu.memref_slice %arg18[%dma_wait3A, %dma_wait3A_132] : memref<80x128xf32, #tpu.memory_space<vmem_shared>> -> memref<80x128xf32, #tpu.memory_space<vmem_shared>>
      tpu.wait_indirect_dma semaphore(%run_scoped3A_129 : memref<!tpu.dma_semaphore, #tpu.memory_space<semaphore_mem>>) src(%arg11 : memref<80x128xf32, #tpu.memory_space<vmem>>) dst(%dma_wait3A_133 : memref<80x128xf32, #tpu.memory_space<vmem_shared>>)
      tpu.yield
    }) : () -> ()
    %barrier3A_53 = arith.constant 0 : index
    tpu.barrier barrier_id(%barrier3A_53)
    "tpu.region"() ({
      %run_scoped3A_129 = tpu.sem_alloc : memref<!tpu.dma_semaphore, #tpu.memory_space<semaphore_mem>>
      tpu.enqueue_dma source(%arg18 : memref<80x128xf32, #tpu.memory_space<vmem_shared>>) target(%arg11 : memref<80x128xf32, #tpu.memory_space<vmem>>) target_semaphore(%run_scoped3A_129 : memref<!tpu.dma_semaphore, #tpu.memory_space<semaphore_mem>>)
      tpu.wait_dma2 semaphore(%run_scoped3A_129 : memref<!tpu.dma_semaphore, #tpu.memory_space<semaphore_mem>>) src(%arg18 : memref<80x128xf32, #tpu.memory_space<vmem_shared>>) dst(%arg11 : memref<80x128xf32, #tpu.memory_space<vmem>>)
      tpu.yield
    }) : () -> ()
    %scan3A_54 = arith.constant 0 : i32
    %scan3A_55 = arith.constant 0 : i32
    %scan3A_56 = arith.constant 162 : i32
    %scan3A_57 = arith.addi %scan3A_55, %scan3A_56 : i32
    %scan3A_58 = arith.constant 1 : i32
    %scan3A_59 = scf.for %scan3A_129 = %scan3A_55 to %scan3A_57 step %scan3A_58 iter_args(%scan3A_130 = %scan3A_54) -> (i32)  : i32 {
      %mul3A_131 = arith.constant 128 : i32
      %mul3A_132 = arith.muli %scan3A_129, %mul3A_131 : i32
      %scan3A_133 = arith.constant 0 : i32
      %scan3A_134 = arith.constant 0 : i32
      %scan3A_135 = arith.constant 8 : i32
      %scan3A_136 = arith.addi %scan3A_134, %scan3A_135 : i32
      %scan3A_137 = arith.constant 1 : i32
      %scan3A_138 = scf.for %scan3A_159 = %scan3A_134 to %scan3A_136 step %scan3A_137 iter_args(%scan3A_160 = %scan3A_133) -> (i32)  : i32 {
        %mul3A_161 = arith.constant 16 : i32
        %mul3A_162 = arith.muli %scan3A_159, %mul3A_161 : i32
        %add3A_163 = arith.addi %mul3A_132, %mul3A_162 : i32
        %get3A = arith.index_cast %add3A_163 : i32 to index
        %get3A_164 = tpu.vector_load %arg7[%get3A] {strides = array<i32>} : memref<20736xi32, #tpu.memory_space<vmem>>, vector<16xi32>,
        %mul3A_165 = arith.constant 4 : i32
        %mul3A_166 = vector.broadcast %mul3A_165 : i32 to vector<16xi32>
        %mul3A_167 = arith.muli %get3A_164, %mul3A_166 : vector<16xi32>
        %add3A_168 = vector.broadcast %add3A_15 : i32 to vector<16xi32>
        %add3A_169 = arith.addi %mul3A_167, %add3A_168 : vector<16xi32>
        %mul3A_170 = arith.constant 16 : i32
        %mul3A_171 = arith.muli %scan3A_159, %mul3A_170 : i32
        %swap3A = arith.index_cast %mul3A_171 : i32 to index
        %swap3A_172 = tpu.vector_load %arg13[%swap3A] {strides = array<i32>} : memref<128xi32, #tpu.memory_space<vmem>>, vector<16xi32>,
        tpu.vector_store %arg13[%swap3A], %add3A_169 {strides = array<i32>} : memref<128xi32, #tpu.memory_space<vmem>>, vector<16xi32>,
        %get3A_173 = arith.index_cast %add3A_163 : i32 to index
        %get3A_174 = tpu.vector_load %arg8[%get3A_173] {strides = array<i32>} : memref<20736xi32, #tpu.memory_space<vmem>>, vector<16xi32>,
        %mul3A_175 = arith.constant 16 : i32
        %mul3A_176 = arith.muli %scan3A_159, %mul3A_175 : i32
        %swap3A_177 = arith.index_cast %mul3A_176 : i32 to index
        %swap3A_178 = tpu.vector_load %arg14[%swap3A_177] {strides = array<i32>} : memref<128xi32, #tpu.memory_space<vmem>>, vector<16xi32>,
        tpu.vector_store %arg14[%swap3A_177], %get3A_174 {strides = array<i32>} : memref<128xi32, #tpu.memory_space<vmem>>, vector<16xi32>,
        %scan3A_179 = arith.constant 0 : i32
        scf.yield %scan3A_179 : i32
      }
      %scan3A_139 = arith.constant 8 : i32
      %dma_start3A = arith.constant 0 : i32
      %dma_start3A_140 = arith.constant 0 : i32
      %dma_start3A_141 = tpu.memref_slice %arg2[%dma_start3A, %dma_start3A_140] : memref<40960x64xf32, #tpu.memory_space<hbm>> -> memref<40960x64xf32, #tpu.memory_space<hbm>>
      tpu.enqueue_indirect_dma source(%dma_start3A_141 : memref<40960x64xf32, #tpu.memory_space<hbm>>) target(%arg12 : memref<128x64xf32, #tpu.memory_space<vmem>>) offsets(%arg13 : memref<128xi32, #tpu.memory_space<vmem>>) semaphore(%arg19 : memref<!tpu.dma_semaphore, #tpu.memory_space<semaphore_mem>>)
      %scan3A_142 = arith.constant 0 : i32
      %scan3A_143 = arith.constant 0 : i32
      %scan3A_144 = arith.constant 8 : i32
      %scan3A_145 = arith.addi %scan3A_143, %scan3A_144 : i32
      %scan3A_146 = arith.constant 1 : i32
      %scan3A_147 = scf.for %scan3A_159 = %scan3A_143 to %scan3A_145 step %scan3A_146 iter_args(%scan3A_160 = %scan3A_142) -> (i32)  : i32 {
        %mul3A_161 = arith.constant 16 : i32
        %mul3A_162 = arith.muli %scan3A_159, %mul3A_161 : i32
        %add3A_163 = arith.addi %mul3A_132, %mul3A_162 : i32
        %get3A = arith.index_cast %add3A_163 : i32 to index
        %get3A_164 = tpu.vector_load %arg7[%get3A] {strides = array<i32>} : memref<20736xi32, #tpu.memory_space<vmem>>, vector<16xi32>,
        %get3A_165 = arith.index_cast %add3A_163 : i32 to index
        %get3A_166 = tpu.vector_load %arg8[%get3A_165] {strides = array<i32>} : memref<20736xi32, #tpu.memory_space<vmem>>, vector<16xi32>,
        %shift_right_logical3A = arith.constant 7 : i32
        %shift_right_logical3A_167 = vector.broadcast %shift_right_logical3A : i32 to vector<16xi32>
        %shift_right_logical3A_168 = arith.shrui %get3A_166, %shift_right_logical3A_167 : vector<16xi32>
        %and3A = arith.constant 127 : i32
        %and3A_169 = vector.broadcast %and3A : i32 to vector<16xi32>
        %and3A_170 = arith.andi %get3A_166, %and3A_169 : vector<16xi32>
        %gather3A = tpu.vector_load_idx %arg9[%get3A_164] : memref<10240xf32, #tpu.memory_space<vmem>>[vector<16xi32>], vector<16xf32>,
        %gather3A_171 = tpu.vector_load_idx %arg10[%get3A_166] : memref<10240xf32, #tpu.memory_space<vmem>>[vector<16xi32>], vector<16xf32>,
        %add3A_172 = arith.addf %gather3A, %gather3A_171 : vector<16xf32>
        %gt3A = arith.constant 0.000000e+00 : f32
        %gt3A_173 = vector.broadcast %gt3A : f32 to vector<16xf32>
        %gt3A_174 = arith.cmpf ogt, %add3A_172, %gt3A_173 : vector<16xf32>
        %mul3A_175 = arith.constant 2.000000e-01 : f32
        %mul3A_176 = vector.broadcast %mul3A_175 : f32 to vector<16xf32>
        %mul3A_177 = arith.mulf %mul3A_176, %add3A_172 : vector<16xf32>
        %select_n3A = arith.select %gt3A_174, %add3A_172, %mul3A_177 : vector<16xi1>, vector<16xf32>
        %gather3A_178 = tpu.vector_load_idx %arg11[%shift_right_logical3A_168, %and3A_170] : memref<80x128xf32, #tpu.memory_space<vmem>>[vector<16xi32>, vector<16xi32>], vector<16xf32>,
        %exp3A = math.exp %select_n3A : vector<16xf32>
        %add3A_179 = arith.constant 1.000000e-16 : f32
        %add3A_180 = vector.broadcast %add3A_179 : f32 to vector<16xf32>
        %add3A_181 = arith.addf %gather3A_178, %add3A_180 : vector<16xf32>
        %div3A = arith.divf %exp3A, %add3A_181 : vector<16xf32>
        %mul3A_182 = arith.constant 16 : i32
        %mul3A_183 = arith.muli %scan3A_159, %mul3A_182 : i32
        %swap3A = arith.index_cast %mul3A_183 : i32 to index
        %swap3A_184 = tpu.vector_load %arg15[%swap3A] {strides = array<i32>} : memref<128xf32, #tpu.memory_space<vmem>>, vector<16xf32>,
        tpu.vector_store %arg15[%swap3A], %div3A {strides = array<i32>} : memref<128xf32, #tpu.memory_space<vmem>>, vector<16xf32>,
        %scan3A_185 = arith.constant 0 : i32
        scf.yield %scan3A_185 : i32
      }
      %scan3A_148 = arith.constant 8 : i32
      %dma_wait3A = arith.constant 0 : i32
      %dma_wait3A_149 = arith.constant 0 : i32
      %dma_wait3A_150 = tpu.memref_slice %arg2[%dma_wait3A, %dma_wait3A_149] : memref<40960x64xf32, #tpu.memory_space<hbm>> -> memref<40960x64xf32, #tpu.memory_space<hbm>>
      tpu.wait_indirect_dma semaphore(%arg19 : memref<!tpu.dma_semaphore, #tpu.memory_space<semaphore_mem>>) src(%dma_wait3A_150 : memref<40960x64xf32, #tpu.memory_space<hbm>>) dst(%arg12 : memref<128x64xf32, #tpu.memory_space<vmem>>)
      %scan3A_151 = arith.constant 0 : i32
      %scan3A_152 = arith.constant 0 : i32
      %scan3A_153 = arith.constant 8 : i32
      %scan3A_154 = arith.addi %scan3A_152, %scan3A_153 : i32
      %scan3A_155 = arith.constant 1 : i32
      %scan3A_156 = scf.for %scan3A_159 = %scan3A_152 to %scan3A_154 step %scan3A_155 iter_args(%scan3A_160 = %scan3A_151) -> (i32)  : i32 {
        %mul3A_161 = arith.constant 16 : i32
        %mul3A_162 = arith.muli %scan3A_159, %mul3A_161 : i32
        %get3A = arith.index_cast %mul3A_162 : i32 to index
        %get3A_163 = tpu.vector_load %arg15[%get3A] {strides = array<i32>} : memref<128xf32, #tpu.memory_space<vmem>>, vector<16xf32>,
        %mul3A_164 = arith.constant 16 : i32
        %mul3A_165 = arith.muli %scan3A_159, %mul3A_164 : i32
        %add3A_166 = arith.constant 0 : i32
        %add3A_167 = arith.addi %mul3A_165, %add3A_166 : i32
        %slice3A = vector.extract_strided_slice %get3A_163 {offsets = [0], sizes = [1], strides = [1]} : vector<16xf32> to vector<1xf32>
        %squeeze3A = vector.extract %slice3A[0] : f32 from vector<1xf32>
        %get3A_168 = arith.index_cast %add3A_167 : i32 to index
        %get3A_169 = arith.constant 0 : index
        %get3A_170 = tpu.vector_load %arg12[%get3A_168, %get3A_169] {strides = array<i32>} : memref<128x64xf32, #tpu.memory_space<vmem>>, vector<16xf32>,
        %mul3A_171 = vector.broadcast %squeeze3A : f32 to vector<16xf32>
        %mul3A_172 = arith.mulf %get3A_170, %mul3A_171 : vector<16xf32>
        %swap3A = arith.index_cast %add3A_167 : i32 to index
        %swap3A_173 = arith.constant 0 : index
        %swap3A_174 = tpu.vector_load %arg12[%swap3A, %swap3A_173] {strides = array<i32>} : memref<128x64xf32, #tpu.memory_space<vmem>>, vector<16xf32>,
        tpu.vector_store %arg12[%swap3A, %swap3A_173], %mul3A_172 {strides = array<i32>} : memref<128x64xf32, #tpu.memory_space<vmem>>, vector<16xf32>,
        %get3A_175 = arith.index_cast %add3A_167 : i32 to index
        %get3A_176 = arith.constant 16 : index
        %get3A_177 = tpu.vector_load %arg12[%get3A_175, %get3A_176] {strides = array<i32>} : memref<128x64xf32, #tpu.memory_space<vmem>>, vector<16xf32>,
        %mul3A_178 = vector.broadcast %squeeze3A : f32 to vector<16xf32>
        %mul3A_179 = arith.mulf %get3A_177, %mul3A_178 : vector<16xf32>
        %swap3A_180 = arith.index_cast %add3A_167 : i32 to index
        %swap3A_181 = arith.constant 16 : index
        %swap3A_182 = tpu.vector_load %arg12[%swap3A_180, %swap3A_181] {strides = array<i32>} : memref<128x64xf32, #tpu.memory_space<vmem>>, vector<16xf32>,
        tpu.vector_store %arg12[%swap3A_180, %swap3A_181], %mul3A_179 {strides = array<i32>} : memref<128x64xf32, #tpu.memory_space<vmem>>, vector<16xf32>,
        %get3A_183 = arith.index_cast %add3A_167 : i32 to index
        %get3A_184 = arith.constant 32 : index
        %get3A_185 = tpu.vector_load %arg12[%get3A_183, %get3A_184] {strides = array<i32>} : memref<128x64xf32, #tpu.memory_space<vmem>>, vector<16xf32>,
        %mul3A_186 = vector.broadcast %squeeze3A : f32 to vector<16xf32>
        %mul3A_187 = arith.mulf %get3A_185, %mul3A_186 : vector<16xf32>
        %swap3A_188 = arith.index_cast %add3A_167 : i32 to index
        %swap3A_189 = arith.constant 32 : index
        %swap3A_190 = tpu.vector_load %arg12[%swap3A_188, %swap3A_189] {strides = array<i32>} : memref<128x64xf32, #tpu.memory_space<vmem>>, vector<16xf32>,
        tpu.vector_store %arg12[%swap3A_188, %swap3A_189], %mul3A_187 {strides = array<i32>} : memref<128x64xf32, #tpu.memory_space<vmem>>, vector<16xf32>,
        %get3A_191 = arith.index_cast %add3A_167 : i32 to index
        %get3A_192 = arith.constant 48 : index
        %get3A_193 = tpu.vector_load %arg12[%get3A_191, %get3A_192] {strides = array<i32>} : memref<128x64xf32, #tpu.memory_space<vmem>>, vector<16xf32>,
        %mul3A_194 = vector.broadcast %squeeze3A : f32 to vector<16xf32>
        %mul3A_195 = arith.mulf %get3A_193, %mul3A_194 : vector<16xf32>
        %swap3A_196 = arith.index_cast %add3A_167 : i32 to index
        %swap3A_197 = arith.constant 48 : index
        %swap3A_198 = tpu.vector_load %arg12[%swap3A_196, %swap3A_197] {strides = array<i32>} : memref<128x64xf32, #tpu.memory_space<vmem>>, vector<16xf32>,
        tpu.vector_store %arg12[%swap3A_196, %swap3A_197], %mul3A_195 {strides = array<i32>} : memref<128x64xf32, #tpu.memory_space<vmem>>, vector<16xf32>,
        %mul3A_199 = arith.constant 16 : i32
        %mul3A_200 = arith.muli %scan3A_159, %mul3A_199 : i32
        %add3A_201 = arith.constant 1 : i32
        %add3A_202 = arith.addi %mul3A_200, %add3A_201 : i32
        %slice3A_203 = vector.extract_strided_slice %get3A_163 {offsets = [1], sizes = [1], strides = [1]} : vector<16xf32> to vector<1xf32>
        %squeeze3A_204 = vector.extract %slice3A_203[0] : f32 from vector<1xf32>
        %get3A_205 = arith.index_cast %add3A_202 : i32 to index
        %get3A_206 = arith.constant 0 : index
        %get3A_207 = tpu.vector_load %arg12[%get3A_205, %get3A_206] {strides = array<i32>} : memref<128x64xf32, #tpu.memory_space<vmem>>, vector<16xf32>,
        %mul3A_208 = vector.broadcast %squeeze3A_204 : f32 to vector<16xf32>
        %mul3A_209 = arith.mulf %get3A_207, %mul3A_208 : vector<16xf32>
        %swap3A_210 = arith.index_cast %add3A_202 : i32 to index
        %swap3A_211 = arith.constant 0 : index
        %swap3A_212 = tpu.vector_load %arg12[%swap3A_210, %swap3A_211] {strides = array<i32>} : memref<128x64xf32, #tpu.memory_space<vmem>>, vector<16xf32>,
        tpu.vector_store %arg12[%swap3A_210, %swap3A_211], %mul3A_209 {strides = array<i32>} : memref<128x64xf32, #tpu.memory_space<vmem>>, vector<16xf32>,
        %get3A_213 = arith.index_cast %add3A_202 : i32 to index
        %get3A_214 = arith.constant 16 : index
        %get3A_215 = tpu.vector_load %arg12[%get3A_213, %get3A_214] {strides = array<i32>} : memref<128x64xf32, #tpu.memory_space<vmem>>, vector<16xf32>,
        %mul3A_216 = vector.broadcast %squeeze3A_204 : f32 to vector<16xf32>
        %mul3A_217 = arith.mulf %get3A_215, %mul3A_216 : vector<16xf32>
        %swap3A_218 = arith.index_cast %add3A_202 : i32 to index
        %swap3A_219 = arith.constant 16 : index
        %swap3A_220 = tpu.vector_load %arg12[%swap3A_218, %swap3A_219] {strides = array<i32>} : memref<128x64xf32, #tpu.memory_space<vmem>>, vector<16xf32>,
        tpu.vector_store %arg12[%swap3A_218, %swap3A_219], %mul3A_217 {strides = array<i32>} : memref<128x64xf32, #tpu.memory_space<vmem>>, vector<16xf32>,
        %get3A_221 = arith.index_cast %add3A_202 : i32 to index
        %get3A_222 = arith.constant 32 : index
        %get3A_223 = tpu.vector_load %arg12[%get3A_221, %get3A_222] {strides = array<i32>} : memref<128x64xf32, #tpu.memory_space<vmem>>, vector<16xf32>,
        %mul3A_224 = vector.broadcast %squeeze3A_204 : f32 to vector<16xf32>
        %mul3A_225 = arith.mulf %get3A_223, %mul3A_224 : vector<16xf32>
        %swap3A_226 = arith.index_cast %add3A_202 : i32 to index
        %swap3A_227 = arith.constant 32 : index
        %swap3A_228 = tpu.vector_load %arg12[%swap3A_226, %swap3A_227] {strides = array<i32>} : memref<128x64xf32, #tpu.memory_space<vmem>>, vector<16xf32>,
        tpu.vector_store %arg12[%swap3A_226, %swap3A_227], %mul3A_225 {strides = array<i32>} : memref<128x64xf32, #tpu.memory_space<vmem>>, vector<16xf32>,
        %get3A_229 = arith.index_cast %add3A_202 : i32 to index
        %get3A_230 = arith.constant 48 : index
        %get3A_231 = tpu.vector_load %arg12[%get3A_229, %get3A_230] {strides = array<i32>} : memref<128x64xf32, #tpu.memory_space<vmem>>, vector<16xf32>,
        %mul3A_232 = vector.broadcast %squeeze3A_204 : f32 to vector<16xf32>
        %mul3A_233 = arith.mulf %get3A_231, %mul3A_232 : vector<16xf32>
        %swap3A_234 = arith.index_cast %add3A_202 : i32 to index
        %swap3A_235 = arith.constant 48 : index
        %swap3A_236 = tpu.vector_load %arg12[%swap3A_234, %swap3A_235] {strides = array<i32>} : memref<128x64xf32, #tpu.memory_space<vmem>>, vector<16xf32>,
        tpu.vector_store %arg12[%swap3A_234, %swap3A_235], %mul3A_233 {strides = array<i32>} : memref<128x64xf32, #tpu.memory_space<vmem>>, vector<16xf32>,
        %mul3A_237 = arith.constant 16 : i32
        %mul3A_238 = arith.muli %scan3A_159, %mul3A_237 : i32
        %add3A_239 = arith.constant 2 : i32
        %add3A_240 = arith.addi %mul3A_238, %add3A_239 : i32
        %slice3A_241 = vector.extract_strided_slice %get3A_163 {offsets = [2], sizes = [1], strides = [1]} : vector<16xf32> to vector<1xf32>
        %squeeze3A_242 = vector.extract %slice3A_241[0] : f32 from vector<1xf32>
        %get3A_243 = arith.index_cast %add3A_240 : i32 to index
        %get3A_244 = arith.constant 0 : index
        %get3A_245 = tpu.vector_load %arg12[%get3A_243, %get3A_244] {strides = array<i32>} : memref<128x64xf32, #tpu.memory_space<vmem>>, vector<16xf32>,
        %mul3A_246 = vector.broadcast %squeeze3A_242 : f32 to vector<16xf32>
        %mul3A_247 = arith.mulf %get3A_245, %mul3A_246 : vector<16xf32>
        %swap3A_248 = arith.index_cast %add3A_240 : i32 to index
        %swap3A_249 = arith.constant 0 : index
        %swap3A_250 = tpu.vector_load %arg12[%swap3A_248, %swap3A_249] {strides = array<i32>} : memref<128x64xf32, #tpu.memory_space<vmem>>, vector<16xf32>,
        tpu.vector_store %arg12[%swap3A_248, %swap3A_249], %mul3A_247 {strides = array<i32>} : memref<128x64xf32, #tpu.memory_space<vmem>>, vector<16xf32>,
        %get3A_251 = arith.index_cast %add3A_240 : i32 to index
        %get3A_252 = arith.constant 16 : index
        %get3A_253 = tpu.vector_load %arg12[%get3A_251, %get3A_252] {strides = array<i32>} : memref<128x64xf32, #tpu.memory_space<vmem>>, vector<16xf32>,
        %mul3A_254 = vector.broadcast %squeeze3A_242 : f32 to vector<16xf32>
        %mul3A_255 = arith.mulf %get3A_253, %mul3A_254 : vector<16xf32>
        %swap3A_256 = arith.index_cast %add3A_240 : i32 to index
        %swap3A_257 = arith.constant 16 : index
        %swap3A_258 = tpu.vector_load %arg12[%swap3A_256, %swap3A_257] {strides = array<i32>} : memref<128x64xf32, #tpu.memory_space<vmem>>, vector<16xf32>,
        tpu.vector_store %arg12[%swap3A_256, %swap3A_257], %mul3A_255 {strides = array<i32>} : memref<128x64xf32, #tpu.memory_space<vmem>>, vector<16xf32>,
        %get3A_259 = arith.index_cast %add3A_240 : i32 to index
        %get3A_260 = arith.constant 32 : index
        %get3A_261 = tpu.vector_load %arg12[%get3A_259, %get3A_260] {strides = array<i32>} : memref<128x64xf32, #tpu.memory_space<vmem>>, vector<16xf32>,
        %mul3A_262 = vector.broadcast %squeeze3A_242 : f32 to vector<16xf32>
        %mul3A_263 = arith.mulf %get3A_261, %mul3A_262 : vector<16xf32>
        %swap3A_264 = arith.index_cast %add3A_240 : i32 to index
        %swap3A_265 = arith.constant 32 : index
        %swap3A_266 = tpu.vector_load %arg12[%swap3A_264, %swap3A_265] {strides = array<i32>} : memref<128x64xf32, #tpu.memory_space<vmem>>, vector<16xf32>,
        tpu.vector_store %arg12[%swap3A_264, %swap3A_265], %mul3A_263 {strides = array<i32>} : memref<128x64xf32, #tpu.memory_space<vmem>>, vector<16xf32>,
        %get3A_267 = arith.index_cast %add3A_240 : i32 to index
        %get3A_268 = arith.constant 48 : index
        %get3A_269 = tpu.vector_load %arg12[%get3A_267, %get3A_268] {strides = array<i32>} : memref<128x64xf32, #tpu.memory_space<vmem>>, vector<16xf32>,
        %mul3A_270 = vector.broadcast %squeeze3A_242 : f32 to vector<16xf32>
        %mul3A_271 = arith.mulf %get3A_269, %mul3A_270 : vector<16xf32>
        %swap3A_272 = arith.index_cast %add3A_240 : i32 to index
        %swap3A_273 = arith.constant 48 : index
        %swap3A_274 = tpu.vector_load %arg12[%swap3A_272, %swap3A_273] {strides = array<i32>} : memref<128x64xf32, #tpu.memory_space<vmem>>, vector<16xf32>,
        tpu.vector_store %arg12[%swap3A_272, %swap3A_273], %mul3A_271 {strides = array<i32>} : memref<128x64xf32, #tpu.memory_space<vmem>>, vector<16xf32>,
        %mul3A_275 = arith.constant 16 : i32
        %mul3A_276 = arith.muli %scan3A_159, %mul3A_275 : i32
        %add3A_277 = arith.constant 3 : i32
        %add3A_278 = arith.addi %mul3A_276, %add3A_277 : i32
        %slice3A_279 = vector.extract_strided_slice %get3A_163 {offsets = [3], sizes = [1], strides = [1]} : vector<16xf32> to vector<1xf32>
        %squeeze3A_280 = vector.extract %slice3A_279[0] : f32 from vector<1xf32>
        %get3A_281 = arith.index_cast %add3A_278 : i32 to index
        %get3A_282 = arith.constant 0 : index
        %get3A_283 = tpu.vector_load %arg12[%get3A_281, %get3A_282] {strides = array<i32>} : memref<128x64xf32, #tpu.memory_space<vmem>>, vector<16xf32>,
        %mul3A_284 = vector.broadcast %squeeze3A_280 : f32 to vector<16xf32>
        %mul3A_285 = arith.mulf %get3A_283, %mul3A_284 : vector<16xf32>
        %swap3A_286 = arith.index_cast %add3A_278 : i32 to index
        %swap3A_287 = arith.constant 0 : index
        %swap3A_288 = tpu.vector_load %arg12[%swap3A_286, %swap3A_287] {strides = array<i32>} : memref<128x64xf32, #tpu.memory_space<vmem>>, vector<16xf32>,
        tpu.vector_store %arg12[%swap3A_286, %swap3A_287], %mul3A_285 {strides = array<i32>} : memref<128x64xf32, #tpu.memory_space<vmem>>, vector<16xf32>,
        %get3A_289 = arith.index_cast %add3A_278 : i32 to index
        %get3A_290 = arith.constant 16 : index
        %get3A_291 = tpu.vector_load %arg12[%get3A_289, %get3A_290] {strides = array<i32>} : memref<128x64xf32, #tpu.memory_space<vmem>>, vector<16xf32>,
        %mul3A_292 = vector.broadcast %squeeze3A_280 : f32 to vector<16xf32>
        %mul3A_293 = arith.mulf %get3A_291, %mul3A_292 : vector<16xf32>
        %swap3A_294 = arith.index_cast %add3A_278 : i32 to index
        %swap3A_295 = arith.constant 16 : index
        %swap3A_296 = tpu.vector_load %arg12[%swap3A_294, %swap3A_295] {strides = array<i32>} : memref<128x64xf32, #tpu.memory_space<vmem>>, vector<16xf32>,
        tpu.vector_store %arg12[%swap3A_294, %swap3A_295], %mul3A_293 {strides = array<i32>} : memref<128x64xf32, #tpu.memory_space<vmem>>, vector<16xf32>,
        %get3A_297 = arith.index_cast %add3A_278 : i32 to index
        %get3A_298 = arith.constant 32 : index
        %get3A_299 = tpu.vector_load %arg12[%get3A_297, %get3A_298] {strides = array<i32>} : memref<128x64xf32, #tpu.memory_space<vmem>>, vector<16xf32>,
        %mul3A_300 = vector.broadcast %squeeze3A_280 : f32 to vector<16xf32>
        %mul3A_301 = arith.mulf %get3A_299, %mul3A_300 : vector<16xf32>
        %swap3A_302 = arith.index_cast %add3A_278 : i32 to index
        %swap3A_303 = arith.constant 32 : index
        %swap3A_304 = tpu.vector_load %arg12[%swap3A_302, %swap3A_303] {strides = array<i32>} : memref<128x64xf32, #tpu.memory_space<vmem>>, vector<16xf32>,
        tpu.vector_store %arg12[%swap3A_302, %swap3A_303], %mul3A_301 {strides = array<i32>} : memref<128x64xf32, #tpu.memory_space<vmem>>, vector<16xf32>,
        %get3A_305 = arith.index_cast %add3A_278 : i32 to index
        %get3A_306 = arith.constant 48 : index
        %get3A_307 = tpu.vector_load %arg12[%get3A_305, %get3A_306] {strides = array<i32>} : memref<128x64xf32, #tpu.memory_space<vmem>>, vector<16xf32>,
        %mul3A_308 = vector.broadcast %squeeze3A_280 : f32 to vector<16xf32>
        %mul3A_309 = arith.mulf %get3A_307, %mul3A_308 : vector<16xf32>
        %swap3A_310 = arith.index_cast %add3A_278 : i32 to index
        %swap3A_311 = arith.constant 48 : index
        %swap3A_312 = tpu.vector_load %arg12[%swap3A_310, %swap3A_311] {strides = array<i32>} : memref<128x64xf32, #tpu.memory_space<vmem>>, vector<16xf32>,
        tpu.vector_store %arg12[%swap3A_310, %swap3A_311], %mul3A_309 {strides = array<i32>} : memref<128x64xf32, #tpu.memory_space<vmem>>, vector<16xf32>,
        %mul3A_313 = arith.constant 16 : i32
        %mul3A_314 = arith.muli %scan3A_159, %mul3A_313 : i32
        %add3A_315 = arith.constant 4 : i32
        %add3A_316 = arith.addi %mul3A_314, %add3A_315 : i32
        %slice3A_317 = vector.extract_strided_slice %get3A_163 {offsets = [4], sizes = [1], strides = [1]} : vector<16xf32> to vector<1xf32>
        %squeeze3A_318 = vector.extract %slice3A_317[0] : f32 from vector<1xf32>
        %get3A_319 = arith.index_cast %add3A_316 : i32 to index
        %get3A_320 = arith.constant 0 : index
        %get3A_321 = tpu.vector_load %arg12[%get3A_319, %get3A_320] {strides = array<i32>} : memref<128x64xf32, #tpu.memory_space<vmem>>, vector<16xf32>,
        %mul3A_322 = vector.broadcast %squeeze3A_318 : f32 to vector<16xf32>
        %mul3A_323 = arith.mulf %get3A_321, %mul3A_322 : vector<16xf32>
        %swap3A_324 = arith.index_cast %add3A_316 : i32 to index
        %swap3A_325 = arith.constant 0 : index
        %swap3A_326 = tpu.vector_load %arg12[%swap3A_324, %swap3A_325] {strides = array<i32>} : memref<128x64xf32, #tpu.memory_space<vmem>>, vector<16xf32>,
        tpu.vector_store %arg12[%swap3A_324, %swap3A_325], %mul3A_323 {strides = array<i32>} : memref<128x64xf32, #tpu.memory_space<vmem>>, vector<16xf32>,
        %get3A_327 = arith.index_cast %add3A_316 : i32 to index
        %get3A_328 = arith.constant 16 : index
        %get3A_329 = tpu.vector_load %arg12[%get3A_327, %get3A_328] {strides = array<i32>} : memref<128x64xf32, #tpu.memory_space<vmem>>, vector<16xf32>,
        %mul3A_330 = vector.broadcast %squeeze3A_318 : f32 to vector<16xf32>
        %mul3A_331 = arith.mulf %get3A_329, %mul3A_330 : vector<16xf32>
        %swap3A_332 = arith.index_cast %add3A_316 : i32 to index
        %swap3A_333 = arith.constant 16 : index
        %swap3A_334 = tpu.vector_load %arg12[%swap3A_332, %swap3A_333] {strides = array<i32>} : memref<128x64xf32, #tpu.memory_space<vmem>>, vector<16xf32>,
        tpu.vector_store %arg12[%swap3A_332, %swap3A_333], %mul3A_331 {strides = array<i32>} : memref<128x64xf32, #tpu.memory_space<vmem>>, vector<16xf32>,
        %get3A_335 = arith.index_cast %add3A_316 : i32 to index
        %get3A_336 = arith.constant 32 : index
        %get3A_337 = tpu.vector_load %arg12[%get3A_335, %get3A_336] {strides = array<i32>} : memref<128x64xf32, #tpu.memory_space<vmem>>, vector<16xf32>,
        %mul3A_338 = vector.broadcast %squeeze3A_318 : f32 to vector<16xf32>
        %mul3A_339 = arith.mulf %get3A_337, %mul3A_338 : vector<16xf32>
        %swap3A_340 = arith.index_cast %add3A_316 : i32 to index
        %swap3A_341 = arith.constant 32 : index
        %swap3A_342 = tpu.vector_load %arg12[%swap3A_340, %swap3A_341] {strides = array<i32>} : memref<128x64xf32, #tpu.memory_space<vmem>>, vector<16xf32>,
        tpu.vector_store %arg12[%swap3A_340, %swap3A_341], %mul3A_339 {strides = array<i32>} : memref<128x64xf32, #tpu.memory_space<vmem>>, vector<16xf32>,
        %get3A_343 = arith.index_cast %add3A_316 : i32 to index
        %get3A_344 = arith.constant 48 : index
        %get3A_345 = tpu.vector_load %arg12[%get3A_343, %get3A_344] {strides = array<i32>} : memref<128x64xf32, #tpu.memory_space<vmem>>, vector<16xf32>,
        %mul3A_346 = vector.broadcast %squeeze3A_318 : f32 to vector<16xf32>
        %mul3A_347 = arith.mulf %get3A_345, %mul3A_346 : vector<16xf32>
        %swap3A_348 = arith.index_cast %add3A_316 : i32 to index
        %swap3A_349 = arith.constant 48 : index
        %swap3A_350 = tpu.vector_load %arg12[%swap3A_348, %swap3A_349] {strides = array<i32>} : memref<128x64xf32, #tpu.memory_space<vmem>>, vector<16xf32>,
        tpu.vector_store %arg12[%swap3A_348, %swap3A_349], %mul3A_347 {strides = array<i32>} : memref<128x64xf32, #tpu.memory_space<vmem>>, vector<16xf32>,
        %mul3A_351 = arith.constant 16 : i32
        %mul3A_352 = arith.muli %scan3A_159, %mul3A_351 : i32
        %add3A_353 = arith.constant 5 : i32
        %add3A_354 = arith.addi %mul3A_352, %add3A_353 : i32
        %slice3A_355 = vector.extract_strided_slice %get3A_163 {offsets = [5], sizes = [1], strides = [1]} : vector<16xf32> to vector<1xf32>
        %squeeze3A_356 = vector.extract %slice3A_355[0] : f32 from vector<1xf32>
        %get3A_357 = arith.index_cast %add3A_354 : i32 to index
        %get3A_358 = arith.constant 0 : index
        %get3A_359 = tpu.vector_load %arg12[%get3A_357, %get3A_358] {strides = array<i32>} : memref<128x64xf32, #tpu.memory_space<vmem>>, vector<16xf32>,
        %mul3A_360 = vector.broadcast %squeeze3A_356 : f32 to vector<16xf32>
        %mul3A_361 = arith.mulf %get3A_359, %mul3A_360 : vector<16xf32>
        %swap3A_362 = arith.index_cast %add3A_354 : i32 to index
        %swap3A_363 = arith.constant 0 : index
        %swap3A_364 = tpu.vector_load %arg12[%swap3A_362, %swap3A_363] {strides = array<i32>} : memref<128x64xf32, #tpu.memory_space<vmem>>, vector<16xf32>,
        tpu.vector_store %arg12[%swap3A_362, %swap3A_363], %mul3A_361 {strides = array<i32>} : memref<128x64xf32, #tpu.memory_space<vmem>>, vector<16xf32>,
        %get3A_365 = arith.index_cast %add3A_354 : i32 to index
        %get3A_366 = arith.constant 16 : index
        %get3A_367 = tpu.vector_load %arg12[%get3A_365, %get3A_366] {strides = array<i32>} : memref<128x64xf32, #tpu.memory_space<vmem>>, vector<16xf32>,
        %mul3A_368 = vector.broadcast %squeeze3A_356 : f32 to vector<16xf32>
        %mul3A_369 = arith.mulf %get3A_367, %mul3A_368 : vector<16xf32>
        %swap3A_370 = arith.index_cast %add3A_354 : i32 to index
        %swap3A_371 = arith.constant 16 : index
        %swap3A_372 = tpu.vector_load %arg12[%swap3A_370, %swap3A_371] {strides = array<i32>} : memref<128x64xf32, #tpu.memory_space<vmem>>, vector<16xf32>,
        tpu.vector_store %arg12[%swap3A_370, %swap3A_371], %mul3A_369 {strides = array<i32>} : memref<128x64xf32, #tpu.memory_space<vmem>>, vector<16xf32>,
        %get3A_373 = arith.index_cast %add3A_354 : i32 to index
        %get3A_374 = arith.constant 32 : index
        %get3A_375 = tpu.vector_load %arg12[%get3A_373, %get3A_374] {strides = array<i32>} : memref<128x64xf32, #tpu.memory_space<vmem>>, vector<16xf32>,
        %mul3A_376 = vector.broadcast %squeeze3A_356 : f32 to vector<16xf32>
        %mul3A_377 = arith.mulf %get3A_375, %mul3A_376 : vector<16xf32>
        %swap3A_378 = arith.index_cast %add3A_354 : i32 to index
        %swap3A_379 = arith.constant 32 : index
        %swap3A_380 = tpu.vector_load %arg12[%swap3A_378, %swap3A_379] {strides = array<i32>} : memref<128x64xf32, #tpu.memory_space<vmem>>, vector<16xf32>,
        tpu.vector_store %arg12[%swap3A_378, %swap3A_379], %mul3A_377 {strides = array<i32>} : memref<128x64xf32, #tpu.memory_space<vmem>>, vector<16xf32>,
        %get3A_381 = arith.index_cast %add3A_354 : i32 to index
        %get3A_382 = arith.constant 48 : index
        %get3A_383 = tpu.vector_load %arg12[%get3A_381, %get3A_382] {strides = array<i32>} : memref<128x64xf32, #tpu.memory_space<vmem>>, vector<16xf32>,
        %mul3A_384 = vector.broadcast %squeeze3A_356 : f32 to vector<16xf32>
        %mul3A_385 = arith.mulf %get3A_383, %mul3A_384 : vector<16xf32>
        %swap3A_386 = arith.index_cast %add3A_354 : i32 to index
        %swap3A_387 = arith.constant 48 : index
        %swap3A_388 = tpu.vector_load %arg12[%swap3A_386, %swap3A_387] {strides = array<i32>} : memref<128x64xf32, #tpu.memory_space<vmem>>, vector<16xf32>,
        tpu.vector_store %arg12[%swap3A_386, %swap3A_387], %mul3A_385 {strides = array<i32>} : memref<128x64xf32, #tpu.memory_space<vmem>>, vector<16xf32>,
        %mul3A_389 = arith.constant 16 : i32
        %mul3A_390 = arith.muli %scan3A_159, %mul3A_389 : i32
        %add3A_391 = arith.constant 6 : i32
        %add3A_392 = arith.addi %mul3A_390, %add3A_391 : i32
        %slice3A_393 = vector.extract_strided_slice %get3A_163 {offsets = [6], sizes = [1], strides = [1]} : vector<16xf32> to vector<1xf32>
        %squeeze3A_394 = vector.extract %slice3A_393[0] : f32 from vector<1xf32>
        %get3A_395 = arith.index_cast %add3A_392 : i32 to index
        %get3A_396 = arith.constant 0 : index
        %get3A_397 = tpu.vector_load %arg12[%get3A_395, %get3A_396] {strides = array<i32>} : memref<128x64xf32, #tpu.memory_space<vmem>>, vector<16xf32>,
        %mul3A_398 = vector.broadcast %squeeze3A_394 : f32 to vector<16xf32>
        %mul3A_399 = arith.mulf %get3A_397, %mul3A_398 : vector<16xf32>
        %swap3A_400 = arith.index_cast %add3A_392 : i32 to index
        %swap3A_401 = arith.constant 0 : index
        %swap3A_402 = tpu.vector_load %arg12[%swap3A_400, %swap3A_401] {strides = array<i32>} : memref<128x64xf32, #tpu.memory_space<vmem>>, vector<16xf32>,
        tpu.vector_store %arg12[%swap3A_400, %swap3A_401], %mul3A_399 {strides = array<i32>} : memref<128x64xf32, #tpu.memory_space<vmem>>, vector<16xf32>,
        %get3A_403 = arith.index_cast %add3A_392 : i32 to index
        %get3A_404 = arith.constant 16 : index
        %get3A_405 = tpu.vector_load %arg12[%get3A_403, %get3A_404] {strides = array<i32>} : memref<128x64xf32, #tpu.memory_space<vmem>>, vector<16xf32>,
        %mul3A_406 = vector.broadcast %squeeze3A_394 : f32 to vector<16xf32>
        %mul3A_407 = arith.mulf %get3A_405, %mul3A_406 : vector<16xf32>
        %swap3A_408 = arith.index_cast %add3A_392 : i32 to index
        %swap3A_409 = arith.constant 16 : index
        %swap3A_410 = tpu.vector_load %arg12[%swap3A_408, %swap3A_409] {strides = array<i32>} : memref<128x64xf32, #tpu.memory_space<vmem>>, vector<16xf32>,
        tpu.vector_store %arg12[%swap3A_408, %swap3A_409], %mul3A_407 {strides = array<i32>} : memref<128x64xf32, #tpu.memory_space<vmem>>, vector<16xf32>,
        %get3A_411 = arith.index_cast %add3A_392 : i32 to index
        %get3A_412 = arith.constant 32 : index
        %get3A_413 = tpu.vector_load %arg12[%get3A_411, %get3A_412] {strides = array<i32>} : memref<128x64xf32, #tpu.memory_space<vmem>>, vector<16xf32>,
        %mul3A_414 = vector.broadcast %squeeze3A_394 : f32 to vector<16xf32>
        %mul3A_415 = arith.mulf %get3A_413, %mul3A_414 : vector<16xf32>
        %swap3A_416 = arith.index_cast %add3A_392 : i32 to index
        %swap3A_417 = arith.constant 32 : index
        %swap3A_418 = tpu.vector_load %arg12[%swap3A_416, %swap3A_417] {strides = array<i32>} : memref<128x64xf32, #tpu.memory_space<vmem>>, vector<16xf32>,
        tpu.vector_store %arg12[%swap3A_416, %swap3A_417], %mul3A_415 {strides = array<i32>} : memref<128x64xf32, #tpu.memory_space<vmem>>, vector<16xf32>,
        %get3A_419 = arith.index_cast %add3A_392 : i32 to index
        %get3A_420 = arith.constant 48 : index
        %get3A_421 = tpu.vector_load %arg12[%get3A_419, %get3A_420] {strides = array<i32>} : memref<128x64xf32, #tpu.memory_space<vmem>>, vector<16xf32>,
        %mul3A_422 = vector.broadcast %squeeze3A_394 : f32 to vector<16xf32>
        %mul3A_423 = arith.mulf %get3A_421, %mul3A_422 : vector<16xf32>
        %swap3A_424 = arith.index_cast %add3A_392 : i32 to index
        %swap3A_425 = arith.constant 48 : index
        %swap3A_426 = tpu.vector_load %arg12[%swap3A_424, %swap3A_425] {strides = array<i32>} : memref<128x64xf32, #tpu.memory_space<vmem>>, vector<16xf32>,
        tpu.vector_store %arg12[%swap3A_424, %swap3A_425], %mul3A_423 {strides = array<i32>} : memref<128x64xf32, #tpu.memory_space<vmem>>, vector<16xf32>,
        %mul3A_427 = arith.constant 16 : i32
        %mul3A_428 = arith.muli %scan3A_159, %mul3A_427 : i32
        %add3A_429 = arith.constant 7 : i32
        %add3A_430 = arith.addi %mul3A_428, %add3A_429 : i32
        %slice3A_431 = vector.extract_strided_slice %get3A_163 {offsets = [7], sizes = [1], strides = [1]} : vector<16xf32> to vector<1xf32>
        %squeeze3A_432 = vector.extract %slice3A_431[0] : f32 from vector<1xf32>
        %get3A_433 = arith.index_cast %add3A_430 : i32 to index
        %get3A_434 = arith.constant 0 : index
        %get3A_435 = tpu.vector_load %arg12[%get3A_433, %get3A_434] {strides = array<i32>} : memref<128x64xf32, #tpu.memory_space<vmem>>, vector<16xf32>,
        %mul3A_436 = vector.broadcast %squeeze3A_432 : f32 to vector<16xf32>
        %mul3A_437 = arith.mulf %get3A_435, %mul3A_436 : vector<16xf32>
        %swap3A_438 = arith.index_cast %add3A_430 : i32 to index
        %swap3A_439 = arith.constant 0 : index
        %swap3A_440 = tpu.vector_load %arg12[%swap3A_438, %swap3A_439] {strides = array<i32>} : memref<128x64xf32, #tpu.memory_space<vmem>>, vector<16xf32>,
        tpu.vector_store %arg12[%swap3A_438, %swap3A_439], %mul3A_437 {strides = array<i32>} : memref<128x64xf32, #tpu.memory_space<vmem>>, vector<16xf32>,
        %get3A_441 = arith.index_cast %add3A_430 : i32 to index
        %get3A_442 = arith.constant 16 : index
        %get3A_443 = tpu.vector_load %arg12[%get3A_441, %get3A_442] {strides = array<i32>} : memref<128x64xf32, #tpu.memory_space<vmem>>, vector<16xf32>,
        %mul3A_444 = vector.broadcast %squeeze3A_432 : f32 to vector<16xf32>
        %mul3A_445 = arith.mulf %get3A_443, %mul3A_444 : vector<16xf32>
        %swap3A_446 = arith.index_cast %add3A_430 : i32 to index
        %swap3A_447 = arith.constant 16 : index
        %swap3A_448 = tpu.vector_load %arg12[%swap3A_446, %swap3A_447] {strides = array<i32>} : memref<128x64xf32, #tpu.memory_space<vmem>>, vector<16xf32>,
        tpu.vector_store %arg12[%swap3A_446, %swap3A_447], %mul3A_445 {strides = array<i32>} : memref<128x64xf32, #tpu.memory_space<vmem>>, vector<16xf32>,
        %get3A_449 = arith.index_cast %add3A_430 : i32 to index
        %get3A_450 = arith.constant 32 : index
        %get3A_451 = tpu.vector_load %arg12[%get3A_449, %get3A_450] {strides = array<i32>} : memref<128x64xf32, #tpu.memory_space<vmem>>, vector<16xf32>,
        %mul3A_452 = vector.broadcast %squeeze3A_432 : f32 to vector<16xf32>
        %mul3A_453 = arith.mulf %get3A_451, %mul3A_452 : vector<16xf32>
        %swap3A_454 = arith.index_cast %add3A_430 : i32 to index
        %swap3A_455 = arith.constant 32 : index
        %swap3A_456 = tpu.vector_load %arg12[%swap3A_454, %swap3A_455] {strides = array<i32>} : memref<128x64xf32, #tpu.memory_space<vmem>>, vector<16xf32>,
        tpu.vector_store %arg12[%swap3A_454, %swap3A_455], %mul3A_453 {strides = array<i32>} : memref<128x64xf32, #tpu.memory_space<vmem>>, vector<16xf32>,
        %get3A_457 = arith.index_cast %add3A_430 : i32 to index
        %get3A_458 = arith.constant 48 : index
        %get3A_459 = tpu.vector_load %arg12[%get3A_457, %get3A_458] {strides = array<i32>} : memref<128x64xf32, #tpu.memory_space<vmem>>, vector<16xf32>,
        %mul3A_460 = vector.broadcast %squeeze3A_432 : f32 to vector<16xf32>
        %mul3A_461 = arith.mulf %get3A_459, %mul3A_460 : vector<16xf32>
        %swap3A_462 = arith.index_cast %add3A_430 : i32 to index
        %swap3A_463 = arith.constant 48 : index
        %swap3A_464 = tpu.vector_load %arg12[%swap3A_462, %swap3A_463] {strides = array<i32>} : memref<128x64xf32, #tpu.memory_space<vmem>>, vector<16xf32>,
        tpu.vector_store %arg12[%swap3A_462, %swap3A_463], %mul3A_461 {strides = array<i32>} : memref<128x64xf32, #tpu.memory_space<vmem>>, vector<16xf32>,
        %mul3A_465 = arith.constant 16 : i32
        %mul3A_466 = arith.muli %scan3A_159, %mul3A_465 : i32
        %add3A_467 = arith.constant 8 : i32
        %add3A_468 = arith.addi %mul3A_466, %add3A_467 : i32
        %slice3A_469 = vector.extract_strided_slice %get3A_163 {offsets = [8], sizes = [1], strides = [1]} : vector<16xf32> to vector<1xf32>
        %squeeze3A_470 = vector.extract %slice3A_469[0] : f32 from vector<1xf32>
        %get3A_471 = arith.index_cast %add3A_468 : i32 to index
        %get3A_472 = arith.constant 0 : index
        %get3A_473 = tpu.vector_load %arg12[%get3A_471, %get3A_472] {strides = array<i32>} : memref<128x64xf32, #tpu.memory_space<vmem>>, vector<16xf32>,
        %mul3A_474 = vector.broadcast %squeeze3A_470 : f32 to vector<16xf32>
        %mul3A_475 = arith.mulf %get3A_473, %mul3A_474 : vector<16xf32>
        %swap3A_476 = arith.index_cast %add3A_468 : i32 to index
        %swap3A_477 = arith.constant 0 : index
        %swap3A_478 = tpu.vector_load %arg12[%swap3A_476, %swap3A_477] {strides = array<i32>} : memref<128x64xf32, #tpu.memory_space<vmem>>, vector<16xf32>,
        tpu.vector_store %arg12[%swap3A_476, %swap3A_477], %mul3A_475 {strides = array<i32>} : memref<128x64xf32, #tpu.memory_space<vmem>>, vector<16xf32>,
        %get3A_479 = arith.index_cast %add3A_468 : i32 to index
        %get3A_480 = arith.constant 16 : index
        %get3A_481 = tpu.vector_load %arg12[%get3A_479, %get3A_480] {strides = array<i32>} : memref<128x64xf32, #tpu.memory_space<vmem>>, vector<16xf32>,
        %mul3A_482 = vector.broadcast %squeeze3A_470 : f32 to vector<16xf32>
        %mul3A_483 = arith.mulf %get3A_481, %mul3A_482 : vector<16xf32>
        %swap3A_484 = arith.index_cast %add3A_468 : i32 to index
        %swap3A_485 = arith.constant 16 : index
        %swap3A_486 = tpu.vector_load %arg12[%swap3A_484, %swap3A_485] {strides = array<i32>} : memref<128x64xf32, #tpu.memory_space<vmem>>, vector<16xf32>,
        tpu.vector_store %arg12[%swap3A_484, %swap3A_485], %mul3A_483 {strides = array<i32>} : memref<128x64xf32, #tpu.memory_space<vmem>>, vector<16xf32>,
        %get3A_487 = arith.index_cast %add3A_468 : i32 to index
        %get3A_488 = arith.constant 32 : index
        %get3A_489 = tpu.vector_load %arg12[%get3A_487, %get3A_488] {strides = array<i32>} : memref<128x64xf32, #tpu.memory_space<vmem>>, vector<16xf32>,
        %mul3A_490 = vector.broadcast %squeeze3A_470 : f32 to vector<16xf32>
        %mul3A_491 = arith.mulf %get3A_489, %mul3A_490 : vector<16xf32>
        %swap3A_492 = arith.index_cast %add3A_468 : i32 to index
        %swap3A_493 = arith.constant 32 : index
        %swap3A_494 = tpu.vector_load %arg12[%swap3A_492, %swap3A_493] {strides = array<i32>} : memref<128x64xf32, #tpu.memory_space<vmem>>, vector<16xf32>,
        tpu.vector_store %arg12[%swap3A_492, %swap3A_493], %mul3A_491 {strides = array<i32>} : memref<128x64xf32, #tpu.memory_space<vmem>>, vector<16xf32>,
        %get3A_495 = arith.index_cast %add3A_468 : i32 to index
        %get3A_496 = arith.constant 48 : index
        %get3A_497 = tpu.vector_load %arg12[%get3A_495, %get3A_496] {strides = array<i32>} : memref<128x64xf32, #tpu.memory_space<vmem>>, vector<16xf32>,
        %mul3A_498 = vector.broadcast %squeeze3A_470 : f32 to vector<16xf32>
        %mul3A_499 = arith.mulf %get3A_497, %mul3A_498 : vector<16xf32>
        %swap3A_500 = arith.index_cast %add3A_468 : i32 to index
        %swap3A_501 = arith.constant 48 : index
        %swap3A_502 = tpu.vector_load %arg12[%swap3A_500, %swap3A_501] {strides = array<i32>} : memref<128x64xf32, #tpu.memory_space<vmem>>, vector<16xf32>,
        tpu.vector_store %arg12[%swap3A_500, %swap3A_501], %mul3A_499 {strides = array<i32>} : memref<128x64xf32, #tpu.memory_space<vmem>>, vector<16xf32>,
        %mul3A_503 = arith.constant 16 : i32
        %mul3A_504 = arith.muli %scan3A_159, %mul3A_503 : i32
        %add3A_505 = arith.constant 9 : i32
        %add3A_506 = arith.addi %mul3A_504, %add3A_505 : i32
        %slice3A_507 = vector.extract_strided_slice %get3A_163 {offsets = [9], sizes = [1], strides = [1]} : vector<16xf32> to vector<1xf32>
        %squeeze3A_508 = vector.extract %slice3A_507[0] : f32 from vector<1xf32>
        %get3A_509 = arith.index_cast %add3A_506 : i32 to index
        %get3A_510 = arith.constant 0 : index
        %get3A_511 = tpu.vector_load %arg12[%get3A_509, %get3A_510] {strides = array<i32>} : memref<128x64xf32, #tpu.memory_space<vmem>>, vector<16xf32>,
        %mul3A_512 = vector.broadcast %squeeze3A_508 : f32 to vector<16xf32>
        %mul3A_513 = arith.mulf %get3A_511, %mul3A_512 : vector<16xf32>
        %swap3A_514 = arith.index_cast %add3A_506 : i32 to index
        %swap3A_515 = arith.constant 0 : index
        %swap3A_516 = tpu.vector_load %arg12[%swap3A_514, %swap3A_515] {strides = array<i32>} : memref<128x64xf32, #tpu.memory_space<vmem>>, vector<16xf32>,
        tpu.vector_store %arg12[%swap3A_514, %swap3A_515], %mul3A_513 {strides = array<i32>} : memref<128x64xf32, #tpu.memory_space<vmem>>, vector<16xf32>,
        %get3A_517 = arith.index_cast %add3A_506 : i32 to index
        %get3A_518 = arith.constant 16 : index
        %get3A_519 = tpu.vector_load %arg12[%get3A_517, %get3A_518] {strides = array<i32>} : memref<128x64xf32, #tpu.memory_space<vmem>>, vector<16xf32>,
        %mul3A_520 = vector.broadcast %squeeze3A_508 : f32 to vector<16xf32>
        %mul3A_521 = arith.mulf %get3A_519, %mul3A_520 : vector<16xf32>
        %swap3A_522 = arith.index_cast %add3A_506 : i32 to index
        %swap3A_523 = arith.constant 16 : index
        %swap3A_524 = tpu.vector_load %arg12[%swap3A_522, %swap3A_523] {strides = array<i32>} : memref<128x64xf32, #tpu.memory_space<vmem>>, vector<16xf32>,
        tpu.vector_store %arg12[%swap3A_522, %swap3A_523], %mul3A_521 {strides = array<i32>} : memref<128x64xf32, #tpu.memory_space<vmem>>, vector<16xf32>,
        %get3A_525 = arith.index_cast %add3A_506 : i32 to index
        %get3A_526 = arith.constant 32 : index
        %get3A_527 = tpu.vector_load %arg12[%get3A_525, %get3A_526] {strides = array<i32>} : memref<128x64xf32, #tpu.memory_space<vmem>>, vector<16xf32>,
        %mul3A_528 = vector.broadcast %squeeze3A_508 : f32 to vector<16xf32>
        %mul3A_529 = arith.mulf %get3A_527, %mul3A_528 : vector<16xf32>
        %swap3A_530 = arith.index_cast %add3A_506 : i32 to index
        %swap3A_531 = arith.constant 32 : index
        %swap3A_532 = tpu.vector_load %arg12[%swap3A_530, %swap3A_531] {strides = array<i32>} : memref<128x64xf32, #tpu.memory_space<vmem>>, vector<16xf32>,
        tpu.vector_store %arg12[%swap3A_530, %swap3A_531], %mul3A_529 {strides = array<i32>} : memref<128x64xf32, #tpu.memory_space<vmem>>, vector<16xf32>,
        %get3A_533 = arith.index_cast %add3A_506 : i32 to index
        %get3A_534 = arith.constant 48 : index
        %get3A_535 = tpu.vector_load %arg12[%get3A_533, %get3A_534] {strides = array<i32>} : memref<128x64xf32, #tpu.memory_space<vmem>>, vector<16xf32>,
        %mul3A_536 = vector.broadcast %squeeze3A_508 : f32 to vector<16xf32>
        %mul3A_537 = arith.mulf %get3A_535, %mul3A_536 : vector<16xf32>
        %swap3A_538 = arith.index_cast %add3A_506 : i32 to index
        %swap3A_539 = arith.constant 48 : index
        %swap3A_540 = tpu.vector_load %arg12[%swap3A_538, %swap3A_539] {strides = array<i32>} : memref<128x64xf32, #tpu.memory_space<vmem>>, vector<16xf32>,
        tpu.vector_store %arg12[%swap3A_538, %swap3A_539], %mul3A_537 {strides = array<i32>} : memref<128x64xf32, #tpu.memory_space<vmem>>, vector<16xf32>,
        %mul3A_541 = arith.constant 16 : i32
        %mul3A_542 = arith.muli %scan3A_159, %mul3A_541 : i32
        %add3A_543 = arith.constant 10 : i32
        %add3A_544 = arith.addi %mul3A_542, %add3A_543 : i32
        %slice3A_545 = vector.extract_strided_slice %get3A_163 {offsets = [10], sizes = [1], strides = [1]} : vector<16xf32> to vector<1xf32>
        %squeeze3A_546 = vector.extract %slice3A_545[0] : f32 from vector<1xf32>
        %get3A_547 = arith.index_cast %add3A_544 : i32 to index
        %get3A_548 = arith.constant 0 : index
        %get3A_549 = tpu.vector_load %arg12[%get3A_547, %get3A_548] {strides = array<i32>} : memref<128x64xf32, #tpu.memory_space<vmem>>, vector<16xf32>,
        %mul3A_550 = vector.broadcast %squeeze3A_546 : f32 to vector<16xf32>
        %mul3A_551 = arith.mulf %get3A_549, %mul3A_550 : vector<16xf32>
        %swap3A_552 = arith.index_cast %add3A_544 : i32 to index
        %swap3A_553 = arith.constant 0 : index
        %swap3A_554 = tpu.vector_load %arg12[%swap3A_552, %swap3A_553] {strides = array<i32>} : memref<128x64xf32, #tpu.memory_space<vmem>>, vector<16xf32>,
        tpu.vector_store %arg12[%swap3A_552, %swap3A_553], %mul3A_551 {strides = array<i32>} : memref<128x64xf32, #tpu.memory_space<vmem>>, vector<16xf32>,
        %get3A_555 = arith.index_cast %add3A_544 : i32 to index
        %get3A_556 = arith.constant 16 : index
        %get3A_557 = tpu.vector_load %arg12[%get3A_555, %get3A_556] {strides = array<i32>} : memref<128x64xf32, #tpu.memory_space<vmem>>, vector<16xf32>,
        %mul3A_558 = vector.broadcast %squeeze3A_546 : f32 to vector<16xf32>
        %mul3A_559 = arith.mulf %get3A_557, %mul3A_558 : vector<16xf32>
        %swap3A_560 = arith.index_cast %add3A_544 : i32 to index
        %swap3A_561 = arith.constant 16 : index
        %swap3A_562 = tpu.vector_load %arg12[%swap3A_560, %swap3A_561] {strides = array<i32>} : memref<128x64xf32, #tpu.memory_space<vmem>>, vector<16xf32>,
        tpu.vector_store %arg12[%swap3A_560, %swap3A_561], %mul3A_559 {strides = array<i32>} : memref<128x64xf32, #tpu.memory_space<vmem>>, vector<16xf32>,
        %get3A_563 = arith.index_cast %add3A_544 : i32 to index
        %get3A_564 = arith.constant 32 : index
        %get3A_565 = tpu.vector_load %arg12[%get3A_563, %get3A_564] {strides = array<i32>} : memref<128x64xf32, #tpu.memory_space<vmem>>, vector<16xf32>,
        %mul3A_566 = vector.broadcast %squeeze3A_546 : f32 to vector<16xf32>
        %mul3A_567 = arith.mulf %get3A_565, %mul3A_566 : vector<16xf32>
        %swap3A_568 = arith.index_cast %add3A_544 : i32 to index
        %swap3A_569 = arith.constant 32 : index
        %swap3A_570 = tpu.vector_load %arg12[%swap3A_568, %swap3A_569] {strides = array<i32>} : memref<128x64xf32, #tpu.memory_space<vmem>>, vector<16xf32>,
        tpu.vector_store %arg12[%swap3A_568, %swap3A_569], %mul3A_567 {strides = array<i32>} : memref<128x64xf32, #tpu.memory_space<vmem>>, vector<16xf32>,
        %get3A_571 = arith.index_cast %add3A_544 : i32 to index
        %get3A_572 = arith.constant 48 : index
        %get3A_573 = tpu.vector_load %arg12[%get3A_571, %get3A_572] {strides = array<i32>} : memref<128x64xf32, #tpu.memory_space<vmem>>, vector<16xf32>,
        %mul3A_574 = vector.broadcast %squeeze3A_546 : f32 to vector<16xf32>
        %mul3A_575 = arith.mulf %get3A_573, %mul3A_574 : vector<16xf32>
        %swap3A_576 = arith.index_cast %add3A_544 : i32 to index
        %swap3A_577 = arith.constant 48 : index
        %swap3A_578 = tpu.vector_load %arg12[%swap3A_576, %swap3A_577] {strides = array<i32>} : memref<128x64xf32, #tpu.memory_space<vmem>>, vector<16xf32>,
        tpu.vector_store %arg12[%swap3A_576, %swap3A_577], %mul3A_575 {strides = array<i32>} : memref<128x64xf32, #tpu.memory_space<vmem>>, vector<16xf32>,
        %mul3A_579 = arith.constant 16 : i32
        %mul3A_580 = arith.muli %scan3A_159, %mul3A_579 : i32
        %add3A_581 = arith.constant 11 : i32
        %add3A_582 = arith.addi %mul3A_580, %add3A_581 : i32
        %slice3A_583 = vector.extract_strided_slice %get3A_163 {offsets = [11], sizes = [1], strides = [1]} : vector<16xf32> to vector<1xf32>
        %squeeze3A_584 = vector.extract %slice3A_583[0] : f32 from vector<1xf32>
        %get3A_585 = arith.index_cast %add3A_582 : i32 to index
        %get3A_586 = arith.constant 0 : index
        %get3A_587 = tpu.vector_load %arg12[%get3A_585, %get3A_586] {strides = array<i32>} : memref<128x64xf32, #tpu.memory_space<vmem>>, vector<16xf32>,
        %mul3A_588 = vector.broadcast %squeeze3A_584 : f32 to vector<16xf32>
        %mul3A_589 = arith.mulf %get3A_587, %mul3A_588 : vector<16xf32>
        %swap3A_590 = arith.index_cast %add3A_582 : i32 to index
        %swap3A_591 = arith.constant 0 : index
        %swap3A_592 = tpu.vector_load %arg12[%swap3A_590, %swap3A_591] {strides = array<i32>} : memref<128x64xf32, #tpu.memory_space<vmem>>, vector<16xf32>,
        tpu.vector_store %arg12[%swap3A_590, %swap3A_591], %mul3A_589 {strides = array<i32>} : memref<128x64xf32, #tpu.memory_space<vmem>>, vector<16xf32>,
        %get3A_593 = arith.index_cast %add3A_582 : i32 to index
        %get3A_594 = arith.constant 16 : index
        %get3A_595 = tpu.vector_load %arg12[%get3A_593, %get3A_594] {strides = array<i32>} : memref<128x64xf32, #tpu.memory_space<vmem>>, vector<16xf32>,
        %mul3A_596 = vector.broadcast %squeeze3A_584 : f32 to vector<16xf32>
        %mul3A_597 = arith.mulf %get3A_595, %mul3A_596 : vector<16xf32>
        %swap3A_598 = arith.index_cast %add3A_582 : i32 to index
        %swap3A_599 = arith.constant 16 : index
        %swap3A_600 = tpu.vector_load %arg12[%swap3A_598, %swap3A_599] {strides = array<i32>} : memref<128x64xf32, #tpu.memory_space<vmem>>, vector<16xf32>,
        tpu.vector_store %arg12[%swap3A_598, %swap3A_599], %mul3A_597 {strides = array<i32>} : memref<128x64xf32, #tpu.memory_space<vmem>>, vector<16xf32>,
        %get3A_601 = arith.index_cast %add3A_582 : i32 to index
        %get3A_602 = arith.constant 32 : index
        %get3A_603 = tpu.vector_load %arg12[%get3A_601, %get3A_602] {strides = array<i32>} : memref<128x64xf32, #tpu.memory_space<vmem>>, vector<16xf32>,
        %mul3A_604 = vector.broadcast %squeeze3A_584 : f32 to vector<16xf32>
        %mul3A_605 = arith.mulf %get3A_603, %mul3A_604 : vector<16xf32>
        %swap3A_606 = arith.index_cast %add3A_582 : i32 to index
        %swap3A_607 = arith.constant 32 : index
        %swap3A_608 = tpu.vector_load %arg12[%swap3A_606, %swap3A_607] {strides = array<i32>} : memref<128x64xf32, #tpu.memory_space<vmem>>, vector<16xf32>,
        tpu.vector_store %arg12[%swap3A_606, %swap3A_607], %mul3A_605 {strides = array<i32>} : memref<128x64xf32, #tpu.memory_space<vmem>>, vector<16xf32>,
        %get3A_609 = arith.index_cast %add3A_582 : i32 to index
        %get3A_610 = arith.constant 48 : index
        %get3A_611 = tpu.vector_load %arg12[%get3A_609, %get3A_610] {strides = array<i32>} : memref<128x64xf32, #tpu.memory_space<vmem>>, vector<16xf32>,
        %mul3A_612 = vector.broadcast %squeeze3A_584 : f32 to vector<16xf32>
        %mul3A_613 = arith.mulf %get3A_611, %mul3A_612 : vector<16xf32>
        %swap3A_614 = arith.index_cast %add3A_582 : i32 to index
        %swap3A_615 = arith.constant 48 : index
        %swap3A_616 = tpu.vector_load %arg12[%swap3A_614, %swap3A_615] {strides = array<i32>} : memref<128x64xf32, #tpu.memory_space<vmem>>, vector<16xf32>,
        tpu.vector_store %arg12[%swap3A_614, %swap3A_615], %mul3A_613 {strides = array<i32>} : memref<128x64xf32, #tpu.memory_space<vmem>>, vector<16xf32>,
        %mul3A_617 = arith.constant 16 : i32
        %mul3A_618 = arith.muli %scan3A_159, %mul3A_617 : i32
        %add3A_619 = arith.constant 12 : i32
        %add3A_620 = arith.addi %mul3A_618, %add3A_619 : i32
        %slice3A_621 = vector.extract_strided_slice %get3A_163 {offsets = [12], sizes = [1], strides = [1]} : vector<16xf32> to vector<1xf32>
        %squeeze3A_622 = vector.extract %slice3A_621[0] : f32 from vector<1xf32>
        %get3A_623 = arith.index_cast %add3A_620 : i32 to index
        %get3A_624 = arith.constant 0 : index
        %get3A_625 = tpu.vector_load %arg12[%get3A_623, %get3A_624] {strides = array<i32>} : memref<128x64xf32, #tpu.memory_space<vmem>>, vector<16xf32>,
        %mul3A_626 = vector.broadcast %squeeze3A_622 : f32 to vector<16xf32>
        %mul3A_627 = arith.mulf %get3A_625, %mul3A_626 : vector<16xf32>
        %swap3A_628 = arith.index_cast %add3A_620 : i32 to index
        %swap3A_629 = arith.constant 0 : index
        %swap3A_630 = tpu.vector_load %arg12[%swap3A_628, %swap3A_629] {strides = array<i32>} : memref<128x64xf32, #tpu.memory_space<vmem>>, vector<16xf32>,
        tpu.vector_store %arg12[%swap3A_628, %swap3A_629], %mul3A_627 {strides = array<i32>} : memref<128x64xf32, #tpu.memory_space<vmem>>, vector<16xf32>,
        %get3A_631 = arith.index_cast %add3A_620 : i32 to index
        %get3A_632 = arith.constant 16 : index
        %get3A_633 = tpu.vector_load %arg12[%get3A_631, %get3A_632] {strides = array<i32>} : memref<128x64xf32, #tpu.memory_space<vmem>>, vector<16xf32>,
        %mul3A_634 = vector.broadcast %squeeze3A_622 : f32 to vector<16xf32>
        %mul3A_635 = arith.mulf %get3A_633, %mul3A_634 : vector<16xf32>
        %swap3A_636 = arith.index_cast %add3A_620 : i32 to index
        %swap3A_637 = arith.constant 16 : index
        %swap3A_638 = tpu.vector_load %arg12[%swap3A_636, %swap3A_637] {strides = array<i32>} : memref<128x64xf32, #tpu.memory_space<vmem>>, vector<16xf32>,
        tpu.vector_store %arg12[%swap3A_636, %swap3A_637], %mul3A_635 {strides = array<i32>} : memref<128x64xf32, #tpu.memory_space<vmem>>, vector<16xf32>,
        %get3A_639 = arith.index_cast %add3A_620 : i32 to index
        %get3A_640 = arith.constant 32 : index
        %get3A_641 = tpu.vector_load %arg12[%get3A_639, %get3A_640] {strides = array<i32>} : memref<128x64xf32, #tpu.memory_space<vmem>>, vector<16xf32>,
        %mul3A_642 = vector.broadcast %squeeze3A_622 : f32 to vector<16xf32>
        %mul3A_643 = arith.mulf %get3A_641, %mul3A_642 : vector<16xf32>
        %swap3A_644 = arith.index_cast %add3A_620 : i32 to index
        %swap3A_645 = arith.constant 32 : index
        %swap3A_646 = tpu.vector_load %arg12[%swap3A_644, %swap3A_645] {strides = array<i32>} : memref<128x64xf32, #tpu.memory_space<vmem>>, vector<16xf32>,
        tpu.vector_store %arg12[%swap3A_644, %swap3A_645], %mul3A_643 {strides = array<i32>} : memref<128x64xf32, #tpu.memory_space<vmem>>, vector<16xf32>,
        %get3A_647 = arith.index_cast %add3A_620 : i32 to index
        %get3A_648 = arith.constant 48 : index
        %get3A_649 = tpu.vector_load %arg12[%get3A_647, %get3A_648] {strides = array<i32>} : memref<128x64xf32, #tpu.memory_space<vmem>>, vector<16xf32>,
        %mul3A_650 = vector.broadcast %squeeze3A_622 : f32 to vector<16xf32>
        %mul3A_651 = arith.mulf %get3A_649, %mul3A_650 : vector<16xf32>
        %swap3A_652 = arith.index_cast %add3A_620 : i32 to index
        %swap3A_653 = arith.constant 48 : index
        %swap3A_654 = tpu.vector_load %arg12[%swap3A_652, %swap3A_653] {strides = array<i32>} : memref<128x64xf32, #tpu.memory_space<vmem>>, vector<16xf32>,
        tpu.vector_store %arg12[%swap3A_652, %swap3A_653], %mul3A_651 {strides = array<i32>} : memref<128x64xf32, #tpu.memory_space<vmem>>, vector<16xf32>,
        %mul3A_655 = arith.constant 16 : i32
        %mul3A_656 = arith.muli %scan3A_159, %mul3A_655 : i32
        %add3A_657 = arith.constant 13 : i32
        %add3A_658 = arith.addi %mul3A_656, %add3A_657 : i32
        %slice3A_659 = vector.extract_strided_slice %get3A_163 {offsets = [13], sizes = [1], strides = [1]} : vector<16xf32> to vector<1xf32>
        %squeeze3A_660 = vector.extract %slice3A_659[0] : f32 from vector<1xf32>
        %get3A_661 = arith.index_cast %add3A_658 : i32 to index
        %get3A_662 = arith.constant 0 : index
        %get3A_663 = tpu.vector_load %arg12[%get3A_661, %get3A_662] {strides = array<i32>} : memref<128x64xf32, #tpu.memory_space<vmem>>, vector<16xf32>,
        %mul3A_664 = vector.broadcast %squeeze3A_660 : f32 to vector<16xf32>
        %mul3A_665 = arith.mulf %get3A_663, %mul3A_664 : vector<16xf32>
        %swap3A_666 = arith.index_cast %add3A_658 : i32 to index
        %swap3A_667 = arith.constant 0 : index
        %swap3A_668 = tpu.vector_load %arg12[%swap3A_666, %swap3A_667] {strides = array<i32>} : memref<128x64xf32, #tpu.memory_space<vmem>>, vector<16xf32>,
        tpu.vector_store %arg12[%swap3A_666, %swap3A_667], %mul3A_665 {strides = array<i32>} : memref<128x64xf32, #tpu.memory_space<vmem>>, vector<16xf32>,
        %get3A_669 = arith.index_cast %add3A_658 : i32 to index
        %get3A_670 = arith.constant 16 : index
        %get3A_671 = tpu.vector_load %arg12[%get3A_669, %get3A_670] {strides = array<i32>} : memref<128x64xf32, #tpu.memory_space<vmem>>, vector<16xf32>,
        %mul3A_672 = vector.broadcast %squeeze3A_660 : f32 to vector<16xf32>
        %mul3A_673 = arith.mulf %get3A_671, %mul3A_672 : vector<16xf32>
        %swap3A_674 = arith.index_cast %add3A_658 : i32 to index
        %swap3A_675 = arith.constant 16 : index
        %swap3A_676 = tpu.vector_load %arg12[%swap3A_674, %swap3A_675] {strides = array<i32>} : memref<128x64xf32, #tpu.memory_space<vmem>>, vector<16xf32>,
        tpu.vector_store %arg12[%swap3A_674, %swap3A_675], %mul3A_673 {strides = array<i32>} : memref<128x64xf32, #tpu.memory_space<vmem>>, vector<16xf32>,
        %get3A_677 = arith.index_cast %add3A_658 : i32 to index
        %get3A_678 = arith.constant 32 : index
        %get3A_679 = tpu.vector_load %arg12[%get3A_677, %get3A_678] {strides = array<i32>} : memref<128x64xf32, #tpu.memory_space<vmem>>, vector<16xf32>,
        %mul3A_680 = vector.broadcast %squeeze3A_660 : f32 to vector<16xf32>
        %mul3A_681 = arith.mulf %get3A_679, %mul3A_680 : vector<16xf32>
        %swap3A_682 = arith.index_cast %add3A_658 : i32 to index
        %swap3A_683 = arith.constant 32 : index
        %swap3A_684 = tpu.vector_load %arg12[%swap3A_682, %swap3A_683] {strides = array<i32>} : memref<128x64xf32, #tpu.memory_space<vmem>>, vector<16xf32>,
        tpu.vector_store %arg12[%swap3A_682, %swap3A_683], %mul3A_681 {strides = array<i32>} : memref<128x64xf32, #tpu.memory_space<vmem>>, vector<16xf32>,
        %get3A_685 = arith.index_cast %add3A_658 : i32 to index
        %get3A_686 = arith.constant 48 : index
        %get3A_687 = tpu.vector_load %arg12[%get3A_685, %get3A_686] {strides = array<i32>} : memref<128x64xf32, #tpu.memory_space<vmem>>, vector<16xf32>,
        %mul3A_688 = vector.broadcast %squeeze3A_660 : f32 to vector<16xf32>
        %mul3A_689 = arith.mulf %get3A_687, %mul3A_688 : vector<16xf32>
        %swap3A_690 = arith.index_cast %add3A_658 : i32 to index
        %swap3A_691 = arith.constant 48 : index
        %swap3A_692 = tpu.vector_load %arg12[%swap3A_690, %swap3A_691] {strides = array<i32>} : memref<128x64xf32, #tpu.memory_space<vmem>>, vector<16xf32>,
        tpu.vector_store %arg12[%swap3A_690, %swap3A_691], %mul3A_689 {strides = array<i32>} : memref<128x64xf32, #tpu.memory_space<vmem>>, vector<16xf32>,
        %mul3A_693 = arith.constant 16 : i32
        %mul3A_694 = arith.muli %scan3A_159, %mul3A_693 : i32
        %add3A_695 = arith.constant 14 : i32
        %add3A_696 = arith.addi %mul3A_694, %add3A_695 : i32
        %slice3A_697 = vector.extract_strided_slice %get3A_163 {offsets = [14], sizes = [1], strides = [1]} : vector<16xf32> to vector<1xf32>
        %squeeze3A_698 = vector.extract %slice3A_697[0] : f32 from vector<1xf32>
        %get3A_699 = arith.index_cast %add3A_696 : i32 to index
        %get3A_700 = arith.constant 0 : index
        %get3A_701 = tpu.vector_load %arg12[%get3A_699, %get3A_700] {strides = array<i32>} : memref<128x64xf32, #tpu.memory_space<vmem>>, vector<16xf32>,
        %mul3A_702 = vector.broadcast %squeeze3A_698 : f32 to vector<16xf32>
        %mul3A_703 = arith.mulf %get3A_701, %mul3A_702 : vector<16xf32>
        %swap3A_704 = arith.index_cast %add3A_696 : i32 to index
        %swap3A_705 = arith.constant 0 : index
        %swap3A_706 = tpu.vector_load %arg12[%swap3A_704, %swap3A_705] {strides = array<i32>} : memref<128x64xf32, #tpu.memory_space<vmem>>, vector<16xf32>,
        tpu.vector_store %arg12[%swap3A_704, %swap3A_705], %mul3A_703 {strides = array<i32>} : memref<128x64xf32, #tpu.memory_space<vmem>>, vector<16xf32>,
        %get3A_707 = arith.index_cast %add3A_696 : i32 to index
        %get3A_708 = arith.constant 16 : index
        %get3A_709 = tpu.vector_load %arg12[%get3A_707, %get3A_708] {strides = array<i32>} : memref<128x64xf32, #tpu.memory_space<vmem>>, vector<16xf32>,
        %mul3A_710 = vector.broadcast %squeeze3A_698 : f32 to vector<16xf32>
        %mul3A_711 = arith.mulf %get3A_709, %mul3A_710 : vector<16xf32>
        %swap3A_712 = arith.index_cast %add3A_696 : i32 to index
        %swap3A_713 = arith.constant 16 : index
        %swap3A_714 = tpu.vector_load %arg12[%swap3A_712, %swap3A_713] {strides = array<i32>} : memref<128x64xf32, #tpu.memory_space<vmem>>, vector<16xf32>,
        tpu.vector_store %arg12[%swap3A_712, %swap3A_713], %mul3A_711 {strides = array<i32>} : memref<128x64xf32, #tpu.memory_space<vmem>>, vector<16xf32>,
        %get3A_715 = arith.index_cast %add3A_696 : i32 to index
        %get3A_716 = arith.constant 32 : index
        %get3A_717 = tpu.vector_load %arg12[%get3A_715, %get3A_716] {strides = array<i32>} : memref<128x64xf32, #tpu.memory_space<vmem>>, vector<16xf32>,
        %mul3A_718 = vector.broadcast %squeeze3A_698 : f32 to vector<16xf32>
        %mul3A_719 = arith.mulf %get3A_717, %mul3A_718 : vector<16xf32>
        %swap3A_720 = arith.index_cast %add3A_696 : i32 to index
        %swap3A_721 = arith.constant 32 : index
        %swap3A_722 = tpu.vector_load %arg12[%swap3A_720, %swap3A_721] {strides = array<i32>} : memref<128x64xf32, #tpu.memory_space<vmem>>, vector<16xf32>,
        tpu.vector_store %arg12[%swap3A_720, %swap3A_721], %mul3A_719 {strides = array<i32>} : memref<128x64xf32, #tpu.memory_space<vmem>>, vector<16xf32>,
        %get3A_723 = arith.index_cast %add3A_696 : i32 to index
        %get3A_724 = arith.constant 48 : index
        %get3A_725 = tpu.vector_load %arg12[%get3A_723, %get3A_724] {strides = array<i32>} : memref<128x64xf32, #tpu.memory_space<vmem>>, vector<16xf32>,
        %mul3A_726 = vector.broadcast %squeeze3A_698 : f32 to vector<16xf32>
        %mul3A_727 = arith.mulf %get3A_725, %mul3A_726 : vector<16xf32>
        %swap3A_728 = arith.index_cast %add3A_696 : i32 to index
        %swap3A_729 = arith.constant 48 : index
        %swap3A_730 = tpu.vector_load %arg12[%swap3A_728, %swap3A_729] {strides = array<i32>} : memref<128x64xf32, #tpu.memory_space<vmem>>, vector<16xf32>,
        tpu.vector_store %arg12[%swap3A_728, %swap3A_729], %mul3A_727 {strides = array<i32>} : memref<128x64xf32, #tpu.memory_space<vmem>>, vector<16xf32>,
        %mul3A_731 = arith.constant 16 : i32
        %mul3A_732 = arith.muli %scan3A_159, %mul3A_731 : i32
        %add3A_733 = arith.constant 15 : i32
        %add3A_734 = arith.addi %mul3A_732, %add3A_733 : i32
        %slice3A_735 = vector.extract_strided_slice %get3A_163 {offsets = [15], sizes = [1], strides = [1]} : vector<16xf32> to vector<1xf32>
        %squeeze3A_736 = vector.extract %slice3A_735[0] : f32 from vector<1xf32>
        %get3A_737 = arith.index_cast %add3A_734 : i32 to index
        %get3A_738 = arith.constant 0 : index
        %get3A_739 = tpu.vector_load %arg12[%get3A_737, %get3A_738] {strides = array<i32>} : memref<128x64xf32, #tpu.memory_space<vmem>>, vector<16xf32>,
        %mul3A_740 = vector.broadcast %squeeze3A_736 : f32 to vector<16xf32>
        %mul3A_741 = arith.mulf %get3A_739, %mul3A_740 : vector<16xf32>
        %swap3A_742 = arith.index_cast %add3A_734 : i32 to index
        %swap3A_743 = arith.constant 0 : index
        %swap3A_744 = tpu.vector_load %arg12[%swap3A_742, %swap3A_743] {strides = array<i32>} : memref<128x64xf32, #tpu.memory_space<vmem>>, vector<16xf32>,
        tpu.vector_store %arg12[%swap3A_742, %swap3A_743], %mul3A_741 {strides = array<i32>} : memref<128x64xf32, #tpu.memory_space<vmem>>, vector<16xf32>,
        %get3A_745 = arith.index_cast %add3A_734 : i32 to index
        %get3A_746 = arith.constant 16 : index
        %get3A_747 = tpu.vector_load %arg12[%get3A_745, %get3A_746] {strides = array<i32>} : memref<128x64xf32, #tpu.memory_space<vmem>>, vector<16xf32>,
        %mul3A_748 = vector.broadcast %squeeze3A_736 : f32 to vector<16xf32>
        %mul3A_749 = arith.mulf %get3A_747, %mul3A_748 : vector<16xf32>
        %swap3A_750 = arith.index_cast %add3A_734 : i32 to index
        %swap3A_751 = arith.constant 16 : index
        %swap3A_752 = tpu.vector_load %arg12[%swap3A_750, %swap3A_751] {strides = array<i32>} : memref<128x64xf32, #tpu.memory_space<vmem>>, vector<16xf32>,
        tpu.vector_store %arg12[%swap3A_750, %swap3A_751], %mul3A_749 {strides = array<i32>} : memref<128x64xf32, #tpu.memory_space<vmem>>, vector<16xf32>,
        %get3A_753 = arith.index_cast %add3A_734 : i32 to index
        %get3A_754 = arith.constant 32 : index
        %get3A_755 = tpu.vector_load %arg12[%get3A_753, %get3A_754] {strides = array<i32>} : memref<128x64xf32, #tpu.memory_space<vmem>>, vector<16xf32>,
        %mul3A_756 = vector.broadcast %squeeze3A_736 : f32 to vector<16xf32>
        %mul3A_757 = arith.mulf %get3A_755, %mul3A_756 : vector<16xf32>
        %swap3A_758 = arith.index_cast %add3A_734 : i32 to index
        %swap3A_759 = arith.constant 32 : index
        %swap3A_760 = tpu.vector_load %arg12[%swap3A_758, %swap3A_759] {strides = array<i32>} : memref<128x64xf32, #tpu.memory_space<vmem>>, vector<16xf32>,
        tpu.vector_store %arg12[%swap3A_758, %swap3A_759], %mul3A_757 {strides = array<i32>} : memref<128x64xf32, #tpu.memory_space<vmem>>, vector<16xf32>,
        %get3A_761 = arith.index_cast %add3A_734 : i32 to index
        %get3A_762 = arith.constant 48 : index
        %get3A_763 = tpu.vector_load %arg12[%get3A_761, %get3A_762] {strides = array<i32>} : memref<128x64xf32, #tpu.memory_space<vmem>>, vector<16xf32>,
        %mul3A_764 = vector.broadcast %squeeze3A_736 : f32 to vector<16xf32>
        %mul3A_765 = arith.mulf %get3A_763, %mul3A_764 : vector<16xf32>
        %swap3A_766 = arith.index_cast %add3A_734 : i32 to index
        %swap3A_767 = arith.constant 48 : index
        %swap3A_768 = tpu.vector_load %arg12[%swap3A_766, %swap3A_767] {strides = array<i32>} : memref<128x64xf32, #tpu.memory_space<vmem>>, vector<16xf32>,
        tpu.vector_store %arg12[%swap3A_766, %swap3A_767], %mul3A_765 {strides = array<i32>} : memref<128x64xf32, #tpu.memory_space<vmem>>, vector<16xf32>,
        %scan3A_769 = arith.constant 0 : i32
        scf.yield %scan3A_769 : i32
      }
      %scan3A_157 = arith.constant 8 : i32
      "tpu.region"() ({
        %run_scoped3A_159 = tpu.sem_alloc : memref<!tpu.dma_semaphore, #tpu.memory_space<semaphore_mem>>
        %dma_start3A_160 = arith.constant 0 : i32
        %dma_start3A_161 = arith.constant 0 : i32
        %dma_start3A_162 = tpu.memref_slice %arg17[%dma_start3A_160, %dma_start3A_161] : memref<10240x64xf32, #tpu.memory_space<vmem_shared>> -> memref<10240x64xf32, #tpu.memory_space<vmem_shared>>
        tpu.enqueue_indirect_dma source(%arg12 : memref<128x64xf32, #tpu.memory_space<vmem>>) target(%dma_start3A_162 : memref<10240x64xf32, #tpu.memory_space<vmem_shared>>) offsets(%arg14 : memref<128xi32, #tpu.memory_space<vmem>>) semaphore(%run_scoped3A_159 : memref<!tpu.dma_semaphore, #tpu.memory_space<semaphore_mem>>) {add = true}
        %dma_wait3A_163 = arith.constant 0 : i32
        %dma_wait3A_164 = arith.constant 0 : i32
        %dma_wait3A_165 = tpu.memref_slice %arg17[%dma_wait3A_163, %dma_wait3A_164] : memref<10240x64xf32, #tpu.memory_space<vmem_shared>> -> memref<10240x64xf32, #tpu.memory_space<vmem_shared>>
        tpu.wait_indirect_dma semaphore(%run_scoped3A_159 : memref<!tpu.dma_semaphore, #tpu.memory_space<semaphore_mem>>) src(%arg12 : memref<128x64xf32, #tpu.memory_space<vmem>>) dst(%dma_wait3A_165 : memref<10240x64xf32, #tpu.memory_space<vmem_shared>>)
        tpu.yield
      }) : () -> ()
      %scan3A_158 = arith.constant 0 : i32
      scf.yield %scan3A_158 : i32
    }
    %scan3A_60 = arith.constant 162 : i32
    %barrier3A_61 = arith.constant 0 : index
    tpu.barrier barrier_id(%barrier3A_61)
    %mul3A_62 = arith.constant 640 : i32
    %mul3A_63 = arith.muli %arg1, %mul3A_62 : i32
    %mul3A_64 = arith.constant 640 : i32
    %mul3A_65 = arith.muli %arg1, %mul3A_64 : i32
    %run_scoped3A_66 = arith.constant 0 : i32
    "tpu.region"() ({
      %run_scoped3A_129 = tpu.sem_alloc : memref<!tpu.dma_semaphore, #tpu.memory_space<semaphore_mem>>
      %dma_start3A = arith.constant 0 : i32
      %dma_start3A_130 = tpu.memref_slice %arg6[%run_scoped3A_66, %arg0, %mul3A_65, %dma_start3A] : memref<2x2x10240x64xf32, #tpu.memory_space<hbm>> -> memref<1x1x640x64xf32, #tpu.memory_space<hbm>>
      %dma_start3A_131 = tpu.memref_squeeze %dma_start3A_130 : memref<1x1x640x64xf32, #tpu.memory_space<hbm>> -> memref<640x64xf32, #tpu.memory_space<hbm>>
      %dma_start3A_132 = arith.constant 0 : i32
      %dma_start3A_133 = tpu.memref_slice %arg17[%mul3A_63, %dma_start3A_132] : memref<10240x64xf32, #tpu.memory_space<vmem_shared>> -> memref<640x64xf32, #tpu.memory_space<vmem_shared>>
      tpu.enqueue_dma source(%dma_start3A_133 : memref<640x64xf32, #tpu.memory_space<vmem_shared>>) target(%dma_start3A_131 : memref<640x64xf32, #tpu.memory_space<hbm>>) target_semaphore(%run_scoped3A_129 : memref<!tpu.dma_semaphore, #tpu.memory_space<semaphore_mem>>)
      %dma_wait3A = arith.constant 0 : i32
      %dma_wait3A_134 = tpu.memref_slice %arg6[%run_scoped3A_66, %arg0, %mul3A_65, %dma_wait3A] : memref<2x2x10240x64xf32, #tpu.memory_space<hbm>> -> memref<1x1x640x64xf32, #tpu.memory_space<hbm>>
      %dma_wait3A_135 = tpu.memref_squeeze %dma_wait3A_134 : memref<1x1x640x64xf32, #tpu.memory_space<hbm>> -> memref<640x64xf32, #tpu.memory_space<hbm>>
      %dma_wait3A_136 = arith.constant 0 : i32
      %dma_wait3A_137 = tpu.memref_slice %arg17[%mul3A_63, %dma_wait3A_136] : memref<10240x64xf32, #tpu.memory_space<vmem_shared>> -> memref<640x64xf32, #tpu.memory_space<vmem_shared>>
      tpu.wait_dma2 semaphore(%run_scoped3A_129 : memref<!tpu.dma_semaphore, #tpu.memory_space<semaphore_mem>>) src(%dma_wait3A_137 : memref<640x64xf32, #tpu.memory_space<vmem_shared>>) dst(%dma_wait3A_135 : memref<640x64xf32, #tpu.memory_space<hbm>>)
      tpu.yield
    }) : () -> ()
    %scan3A_67 = arith.constant 0 : i32
    %scan3A_68 = arith.constant 0 : i32
    %scan3A_69 = arith.constant 128 : i32
    %scan3A_70 = arith.addi %scan3A_68, %scan3A_69 : i32
    %scan3A_71 = arith.constant 1 : i32
    %scan3A_72 = scf.for %scan3A_129 = %scan3A_68 to %scan3A_70 step %scan3A_71 iter_args(%scan3A_130 = %scan3A_67) -> (i32)  : i32 {
      %swap3A = arith.index_cast %scan3A_129 : i32 to index
      %swap3A_131 = arith.constant 0 : index
      %swap3A_132 = tpu.vector_load %arg12[%swap3A, %swap3A_131] {strides = array<i32>} : memref<128x64xf32, #tpu.memory_space<vmem>>, vector<16xf32>,
      tpu.vector_store %arg12[%swap3A, %swap3A_131], %broadcast_in_dim3A_1 {strides = array<i32>} : memref<128x64xf32, #tpu.memory_space<vmem>>, vector<16xf32>,
      %swap3A_133 = arith.index_cast %scan3A_129 : i32 to index
      %swap3A_134 = arith.constant 16 : index
      %swap3A_135 = tpu.vector_load %arg12[%swap3A_133, %swap3A_134] {strides = array<i32>} : memref<128x64xf32, #tpu.memory_space<vmem>>, vector<16xf32>,
      tpu.vector_store %arg12[%swap3A_133, %swap3A_134], %broadcast_in_dim3A_1 {strides = array<i32>} : memref<128x64xf32, #tpu.memory_space<vmem>>, vector<16xf32>,
      %swap3A_136 = arith.index_cast %scan3A_129 : i32 to index
      %swap3A_137 = arith.constant 32 : index
      %swap3A_138 = tpu.vector_load %arg12[%swap3A_136, %swap3A_137] {strides = array<i32>} : memref<128x64xf32, #tpu.memory_space<vmem>>, vector<16xf32>,
      tpu.vector_store %arg12[%swap3A_136, %swap3A_137], %broadcast_in_dim3A_1 {strides = array<i32>} : memref<128x64xf32, #tpu.memory_space<vmem>>, vector<16xf32>,
      %swap3A_139 = arith.index_cast %scan3A_129 : i32 to index
      %swap3A_140 = arith.constant 48 : index
      %swap3A_141 = tpu.vector_load %arg12[%swap3A_139, %swap3A_140] {strides = array<i32>} : memref<128x64xf32, #tpu.memory_space<vmem>>, vector<16xf32>,
      tpu.vector_store %arg12[%swap3A_139, %swap3A_140], %broadcast_in_dim3A_1 {strides = array<i32>} : memref<128x64xf32, #tpu.memory_space<vmem>>, vector<16xf32>,
      %scan3A_142 = arith.constant 0 : i32
      scf.yield %scan3A_142 : i32
    }
    %scan3A_73 = arith.constant 128 : i32
    %add3A_74 = arith.constant 2 : i32
    %add3A_75 = arith.addi %add3A_74, %arg0 : i32
    %run_scoped3A_76 = arith.constant 0 : i32
    "tpu.region"() ({
      %run_scoped3A_129 = tpu.sem_alloc : memref<!tpu.dma_semaphore, #tpu.memory_space<semaphore_mem>>
      %dma_start3A = arith.constant 0 : i32
      %dma_start3A_130 = tpu.memref_slice %arg5[%add3A_75, %run_scoped3A_76, %dma_start3A] : memref<4x2x10240xf32, #tpu.memory_space<hbm>> -> memref<1x1x10240xf32, #tpu.memory_space<hbm>>
      %dma_start3A_131 = tpu.memref_squeeze %dma_start3A_130 : memref<1x1x10240xf32, #tpu.memory_space<hbm>> -> memref<10240xf32, #tpu.memory_space<hbm>>
      %dma_start3A_132 = arith.constant 0 : i32
      %dma_start3A_133 = tpu.memref_slice %arg5[%add3A_75, %run_scoped3A_76, %dma_start3A_132] : memref<4x2x10240xf32, #tpu.memory_space<hbm>> -> memref<1x1x10240xf32, #tpu.memory_space<hbm>>
      %dma_start3A_134 = tpu.memref_squeeze %dma_start3A_133 : memref<1x1x10240xf32, #tpu.memory_space<hbm>> -> memref<10240xf32, #tpu.memory_space<hbm>>
      tpu.enqueue_dma source(%dma_start3A_134 : memref<10240xf32, #tpu.memory_space<hbm>>) target(%arg9 : memref<10240xf32, #tpu.memory_space<vmem>>) target_semaphore(%run_scoped3A_129 : memref<!tpu.dma_semaphore, #tpu.memory_space<semaphore_mem>>)
      %dma_wait3A = arith.constant 0 : i32
      %dma_wait3A_135 = tpu.memref_slice %arg5[%add3A_75, %run_scoped3A_76, %dma_wait3A] : memref<4x2x10240xf32, #tpu.memory_space<hbm>> -> memref<1x1x10240xf32, #tpu.memory_space<hbm>>
      %dma_wait3A_136 = tpu.memref_squeeze %dma_wait3A_135 : memref<1x1x10240xf32, #tpu.memory_space<hbm>> -> memref<10240xf32, #tpu.memory_space<hbm>>
      %dma_wait3A_137 = arith.constant 0 : i32
      %dma_wait3A_138 = tpu.memref_slice %arg5[%add3A_75, %run_scoped3A_76, %dma_wait3A_137] : memref<4x2x10240xf32, #tpu.memory_space<hbm>> -> memref<1x1x10240xf32, #tpu.memory_space<hbm>>
      %dma_wait3A_139 = tpu.memref_squeeze %dma_wait3A_138 : memref<1x1x10240xf32, #tpu.memory_space<hbm>> -> memref<10240xf32, #tpu.memory_space<hbm>>
      tpu.wait_dma2 semaphore(%run_scoped3A_129 : memref<!tpu.dma_semaphore, #tpu.memory_space<semaphore_mem>>) src(%dma_wait3A_139 : memref<10240xf32, #tpu.memory_space<hbm>>) dst(%arg9 : memref<10240xf32, #tpu.memory_space<vmem>>)
      tpu.yield
    }) : () -> ()
    %run_scoped3A_77 = arith.constant 1 : i32
    "tpu.region"() ({
      %run_scoped3A_129 = tpu.sem_alloc : memref<!tpu.dma_semaphore, #tpu.memory_space<semaphore_mem>>
      %dma_start3A = arith.constant 0 : i32
      %dma_start3A_130 = tpu.memref_slice %arg5[%add3A_75, %run_scoped3A_77, %dma_start3A] : memref<4x2x10240xf32, #tpu.memory_space<hbm>> -> memref<1x1x10240xf32, #tpu.memory_space<hbm>>
      %dma_start3A_131 = tpu.memref_squeeze %dma_start3A_130 : memref<1x1x10240xf32, #tpu.memory_space<hbm>> -> memref<10240xf32, #tpu.memory_space<hbm>>
      %dma_start3A_132 = arith.constant 0 : i32
      %dma_start3A_133 = tpu.memref_slice %arg5[%add3A_75, %run_scoped3A_77, %dma_start3A_132] : memref<4x2x10240xf32, #tpu.memory_space<hbm>> -> memref<1x1x10240xf32, #tpu.memory_space<hbm>>
      %dma_start3A_134 = tpu.memref_squeeze %dma_start3A_133 : memref<1x1x10240xf32, #tpu.memory_space<hbm>> -> memref<10240xf32, #tpu.memory_space<hbm>>
      tpu.enqueue_dma source(%dma_start3A_134 : memref<10240xf32, #tpu.memory_space<hbm>>) target(%arg10 : memref<10240xf32, #tpu.memory_space<vmem>>) target_semaphore(%run_scoped3A_129 : memref<!tpu.dma_semaphore, #tpu.memory_space<semaphore_mem>>)
      %dma_wait3A = arith.constant 0 : i32
      %dma_wait3A_135 = tpu.memref_slice %arg5[%add3A_75, %run_scoped3A_77, %dma_wait3A] : memref<4x2x10240xf32, #tpu.memory_space<hbm>> -> memref<1x1x10240xf32, #tpu.memory_space<hbm>>
      %dma_wait3A_136 = tpu.memref_squeeze %dma_wait3A_135 : memref<1x1x10240xf32, #tpu.memory_space<hbm>> -> memref<10240xf32, #tpu.memory_space<hbm>>
      %dma_wait3A_137 = arith.constant 0 : i32
      %dma_wait3A_138 = tpu.memref_slice %arg5[%add3A_75, %run_scoped3A_77, %dma_wait3A_137] : memref<4x2x10240xf32, #tpu.memory_space<hbm>> -> memref<1x1x10240xf32, #tpu.memory_space<hbm>>
      %dma_wait3A_139 = tpu.memref_squeeze %dma_wait3A_138 : memref<1x1x10240xf32, #tpu.memory_space<hbm>> -> memref<10240xf32, #tpu.memory_space<hbm>>
      tpu.wait_dma2 semaphore(%run_scoped3A_129 : memref<!tpu.dma_semaphore, #tpu.memory_space<semaphore_mem>>) src(%dma_wait3A_139 : memref<10240xf32, #tpu.memory_space<hbm>>) dst(%arg10 : memref<10240xf32, #tpu.memory_space<vmem>>)
      tpu.yield
    }) : () -> ()
    %scan3A_78 = arith.constant 0 : i32
    %scan3A_79 = arith.constant 0 : i32
    %scan3A_80 = arith.constant 80 : i32
    %scan3A_81 = arith.addi %scan3A_79, %scan3A_80 : i32
    %scan3A_82 = arith.constant 1 : i32
    %scan3A_83 = scf.for %scan3A_129 = %scan3A_79 to %scan3A_81 step %scan3A_82 iter_args(%scan3A_130 = %scan3A_78) -> (i32)  : i32 {
      %swap3A = arith.index_cast %scan3A_129 : i32 to index
      %swap3A_131 = arith.constant 0 : index
      %swap3A_132 = tpu.vector_load %arg11[%swap3A, %swap3A_131] {strides = array<i32>} : memref<80x128xf32, #tpu.memory_space<vmem>>, vector<16xf32>,
      tpu.vector_store %arg11[%swap3A, %swap3A_131], %broadcast_in_dim3A_1 {strides = array<i32>} : memref<80x128xf32, #tpu.memory_space<vmem>>, vector<16xf32>,
      %swap3A_133 = arith.index_cast %scan3A_129 : i32 to index
      %swap3A_134 = arith.constant 16 : index
      %swap3A_135 = tpu.vector_load %arg11[%swap3A_133, %swap3A_134] {strides = array<i32>} : memref<80x128xf32, #tpu.memory_space<vmem>>, vector<16xf32>,
      tpu.vector_store %arg11[%swap3A_133, %swap3A_134], %broadcast_in_dim3A_1 {strides = array<i32>} : memref<80x128xf32, #tpu.memory_space<vmem>>, vector<16xf32>,
      %swap3A_136 = arith.index_cast %scan3A_129 : i32 to index
      %swap3A_137 = arith.constant 32 : index
      %swap3A_138 = tpu.vector_load %arg11[%swap3A_136, %swap3A_137] {strides = array<i32>} : memref<80x128xf32, #tpu.memory_space<vmem>>, vector<16xf32>,
      tpu.vector_store %arg11[%swap3A_136, %swap3A_137], %broadcast_in_dim3A_1 {strides = array<i32>} : memref<80x128xf32, #tpu.memory_space<vmem>>, vector<16xf32>,
      %swap3A_139 = arith.index_cast %scan3A_129 : i32 to index
      %swap3A_140 = arith.constant 48 : index
      %swap3A_141 = tpu.vector_load %arg11[%swap3A_139, %swap3A_140] {strides = array<i32>} : memref<80x128xf32, #tpu.memory_space<vmem>>, vector<16xf32>,
      tpu.vector_store %arg11[%swap3A_139, %swap3A_140], %broadcast_in_dim3A_1 {strides = array<i32>} : memref<80x128xf32, #tpu.memory_space<vmem>>, vector<16xf32>,
      %swap3A_142 = arith.index_cast %scan3A_129 : i32 to index
      %swap3A_143 = arith.constant 64 : index
      %swap3A_144 = tpu.vector_load %arg11[%swap3A_142, %swap3A_143] {strides = array<i32>} : memref<80x128xf32, #tpu.memory_space<vmem>>, vector<16xf32>,
      tpu.vector_store %arg11[%swap3A_142, %swap3A_143], %broadcast_in_dim3A_1 {strides = array<i32>} : memref<80x128xf32, #tpu.memory_space<vmem>>, vector<16xf32>,
      %swap3A_145 = arith.index_cast %scan3A_129 : i32 to index
      %swap3A_146 = arith.constant 80 : index
      %swap3A_147 = tpu.vector_load %arg11[%swap3A_145, %swap3A_146] {strides = array<i32>} : memref<80x128xf32, #tpu.memory_space<vmem>>, vector<16xf32>,
      tpu.vector_store %arg11[%swap3A_145, %swap3A_146], %broadcast_in_dim3A_1 {strides = array<i32>} : memref<80x128xf32, #tpu.memory_space<vmem>>, vector<16xf32>,
      %swap3A_148 = arith.index_cast %scan3A_129 : i32 to index
      %swap3A_149 = arith.constant 96 : index
      %swap3A_150 = tpu.vector_load %arg11[%swap3A_148, %swap3A_149] {strides = array<i32>} : memref<80x128xf32, #tpu.memory_space<vmem>>, vector<16xf32>,
      tpu.vector_store %arg11[%swap3A_148, %swap3A_149], %broadcast_in_dim3A_1 {strides = array<i32>} : memref<80x128xf32, #tpu.memory_space<vmem>>, vector<16xf32>,
      %swap3A_151 = arith.index_cast %scan3A_129 : i32 to index
      %swap3A_152 = arith.constant 112 : index
      %swap3A_153 = tpu.vector_load %arg11[%swap3A_151, %swap3A_152] {strides = array<i32>} : memref<80x128xf32, #tpu.memory_space<vmem>>, vector<16xf32>,
      tpu.vector_store %arg11[%swap3A_151, %swap3A_152], %broadcast_in_dim3A_1 {strides = array<i32>} : memref<80x128xf32, #tpu.memory_space<vmem>>, vector<16xf32>,
      %scan3A_154 = arith.constant 0 : i32
      scf.yield %scan3A_154 : i32
    }
    %scan3A_84 = arith.constant 80 : i32
    %mul3A_85 = arith.constant 640 : i32
    %mul3A_86 = arith.muli %arg1, %mul3A_85 : i32
    %add3A_87 = arith.constant 0 : i32
    %add3A_88 = arith.addi %mul3A_86, %add3A_87 : i32
    "tpu.region"() ({
      %run_scoped3A_129 = tpu.sem_alloc : memref<!tpu.dma_semaphore, #tpu.memory_space<semaphore_mem>>
      %dma_start3A = arith.constant 0 : i32
      %dma_start3A_130 = tpu.memref_slice %arg17[%add3A_88, %dma_start3A] : memref<10240x64xf32, #tpu.memory_space<vmem_shared>> -> memref<128x64xf32, #tpu.memory_space<vmem_shared>>
      %dma_start3A_131 = arith.constant 0 : i32
      %dma_start3A_132 = tpu.memref_slice %arg17[%add3A_88, %dma_start3A_131] : memref<10240x64xf32, #tpu.memory_space<vmem_shared>> -> memref<128x64xf32, #tpu.memory_space<vmem_shared>>
      tpu.enqueue_dma source(%arg12 : memref<128x64xf32, #tpu.memory_space<vmem>>) target(%dma_start3A_132 : memref<128x64xf32, #tpu.memory_space<vmem_shared>>) target_semaphore(%run_scoped3A_129 : memref<!tpu.dma_semaphore, #tpu.memory_space<semaphore_mem>>)
      %dma_wait3A = arith.constant 0 : i32
      %dma_wait3A_133 = tpu.memref_slice %arg17[%add3A_88, %dma_wait3A] : memref<10240x64xf32, #tpu.memory_space<vmem_shared>> -> memref<128x64xf32, #tpu.memory_space<vmem_shared>>
      %dma_wait3A_134 = arith.constant 0 : i32
      %dma_wait3A_135 = tpu.memref_slice %arg17[%add3A_88, %dma_wait3A_134] : memref<10240x64xf32, #tpu.memory_space<vmem_shared>> -> memref<128x64xf32, #tpu.memory_space<vmem_shared>>
      tpu.wait_dma2 semaphore(%run_scoped3A_129 : memref<!tpu.dma_semaphore, #tpu.memory_space<semaphore_mem>>) src(%arg12 : memref<128x64xf32, #tpu.memory_space<vmem>>) dst(%dma_wait3A_135 : memref<128x64xf32, #tpu.memory_space<vmem_shared>>)
      tpu.yield
    }) : () -> ()
    %mul3A_89 = arith.constant 640 : i32
    %mul3A_90 = arith.muli %arg1, %mul3A_89 : i32
    %add3A_91 = arith.constant 128 : i32
    %add3A_92 = arith.addi %mul3A_90, %add3A_91 : i32
    "tpu.region"() ({
      %run_scoped3A_129 = tpu.sem_alloc : memref<!tpu.dma_semaphore, #tpu.memory_space<semaphore_mem>>
      %dma_start3A = arith.constant 0 : i32
      %dma_start3A_130 = tpu.memref_slice %arg17[%add3A_92, %dma_start3A] : memref<10240x64xf32, #tpu.memory_space<vmem_shared>> -> memref<128x64xf32, #tpu.memory_space<vmem_shared>>
      %dma_start3A_131 = arith.constant 0 : i32
      %dma_start3A_132 = tpu.memref_slice %arg17[%add3A_92, %dma_start3A_131] : memref<10240x64xf32, #tpu.memory_space<vmem_shared>> -> memref<128x64xf32, #tpu.memory_space<vmem_shared>>
      tpu.enqueue_dma source(%arg12 : memref<128x64xf32, #tpu.memory_space<vmem>>) target(%dma_start3A_132 : memref<128x64xf32, #tpu.memory_space<vmem_shared>>) target_semaphore(%run_scoped3A_129 : memref<!tpu.dma_semaphore, #tpu.memory_space<semaphore_mem>>)
      %dma_wait3A = arith.constant 0 : i32
      %dma_wait3A_133 = tpu.memref_slice %arg17[%add3A_92, %dma_wait3A] : memref<10240x64xf32, #tpu.memory_space<vmem_shared>> -> memref<128x64xf32, #tpu.memory_space<vmem_shared>>
      %dma_wait3A_134 = arith.constant 0 : i32
      %dma_wait3A_135 = tpu.memref_slice %arg17[%add3A_92, %dma_wait3A_134] : memref<10240x64xf32, #tpu.memory_space<vmem_shared>> -> memref<128x64xf32, #tpu.memory_space<vmem_shared>>
      tpu.wait_dma2 semaphore(%run_scoped3A_129 : memref<!tpu.dma_semaphore, #tpu.memory_space<semaphore_mem>>) src(%arg12 : memref<128x64xf32, #tpu.memory_space<vmem>>) dst(%dma_wait3A_135 : memref<128x64xf32, #tpu.memory_space<vmem_shared>>)
      tpu.yield
    }) : () -> ()
    %mul3A_93 = arith.constant 640 : i32
    %mul3A_94 = arith.muli %arg1, %mul3A_93 : i32
    %add3A_95 = arith.constant 256 : i32
    %add3A_96 = arith.addi %mul3A_94, %add3A_95 : i32
    "tpu.region"() ({
      %run_scoped3A_129 = tpu.sem_alloc : memref<!tpu.dma_semaphore, #tpu.memory_space<semaphore_mem>>
      %dma_start3A = arith.constant 0 : i32
      %dma_start3A_130 = tpu.memref_slice %arg17[%add3A_96, %dma_start3A] : memref<10240x64xf32, #tpu.memory_space<vmem_shared>> -> memref<128x64xf32, #tpu.memory_space<vmem_shared>>
      %dma_start3A_131 = arith.constant 0 : i32
      %dma_start3A_132 = tpu.memref_slice %arg17[%add3A_96, %dma_start3A_131] : memref<10240x64xf32, #tpu.memory_space<vmem_shared>> -> memref<128x64xf32, #tpu.memory_space<vmem_shared>>
      tpu.enqueue_dma source(%arg12 : memref<128x64xf32, #tpu.memory_space<vmem>>) target(%dma_start3A_132 : memref<128x64xf32, #tpu.memory_space<vmem_shared>>) target_semaphore(%run_scoped3A_129 : memref<!tpu.dma_semaphore, #tpu.memory_space<semaphore_mem>>)
      %dma_wait3A = arith.constant 0 : i32
      %dma_wait3A_133 = tpu.memref_slice %arg17[%add3A_96, %dma_wait3A] : memref<10240x64xf32, #tpu.memory_space<vmem_shared>> -> memref<128x64xf32, #tpu.memory_space<vmem_shared>>
      %dma_wait3A_134 = arith.constant 0 : i32
      %dma_wait3A_135 = tpu.memref_slice %arg17[%add3A_96, %dma_wait3A_134] : memref<10240x64xf32, #tpu.memory_space<vmem_shared>> -> memref<128x64xf32, #tpu.memory_space<vmem_shared>>
      tpu.wait_dma2 semaphore(%run_scoped3A_129 : memref<!tpu.dma_semaphore, #tpu.memory_space<semaphore_mem>>) src(%arg12 : memref<128x64xf32, #tpu.memory_space<vmem>>) dst(%dma_wait3A_135 : memref<128x64xf32, #tpu.memory_space<vmem_shared>>)
      tpu.yield
    }) : () -> ()
    %mul3A_97 = arith.constant 640 : i32
    %mul3A_98 = arith.muli %arg1, %mul3A_97 : i32
    %add3A_99 = arith.constant 384 : i32
    %add3A_100 = arith.addi %mul3A_98, %add3A_99 : i32
    "tpu.region"() ({
      %run_scoped3A_129 = tpu.sem_alloc : memref<!tpu.dma_semaphore, #tpu.memory_space<semaphore_mem>>
      %dma_start3A = arith.constant 0 : i32
      %dma_start3A_130 = tpu.memref_slice %arg17[%add3A_100, %dma_start3A] : memref<10240x64xf32, #tpu.memory_space<vmem_shared>> -> memref<128x64xf32, #tpu.memory_space<vmem_shared>>
      %dma_start3A_131 = arith.constant 0 : i32
      %dma_start3A_132 = tpu.memref_slice %arg17[%add3A_100, %dma_start3A_131] : memref<10240x64xf32, #tpu.memory_space<vmem_shared>> -> memref<128x64xf32, #tpu.memory_space<vmem_shared>>
      tpu.enqueue_dma source(%arg12 : memref<128x64xf32, #tpu.memory_space<vmem>>) target(%dma_start3A_132 : memref<128x64xf32, #tpu.memory_space<vmem_shared>>) target_semaphore(%run_scoped3A_129 : memref<!tpu.dma_semaphore, #tpu.memory_space<semaphore_mem>>)
      %dma_wait3A = arith.constant 0 : i32
      %dma_wait3A_133 = tpu.memref_slice %arg17[%add3A_100, %dma_wait3A] : memref<10240x64xf32, #tpu.memory_space<vmem_shared>> -> memref<128x64xf32, #tpu.memory_space<vmem_shared>>
      %dma_wait3A_134 = arith.constant 0 : i32
      %dma_wait3A_135 = tpu.memref_slice %arg17[%add3A_100, %dma_wait3A_134] : memref<10240x64xf32, #tpu.memory_space<vmem_shared>> -> memref<128x64xf32, #tpu.memory_space<vmem_shared>>
      tpu.wait_dma2 semaphore(%run_scoped3A_129 : memref<!tpu.dma_semaphore, #tpu.memory_space<semaphore_mem>>) src(%arg12 : memref<128x64xf32, #tpu.memory_space<vmem>>) dst(%dma_wait3A_135 : memref<128x64xf32, #tpu.memory_space<vmem_shared>>)
      tpu.yield
    }) : () -> ()
    %mul3A_101 = arith.constant 640 : i32
    %mul3A_102 = arith.muli %arg1, %mul3A_101 : i32
    %add3A_103 = arith.constant 512 : i32
    %add3A_104 = arith.addi %mul3A_102, %add3A_103 : i32
    "tpu.region"() ({
      %run_scoped3A_129 = tpu.sem_alloc : memref<!tpu.dma_semaphore, #tpu.memory_space<semaphore_mem>>
      %dma_start3A = arith.constant 0 : i32
      %dma_start3A_130 = tpu.memref_slice %arg17[%add3A_104, %dma_start3A] : memref<10240x64xf32, #tpu.memory_space<vmem_shared>> -> memref<128x64xf32, #tpu.memory_space<vmem_shared>>
      %dma_start3A_131 = arith.constant 0 : i32
      %dma_start3A_132 = tpu.memref_slice %arg17[%add3A_104, %dma_start3A_131] : memref<10240x64xf32, #tpu.memory_space<vmem_shared>> -> memref<128x64xf32, #tpu.memory_space<vmem_shared>>
      tpu.enqueue_dma source(%arg12 : memref<128x64xf32, #tpu.memory_space<vmem>>) target(%dma_start3A_132 : memref<128x64xf32, #tpu.memory_space<vmem_shared>>) target_semaphore(%run_scoped3A_129 : memref<!tpu.dma_semaphore, #tpu.memory_space<semaphore_mem>>)
      %dma_wait3A = arith.constant 0 : i32
      %dma_wait3A_133 = tpu.memref_slice %arg17[%add3A_104, %dma_wait3A] : memref<10240x64xf32, #tpu.memory_space<vmem_shared>> -> memref<128x64xf32, #tpu.memory_space<vmem_shared>>
      %dma_wait3A_134 = arith.constant 0 : i32
      %dma_wait3A_135 = tpu.memref_slice %arg17[%add3A_104, %dma_wait3A_134] : memref<10240x64xf32, #tpu.memory_space<vmem_shared>> -> memref<128x64xf32, #tpu.memory_space<vmem_shared>>
      tpu.wait_dma2 semaphore(%run_scoped3A_129 : memref<!tpu.dma_semaphore, #tpu.memory_space<semaphore_mem>>) src(%arg12 : memref<128x64xf32, #tpu.memory_space<vmem>>) dst(%dma_wait3A_135 : memref<128x64xf32, #tpu.memory_space<vmem_shared>>)
      tpu.yield
    }) : () -> ()
    %mul3A_105 = arith.constant 5 : i32
    %mul3A_106 = arith.muli %arg1, %mul3A_105 : i32
    "tpu.region"() ({
      %run_scoped3A_129 = tpu.sem_alloc : memref<!tpu.dma_semaphore, #tpu.memory_space<semaphore_mem>>
      %dma_start3A = arith.constant 0 : i32
      %dma_start3A_130 = arith.constant 0 : i32
      %dma_start3A_131 = tpu.memref_slice %arg11[%dma_start3A, %dma_start3A_130] : memref<80x128xf32, #tpu.memory_space<vmem>> -> memref<5x128xf32, #tpu.memory_space<vmem>>
      %dma_start3A_132 = arith.constant 0 : i32
      %dma_start3A_133 = tpu.memref_slice %arg18[%mul3A_106, %dma_start3A_132] : memref<80x128xf32, #tpu.memory_space<vmem_shared>> -> memref<5x128xf32, #tpu.memory_space<vmem_shared>>
      %dma_start3A_134 = arith.constant 0 : i32
      %dma_start3A_135 = tpu.memref_slice %arg18[%mul3A_106, %dma_start3A_134] : memref<80x128xf32, #tpu.memory_space<vmem_shared>> -> memref<5x128xf32, #tpu.memory_space<vmem_shared>>
      %dma_start3A_136 = arith.constant 0 : i32
      %dma_start3A_137 = arith.constant 0 : i32
      %dma_start3A_138 = tpu.memref_slice %arg11[%dma_start3A_136, %dma_start3A_137] : memref<80x128xf32, #tpu.memory_space<vmem>> -> memref<5x128xf32, #tpu.memory_space<vmem>>
      tpu.enqueue_dma source(%dma_start3A_138 : memref<5x128xf32, #tpu.memory_space<vmem>>) target(%dma_start3A_135 : memref<5x128xf32, #tpu.memory_space<vmem_shared>>) target_semaphore(%run_scoped3A_129 : memref<!tpu.dma_semaphore, #tpu.memory_space<semaphore_mem>>)
      %dma_wait3A = arith.constant 0 : i32
      %dma_wait3A_139 = arith.constant 0 : i32
      %dma_wait3A_140 = tpu.memref_slice %arg11[%dma_wait3A, %dma_wait3A_139] : memref<80x128xf32, #tpu.memory_space<vmem>> -> memref<5x128xf32, #tpu.memory_space<vmem>>
      %dma_wait3A_141 = arith.constant 0 : i32
      %dma_wait3A_142 = tpu.memref_slice %arg18[%mul3A_106, %dma_wait3A_141] : memref<80x128xf32, #tpu.memory_space<vmem_shared>> -> memref<5x128xf32, #tpu.memory_space<vmem_shared>>
      %dma_wait3A_143 = arith.constant 0 : i32
      %dma_wait3A_144 = tpu.memref_slice %arg18[%mul3A_106, %dma_wait3A_143] : memref<80x128xf32, #tpu.memory_space<vmem_shared>> -> memref<5x128xf32, #tpu.memory_space<vmem_shared>>
      %dma_wait3A_145 = arith.constant 0 : i32
      %dma_wait3A_146 = arith.constant 0 : i32
      %dma_wait3A_147 = tpu.memref_slice %arg11[%dma_wait3A_145, %dma_wait3A_146] : memref<80x128xf32, #tpu.memory_space<vmem>> -> memref<5x128xf32, #tpu.memory_space<vmem>>
      tpu.wait_dma2 semaphore(%run_scoped3A_129 : memref<!tpu.dma_semaphore, #tpu.memory_space<semaphore_mem>>) src(%dma_wait3A_147 : memref<5x128xf32, #tpu.memory_space<vmem>>) dst(%dma_wait3A_144 : memref<5x128xf32, #tpu.memory_space<vmem_shared>>)
      tpu.yield
    }) : () -> ()
    %barrier3A_107 = arith.constant 0 : index
    tpu.barrier barrier_id(%barrier3A_107)
    %scan3A_108 = arith.constant 0 : i32
    %scan3A_109 = arith.constant 0 : i32
    %scan3A_110 = arith.constant 1296 : i32
    %scan3A_111 = arith.addi %scan3A_109, %scan3A_110 : i32
    %scan3A_112 = arith.constant 1 : i32
    %scan3A_113 = scf.for %scan3A_129 = %scan3A_109 to %scan3A_111 step %scan3A_112 iter_args(%scan3A_130 = %scan3A_108) -> (i32)  : i32 {
      %mul3A_131 = arith.constant 16 : i32
      %mul3A_132 = arith.muli %scan3A_129, %mul3A_131 : i32
      %get3A = arith.index_cast %mul3A_132 : i32 to index
      %get3A_133 = tpu.vector_load %arg7[%get3A] {strides = array<i32>} : memref<20736xi32, #tpu.memory_space<vmem>>, vector<16xi32>,
      %get3A_134 = arith.index_cast %mul3A_132 : i32 to index
      %get3A_135 = tpu.vector_load %arg8[%get3A_134] {strides = array<i32>} : memref<20736xi32, #tpu.memory_space<vmem>>, vector<16xi32>,
      %shift_right_logical3A = arith.constant 7 : i32
      %shift_right_logical3A_136 = vector.broadcast %shift_right_logical3A : i32 to vector<16xi32>
      %shift_right_logical3A_137 = arith.shrui %get3A_135, %shift_right_logical3A_136 : vector<16xi32>
      %and3A = arith.constant 127 : i32
      %and3A_138 = vector.broadcast %and3A : i32 to vector<16xi32>
      %and3A_139 = arith.andi %get3A_135, %and3A_138 : vector<16xi32>
      %gather3A = tpu.vector_load_idx %arg9[%get3A_133] : memref<10240xf32, #tpu.memory_space<vmem>>[vector<16xi32>], vector<16xf32>,
      %gather3A_140 = tpu.vector_load_idx %arg10[%get3A_135] : memref<10240xf32, #tpu.memory_space<vmem>>[vector<16xi32>], vector<16xf32>,
      %add3A_141 = arith.addf %gather3A, %gather3A_140 : vector<16xf32>
      %gt3A = arith.constant 0.000000e+00 : f32
      %gt3A_142 = vector.broadcast %gt3A : f32 to vector<16xf32>
      %gt3A_143 = arith.cmpf ogt, %add3A_141, %gt3A_142 : vector<16xf32>
      %mul3A_144 = arith.constant 2.000000e-01 : f32
      %mul3A_145 = vector.broadcast %mul3A_144 : f32 to vector<16xf32>
      %mul3A_146 = arith.mulf %mul3A_145, %add3A_141 : vector<16xf32>
      %select_n3A = arith.select %gt3A_143, %add3A_141, %mul3A_146 : vector<16xi1>, vector<16xf32>
      %exp3A = math.exp %select_n3A : vector<16xf32>
      tpu.vector_store_idx %arg11[%shift_right_logical3A_137, %and3A_139], %exp3A {add = true} : memref<80x128xf32, #tpu.memory_space<vmem>>[vector<16xi32>, vector<16xi32>], vector<16xf32>,
      %scan3A_147 = arith.constant 0 : i32
      scf.yield %scan3A_147 : i32
    }
    %scan3A_114 = arith.constant 1296 : i32
    "tpu.region"() ({
      %run_scoped3A_129 = tpu.sem_alloc : memref<!tpu.dma_semaphore, #tpu.memory_space<semaphore_mem>>
      %dma_start3A = arith.constant 0 : i32
      %dma_start3A_130 = arith.constant 0 : i32
      %dma_start3A_131 = tpu.memref_slice %arg18[%dma_start3A, %dma_start3A_130] : memref<80x128xf32, #tpu.memory_space<vmem_shared>> -> memref<80x128xf32, #tpu.memory_space<vmem_shared>>
      tpu.enqueue_indirect_dma source(%arg11 : memref<80x128xf32, #tpu.memory_space<vmem>>) target(%dma_start3A_131 : memref<80x128xf32, #tpu.memory_space<vmem_shared>>) offsets(%arg16 : memref<80xi32, #tpu.memory_space<vmem>>) semaphore(%run_scoped3A_129 : memref<!tpu.dma_semaphore, #tpu.memory_space<semaphore_mem>>) {add = true}
      %dma_wait3A = arith.constant 0 : i32
      %dma_wait3A_132 = arith.constant 0 : i32
      %dma_wait3A_133 = tpu.memref_slice %arg18[%dma_wait3A, %dma_wait3A_132] : memref<80x128xf32, #tpu.memory_space<vmem_shared>> -> memref<80x128xf32, #tpu.memory_space<vmem_shared>>
      tpu.wait_indirect_dma semaphore(%run_scoped3A_129 : memref<!tpu.dma_semaphore, #tpu.memory_space<semaphore_mem>>) src(%arg11 : memref<80x128xf32, #tpu.memory_space<vmem>>) dst(%dma_wait3A_133 : memref<80x128xf32, #tpu.memory_space<vmem_shared>>)
      tpu.yield
    }) : () -> ()
    %barrier3A_115 = arith.constant 0 : index
    tpu.barrier barrier_id(%barrier3A_115)
    "tpu.region"() ({
      %run_scoped3A_129 = tpu.sem_alloc : memref<!tpu.dma_semaphore, #tpu.memory_space<semaphore_mem>>
      tpu.enqueue_dma source(%arg18 : memref<80x128xf32, #tpu.memory_space<vmem_shared>>) target(%arg11 : memref<80x128xf32, #tpu.memory_space<vmem>>) target_semaphore(%run_scoped3A_129 : memref<!tpu.dma_semaphore, #tpu.memory_space<semaphore_mem>>)
      tpu.wait_dma2 semaphore(%run_scoped3A_129 : memref<!tpu.dma_semaphore, #tpu.memory_space<semaphore_mem>>) src(%arg18 : memref<80x128xf32, #tpu.memory_space<vmem_shared>>) dst(%arg11 : memref<80x128xf32, #tpu.memory_space<vmem>>)
      tpu.yield
    }) : () -> ()
    %scan3A_116 = arith.constant 0 : i32
    %scan3A_117 = arith.constant 0 : i32
    %scan3A_118 = arith.constant 162 : i32
    %scan3A_119 = arith.addi %scan3A_117, %scan3A_118 : i32
    %scan3A_120 = arith.constant 1 : i32
    %scan3A_121 = scf.for %scan3A_129 = %scan3A_117 to %scan3A_119 step %scan3A_120 iter_args(%scan3A_130 = %scan3A_116) -> (i32)  : i32 {
      %mul3A_131 = arith.constant 128 : i32
      %mul3A_132 = arith.muli %scan3A_129, %mul3A_131 : i32
      %scan3A_133 = arith.constant 0 : i32
      %scan3A_134 = arith.constant 0 : i32
      %scan3A_135 = arith.constant 8 : i32
      %scan3A_136 = arith.addi %scan3A_134, %scan3A_135 : i32
      %scan3A_137 = arith.constant 1 : i32
      %scan3A_138 = scf.for %scan3A_159 = %scan3A_134 to %scan3A_136 step %scan3A_137 iter_args(%scan3A_160 = %scan3A_133) -> (i32)  : i32 {
        %mul3A_161 = arith.constant 16 : i32
        %mul3A_162 = arith.muli %scan3A_159, %mul3A_161 : i32
        %add3A_163 = arith.addi %mul3A_132, %mul3A_162 : i32
        %get3A = arith.index_cast %add3A_163 : i32 to index
        %get3A_164 = tpu.vector_load %arg7[%get3A] {strides = array<i32>} : memref<20736xi32, #tpu.memory_space<vmem>>, vector<16xi32>,
        %mul3A_165 = arith.constant 4 : i32
        %mul3A_166 = vector.broadcast %mul3A_165 : i32 to vector<16xi32>
        %mul3A_167 = arith.muli %get3A_164, %mul3A_166 : vector<16xi32>
        %add3A_168 = vector.broadcast %add3A_75 : i32 to vector<16xi32>
        %add3A_169 = arith.addi %mul3A_167, %add3A_168 : vector<16xi32>
        %mul3A_170 = arith.constant 16 : i32
        %mul3A_171 = arith.muli %scan3A_159, %mul3A_170 : i32
        %swap3A = arith.index_cast %mul3A_171 : i32 to index
        %swap3A_172 = tpu.vector_load %arg13[%swap3A] {strides = array<i32>} : memref<128xi32, #tpu.memory_space<vmem>>, vector<16xi32>,
        tpu.vector_store %arg13[%swap3A], %add3A_169 {strides = array<i32>} : memref<128xi32, #tpu.memory_space<vmem>>, vector<16xi32>,
        %get3A_173 = arith.index_cast %add3A_163 : i32 to index
        %get3A_174 = tpu.vector_load %arg8[%get3A_173] {strides = array<i32>} : memref<20736xi32, #tpu.memory_space<vmem>>, vector<16xi32>,
        %mul3A_175 = arith.constant 16 : i32
        %mul3A_176 = arith.muli %scan3A_159, %mul3A_175 : i32
        %swap3A_177 = arith.index_cast %mul3A_176 : i32 to index
        %swap3A_178 = tpu.vector_load %arg14[%swap3A_177] {strides = array<i32>} : memref<128xi32, #tpu.memory_space<vmem>>, vector<16xi32>,
        tpu.vector_store %arg14[%swap3A_177], %get3A_174 {strides = array<i32>} : memref<128xi32, #tpu.memory_space<vmem>>, vector<16xi32>,
        %scan3A_179 = arith.constant 0 : i32
        scf.yield %scan3A_179 : i32
      }
      %scan3A_139 = arith.constant 8 : i32
      %dma_start3A = arith.constant 0 : i32
      %dma_start3A_140 = arith.constant 0 : i32
      %dma_start3A_141 = tpu.memref_slice %arg2[%dma_start3A, %dma_start3A_140] : memref<40960x64xf32, #tpu.memory_space<hbm>> -> memref<40960x64xf32, #tpu.memory_space<hbm>>
      tpu.enqueue_indirect_dma source(%dma_start3A_141 : memref<40960x64xf32, #tpu.memory_space<hbm>>) target(%arg12 : memref<128x64xf32, #tpu.memory_space<vmem>>) offsets(%arg13 : memref<128xi32, #tpu.memory_space<vmem>>) semaphore(%arg19 : memref<!tpu.dma_semaphore, #tpu.memory_space<semaphore_mem>>)
      %scan3A_142 = arith.constant 0 : i32
      %scan3A_143 = arith.constant 0 : i32
      %scan3A_144 = arith.constant 8 : i32
      %scan3A_145 = arith.addi %scan3A_143, %scan3A_144 : i32
      %scan3A_146 = arith.constant 1 : i32
      %scan3A_147 = scf.for %scan3A_159 = %scan3A_143 to %scan3A_145 step %scan3A_146 iter_args(%scan3A_160 = %scan3A_142) -> (i32)  : i32 {
        %mul3A_161 = arith.constant 16 : i32
        %mul3A_162 = arith.muli %scan3A_159, %mul3A_161 : i32
        %add3A_163 = arith.addi %mul3A_132, %mul3A_162 : i32
        %get3A = arith.index_cast %add3A_163 : i32 to index
        %get3A_164 = tpu.vector_load %arg7[%get3A] {strides = array<i32>} : memref<20736xi32, #tpu.memory_space<vmem>>, vector<16xi32>,
        %get3A_165 = arith.index_cast %add3A_163 : i32 to index
        %get3A_166 = tpu.vector_load %arg8[%get3A_165] {strides = array<i32>} : memref<20736xi32, #tpu.memory_space<vmem>>, vector<16xi32>,
        %shift_right_logical3A = arith.constant 7 : i32
        %shift_right_logical3A_167 = vector.broadcast %shift_right_logical3A : i32 to vector<16xi32>
        %shift_right_logical3A_168 = arith.shrui %get3A_166, %shift_right_logical3A_167 : vector<16xi32>
        %and3A = arith.constant 127 : i32
        %and3A_169 = vector.broadcast %and3A : i32 to vector<16xi32>
        %and3A_170 = arith.andi %get3A_166, %and3A_169 : vector<16xi32>
        %gather3A = tpu.vector_load_idx %arg9[%get3A_164] : memref<10240xf32, #tpu.memory_space<vmem>>[vector<16xi32>], vector<16xf32>,
        %gather3A_171 = tpu.vector_load_idx %arg10[%get3A_166] : memref<10240xf32, #tpu.memory_space<vmem>>[vector<16xi32>], vector<16xf32>,
        %add3A_172 = arith.addf %gather3A, %gather3A_171 : vector<16xf32>
        %gt3A = arith.constant 0.000000e+00 : f32
        %gt3A_173 = vector.broadcast %gt3A : f32 to vector<16xf32>
        %gt3A_174 = arith.cmpf ogt, %add3A_172, %gt3A_173 : vector<16xf32>
        %mul3A_175 = arith.constant 2.000000e-01 : f32
        %mul3A_176 = vector.broadcast %mul3A_175 : f32 to vector<16xf32>
        %mul3A_177 = arith.mulf %mul3A_176, %add3A_172 : vector<16xf32>
        %select_n3A = arith.select %gt3A_174, %add3A_172, %mul3A_177 : vector<16xi1>, vector<16xf32>
        %gather3A_178 = tpu.vector_load_idx %arg11[%shift_right_logical3A_168, %and3A_170] : memref<80x128xf32, #tpu.memory_space<vmem>>[vector<16xi32>, vector<16xi32>], vector<16xf32>,
        %exp3A = math.exp %select_n3A : vector<16xf32>
        %add3A_179 = arith.constant 1.000000e-16 : f32
        %add3A_180 = vector.broadcast %add3A_179 : f32 to vector<16xf32>
        %add3A_181 = arith.addf %gather3A_178, %add3A_180 : vector<16xf32>
        %div3A = arith.divf %exp3A, %add3A_181 : vector<16xf32>
        %mul3A_182 = arith.constant 16 : i32
        %mul3A_183 = arith.muli %scan3A_159, %mul3A_182 : i32
        %swap3A = arith.index_cast %mul3A_183 : i32 to index
        %swap3A_184 = tpu.vector_load %arg15[%swap3A] {strides = array<i32>} : memref<128xf32, #tpu.memory_space<vmem>>, vector<16xf32>,
        tpu.vector_store %arg15[%swap3A], %div3A {strides = array<i32>} : memref<128xf32, #tpu.memory_space<vmem>>, vector<16xf32>,
        %scan3A_185 = arith.constant 0 : i32
        scf.yield %scan3A_185 : i32
      }
      %scan3A_148 = arith.constant 8 : i32
      %dma_wait3A = arith.constant 0 : i32
      %dma_wait3A_149 = arith.constant 0 : i32
      %dma_wait3A_150 = tpu.memref_slice %arg2[%dma_wait3A, %dma_wait3A_149] : memref<40960x64xf32, #tpu.memory_space<hbm>> -> memref<40960x64xf32, #tpu.memory_space<hbm>>
      tpu.wait_indirect_dma semaphore(%arg19 : memref<!tpu.dma_semaphore, #tpu.memory_space<semaphore_mem>>) src(%dma_wait3A_150 : memref<40960x64xf32, #tpu.memory_space<hbm>>) dst(%arg12 : memref<128x64xf32, #tpu.memory_space<vmem>>)
      %scan3A_151 = arith.constant 0 : i32
      %scan3A_152 = arith.constant 0 : i32
      %scan3A_153 = arith.constant 8 : i32
      %scan3A_154 = arith.addi %scan3A_152, %scan3A_153 : i32
      %scan3A_155 = arith.constant 1 : i32
      %scan3A_156 = scf.for %scan3A_159 = %scan3A_152 to %scan3A_154 step %scan3A_155 iter_args(%scan3A_160 = %scan3A_151) -> (i32)  : i32 {
        %mul3A_161 = arith.constant 16 : i32
        %mul3A_162 = arith.muli %scan3A_159, %mul3A_161 : i32
        %get3A = arith.index_cast %mul3A_162 : i32 to index
        %get3A_163 = tpu.vector_load %arg15[%get3A] {strides = array<i32>} : memref<128xf32, #tpu.memory_space<vmem>>, vector<16xf32>,
        %mul3A_164 = arith.constant 16 : i32
        %mul3A_165 = arith.muli %scan3A_159, %mul3A_164 : i32
        %add3A_166 = arith.constant 0 : i32
        %add3A_167 = arith.addi %mul3A_165, %add3A_166 : i32
        %slice3A = vector.extract_strided_slice %get3A_163 {offsets = [0], sizes = [1], strides = [1]} : vector<16xf32> to vector<1xf32>
        %squeeze3A = vector.extract %slice3A[0] : f32 from vector<1xf32>
        %get3A_168 = arith.index_cast %add3A_167 : i32 to index
        %get3A_169 = arith.constant 0 : index
        %get3A_170 = tpu.vector_load %arg12[%get3A_168, %get3A_169] {strides = array<i32>} : memref<128x64xf32, #tpu.memory_space<vmem>>, vector<16xf32>,
        %mul3A_171 = vector.broadcast %squeeze3A : f32 to vector<16xf32>
        %mul3A_172 = arith.mulf %get3A_170, %mul3A_171 : vector<16xf32>
        %swap3A = arith.index_cast %add3A_167 : i32 to index
        %swap3A_173 = arith.constant 0 : index
        %swap3A_174 = tpu.vector_load %arg12[%swap3A, %swap3A_173] {strides = array<i32>} : memref<128x64xf32, #tpu.memory_space<vmem>>, vector<16xf32>,
        tpu.vector_store %arg12[%swap3A, %swap3A_173], %mul3A_172 {strides = array<i32>} : memref<128x64xf32, #tpu.memory_space<vmem>>, vector<16xf32>,
        %get3A_175 = arith.index_cast %add3A_167 : i32 to index
        %get3A_176 = arith.constant 16 : index
        %get3A_177 = tpu.vector_load %arg12[%get3A_175, %get3A_176] {strides = array<i32>} : memref<128x64xf32, #tpu.memory_space<vmem>>, vector<16xf32>,
        %mul3A_178 = vector.broadcast %squeeze3A : f32 to vector<16xf32>
        %mul3A_179 = arith.mulf %get3A_177, %mul3A_178 : vector<16xf32>
        %swap3A_180 = arith.index_cast %add3A_167 : i32 to index
        %swap3A_181 = arith.constant 16 : index
        %swap3A_182 = tpu.vector_load %arg12[%swap3A_180, %swap3A_181] {strides = array<i32>} : memref<128x64xf32, #tpu.memory_space<vmem>>, vector<16xf32>,
        tpu.vector_store %arg12[%swap3A_180, %swap3A_181], %mul3A_179 {strides = array<i32>} : memref<128x64xf32, #tpu.memory_space<vmem>>, vector<16xf32>,
        %get3A_183 = arith.index_cast %add3A_167 : i32 to index
        %get3A_184 = arith.constant 32 : index
        %get3A_185 = tpu.vector_load %arg12[%get3A_183, %get3A_184] {strides = array<i32>} : memref<128x64xf32, #tpu.memory_space<vmem>>, vector<16xf32>,
        %mul3A_186 = vector.broadcast %squeeze3A : f32 to vector<16xf32>
        %mul3A_187 = arith.mulf %get3A_185, %mul3A_186 : vector<16xf32>
        %swap3A_188 = arith.index_cast %add3A_167 : i32 to index
        %swap3A_189 = arith.constant 32 : index
        %swap3A_190 = tpu.vector_load %arg12[%swap3A_188, %swap3A_189] {strides = array<i32>} : memref<128x64xf32, #tpu.memory_space<vmem>>, vector<16xf32>,
        tpu.vector_store %arg12[%swap3A_188, %swap3A_189], %mul3A_187 {strides = array<i32>} : memref<128x64xf32, #tpu.memory_space<vmem>>, vector<16xf32>,
        %get3A_191 = arith.index_cast %add3A_167 : i32 to index
        %get3A_192 = arith.constant 48 : index
        %get3A_193 = tpu.vector_load %arg12[%get3A_191, %get3A_192] {strides = array<i32>} : memref<128x64xf32, #tpu.memory_space<vmem>>, vector<16xf32>,
        %mul3A_194 = vector.broadcast %squeeze3A : f32 to vector<16xf32>
        %mul3A_195 = arith.mulf %get3A_193, %mul3A_194 : vector<16xf32>
        %swap3A_196 = arith.index_cast %add3A_167 : i32 to index
        %swap3A_197 = arith.constant 48 : index
        %swap3A_198 = tpu.vector_load %arg12[%swap3A_196, %swap3A_197] {strides = array<i32>} : memref<128x64xf32, #tpu.memory_space<vmem>>, vector<16xf32>,
        tpu.vector_store %arg12[%swap3A_196, %swap3A_197], %mul3A_195 {strides = array<i32>} : memref<128x64xf32, #tpu.memory_space<vmem>>, vector<16xf32>,
        %mul3A_199 = arith.constant 16 : i32
        %mul3A_200 = arith.muli %scan3A_159, %mul3A_199 : i32
        %add3A_201 = arith.constant 1 : i32
        %add3A_202 = arith.addi %mul3A_200, %add3A_201 : i32
        %slice3A_203 = vector.extract_strided_slice %get3A_163 {offsets = [1], sizes = [1], strides = [1]} : vector<16xf32> to vector<1xf32>
        %squeeze3A_204 = vector.extract %slice3A_203[0] : f32 from vector<1xf32>
        %get3A_205 = arith.index_cast %add3A_202 : i32 to index
        %get3A_206 = arith.constant 0 : index
        %get3A_207 = tpu.vector_load %arg12[%get3A_205, %get3A_206] {strides = array<i32>} : memref<128x64xf32, #tpu.memory_space<vmem>>, vector<16xf32>,
        %mul3A_208 = vector.broadcast %squeeze3A_204 : f32 to vector<16xf32>
        %mul3A_209 = arith.mulf %get3A_207, %mul3A_208 : vector<16xf32>
        %swap3A_210 = arith.index_cast %add3A_202 : i32 to index
        %swap3A_211 = arith.constant 0 : index
        %swap3A_212 = tpu.vector_load %arg12[%swap3A_210, %swap3A_211] {strides = array<i32>} : memref<128x64xf32, #tpu.memory_space<vmem>>, vector<16xf32>,
        tpu.vector_store %arg12[%swap3A_210, %swap3A_211], %mul3A_209 {strides = array<i32>} : memref<128x64xf32, #tpu.memory_space<vmem>>, vector<16xf32>,
        %get3A_213 = arith.index_cast %add3A_202 : i32 to index
        %get3A_214 = arith.constant 16 : index
        %get3A_215 = tpu.vector_load %arg12[%get3A_213, %get3A_214] {strides = array<i32>} : memref<128x64xf32, #tpu.memory_space<vmem>>, vector<16xf32>,
        %mul3A_216 = vector.broadcast %squeeze3A_204 : f32 to vector<16xf32>
        %mul3A_217 = arith.mulf %get3A_215, %mul3A_216 : vector<16xf32>
        %swap3A_218 = arith.index_cast %add3A_202 : i32 to index
        %swap3A_219 = arith.constant 16 : index
        %swap3A_220 = tpu.vector_load %arg12[%swap3A_218, %swap3A_219] {strides = array<i32>} : memref<128x64xf32, #tpu.memory_space<vmem>>, vector<16xf32>,
        tpu.vector_store %arg12[%swap3A_218, %swap3A_219], %mul3A_217 {strides = array<i32>} : memref<128x64xf32, #tpu.memory_space<vmem>>, vector<16xf32>,
        %get3A_221 = arith.index_cast %add3A_202 : i32 to index
        %get3A_222 = arith.constant 32 : index
        %get3A_223 = tpu.vector_load %arg12[%get3A_221, %get3A_222] {strides = array<i32>} : memref<128x64xf32, #tpu.memory_space<vmem>>, vector<16xf32>,
        %mul3A_224 = vector.broadcast %squeeze3A_204 : f32 to vector<16xf32>
        %mul3A_225 = arith.mulf %get3A_223, %mul3A_224 : vector<16xf32>
        %swap3A_226 = arith.index_cast %add3A_202 : i32 to index
        %swap3A_227 = arith.constant 32 : index
        %swap3A_228 = tpu.vector_load %arg12[%swap3A_226, %swap3A_227] {strides = array<i32>} : memref<128x64xf32, #tpu.memory_space<vmem>>, vector<16xf32>,
        tpu.vector_store %arg12[%swap3A_226, %swap3A_227], %mul3A_225 {strides = array<i32>} : memref<128x64xf32, #tpu.memory_space<vmem>>, vector<16xf32>,
        %get3A_229 = arith.index_cast %add3A_202 : i32 to index
        %get3A_230 = arith.constant 48 : index
        %get3A_231 = tpu.vector_load %arg12[%get3A_229, %get3A_230] {strides = array<i32>} : memref<128x64xf32, #tpu.memory_space<vmem>>, vector<16xf32>,
        %mul3A_232 = vector.broadcast %squeeze3A_204 : f32 to vector<16xf32>
        %mul3A_233 = arith.mulf %get3A_231, %mul3A_232 : vector<16xf32>
        %swap3A_234 = arith.index_cast %add3A_202 : i32 to index
        %swap3A_235 = arith.constant 48 : index
        %swap3A_236 = tpu.vector_load %arg12[%swap3A_234, %swap3A_235] {strides = array<i32>} : memref<128x64xf32, #tpu.memory_space<vmem>>, vector<16xf32>,
        tpu.vector_store %arg12[%swap3A_234, %swap3A_235], %mul3A_233 {strides = array<i32>} : memref<128x64xf32, #tpu.memory_space<vmem>>, vector<16xf32>,
        %mul3A_237 = arith.constant 16 : i32
        %mul3A_238 = arith.muli %scan3A_159, %mul3A_237 : i32
        %add3A_239 = arith.constant 2 : i32
        %add3A_240 = arith.addi %mul3A_238, %add3A_239 : i32
        %slice3A_241 = vector.extract_strided_slice %get3A_163 {offsets = [2], sizes = [1], strides = [1]} : vector<16xf32> to vector<1xf32>
        %squeeze3A_242 = vector.extract %slice3A_241[0] : f32 from vector<1xf32>
        %get3A_243 = arith.index_cast %add3A_240 : i32 to index
        %get3A_244 = arith.constant 0 : index
        %get3A_245 = tpu.vector_load %arg12[%get3A_243, %get3A_244] {strides = array<i32>} : memref<128x64xf32, #tpu.memory_space<vmem>>, vector<16xf32>,
        %mul3A_246 = vector.broadcast %squeeze3A_242 : f32 to vector<16xf32>
        %mul3A_247 = arith.mulf %get3A_245, %mul3A_246 : vector<16xf32>
        %swap3A_248 = arith.index_cast %add3A_240 : i32 to index
        %swap3A_249 = arith.constant 0 : index
        %swap3A_250 = tpu.vector_load %arg12[%swap3A_248, %swap3A_249] {strides = array<i32>} : memref<128x64xf32, #tpu.memory_space<vmem>>, vector<16xf32>,
        tpu.vector_store %arg12[%swap3A_248, %swap3A_249], %mul3A_247 {strides = array<i32>} : memref<128x64xf32, #tpu.memory_space<vmem>>, vector<16xf32>,
        %get3A_251 = arith.index_cast %add3A_240 : i32 to index
        %get3A_252 = arith.constant 16 : index
        %get3A_253 = tpu.vector_load %arg12[%get3A_251, %get3A_252] {strides = array<i32>} : memref<128x64xf32, #tpu.memory_space<vmem>>, vector<16xf32>,
        %mul3A_254 = vector.broadcast %squeeze3A_242 : f32 to vector<16xf32>
        %mul3A_255 = arith.mulf %get3A_253, %mul3A_254 : vector<16xf32>
        %swap3A_256 = arith.index_cast %add3A_240 : i32 to index
        %swap3A_257 = arith.constant 16 : index
        %swap3A_258 = tpu.vector_load %arg12[%swap3A_256, %swap3A_257] {strides = array<i32>} : memref<128x64xf32, #tpu.memory_space<vmem>>, vector<16xf32>,
        tpu.vector_store %arg12[%swap3A_256, %swap3A_257], %mul3A_255 {strides = array<i32>} : memref<128x64xf32, #tpu.memory_space<vmem>>, vector<16xf32>,
        %get3A_259 = arith.index_cast %add3A_240 : i32 to index
        %get3A_260 = arith.constant 32 : index
        %get3A_261 = tpu.vector_load %arg12[%get3A_259, %get3A_260] {strides = array<i32>} : memref<128x64xf32, #tpu.memory_space<vmem>>, vector<16xf32>,
        %mul3A_262 = vector.broadcast %squeeze3A_242 : f32 to vector<16xf32>
        %mul3A_263 = arith.mulf %get3A_261, %mul3A_262 : vector<16xf32>
        %swap3A_264 = arith.index_cast %add3A_240 : i32 to index
        %swap3A_265 = arith.constant 32 : index
        %swap3A_266 = tpu.vector_load %arg12[%swap3A_264, %swap3A_265] {strides = array<i32>} : memref<128x64xf32, #tpu.memory_space<vmem>>, vector<16xf32>,
        tpu.vector_store %arg12[%swap3A_264, %swap3A_265], %mul3A_263 {strides = array<i32>} : memref<128x64xf32, #tpu.memory_space<vmem>>, vector<16xf32>,
        %get3A_267 = arith.index_cast %add3A_240 : i32 to index
        %get3A_268 = arith.constant 48 : index
        %get3A_269 = tpu.vector_load %arg12[%get3A_267, %get3A_268] {strides = array<i32>} : memref<128x64xf32, #tpu.memory_space<vmem>>, vector<16xf32>,
        %mul3A_270 = vector.broadcast %squeeze3A_242 : f32 to vector<16xf32>
        %mul3A_271 = arith.mulf %get3A_269, %mul3A_270 : vector<16xf32>
        %swap3A_272 = arith.index_cast %add3A_240 : i32 to index
        %swap3A_273 = arith.constant 48 : index
        %swap3A_274 = tpu.vector_load %arg12[%swap3A_272, %swap3A_273] {strides = array<i32>} : memref<128x64xf32, #tpu.memory_space<vmem>>, vector<16xf32>,
        tpu.vector_store %arg12[%swap3A_272, %swap3A_273], %mul3A_271 {strides = array<i32>} : memref<128x64xf32, #tpu.memory_space<vmem>>, vector<16xf32>,
        %mul3A_275 = arith.constant 16 : i32
        %mul3A_276 = arith.muli %scan3A_159, %mul3A_275 : i32
        %add3A_277 = arith.constant 3 : i32
        %add3A_278 = arith.addi %mul3A_276, %add3A_277 : i32
        %slice3A_279 = vector.extract_strided_slice %get3A_163 {offsets = [3], sizes = [1], strides = [1]} : vector<16xf32> to vector<1xf32>
        %squeeze3A_280 = vector.extract %slice3A_279[0] : f32 from vector<1xf32>
        %get3A_281 = arith.index_cast %add3A_278 : i32 to index
        %get3A_282 = arith.constant 0 : index
        %get3A_283 = tpu.vector_load %arg12[%get3A_281, %get3A_282] {strides = array<i32>} : memref<128x64xf32, #tpu.memory_space<vmem>>, vector<16xf32>,
        %mul3A_284 = vector.broadcast %squeeze3A_280 : f32 to vector<16xf32>
        %mul3A_285 = arith.mulf %get3A_283, %mul3A_284 : vector<16xf32>
        %swap3A_286 = arith.index_cast %add3A_278 : i32 to index
        %swap3A_287 = arith.constant 0 : index
        %swap3A_288 = tpu.vector_load %arg12[%swap3A_286, %swap3A_287] {strides = array<i32>} : memref<128x64xf32, #tpu.memory_space<vmem>>, vector<16xf32>,
        tpu.vector_store %arg12[%swap3A_286, %swap3A_287], %mul3A_285 {strides = array<i32>} : memref<128x64xf32, #tpu.memory_space<vmem>>, vector<16xf32>,
        %get3A_289 = arith.index_cast %add3A_278 : i32 to index
        %get3A_290 = arith.constant 16 : index
        %get3A_291 = tpu.vector_load %arg12[%get3A_289, %get3A_290] {strides = array<i32>} : memref<128x64xf32, #tpu.memory_space<vmem>>, vector<16xf32>,
        %mul3A_292 = vector.broadcast %squeeze3A_280 : f32 to vector<16xf32>
        %mul3A_293 = arith.mulf %get3A_291, %mul3A_292 : vector<16xf32>
        %swap3A_294 = arith.index_cast %add3A_278 : i32 to index
        %swap3A_295 = arith.constant 16 : index
        %swap3A_296 = tpu.vector_load %arg12[%swap3A_294, %swap3A_295] {strides = array<i32>} : memref<128x64xf32, #tpu.memory_space<vmem>>, vector<16xf32>,
        tpu.vector_store %arg12[%swap3A_294, %swap3A_295], %mul3A_293 {strides = array<i32>} : memref<128x64xf32, #tpu.memory_space<vmem>>, vector<16xf32>,
        %get3A_297 = arith.index_cast %add3A_278 : i32 to index
        %get3A_298 = arith.constant 32 : index
        %get3A_299 = tpu.vector_load %arg12[%get3A_297, %get3A_298] {strides = array<i32>} : memref<128x64xf32, #tpu.memory_space<vmem>>, vector<16xf32>,
        %mul3A_300 = vector.broadcast %squeeze3A_280 : f32 to vector<16xf32>
        %mul3A_301 = arith.mulf %get3A_299, %mul3A_300 : vector<16xf32>
        %swap3A_302 = arith.index_cast %add3A_278 : i32 to index
        %swap3A_303 = arith.constant 32 : index
        %swap3A_304 = tpu.vector_load %arg12[%swap3A_302, %swap3A_303] {strides = array<i32>} : memref<128x64xf32, #tpu.memory_space<vmem>>, vector<16xf32>,
        tpu.vector_store %arg12[%swap3A_302, %swap3A_303], %mul3A_301 {strides = array<i32>} : memref<128x64xf32, #tpu.memory_space<vmem>>, vector<16xf32>,
        %get3A_305 = arith.index_cast %add3A_278 : i32 to index
        %get3A_306 = arith.constant 48 : index
        %get3A_307 = tpu.vector_load %arg12[%get3A_305, %get3A_306] {strides = array<i32>} : memref<128x64xf32, #tpu.memory_space<vmem>>, vector<16xf32>,
        %mul3A_308 = vector.broadcast %squeeze3A_280 : f32 to vector<16xf32>
        %mul3A_309 = arith.mulf %get3A_307, %mul3A_308 : vector<16xf32>
        %swap3A_310 = arith.index_cast %add3A_278 : i32 to index
        %swap3A_311 = arith.constant 48 : index
        %swap3A_312 = tpu.vector_load %arg12[%swap3A_310, %swap3A_311] {strides = array<i32>} : memref<128x64xf32, #tpu.memory_space<vmem>>, vector<16xf32>,
        tpu.vector_store %arg12[%swap3A_310, %swap3A_311], %mul3A_309 {strides = array<i32>} : memref<128x64xf32, #tpu.memory_space<vmem>>, vector<16xf32>,
        %mul3A_313 = arith.constant 16 : i32
        %mul3A_314 = arith.muli %scan3A_159, %mul3A_313 : i32
        %add3A_315 = arith.constant 4 : i32
        %add3A_316 = arith.addi %mul3A_314, %add3A_315 : i32
        %slice3A_317 = vector.extract_strided_slice %get3A_163 {offsets = [4], sizes = [1], strides = [1]} : vector<16xf32> to vector<1xf32>
        %squeeze3A_318 = vector.extract %slice3A_317[0] : f32 from vector<1xf32>
        %get3A_319 = arith.index_cast %add3A_316 : i32 to index
        %get3A_320 = arith.constant 0 : index
        %get3A_321 = tpu.vector_load %arg12[%get3A_319, %get3A_320] {strides = array<i32>} : memref<128x64xf32, #tpu.memory_space<vmem>>, vector<16xf32>,
        %mul3A_322 = vector.broadcast %squeeze3A_318 : f32 to vector<16xf32>
        %mul3A_323 = arith.mulf %get3A_321, %mul3A_322 : vector<16xf32>
        %swap3A_324 = arith.index_cast %add3A_316 : i32 to index
        %swap3A_325 = arith.constant 0 : index
        %swap3A_326 = tpu.vector_load %arg12[%swap3A_324, %swap3A_325] {strides = array<i32>} : memref<128x64xf32, #tpu.memory_space<vmem>>, vector<16xf32>,
        tpu.vector_store %arg12[%swap3A_324, %swap3A_325], %mul3A_323 {strides = array<i32>} : memref<128x64xf32, #tpu.memory_space<vmem>>, vector<16xf32>,
        %get3A_327 = arith.index_cast %add3A_316 : i32 to index
        %get3A_328 = arith.constant 16 : index
        %get3A_329 = tpu.vector_load %arg12[%get3A_327, %get3A_328] {strides = array<i32>} : memref<128x64xf32, #tpu.memory_space<vmem>>, vector<16xf32>,
        %mul3A_330 = vector.broadcast %squeeze3A_318 : f32 to vector<16xf32>
        %mul3A_331 = arith.mulf %get3A_329, %mul3A_330 : vector<16xf32>
        %swap3A_332 = arith.index_cast %add3A_316 : i32 to index
        %swap3A_333 = arith.constant 16 : index
        %swap3A_334 = tpu.vector_load %arg12[%swap3A_332, %swap3A_333] {strides = array<i32>} : memref<128x64xf32, #tpu.memory_space<vmem>>, vector<16xf32>,
        tpu.vector_store %arg12[%swap3A_332, %swap3A_333], %mul3A_331 {strides = array<i32>} : memref<128x64xf32, #tpu.memory_space<vmem>>, vector<16xf32>,
        %get3A_335 = arith.index_cast %add3A_316 : i32 to index
        %get3A_336 = arith.constant 32 : index
        %get3A_337 = tpu.vector_load %arg12[%get3A_335, %get3A_336] {strides = array<i32>} : memref<128x64xf32, #tpu.memory_space<vmem>>, vector<16xf32>,
        %mul3A_338 = vector.broadcast %squeeze3A_318 : f32 to vector<16xf32>
        %mul3A_339 = arith.mulf %get3A_337, %mul3A_338 : vector<16xf32>
        %swap3A_340 = arith.index_cast %add3A_316 : i32 to index
        %swap3A_341 = arith.constant 32 : index
        %swap3A_342 = tpu.vector_load %arg12[%swap3A_340, %swap3A_341] {strides = array<i32>} : memref<128x64xf32, #tpu.memory_space<vmem>>, vector<16xf32>,
        tpu.vector_store %arg12[%swap3A_340, %swap3A_341], %mul3A_339 {strides = array<i32>} : memref<128x64xf32, #tpu.memory_space<vmem>>, vector<16xf32>,
        %get3A_343 = arith.index_cast %add3A_316 : i32 to index
        %get3A_344 = arith.constant 48 : index
        %get3A_345 = tpu.vector_load %arg12[%get3A_343, %get3A_344] {strides = array<i32>} : memref<128x64xf32, #tpu.memory_space<vmem>>, vector<16xf32>,
        %mul3A_346 = vector.broadcast %squeeze3A_318 : f32 to vector<16xf32>
        %mul3A_347 = arith.mulf %get3A_345, %mul3A_346 : vector<16xf32>
        %swap3A_348 = arith.index_cast %add3A_316 : i32 to index
        %swap3A_349 = arith.constant 48 : index
        %swap3A_350 = tpu.vector_load %arg12[%swap3A_348, %swap3A_349] {strides = array<i32>} : memref<128x64xf32, #tpu.memory_space<vmem>>, vector<16xf32>,
        tpu.vector_store %arg12[%swap3A_348, %swap3A_349], %mul3A_347 {strides = array<i32>} : memref<128x64xf32, #tpu.memory_space<vmem>>, vector<16xf32>,
        %mul3A_351 = arith.constant 16 : i32
        %mul3A_352 = arith.muli %scan3A_159, %mul3A_351 : i32
        %add3A_353 = arith.constant 5 : i32
        %add3A_354 = arith.addi %mul3A_352, %add3A_353 : i32
        %slice3A_355 = vector.extract_strided_slice %get3A_163 {offsets = [5], sizes = [1], strides = [1]} : vector<16xf32> to vector<1xf32>
        %squeeze3A_356 = vector.extract %slice3A_355[0] : f32 from vector<1xf32>
        %get3A_357 = arith.index_cast %add3A_354 : i32 to index
        %get3A_358 = arith.constant 0 : index
        %get3A_359 = tpu.vector_load %arg12[%get3A_357, %get3A_358] {strides = array<i32>} : memref<128x64xf32, #tpu.memory_space<vmem>>, vector<16xf32>,
        %mul3A_360 = vector.broadcast %squeeze3A_356 : f32 to vector<16xf32>
        %mul3A_361 = arith.mulf %get3A_359, %mul3A_360 : vector<16xf32>
        %swap3A_362 = arith.index_cast %add3A_354 : i32 to index
        %swap3A_363 = arith.constant 0 : index
        %swap3A_364 = tpu.vector_load %arg12[%swap3A_362, %swap3A_363] {strides = array<i32>} : memref<128x64xf32, #tpu.memory_space<vmem>>, vector<16xf32>,
        tpu.vector_store %arg12[%swap3A_362, %swap3A_363], %mul3A_361 {strides = array<i32>} : memref<128x64xf32, #tpu.memory_space<vmem>>, vector<16xf32>,
        %get3A_365 = arith.index_cast %add3A_354 : i32 to index
        %get3A_366 = arith.constant 16 : index
        %get3A_367 = tpu.vector_load %arg12[%get3A_365, %get3A_366] {strides = array<i32>} : memref<128x64xf32, #tpu.memory_space<vmem>>, vector<16xf32>,
        %mul3A_368 = vector.broadcast %squeeze3A_356 : f32 to vector<16xf32>
        %mul3A_369 = arith.mulf %get3A_367, %mul3A_368 : vector<16xf32>
        %swap3A_370 = arith.index_cast %add3A_354 : i32 to index
        %swap3A_371 = arith.constant 16 : index
        %swap3A_372 = tpu.vector_load %arg12[%swap3A_370, %swap3A_371] {strides = array<i32>} : memref<128x64xf32, #tpu.memory_space<vmem>>, vector<16xf32>,
        tpu.vector_store %arg12[%swap3A_370, %swap3A_371], %mul3A_369 {strides = array<i32>} : memref<128x64xf32, #tpu.memory_space<vmem>>, vector<16xf32>,
        %get3A_373 = arith.index_cast %add3A_354 : i32 to index
        %get3A_374 = arith.constant 32 : index
        %get3A_375 = tpu.vector_load %arg12[%get3A_373, %get3A_374] {strides = array<i32>} : memref<128x64xf32, #tpu.memory_space<vmem>>, vector<16xf32>,
        %mul3A_376 = vector.broadcast %squeeze3A_356 : f32 to vector<16xf32>
        %mul3A_377 = arith.mulf %get3A_375, %mul3A_376 : vector<16xf32>
        %swap3A_378 = arith.index_cast %add3A_354 : i32 to index
        %swap3A_379 = arith.constant 32 : index
        %swap3A_380 = tpu.vector_load %arg12[%swap3A_378, %swap3A_379] {strides = array<i32>} : memref<128x64xf32, #tpu.memory_space<vmem>>, vector<16xf32>,
        tpu.vector_store %arg12[%swap3A_378, %swap3A_379], %mul3A_377 {strides = array<i32>} : memref<128x64xf32, #tpu.memory_space<vmem>>, vector<16xf32>,
        %get3A_381 = arith.index_cast %add3A_354 : i32 to index
        %get3A_382 = arith.constant 48 : index
        %get3A_383 = tpu.vector_load %arg12[%get3A_381, %get3A_382] {strides = array<i32>} : memref<128x64xf32, #tpu.memory_space<vmem>>, vector<16xf32>,
        %mul3A_384 = vector.broadcast %squeeze3A_356 : f32 to vector<16xf32>
        %mul3A_385 = arith.mulf %get3A_383, %mul3A_384 : vector<16xf32>
        %swap3A_386 = arith.index_cast %add3A_354 : i32 to index
        %swap3A_387 = arith.constant 48 : index
        %swap3A_388 = tpu.vector_load %arg12[%swap3A_386, %swap3A_387] {strides = array<i32>} : memref<128x64xf32, #tpu.memory_space<vmem>>, vector<16xf32>,
        tpu.vector_store %arg12[%swap3A_386, %swap3A_387], %mul3A_385 {strides = array<i32>} : memref<128x64xf32, #tpu.memory_space<vmem>>, vector<16xf32>,
        %mul3A_389 = arith.constant 16 : i32
        %mul3A_390 = arith.muli %scan3A_159, %mul3A_389 : i32
        %add3A_391 = arith.constant 6 : i32
        %add3A_392 = arith.addi %mul3A_390, %add3A_391 : i32
        %slice3A_393 = vector.extract_strided_slice %get3A_163 {offsets = [6], sizes = [1], strides = [1]} : vector<16xf32> to vector<1xf32>
        %squeeze3A_394 = vector.extract %slice3A_393[0] : f32 from vector<1xf32>
        %get3A_395 = arith.index_cast %add3A_392 : i32 to index
        %get3A_396 = arith.constant 0 : index
        %get3A_397 = tpu.vector_load %arg12[%get3A_395, %get3A_396] {strides = array<i32>} : memref<128x64xf32, #tpu.memory_space<vmem>>, vector<16xf32>,
        %mul3A_398 = vector.broadcast %squeeze3A_394 : f32 to vector<16xf32>
        %mul3A_399 = arith.mulf %get3A_397, %mul3A_398 : vector<16xf32>
        %swap3A_400 = arith.index_cast %add3A_392 : i32 to index
        %swap3A_401 = arith.constant 0 : index
        %swap3A_402 = tpu.vector_load %arg12[%swap3A_400, %swap3A_401] {strides = array<i32>} : memref<128x64xf32, #tpu.memory_space<vmem>>, vector<16xf32>,
        tpu.vector_store %arg12[%swap3A_400, %swap3A_401], %mul3A_399 {strides = array<i32>} : memref<128x64xf32, #tpu.memory_space<vmem>>, vector<16xf32>,
        %get3A_403 = arith.index_cast %add3A_392 : i32 to index
        %get3A_404 = arith.constant 16 : index
        %get3A_405 = tpu.vector_load %arg12[%get3A_403, %get3A_404] {strides = array<i32>} : memref<128x64xf32, #tpu.memory_space<vmem>>, vector<16xf32>,
        %mul3A_406 = vector.broadcast %squeeze3A_394 : f32 to vector<16xf32>
        %mul3A_407 = arith.mulf %get3A_405, %mul3A_406 : vector<16xf32>
        %swap3A_408 = arith.index_cast %add3A_392 : i32 to index
        %swap3A_409 = arith.constant 16 : index
        %swap3A_410 = tpu.vector_load %arg12[%swap3A_408, %swap3A_409] {strides = array<i32>} : memref<128x64xf32, #tpu.memory_space<vmem>>, vector<16xf32>,
        tpu.vector_store %arg12[%swap3A_408, %swap3A_409], %mul3A_407 {strides = array<i32>} : memref<128x64xf32, #tpu.memory_space<vmem>>, vector<16xf32>,
        %get3A_411 = arith.index_cast %add3A_392 : i32 to index
        %get3A_412 = arith.constant 32 : index
        %get3A_413 = tpu.vector_load %arg12[%get3A_411, %get3A_412] {strides = array<i32>} : memref<128x64xf32, #tpu.memory_space<vmem>>, vector<16xf32>,
        %mul3A_414 = vector.broadcast %squeeze3A_394 : f32 to vector<16xf32>
        %mul3A_415 = arith.mulf %get3A_413, %mul3A_414 : vector<16xf32>
        %swap3A_416 = arith.index_cast %add3A_392 : i32 to index
        %swap3A_417 = arith.constant 32 : index
        %swap3A_418 = tpu.vector_load %arg12[%swap3A_416, %swap3A_417] {strides = array<i32>} : memref<128x64xf32, #tpu.memory_space<vmem>>, vector<16xf32>,
        tpu.vector_store %arg12[%swap3A_416, %swap3A_417], %mul3A_415 {strides = array<i32>} : memref<128x64xf32, #tpu.memory_space<vmem>>, vector<16xf32>,
        %get3A_419 = arith.index_cast %add3A_392 : i32 to index
        %get3A_420 = arith.constant 48 : index
        %get3A_421 = tpu.vector_load %arg12[%get3A_419, %get3A_420] {strides = array<i32>} : memref<128x64xf32, #tpu.memory_space<vmem>>, vector<16xf32>,
        %mul3A_422 = vector.broadcast %squeeze3A_394 : f32 to vector<16xf32>
        %mul3A_423 = arith.mulf %get3A_421, %mul3A_422 : vector<16xf32>
        %swap3A_424 = arith.index_cast %add3A_392 : i32 to index
        %swap3A_425 = arith.constant 48 : index
        %swap3A_426 = tpu.vector_load %arg12[%swap3A_424, %swap3A_425] {strides = array<i32>} : memref<128x64xf32, #tpu.memory_space<vmem>>, vector<16xf32>,
        tpu.vector_store %arg12[%swap3A_424, %swap3A_425], %mul3A_423 {strides = array<i32>} : memref<128x64xf32, #tpu.memory_space<vmem>>, vector<16xf32>,
        %mul3A_427 = arith.constant 16 : i32
        %mul3A_428 = arith.muli %scan3A_159, %mul3A_427 : i32
        %add3A_429 = arith.constant 7 : i32
        %add3A_430 = arith.addi %mul3A_428, %add3A_429 : i32
        %slice3A_431 = vector.extract_strided_slice %get3A_163 {offsets = [7], sizes = [1], strides = [1]} : vector<16xf32> to vector<1xf32>
        %squeeze3A_432 = vector.extract %slice3A_431[0] : f32 from vector<1xf32>
        %get3A_433 = arith.index_cast %add3A_430 : i32 to index
        %get3A_434 = arith.constant 0 : index
        %get3A_435 = tpu.vector_load %arg12[%get3A_433, %get3A_434] {strides = array<i32>} : memref<128x64xf32, #tpu.memory_space<vmem>>, vector<16xf32>,
        %mul3A_436 = vector.broadcast %squeeze3A_432 : f32 to vector<16xf32>
        %mul3A_437 = arith.mulf %get3A_435, %mul3A_436 : vector<16xf32>
        %swap3A_438 = arith.index_cast %add3A_430 : i32 to index
        %swap3A_439 = arith.constant 0 : index
        %swap3A_440 = tpu.vector_load %arg12[%swap3A_438, %swap3A_439] {strides = array<i32>} : memref<128x64xf32, #tpu.memory_space<vmem>>, vector<16xf32>,
        tpu.vector_store %arg12[%swap3A_438, %swap3A_439], %mul3A_437 {strides = array<i32>} : memref<128x64xf32, #tpu.memory_space<vmem>>, vector<16xf32>,
        %get3A_441 = arith.index_cast %add3A_430 : i32 to index
        %get3A_442 = arith.constant 16 : index
        %get3A_443 = tpu.vector_load %arg12[%get3A_441, %get3A_442] {strides = array<i32>} : memref<128x64xf32, #tpu.memory_space<vmem>>, vector<16xf32>,
        %mul3A_444 = vector.broadcast %squeeze3A_432 : f32 to vector<16xf32>
        %mul3A_445 = arith.mulf %get3A_443, %mul3A_444 : vector<16xf32>
        %swap3A_446 = arith.index_cast %add3A_430 : i32 to index
        %swap3A_447 = arith.constant 16 : index
        %swap3A_448 = tpu.vector_load %arg12[%swap3A_446, %swap3A_447] {strides = array<i32>} : memref<128x64xf32, #tpu.memory_space<vmem>>, vector<16xf32>,
        tpu.vector_store %arg12[%swap3A_446, %swap3A_447], %mul3A_445 {strides = array<i32>} : memref<128x64xf32, #tpu.memory_space<vmem>>, vector<16xf32>,
        %get3A_449 = arith.index_cast %add3A_430 : i32 to index
        %get3A_450 = arith.constant 32 : index
        %get3A_451 = tpu.vector_load %arg12[%get3A_449, %get3A_450] {strides = array<i32>} : memref<128x64xf32, #tpu.memory_space<vmem>>, vector<16xf32>,
        %mul3A_452 = vector.broadcast %squeeze3A_432 : f32 to vector<16xf32>
        %mul3A_453 = arith.mulf %get3A_451, %mul3A_452 : vector<16xf32>
        %swap3A_454 = arith.index_cast %add3A_430 : i32 to index
        %swap3A_455 = arith.constant 32 : index
        %swap3A_456 = tpu.vector_load %arg12[%swap3A_454, %swap3A_455] {strides = array<i32>} : memref<128x64xf32, #tpu.memory_space<vmem>>, vector<16xf32>,
        tpu.vector_store %arg12[%swap3A_454, %swap3A_455], %mul3A_453 {strides = array<i32>} : memref<128x64xf32, #tpu.memory_space<vmem>>, vector<16xf32>,
        %get3A_457 = arith.index_cast %add3A_430 : i32 to index
        %get3A_458 = arith.constant 48 : index
        %get3A_459 = tpu.vector_load %arg12[%get3A_457, %get3A_458] {strides = array<i32>} : memref<128x64xf32, #tpu.memory_space<vmem>>, vector<16xf32>,
        %mul3A_460 = vector.broadcast %squeeze3A_432 : f32 to vector<16xf32>
        %mul3A_461 = arith.mulf %get3A_459, %mul3A_460 : vector<16xf32>
        %swap3A_462 = arith.index_cast %add3A_430 : i32 to index
        %swap3A_463 = arith.constant 48 : index
        %swap3A_464 = tpu.vector_load %arg12[%swap3A_462, %swap3A_463] {strides = array<i32>} : memref<128x64xf32, #tpu.memory_space<vmem>>, vector<16xf32>,
        tpu.vector_store %arg12[%swap3A_462, %swap3A_463], %mul3A_461 {strides = array<i32>} : memref<128x64xf32, #tpu.memory_space<vmem>>, vector<16xf32>,
        %mul3A_465 = arith.constant 16 : i32
        %mul3A_466 = arith.muli %scan3A_159, %mul3A_465 : i32
        %add3A_467 = arith.constant 8 : i32
        %add3A_468 = arith.addi %mul3A_466, %add3A_467 : i32
        %slice3A_469 = vector.extract_strided_slice %get3A_163 {offsets = [8], sizes = [1], strides = [1]} : vector<16xf32> to vector<1xf32>
        %squeeze3A_470 = vector.extract %slice3A_469[0] : f32 from vector<1xf32>
        %get3A_471 = arith.index_cast %add3A_468 : i32 to index
        %get3A_472 = arith.constant 0 : index
        %get3A_473 = tpu.vector_load %arg12[%get3A_471, %get3A_472] {strides = array<i32>} : memref<128x64xf32, #tpu.memory_space<vmem>>, vector<16xf32>,
        %mul3A_474 = vector.broadcast %squeeze3A_470 : f32 to vector<16xf32>
        %mul3A_475 = arith.mulf %get3A_473, %mul3A_474 : vector<16xf32>
        %swap3A_476 = arith.index_cast %add3A_468 : i32 to index
        %swap3A_477 = arith.constant 0 : index
        %swap3A_478 = tpu.vector_load %arg12[%swap3A_476, %swap3A_477] {strides = array<i32>} : memref<128x64xf32, #tpu.memory_space<vmem>>, vector<16xf32>,
        tpu.vector_store %arg12[%swap3A_476, %swap3A_477], %mul3A_475 {strides = array<i32>} : memref<128x64xf32, #tpu.memory_space<vmem>>, vector<16xf32>,
        %get3A_479 = arith.index_cast %add3A_468 : i32 to index
        %get3A_480 = arith.constant 16 : index
        %get3A_481 = tpu.vector_load %arg12[%get3A_479, %get3A_480] {strides = array<i32>} : memref<128x64xf32, #tpu.memory_space<vmem>>, vector<16xf32>,
        %mul3A_482 = vector.broadcast %squeeze3A_470 : f32 to vector<16xf32>
        %mul3A_483 = arith.mulf %get3A_481, %mul3A_482 : vector<16xf32>
        %swap3A_484 = arith.index_cast %add3A_468 : i32 to index
        %swap3A_485 = arith.constant 16 : index
        %swap3A_486 = tpu.vector_load %arg12[%swap3A_484, %swap3A_485] {strides = array<i32>} : memref<128x64xf32, #tpu.memory_space<vmem>>, vector<16xf32>,
        tpu.vector_store %arg12[%swap3A_484, %swap3A_485], %mul3A_483 {strides = array<i32>} : memref<128x64xf32, #tpu.memory_space<vmem>>, vector<16xf32>,
        %get3A_487 = arith.index_cast %add3A_468 : i32 to index
        %get3A_488 = arith.constant 32 : index
        %get3A_489 = tpu.vector_load %arg12[%get3A_487, %get3A_488] {strides = array<i32>} : memref<128x64xf32, #tpu.memory_space<vmem>>, vector<16xf32>,
        %mul3A_490 = vector.broadcast %squeeze3A_470 : f32 to vector<16xf32>
        %mul3A_491 = arith.mulf %get3A_489, %mul3A_490 : vector<16xf32>
        %swap3A_492 = arith.index_cast %add3A_468 : i32 to index
        %swap3A_493 = arith.constant 32 : index
        %swap3A_494 = tpu.vector_load %arg12[%swap3A_492, %swap3A_493] {strides = array<i32>} : memref<128x64xf32, #tpu.memory_space<vmem>>, vector<16xf32>,
        tpu.vector_store %arg12[%swap3A_492, %swap3A_493], %mul3A_491 {strides = array<i32>} : memref<128x64xf32, #tpu.memory_space<vmem>>, vector<16xf32>,
        %get3A_495 = arith.index_cast %add3A_468 : i32 to index
        %get3A_496 = arith.constant 48 : index
        %get3A_497 = tpu.vector_load %arg12[%get3A_495, %get3A_496] {strides = array<i32>} : memref<128x64xf32, #tpu.memory_space<vmem>>, vector<16xf32>,
        %mul3A_498 = vector.broadcast %squeeze3A_470 : f32 to vector<16xf32>
        %mul3A_499 = arith.mulf %get3A_497, %mul3A_498 : vector<16xf32>
        %swap3A_500 = arith.index_cast %add3A_468 : i32 to index
        %swap3A_501 = arith.constant 48 : index
        %swap3A_502 = tpu.vector_load %arg12[%swap3A_500, %swap3A_501] {strides = array<i32>} : memref<128x64xf32, #tpu.memory_space<vmem>>, vector<16xf32>,
        tpu.vector_store %arg12[%swap3A_500, %swap3A_501], %mul3A_499 {strides = array<i32>} : memref<128x64xf32, #tpu.memory_space<vmem>>, vector<16xf32>,
        %mul3A_503 = arith.constant 16 : i32
        %mul3A_504 = arith.muli %scan3A_159, %mul3A_503 : i32
        %add3A_505 = arith.constant 9 : i32
        %add3A_506 = arith.addi %mul3A_504, %add3A_505 : i32
        %slice3A_507 = vector.extract_strided_slice %get3A_163 {offsets = [9], sizes = [1], strides = [1]} : vector<16xf32> to vector<1xf32>
        %squeeze3A_508 = vector.extract %slice3A_507[0] : f32 from vector<1xf32>
        %get3A_509 = arith.index_cast %add3A_506 : i32 to index
        %get3A_510 = arith.constant 0 : index
        %get3A_511 = tpu.vector_load %arg12[%get3A_509, %get3A_510] {strides = array<i32>} : memref<128x64xf32, #tpu.memory_space<vmem>>, vector<16xf32>,
        %mul3A_512 = vector.broadcast %squeeze3A_508 : f32 to vector<16xf32>
        %mul3A_513 = arith.mulf %get3A_511, %mul3A_512 : vector<16xf32>
        %swap3A_514 = arith.index_cast %add3A_506 : i32 to index
        %swap3A_515 = arith.constant 0 : index
        %swap3A_516 = tpu.vector_load %arg12[%swap3A_514, %swap3A_515] {strides = array<i32>} : memref<128x64xf32, #tpu.memory_space<vmem>>, vector<16xf32>,
        tpu.vector_store %arg12[%swap3A_514, %swap3A_515], %mul3A_513 {strides = array<i32>} : memref<128x64xf32, #tpu.memory_space<vmem>>, vector<16xf32>,
        %get3A_517 = arith.index_cast %add3A_506 : i32 to index
        %get3A_518 = arith.constant 16 : index
        %get3A_519 = tpu.vector_load %arg12[%get3A_517, %get3A_518] {strides = array<i32>} : memref<128x64xf32, #tpu.memory_space<vmem>>, vector<16xf32>,
        %mul3A_520 = vector.broadcast %squeeze3A_508 : f32 to vector<16xf32>
        %mul3A_521 = arith.mulf %get3A_519, %mul3A_520 : vector<16xf32>
        %swap3A_522 = arith.index_cast %add3A_506 : i32 to index
        %swap3A_523 = arith.constant 16 : index
        %swap3A_524 = tpu.vector_load %arg12[%swap3A_522, %swap3A_523] {strides = array<i32>} : memref<128x64xf32, #tpu.memory_space<vmem>>, vector<16xf32>,
        tpu.vector_store %arg12[%swap3A_522, %swap3A_523], %mul3A_521 {strides = array<i32>} : memref<128x64xf32, #tpu.memory_space<vmem>>, vector<16xf32>,
        %get3A_525 = arith.index_cast %add3A_506 : i32 to index
        %get3A_526 = arith.constant 32 : index
        %get3A_527 = tpu.vector_load %arg12[%get3A_525, %get3A_526] {strides = array<i32>} : memref<128x64xf32, #tpu.memory_space<vmem>>, vector<16xf32>,
        %mul3A_528 = vector.broadcast %squeeze3A_508 : f32 to vector<16xf32>
        %mul3A_529 = arith.mulf %get3A_527, %mul3A_528 : vector<16xf32>
        %swap3A_530 = arith.index_cast %add3A_506 : i32 to index
        %swap3A_531 = arith.constant 32 : index
        %swap3A_532 = tpu.vector_load %arg12[%swap3A_530, %swap3A_531] {strides = array<i32>} : memref<128x64xf32, #tpu.memory_space<vmem>>, vector<16xf32>,
        tpu.vector_store %arg12[%swap3A_530, %swap3A_531], %mul3A_529 {strides = array<i32>} : memref<128x64xf32, #tpu.memory_space<vmem>>, vector<16xf32>,
        %get3A_533 = arith.index_cast %add3A_506 : i32 to index
        %get3A_534 = arith.constant 48 : index
        %get3A_535 = tpu.vector_load %arg12[%get3A_533, %get3A_534] {strides = array<i32>} : memref<128x64xf32, #tpu.memory_space<vmem>>, vector<16xf32>,
        %mul3A_536 = vector.broadcast %squeeze3A_508 : f32 to vector<16xf32>
        %mul3A_537 = arith.mulf %get3A_535, %mul3A_536 : vector<16xf32>
        %swap3A_538 = arith.index_cast %add3A_506 : i32 to index
        %swap3A_539 = arith.constant 48 : index
        %swap3A_540 = tpu.vector_load %arg12[%swap3A_538, %swap3A_539] {strides = array<i32>} : memref<128x64xf32, #tpu.memory_space<vmem>>, vector<16xf32>,
        tpu.vector_store %arg12[%swap3A_538, %swap3A_539], %mul3A_537 {strides = array<i32>} : memref<128x64xf32, #tpu.memory_space<vmem>>, vector<16xf32>,
        %mul3A_541 = arith.constant 16 : i32
        %mul3A_542 = arith.muli %scan3A_159, %mul3A_541 : i32
        %add3A_543 = arith.constant 10 : i32
        %add3A_544 = arith.addi %mul3A_542, %add3A_543 : i32
        %slice3A_545 = vector.extract_strided_slice %get3A_163 {offsets = [10], sizes = [1], strides = [1]} : vector<16xf32> to vector<1xf32>
        %squeeze3A_546 = vector.extract %slice3A_545[0] : f32 from vector<1xf32>
        %get3A_547 = arith.index_cast %add3A_544 : i32 to index
        %get3A_548 = arith.constant 0 : index
        %get3A_549 = tpu.vector_load %arg12[%get3A_547, %get3A_548] {strides = array<i32>} : memref<128x64xf32, #tpu.memory_space<vmem>>, vector<16xf32>,
        %mul3A_550 = vector.broadcast %squeeze3A_546 : f32 to vector<16xf32>
        %mul3A_551 = arith.mulf %get3A_549, %mul3A_550 : vector<16xf32>
        %swap3A_552 = arith.index_cast %add3A_544 : i32 to index
        %swap3A_553 = arith.constant 0 : index
        %swap3A_554 = tpu.vector_load %arg12[%swap3A_552, %swap3A_553] {strides = array<i32>} : memref<128x64xf32, #tpu.memory_space<vmem>>, vector<16xf32>,
        tpu.vector_store %arg12[%swap3A_552, %swap3A_553], %mul3A_551 {strides = array<i32>} : memref<128x64xf32, #tpu.memory_space<vmem>>, vector<16xf32>,
        %get3A_555 = arith.index_cast %add3A_544 : i32 to index
        %get3A_556 = arith.constant 16 : index
        %get3A_557 = tpu.vector_load %arg12[%get3A_555, %get3A_556] {strides = array<i32>} : memref<128x64xf32, #tpu.memory_space<vmem>>, vector<16xf32>,
        %mul3A_558 = vector.broadcast %squeeze3A_546 : f32 to vector<16xf32>
        %mul3A_559 = arith.mulf %get3A_557, %mul3A_558 : vector<16xf32>
        %swap3A_560 = arith.index_cast %add3A_544 : i32 to index
        %swap3A_561 = arith.constant 16 : index
        %swap3A_562 = tpu.vector_load %arg12[%swap3A_560, %swap3A_561] {strides = array<i32>} : memref<128x64xf32, #tpu.memory_space<vmem>>, vector<16xf32>,
        tpu.vector_store %arg12[%swap3A_560, %swap3A_561], %mul3A_559 {strides = array<i32>} : memref<128x64xf32, #tpu.memory_space<vmem>>, vector<16xf32>,
        %get3A_563 = arith.index_cast %add3A_544 : i32 to index
        %get3A_564 = arith.constant 32 : index
        %get3A_565 = tpu.vector_load %arg12[%get3A_563, %get3A_564] {strides = array<i32>} : memref<128x64xf32, #tpu.memory_space<vmem>>, vector<16xf32>,
        %mul3A_566 = vector.broadcast %squeeze3A_546 : f32 to vector<16xf32>
        %mul3A_567 = arith.mulf %get3A_565, %mul3A_566 : vector<16xf32>
        %swap3A_568 = arith.index_cast %add3A_544 : i32 to index
        %swap3A_569 = arith.constant 32 : index
        %swap3A_570 = tpu.vector_load %arg12[%swap3A_568, %swap3A_569] {strides = array<i32>} : memref<128x64xf32, #tpu.memory_space<vmem>>, vector<16xf32>,
        tpu.vector_store %arg12[%swap3A_568, %swap3A_569], %mul3A_567 {strides = array<i32>} : memref<128x64xf32, #tpu.memory_space<vmem>>, vector<16xf32>,
        %get3A_571 = arith.index_cast %add3A_544 : i32 to index
        %get3A_572 = arith.constant 48 : index
        %get3A_573 = tpu.vector_load %arg12[%get3A_571, %get3A_572] {strides = array<i32>} : memref<128x64xf32, #tpu.memory_space<vmem>>, vector<16xf32>,
        %mul3A_574 = vector.broadcast %squeeze3A_546 : f32 to vector<16xf32>
        %mul3A_575 = arith.mulf %get3A_573, %mul3A_574 : vector<16xf32>
        %swap3A_576 = arith.index_cast %add3A_544 : i32 to index
        %swap3A_577 = arith.constant 48 : index
        %swap3A_578 = tpu.vector_load %arg12[%swap3A_576, %swap3A_577] {strides = array<i32>} : memref<128x64xf32, #tpu.memory_space<vmem>>, vector<16xf32>,
        tpu.vector_store %arg12[%swap3A_576, %swap3A_577], %mul3A_575 {strides = array<i32>} : memref<128x64xf32, #tpu.memory_space<vmem>>, vector<16xf32>,
        %mul3A_579 = arith.constant 16 : i32
        %mul3A_580 = arith.muli %scan3A_159, %mul3A_579 : i32
        %add3A_581 = arith.constant 11 : i32
        %add3A_582 = arith.addi %mul3A_580, %add3A_581 : i32
        %slice3A_583 = vector.extract_strided_slice %get3A_163 {offsets = [11], sizes = [1], strides = [1]} : vector<16xf32> to vector<1xf32>
        %squeeze3A_584 = vector.extract %slice3A_583[0] : f32 from vector<1xf32>
        %get3A_585 = arith.index_cast %add3A_582 : i32 to index
        %get3A_586 = arith.constant 0 : index
        %get3A_587 = tpu.vector_load %arg12[%get3A_585, %get3A_586] {strides = array<i32>} : memref<128x64xf32, #tpu.memory_space<vmem>>, vector<16xf32>,
        %mul3A_588 = vector.broadcast %squeeze3A_584 : f32 to vector<16xf32>
        %mul3A_589 = arith.mulf %get3A_587, %mul3A_588 : vector<16xf32>
        %swap3A_590 = arith.index_cast %add3A_582 : i32 to index
        %swap3A_591 = arith.constant 0 : index
        %swap3A_592 = tpu.vector_load %arg12[%swap3A_590, %swap3A_591] {strides = array<i32>} : memref<128x64xf32, #tpu.memory_space<vmem>>, vector<16xf32>,
        tpu.vector_store %arg12[%swap3A_590, %swap3A_591], %mul3A_589 {strides = array<i32>} : memref<128x64xf32, #tpu.memory_space<vmem>>, vector<16xf32>,
        %get3A_593 = arith.index_cast %add3A_582 : i32 to index
        %get3A_594 = arith.constant 16 : index
        %get3A_595 = tpu.vector_load %arg12[%get3A_593, %get3A_594] {strides = array<i32>} : memref<128x64xf32, #tpu.memory_space<vmem>>, vector<16xf32>,
        %mul3A_596 = vector.broadcast %squeeze3A_584 : f32 to vector<16xf32>
        %mul3A_597 = arith.mulf %get3A_595, %mul3A_596 : vector<16xf32>
        %swap3A_598 = arith.index_cast %add3A_582 : i32 to index
        %swap3A_599 = arith.constant 16 : index
        %swap3A_600 = tpu.vector_load %arg12[%swap3A_598, %swap3A_599] {strides = array<i32>} : memref<128x64xf32, #tpu.memory_space<vmem>>, vector<16xf32>,
        tpu.vector_store %arg12[%swap3A_598, %swap3A_599], %mul3A_597 {strides = array<i32>} : memref<128x64xf32, #tpu.memory_space<vmem>>, vector<16xf32>,
        %get3A_601 = arith.index_cast %add3A_582 : i32 to index
        %get3A_602 = arith.constant 32 : index
        %get3A_603 = tpu.vector_load %arg12[%get3A_601, %get3A_602] {strides = array<i32>} : memref<128x64xf32, #tpu.memory_space<vmem>>, vector<16xf32>,
        %mul3A_604 = vector.broadcast %squeeze3A_584 : f32 to vector<16xf32>
        %mul3A_605 = arith.mulf %get3A_603, %mul3A_604 : vector<16xf32>
        %swap3A_606 = arith.index_cast %add3A_582 : i32 to index
        %swap3A_607 = arith.constant 32 : index
        %swap3A_608 = tpu.vector_load %arg12[%swap3A_606, %swap3A_607] {strides = array<i32>} : memref<128x64xf32, #tpu.memory_space<vmem>>, vector<16xf32>,
        tpu.vector_store %arg12[%swap3A_606, %swap3A_607], %mul3A_605 {strides = array<i32>} : memref<128x64xf32, #tpu.memory_space<vmem>>, vector<16xf32>,
        %get3A_609 = arith.index_cast %add3A_582 : i32 to index
        %get3A_610 = arith.constant 48 : index
        %get3A_611 = tpu.vector_load %arg12[%get3A_609, %get3A_610] {strides = array<i32>} : memref<128x64xf32, #tpu.memory_space<vmem>>, vector<16xf32>,
        %mul3A_612 = vector.broadcast %squeeze3A_584 : f32 to vector<16xf32>
        %mul3A_613 = arith.mulf %get3A_611, %mul3A_612 : vector<16xf32>
        %swap3A_614 = arith.index_cast %add3A_582 : i32 to index
        %swap3A_615 = arith.constant 48 : index
        %swap3A_616 = tpu.vector_load %arg12[%swap3A_614, %swap3A_615] {strides = array<i32>} : memref<128x64xf32, #tpu.memory_space<vmem>>, vector<16xf32>,
        tpu.vector_store %arg12[%swap3A_614, %swap3A_615], %mul3A_613 {strides = array<i32>} : memref<128x64xf32, #tpu.memory_space<vmem>>, vector<16xf32>,
        %mul3A_617 = arith.constant 16 : i32
        %mul3A_618 = arith.muli %scan3A_159, %mul3A_617 : i32
        %add3A_619 = arith.constant 12 : i32
        %add3A_620 = arith.addi %mul3A_618, %add3A_619 : i32
        %slice3A_621 = vector.extract_strided_slice %get3A_163 {offsets = [12], sizes = [1], strides = [1]} : vector<16xf32> to vector<1xf32>
        %squeeze3A_622 = vector.extract %slice3A_621[0] : f32 from vector<1xf32>
        %get3A_623 = arith.index_cast %add3A_620 : i32 to index
        %get3A_624 = arith.constant 0 : index
        %get3A_625 = tpu.vector_load %arg12[%get3A_623, %get3A_624] {strides = array<i32>} : memref<128x64xf32, #tpu.memory_space<vmem>>, vector<16xf32>,
        %mul3A_626 = vector.broadcast %squeeze3A_622 : f32 to vector<16xf32>
        %mul3A_627 = arith.mulf %get3A_625, %mul3A_626 : vector<16xf32>
        %swap3A_628 = arith.index_cast %add3A_620 : i32 to index
        %swap3A_629 = arith.constant 0 : index
        %swap3A_630 = tpu.vector_load %arg12[%swap3A_628, %swap3A_629] {strides = array<i32>} : memref<128x64xf32, #tpu.memory_space<vmem>>, vector<16xf32>,
        tpu.vector_store %arg12[%swap3A_628, %swap3A_629], %mul3A_627 {strides = array<i32>} : memref<128x64xf32, #tpu.memory_space<vmem>>, vector<16xf32>,
        %get3A_631 = arith.index_cast %add3A_620 : i32 to index
        %get3A_632 = arith.constant 16 : index
        %get3A_633 = tpu.vector_load %arg12[%get3A_631, %get3A_632] {strides = array<i32>} : memref<128x64xf32, #tpu.memory_space<vmem>>, vector<16xf32>,
        %mul3A_634 = vector.broadcast %squeeze3A_622 : f32 to vector<16xf32>
        %mul3A_635 = arith.mulf %get3A_633, %mul3A_634 : vector<16xf32>
        %swap3A_636 = arith.index_cast %add3A_620 : i32 to index
        %swap3A_637 = arith.constant 16 : index
        %swap3A_638 = tpu.vector_load %arg12[%swap3A_636, %swap3A_637] {strides = array<i32>} : memref<128x64xf32, #tpu.memory_space<vmem>>, vector<16xf32>,
        tpu.vector_store %arg12[%swap3A_636, %swap3A_637], %mul3A_635 {strides = array<i32>} : memref<128x64xf32, #tpu.memory_space<vmem>>, vector<16xf32>,
        %get3A_639 = arith.index_cast %add3A_620 : i32 to index
        %get3A_640 = arith.constant 32 : index
        %get3A_641 = tpu.vector_load %arg12[%get3A_639, %get3A_640] {strides = array<i32>} : memref<128x64xf32, #tpu.memory_space<vmem>>, vector<16xf32>,
        %mul3A_642 = vector.broadcast %squeeze3A_622 : f32 to vector<16xf32>
        %mul3A_643 = arith.mulf %get3A_641, %mul3A_642 : vector<16xf32>
        %swap3A_644 = arith.index_cast %add3A_620 : i32 to index
        %swap3A_645 = arith.constant 32 : index
        %swap3A_646 = tpu.vector_load %arg12[%swap3A_644, %swap3A_645] {strides = array<i32>} : memref<128x64xf32, #tpu.memory_space<vmem>>, vector<16xf32>,
        tpu.vector_store %arg12[%swap3A_644, %swap3A_645], %mul3A_643 {strides = array<i32>} : memref<128x64xf32, #tpu.memory_space<vmem>>, vector<16xf32>,
        %get3A_647 = arith.index_cast %add3A_620 : i32 to index
        %get3A_648 = arith.constant 48 : index
        %get3A_649 = tpu.vector_load %arg12[%get3A_647, %get3A_648] {strides = array<i32>} : memref<128x64xf32, #tpu.memory_space<vmem>>, vector<16xf32>,
        %mul3A_650 = vector.broadcast %squeeze3A_622 : f32 to vector<16xf32>
        %mul3A_651 = arith.mulf %get3A_649, %mul3A_650 : vector<16xf32>
        %swap3A_652 = arith.index_cast %add3A_620 : i32 to index
        %swap3A_653 = arith.constant 48 : index
        %swap3A_654 = tpu.vector_load %arg12[%swap3A_652, %swap3A_653] {strides = array<i32>} : memref<128x64xf32, #tpu.memory_space<vmem>>, vector<16xf32>,
        tpu.vector_store %arg12[%swap3A_652, %swap3A_653], %mul3A_651 {strides = array<i32>} : memref<128x64xf32, #tpu.memory_space<vmem>>, vector<16xf32>,
        %mul3A_655 = arith.constant 16 : i32
        %mul3A_656 = arith.muli %scan3A_159, %mul3A_655 : i32
        %add3A_657 = arith.constant 13 : i32
        %add3A_658 = arith.addi %mul3A_656, %add3A_657 : i32
        %slice3A_659 = vector.extract_strided_slice %get3A_163 {offsets = [13], sizes = [1], strides = [1]} : vector<16xf32> to vector<1xf32>
        %squeeze3A_660 = vector.extract %slice3A_659[0] : f32 from vector<1xf32>
        %get3A_661 = arith.index_cast %add3A_658 : i32 to index
        %get3A_662 = arith.constant 0 : index
        %get3A_663 = tpu.vector_load %arg12[%get3A_661, %get3A_662] {strides = array<i32>} : memref<128x64xf32, #tpu.memory_space<vmem>>, vector<16xf32>,
        %mul3A_664 = vector.broadcast %squeeze3A_660 : f32 to vector<16xf32>
        %mul3A_665 = arith.mulf %get3A_663, %mul3A_664 : vector<16xf32>
        %swap3A_666 = arith.index_cast %add3A_658 : i32 to index
        %swap3A_667 = arith.constant 0 : index
        %swap3A_668 = tpu.vector_load %arg12[%swap3A_666, %swap3A_667] {strides = array<i32>} : memref<128x64xf32, #tpu.memory_space<vmem>>, vector<16xf32>,
        tpu.vector_store %arg12[%swap3A_666, %swap3A_667], %mul3A_665 {strides = array<i32>} : memref<128x64xf32, #tpu.memory_space<vmem>>, vector<16xf32>,
        %get3A_669 = arith.index_cast %add3A_658 : i32 to index
        %get3A_670 = arith.constant 16 : index
        %get3A_671 = tpu.vector_load %arg12[%get3A_669, %get3A_670] {strides = array<i32>} : memref<128x64xf32, #tpu.memory_space<vmem>>, vector<16xf32>,
        %mul3A_672 = vector.broadcast %squeeze3A_660 : f32 to vector<16xf32>
        %mul3A_673 = arith.mulf %get3A_671, %mul3A_672 : vector<16xf32>
        %swap3A_674 = arith.index_cast %add3A_658 : i32 to index
        %swap3A_675 = arith.constant 16 : index
        %swap3A_676 = tpu.vector_load %arg12[%swap3A_674, %swap3A_675] {strides = array<i32>} : memref<128x64xf32, #tpu.memory_space<vmem>>, vector<16xf32>,
        tpu.vector_store %arg12[%swap3A_674, %swap3A_675], %mul3A_673 {strides = array<i32>} : memref<128x64xf32, #tpu.memory_space<vmem>>, vector<16xf32>,
        %get3A_677 = arith.index_cast %add3A_658 : i32 to index
        %get3A_678 = arith.constant 32 : index
        %get3A_679 = tpu.vector_load %arg12[%get3A_677, %get3A_678] {strides = array<i32>} : memref<128x64xf32, #tpu.memory_space<vmem>>, vector<16xf32>,
        %mul3A_680 = vector.broadcast %squeeze3A_660 : f32 to vector<16xf32>
        %mul3A_681 = arith.mulf %get3A_679, %mul3A_680 : vector<16xf32>
        %swap3A_682 = arith.index_cast %add3A_658 : i32 to index
        %swap3A_683 = arith.constant 32 : index
        %swap3A_684 = tpu.vector_load %arg12[%swap3A_682, %swap3A_683] {strides = array<i32>} : memref<128x64xf32, #tpu.memory_space<vmem>>, vector<16xf32>,
        tpu.vector_store %arg12[%swap3A_682, %swap3A_683], %mul3A_681 {strides = array<i32>} : memref<128x64xf32, #tpu.memory_space<vmem>>, vector<16xf32>,
        %get3A_685 = arith.index_cast %add3A_658 : i32 to index
        %get3A_686 = arith.constant 48 : index
        %get3A_687 = tpu.vector_load %arg12[%get3A_685, %get3A_686] {strides = array<i32>} : memref<128x64xf32, #tpu.memory_space<vmem>>, vector<16xf32>,
        %mul3A_688 = vector.broadcast %squeeze3A_660 : f32 to vector<16xf32>
        %mul3A_689 = arith.mulf %get3A_687, %mul3A_688 : vector<16xf32>
        %swap3A_690 = arith.index_cast %add3A_658 : i32 to index
        %swap3A_691 = arith.constant 48 : index
        %swap3A_692 = tpu.vector_load %arg12[%swap3A_690, %swap3A_691] {strides = array<i32>} : memref<128x64xf32, #tpu.memory_space<vmem>>, vector<16xf32>,
        tpu.vector_store %arg12[%swap3A_690, %swap3A_691], %mul3A_689 {strides = array<i32>} : memref<128x64xf32, #tpu.memory_space<vmem>>, vector<16xf32>,
        %mul3A_693 = arith.constant 16 : i32
        %mul3A_694 = arith.muli %scan3A_159, %mul3A_693 : i32
        %add3A_695 = arith.constant 14 : i32
        %add3A_696 = arith.addi %mul3A_694, %add3A_695 : i32
        %slice3A_697 = vector.extract_strided_slice %get3A_163 {offsets = [14], sizes = [1], strides = [1]} : vector<16xf32> to vector<1xf32>
        %squeeze3A_698 = vector.extract %slice3A_697[0] : f32 from vector<1xf32>
        %get3A_699 = arith.index_cast %add3A_696 : i32 to index
        %get3A_700 = arith.constant 0 : index
        %get3A_701 = tpu.vector_load %arg12[%get3A_699, %get3A_700] {strides = array<i32>} : memref<128x64xf32, #tpu.memory_space<vmem>>, vector<16xf32>,
        %mul3A_702 = vector.broadcast %squeeze3A_698 : f32 to vector<16xf32>
        %mul3A_703 = arith.mulf %get3A_701, %mul3A_702 : vector<16xf32>
        %swap3A_704 = arith.index_cast %add3A_696 : i32 to index
        %swap3A_705 = arith.constant 0 : index
        %swap3A_706 = tpu.vector_load %arg12[%swap3A_704, %swap3A_705] {strides = array<i32>} : memref<128x64xf32, #tpu.memory_space<vmem>>, vector<16xf32>,
        tpu.vector_store %arg12[%swap3A_704, %swap3A_705], %mul3A_703 {strides = array<i32>} : memref<128x64xf32, #tpu.memory_space<vmem>>, vector<16xf32>,
        %get3A_707 = arith.index_cast %add3A_696 : i32 to index
        %get3A_708 = arith.constant 16 : index
        %get3A_709 = tpu.vector_load %arg12[%get3A_707, %get3A_708] {strides = array<i32>} : memref<128x64xf32, #tpu.memory_space<vmem>>, vector<16xf32>,
        %mul3A_710 = vector.broadcast %squeeze3A_698 : f32 to vector<16xf32>
        %mul3A_711 = arith.mulf %get3A_709, %mul3A_710 : vector<16xf32>
        %swap3A_712 = arith.index_cast %add3A_696 : i32 to index
        %swap3A_713 = arith.constant 16 : index
        %swap3A_714 = tpu.vector_load %arg12[%swap3A_712, %swap3A_713] {strides = array<i32>} : memref<128x64xf32, #tpu.memory_space<vmem>>, vector<16xf32>,
        tpu.vector_store %arg12[%swap3A_712, %swap3A_713], %mul3A_711 {strides = array<i32>} : memref<128x64xf32, #tpu.memory_space<vmem>>, vector<16xf32>,
        %get3A_715 = arith.index_cast %add3A_696 : i32 to index
        %get3A_716 = arith.constant 32 : index
        %get3A_717 = tpu.vector_load %arg12[%get3A_715, %get3A_716] {strides = array<i32>} : memref<128x64xf32, #tpu.memory_space<vmem>>, vector<16xf32>,
        %mul3A_718 = vector.broadcast %squeeze3A_698 : f32 to vector<16xf32>
        %mul3A_719 = arith.mulf %get3A_717, %mul3A_718 : vector<16xf32>
        %swap3A_720 = arith.index_cast %add3A_696 : i32 to index
        %swap3A_721 = arith.constant 32 : index
        %swap3A_722 = tpu.vector_load %arg12[%swap3A_720, %swap3A_721] {strides = array<i32>} : memref<128x64xf32, #tpu.memory_space<vmem>>, vector<16xf32>,
        tpu.vector_store %arg12[%swap3A_720, %swap3A_721], %mul3A_719 {strides = array<i32>} : memref<128x64xf32, #tpu.memory_space<vmem>>, vector<16xf32>,
        %get3A_723 = arith.index_cast %add3A_696 : i32 to index
        %get3A_724 = arith.constant 48 : index
        %get3A_725 = tpu.vector_load %arg12[%get3A_723, %get3A_724] {strides = array<i32>} : memref<128x64xf32, #tpu.memory_space<vmem>>, vector<16xf32>,
        %mul3A_726 = vector.broadcast %squeeze3A_698 : f32 to vector<16xf32>
        %mul3A_727 = arith.mulf %get3A_725, %mul3A_726 : vector<16xf32>
        %swap3A_728 = arith.index_cast %add3A_696 : i32 to index
        %swap3A_729 = arith.constant 48 : index
        %swap3A_730 = tpu.vector_load %arg12[%swap3A_728, %swap3A_729] {strides = array<i32>} : memref<128x64xf32, #tpu.memory_space<vmem>>, vector<16xf32>,
        tpu.vector_store %arg12[%swap3A_728, %swap3A_729], %mul3A_727 {strides = array<i32>} : memref<128x64xf32, #tpu.memory_space<vmem>>, vector<16xf32>,
        %mul3A_731 = arith.constant 16 : i32
        %mul3A_732 = arith.muli %scan3A_159, %mul3A_731 : i32
        %add3A_733 = arith.constant 15 : i32
        %add3A_734 = arith.addi %mul3A_732, %add3A_733 : i32
        %slice3A_735 = vector.extract_strided_slice %get3A_163 {offsets = [15], sizes = [1], strides = [1]} : vector<16xf32> to vector<1xf32>
        %squeeze3A_736 = vector.extract %slice3A_735[0] : f32 from vector<1xf32>
        %get3A_737 = arith.index_cast %add3A_734 : i32 to index
        %get3A_738 = arith.constant 0 : index
        %get3A_739 = tpu.vector_load %arg12[%get3A_737, %get3A_738] {strides = array<i32>} : memref<128x64xf32, #tpu.memory_space<vmem>>, vector<16xf32>,
        %mul3A_740 = vector.broadcast %squeeze3A_736 : f32 to vector<16xf32>
        %mul3A_741 = arith.mulf %get3A_739, %mul3A_740 : vector<16xf32>
        %swap3A_742 = arith.index_cast %add3A_734 : i32 to index
        %swap3A_743 = arith.constant 0 : index
        %swap3A_744 = tpu.vector_load %arg12[%swap3A_742, %swap3A_743] {strides = array<i32>} : memref<128x64xf32, #tpu.memory_space<vmem>>, vector<16xf32>,
        tpu.vector_store %arg12[%swap3A_742, %swap3A_743], %mul3A_741 {strides = array<i32>} : memref<128x64xf32, #tpu.memory_space<vmem>>, vector<16xf32>,
        %get3A_745 = arith.index_cast %add3A_734 : i32 to index
        %get3A_746 = arith.constant 16 : index
        %get3A_747 = tpu.vector_load %arg12[%get3A_745, %get3A_746] {strides = array<i32>} : memref<128x64xf32, #tpu.memory_space<vmem>>, vector<16xf32>,
        %mul3A_748 = vector.broadcast %squeeze3A_736 : f32 to vector<16xf32>
        %mul3A_749 = arith.mulf %get3A_747, %mul3A_748 : vector<16xf32>
        %swap3A_750 = arith.index_cast %add3A_734 : i32 to index
        %swap3A_751 = arith.constant 16 : index
        %swap3A_752 = tpu.vector_load %arg12[%swap3A_750, %swap3A_751] {strides = array<i32>} : memref<128x64xf32, #tpu.memory_space<vmem>>, vector<16xf32>,
        tpu.vector_store %arg12[%swap3A_750, %swap3A_751], %mul3A_749 {strides = array<i32>} : memref<128x64xf32, #tpu.memory_space<vmem>>, vector<16xf32>,
        %get3A_753 = arith.index_cast %add3A_734 : i32 to index
        %get3A_754 = arith.constant 32 : index
        %get3A_755 = tpu.vector_load %arg12[%get3A_753, %get3A_754] {strides = array<i32>} : memref<128x64xf32, #tpu.memory_space<vmem>>, vector<16xf32>,
        %mul3A_756 = vector.broadcast %squeeze3A_736 : f32 to vector<16xf32>
        %mul3A_757 = arith.mulf %get3A_755, %mul3A_756 : vector<16xf32>
        %swap3A_758 = arith.index_cast %add3A_734 : i32 to index
        %swap3A_759 = arith.constant 32 : index
        %swap3A_760 = tpu.vector_load %arg12[%swap3A_758, %swap3A_759] {strides = array<i32>} : memref<128x64xf32, #tpu.memory_space<vmem>>, vector<16xf32>,
        tpu.vector_store %arg12[%swap3A_758, %swap3A_759], %mul3A_757 {strides = array<i32>} : memref<128x64xf32, #tpu.memory_space<vmem>>, vector<16xf32>,
        %get3A_761 = arith.index_cast %add3A_734 : i32 to index
        %get3A_762 = arith.constant 48 : index
        %get3A_763 = tpu.vector_load %arg12[%get3A_761, %get3A_762] {strides = array<i32>} : memref<128x64xf32, #tpu.memory_space<vmem>>, vector<16xf32>,
        %mul3A_764 = vector.broadcast %squeeze3A_736 : f32 to vector<16xf32>
        %mul3A_765 = arith.mulf %get3A_763, %mul3A_764 : vector<16xf32>
        %swap3A_766 = arith.index_cast %add3A_734 : i32 to index
        %swap3A_767 = arith.constant 48 : index
        %swap3A_768 = tpu.vector_load %arg12[%swap3A_766, %swap3A_767] {strides = array<i32>} : memref<128x64xf32, #tpu.memory_space<vmem>>, vector<16xf32>,
        tpu.vector_store %arg12[%swap3A_766, %swap3A_767], %mul3A_765 {strides = array<i32>} : memref<128x64xf32, #tpu.memory_space<vmem>>, vector<16xf32>,
        %scan3A_769 = arith.constant 0 : i32
        scf.yield %scan3A_769 : i32
      }
      %scan3A_157 = arith.constant 8 : i32
      "tpu.region"() ({
        %run_scoped3A_159 = tpu.sem_alloc : memref<!tpu.dma_semaphore, #tpu.memory_space<semaphore_mem>>
        %dma_start3A_160 = arith.constant 0 : i32
        %dma_start3A_161 = arith.constant 0 : i32
        %dma_start3A_162 = tpu.memref_slice %arg17[%dma_start3A_160, %dma_start3A_161] : memref<10240x64xf32, #tpu.memory_space<vmem_shared>> -> memref<10240x64xf32, #tpu.memory_space<vmem_shared>>
        tpu.enqueue_indirect_dma source(%arg12 : memref<128x64xf32, #tpu.memory_space<vmem>>) target(%dma_start3A_162 : memref<10240x64xf32, #tpu.memory_space<vmem_shared>>) offsets(%arg14 : memref<128xi32, #tpu.memory_space<vmem>>) semaphore(%run_scoped3A_159 : memref<!tpu.dma_semaphore, #tpu.memory_space<semaphore_mem>>) {add = true}
        %dma_wait3A_163 = arith.constant 0 : i32
        %dma_wait3A_164 = arith.constant 0 : i32
        %dma_wait3A_165 = tpu.memref_slice %arg17[%dma_wait3A_163, %dma_wait3A_164] : memref<10240x64xf32, #tpu.memory_space<vmem_shared>> -> memref<10240x64xf32, #tpu.memory_space<vmem_shared>>
        tpu.wait_indirect_dma semaphore(%run_scoped3A_159 : memref<!tpu.dma_semaphore, #tpu.memory_space<semaphore_mem>>) src(%arg12 : memref<128x64xf32, #tpu.memory_space<vmem>>) dst(%dma_wait3A_165 : memref<10240x64xf32, #tpu.memory_space<vmem_shared>>)
        tpu.yield
      }) : () -> ()
      %scan3A_158 = arith.constant 0 : i32
      scf.yield %scan3A_158 : i32
    }
    %scan3A_122 = arith.constant 162 : i32
    %barrier3A_123 = arith.constant 0 : index
    tpu.barrier barrier_id(%barrier3A_123)
    %mul3A_124 = arith.constant 640 : i32
    %mul3A_125 = arith.muli %arg1, %mul3A_124 : i32
    %mul3A_126 = arith.constant 640 : i32
    %mul3A_127 = arith.muli %arg1, %mul3A_126 : i32
    %run_scoped3A_128 = arith.constant 1 : i32
    "tpu.region"() ({
      %run_scoped3A_129 = tpu.sem_alloc : memref<!tpu.dma_semaphore, #tpu.memory_space<semaphore_mem>>
      %dma_start3A = arith.constant 0 : i32
      %dma_start3A_130 = tpu.memref_slice %arg6[%run_scoped3A_128, %arg0, %mul3A_127, %dma_start3A] : memref<2x2x10240x64xf32, #tpu.memory_space<hbm>> -> memref<1x1x640x64xf32, #tpu.memory_space<hbm>>
      %dma_start3A_131 = tpu.memref_squeeze %dma_start3A_130 : memref<1x1x640x64xf32, #tpu.memory_space<hbm>> -> memref<640x64xf32, #tpu.memory_space<hbm>>
      %dma_start3A_132 = arith.constant 0 : i32
      %dma_start3A_133 = tpu.memref_slice %arg17[%mul3A_125, %dma_start3A_132] : memref<10240x64xf32, #tpu.memory_space<vmem_shared>> -> memref<640x64xf32, #tpu.memory_space<vmem_shared>>
      tpu.enqueue_dma source(%dma_start3A_133 : memref<640x64xf32, #tpu.memory_space<vmem_shared>>) target(%dma_start3A_131 : memref<640x64xf32, #tpu.memory_space<hbm>>) target_semaphore(%run_scoped3A_129 : memref<!tpu.dma_semaphore, #tpu.memory_space<semaphore_mem>>)
      %dma_wait3A = arith.constant 0 : i32
      %dma_wait3A_134 = tpu.memref_slice %arg6[%run_scoped3A_128, %arg0, %mul3A_127, %dma_wait3A] : memref<2x2x10240x64xf32, #tpu.memory_space<hbm>> -> memref<1x1x640x64xf32, #tpu.memory_space<hbm>>
      %dma_wait3A_135 = tpu.memref_squeeze %dma_wait3A_134 : memref<1x1x640x64xf32, #tpu.memory_space<hbm>> -> memref<640x64xf32, #tpu.memory_space<hbm>>
      %dma_wait3A_136 = arith.constant 0 : i32
      %dma_wait3A_137 = tpu.memref_slice %arg17[%mul3A_125, %dma_wait3A_136] : memref<10240x64xf32, #tpu.memory_space<vmem_shared>> -> memref<640x64xf32, #tpu.memory_space<vmem_shared>>
      tpu.wait_dma2 semaphore(%run_scoped3A_129 : memref<!tpu.dma_semaphore, #tpu.memory_space<semaphore_mem>>) src(%dma_wait3A_137 : memref<640x64xf32, #tpu.memory_space<vmem_shared>>) dst(%dma_wait3A_135 : memref<640x64xf32, #tpu.memory_space<hbm>>)
      tpu.yield
    }) : () -> ()
    return
  }
}

#map = affine_map<(d0, d1) -> (0, 0)>
#map1 = affine_map<(d0, d1) -> (0)>
#map2 = affine_map<(d0, d1) -> (0, 0, 0)>
#map3 = affine_map<(d0, d1) -> (0, 0, 0, 0)>
module attributes {stable_mosaic.version = 14 : i64} {
  func.func @k(%arg0: i32, %arg1: i32, %arg2: memref<40960x32xf32, #tpu.memory_space<hbm>>, %arg3: memref<331776xi32, #tpu.memory_space<hbm>>, %arg4: memref<331776xi32, #tpu.memory_space<hbm>>, %arg5: memref<4x2x10240xf32, #tpu.memory_space<hbm>>, %arg6: memref<2x2x10240x32xf32, #tpu.memory_space<hbm>>, %arg7: memref<20736xi32, #tpu.memory_space<vmem>>, %arg8: memref<20736xi32, #tpu.memory_space<vmem>>, %arg9: memref<10240xf32, #tpu.memory_space<vmem>>, %arg10: memref<10240xf32, #tpu.memory_space<vmem>>, %arg11: memref<80x128xf32, #tpu.memory_space<vmem>>, %arg12: memref<128x32xf32, #tpu.memory_space<vmem>>, %arg13: memref<128xi32, #tpu.memory_space<vmem>>, %arg14: memref<128xi32, #tpu.memory_space<vmem>>, %arg15: memref<128xf32, #tpu.memory_space<vmem>>, %arg16: memref<80xi32, #tpu.memory_space<vmem>>, %arg17: memref<10240x32xf32, #tpu.memory_space<vmem_shared>>, %arg18: memref<80x128xf32, #tpu.memory_space<vmem_shared>>, %arg19: memref<!tpu.dma_semaphore, #tpu.memory_space<semaphore_mem>>) attributes {dimension_semantics = [#tpu.dimension_semantics<core_parallel>, #tpu.dimension_semantics<subcore_parallel>], iteration_bounds = array<i64: 2, 16>, scalar_prefetch = 0 : i64, scratch_operands = 13 : i64, tpu.core_type = #tpu.core_type<sc_vector_subcore>, window_params = [{transform_indices = #map}, {transform_indices = #map1}, {transform_indices = #map1}, {transform_indices = #map2}, {transform_indices = #map3}]} {
    %mul3A = arith.constant 20736 : i32
    %mul3A_0 = arith.muli %arg1, %mul3A : i32
    "tpu.region"() ({
      %run_scoped3A_129 = tpu.sem_alloc : memref<!tpu.dma_semaphore, #tpu.memory_space<semaphore_mem>>
      %dma_start3A = tpu.memref_slice %arg3[%mul3A_0] : memref<331776xi32, #tpu.memory_space<hbm>> -> memref<20736xi32, #tpu.memory_space<hbm>>
      %dma_start3A_130 = tpu.memref_slice %arg3[%mul3A_0] : memref<331776xi32, #tpu.memory_space<hbm>> -> memref<20736xi32, #tpu.memory_space<hbm>>
      tpu.enqueue_dma source(%dma_start3A_130 : memref<20736xi32, #tpu.memory_space<hbm>>) target(%arg7 : memref<20736xi32, #tpu.memory_space<vmem>>) target_semaphore(%run_scoped3A_129 : memref<!tpu.dma_semaphore, #tpu.memory_space<semaphore_mem>>)
      %dma_wait3A = tpu.memref_slice %arg3[%mul3A_0] : memref<331776xi32, #tpu.memory_space<hbm>> -> memref<20736xi32, #tpu.memory_space<hbm>>
      %dma_wait3A_131 = tpu.memref_slice %arg3[%mul3A_0] : memref<331776xi32, #tpu.memory_space<hbm>> -> memref<20736xi32, #tpu.memory_space<hbm>>
      tpu.wait_dma2 semaphore(%run_scoped3A_129 : memref<!tpu.dma_semaphore, #tpu.memory_space<semaphore_mem>>) src(%dma_wait3A_131 : memref<20736xi32, #tpu.memory_space<hbm>>) dst(%arg7 : memref<20736xi32, #tpu.memory_space<vmem>>)
      tpu.yield
    }) : () -> ()
    "tpu.region"() ({
      %run_scoped3A_129 = tpu.sem_alloc : memref<!tpu.dma_semaphore, #tpu.memory_space<semaphore_mem>>
      %dma_start3A = tpu.memref_slice %arg4[%mul3A_0] : memref<331776xi32, #tpu.memory_space<hbm>> -> memref<20736xi32, #tpu.memory_space<hbm>>
      %dma_start3A_130 = tpu.memref_slice %arg4[%mul3A_0] : memref<331776xi32, #tpu.memory_space<hbm>> -> memref<20736xi32, #tpu.memory_space<hbm>>
      tpu.enqueue_dma source(%dma_start3A_130 : memref<20736xi32, #tpu.memory_space<hbm>>) target(%arg8 : memref<20736xi32, #tpu.memory_space<vmem>>) target_semaphore(%run_scoped3A_129 : memref<!tpu.dma_semaphore, #tpu.memory_space<semaphore_mem>>)
      %dma_wait3A = tpu.memref_slice %arg4[%mul3A_0] : memref<331776xi32, #tpu.memory_space<hbm>> -> memref<20736xi32, #tpu.memory_space<hbm>>
      %dma_wait3A_131 = tpu.memref_slice %arg4[%mul3A_0] : memref<331776xi32, #tpu.memory_space<hbm>> -> memref<20736xi32, #tpu.memory_space<hbm>>
      tpu.wait_dma2 semaphore(%run_scoped3A_129 : memref<!tpu.dma_semaphore, #tpu.memory_space<semaphore_mem>>) src(%dma_wait3A_131 : memref<20736xi32, #tpu.memory_space<hbm>>) dst(%arg8 : memref<20736xi32, #tpu.memory_space<vmem>>)
      tpu.yield
    }) : () -> ()
    %broadcast_in_dim3A = arith.constant 0.000000e+00 : f32
    %broadcast_in_dim3A_1 = vector.broadcast %broadcast_in_dim3A : f32 to vector<16xf32>
    %iota3A = tpu.iota {dimensions = array<i32: 0>} : vector<16xi32>
    %scan3A = arith.constant 0 : i32
    %scan3A_2 = arith.constant 0 : i32
    %scan3A_3 = arith.constant 128 : i32
    %scan3A_4 = arith.addi %scan3A_2, %scan3A_3 : i32
    %scan3A_5 = arith.constant 1 : i32
    %scan3A_6 = scf.for %scan3A_129 = %scan3A_2 to %scan3A_4 step %scan3A_5 iter_args(%scan3A_130 = %scan3A) -> (i32)  : i32 {
      %swap3A = arith.index_cast %scan3A_129 : i32 to index
      %swap3A_131 = arith.constant 0 : index
      %swap3A_132 = tpu.vector_load %arg12[%swap3A, %swap3A_131] {strides = array<i32>} : memref<128x32xf32, #tpu.memory_space<vmem>>, vector<16xf32>,
      tpu.vector_store %arg12[%swap3A, %swap3A_131], %broadcast_in_dim3A_1 {strides = array<i32>} : memref<128x32xf32, #tpu.memory_space<vmem>>, vector<16xf32>,
      %swap3A_133 = arith.index_cast %scan3A_129 : i32 to index
      %swap3A_134 = arith.constant 16 : index
      %swap3A_135 = tpu.vector_load %arg12[%swap3A_133, %swap3A_134] {strides = array<i32>} : memref<128x32xf32, #tpu.memory_space<vmem>>, vector<16xf32>,
      tpu.vector_store %arg12[%swap3A_133, %swap3A_134], %broadcast_in_dim3A_1 {strides = array<i32>} : memref<128x32xf32, #tpu.memory_space<vmem>>, vector<16xf32>,
      %scan3A_136 = arith.constant 0 : i32
      scf.yield %scan3A_136 : i32
    }
    %scan3A_7 = arith.constant 128 : i32
    %scan3A_8 = arith.constant 0 : i32
    %scan3A_9 = arith.constant 0 : i32
    %scan3A_10 = arith.constant 5 : i32
    %scan3A_11 = arith.addi %scan3A_9, %scan3A_10 : i32
    %scan3A_12 = arith.constant 1 : i32
    %scan3A_13 = scf.for %scan3A_129 = %scan3A_9 to %scan3A_11 step %scan3A_12 iter_args(%scan3A_130 = %scan3A_8) -> (i32)  : i32 {
      %mul3A_131 = arith.constant 16 : i32
      %mul3A_132 = arith.muli %scan3A_129, %mul3A_131 : i32
      %add3A_133 = vector.broadcast %mul3A_132 : i32 to vector<16xi32>
      %add3A_134 = arith.addi %iota3A, %add3A_133 : vector<16xi32>
      %mul3A_135 = arith.constant 16 : i32
      %mul3A_136 = arith.muli %scan3A_129, %mul3A_135 : i32
      %swap3A = arith.index_cast %mul3A_136 : i32 to index
      %swap3A_137 = tpu.vector_load %arg16[%swap3A] {strides = array<i32>} : memref<80xi32, #tpu.memory_space<vmem>>, vector<16xi32>,
      tpu.vector_store %arg16[%swap3A], %add3A_134 {strides = array<i32>} : memref<80xi32, #tpu.memory_space<vmem>>, vector<16xi32>,
      %scan3A_138 = arith.constant 0 : i32
      scf.yield %scan3A_138 : i32
    }
    %scan3A_14 = arith.constant 5 : i32
    %add3A = arith.constant 0 : i32
    %add3A_15 = arith.addi %add3A, %arg0 : i32
    %run_scoped3A = arith.constant 0 : i32
    "tpu.region"() ({
      %run_scoped3A_129 = tpu.sem_alloc : memref<!tpu.dma_semaphore, #tpu.memory_space<semaphore_mem>>
      %dma_start3A = arith.constant 0 : i32
      %dma_start3A_130 = tpu.memref_slice %arg5[%add3A_15, %run_scoped3A, %dma_start3A] : memref<4x2x10240xf32, #tpu.memory_space<hbm>> -> memref<1x1x10240xf32, #tpu.memory_space<hbm>>
      %dma_start3A_131 = tpu.memref_squeeze %dma_start3A_130 : memref<1x1x10240xf32, #tpu.memory_space<hbm>> -> memref<10240xf32, #tpu.memory_space<hbm>>
      %dma_start3A_132 = arith.constant 0 : i32
      %dma_start3A_133 = tpu.memref_slice %arg5[%add3A_15, %run_scoped3A, %dma_start3A_132] : memref<4x2x10240xf32, #tpu.memory_space<hbm>> -> memref<1x1x10240xf32, #tpu.memory_space<hbm>>
      %dma_start3A_134 = tpu.memref_squeeze %dma_start3A_133 : memref<1x1x10240xf32, #tpu.memory_space<hbm>> -> memref<10240xf32, #tpu.memory_space<hbm>>
      tpu.enqueue_dma source(%dma_start3A_134 : memref<10240xf32, #tpu.memory_space<hbm>>) target(%arg9 : memref<10240xf32, #tpu.memory_space<vmem>>) target_semaphore(%run_scoped3A_129 : memref<!tpu.dma_semaphore, #tpu.memory_space<semaphore_mem>>)
      %dma_wait3A = arith.constant 0 : i32
      %dma_wait3A_135 = tpu.memref_slice %arg5[%add3A_15, %run_scoped3A, %dma_wait3A] : memref<4x2x10240xf32, #tpu.memory_space<hbm>> -> memref<1x1x10240xf32, #tpu.memory_space<hbm>>
      %dma_wait3A_136 = tpu.memref_squeeze %dma_wait3A_135 : memref<1x1x10240xf32, #tpu.memory_space<hbm>> -> memref<10240xf32, #tpu.memory_space<hbm>>
      %dma_wait3A_137 = arith.constant 0 : i32
      %dma_wait3A_138 = tpu.memref_slice %arg5[%add3A_15, %run_scoped3A, %dma_wait3A_137] : memref<4x2x10240xf32, #tpu.memory_space<hbm>> -> memref<1x1x10240xf32, #tpu.memory_space<hbm>>
      %dma_wait3A_139 = tpu.memref_squeeze %dma_wait3A_138 : memref<1x1x10240xf32, #tpu.memory_space<hbm>> -> memref<10240xf32, #tpu.memory_space<hbm>>
      tpu.wait_dma2 semaphore(%run_scoped3A_129 : memref<!tpu.dma_semaphore, #tpu.memory_space<semaphore_mem>>) src(%dma_wait3A_139 : memref<10240xf32, #tpu.memory_space<hbm>>) dst(%arg9 : memref<10240xf32, #tpu.memory_space<vmem>>)
      tpu.yield
    }) : () -> ()
    %run_scoped3A_16 = arith.constant 1 : i32
    "tpu.region"() ({
      %run_scoped3A_129 = tpu.sem_alloc : memref<!tpu.dma_semaphore, #tpu.memory_space<semaphore_mem>>
      %dma_start3A = arith.constant 0 : i32
      %dma_start3A_130 = tpu.memref_slice %arg5[%add3A_15, %run_scoped3A_16, %dma_start3A] : memref<4x2x10240xf32, #tpu.memory_space<hbm>> -> memref<1x1x10240xf32, #tpu.memory_space<hbm>>
      %dma_start3A_131 = tpu.memref_squeeze %dma_start3A_130 : memref<1x1x10240xf32, #tpu.memory_space<hbm>> -> memref<10240xf32, #tpu.memory_space<hbm>>
      %dma_start3A_132 = arith.constant 0 : i32
      %dma_start3A_133 = tpu.memref_slice %arg5[%add3A_15, %run_scoped3A_16, %dma_start3A_132] : memref<4x2x10240xf32, #tpu.memory_space<hbm>> -> memref<1x1x10240xf32, #tpu.memory_space<hbm>>
      %dma_start3A_134 = tpu.memref_squeeze %dma_start3A_133 : memref<1x1x10240xf32, #tpu.memory_space<hbm>> -> memref<10240xf32, #tpu.memory_space<hbm>>
      tpu.enqueue_dma source(%dma_start3A_134 : memref<10240xf32, #tpu.memory_space<hbm>>) target(%arg10 : memref<10240xf32, #tpu.memory_space<vmem>>) target_semaphore(%run_scoped3A_129 : memref<!tpu.dma_semaphore, #tpu.memory_space<semaphore_mem>>)
      %dma_wait3A = arith.constant 0 : i32
      %dma_wait3A_135 = tpu.memref_slice %arg5[%add3A_15, %run_scoped3A_16, %dma_wait3A] : memref<4x2x10240xf32, #tpu.memory_space<hbm>> -> memref<1x1x10240xf32, #tpu.memory_space<hbm>>
      %dma_wait3A_136 = tpu.memref_squeeze %dma_wait3A_135 : memref<1x1x10240xf32, #tpu.memory_space<hbm>> -> memref<10240xf32, #tpu.memory_space<hbm>>
      %dma_wait3A_137 = arith.constant 0 : i32
      %dma_wait3A_138 = tpu.memref_slice %arg5[%add3A_15, %run_scoped3A_16, %dma_wait3A_137] : memref<4x2x10240xf32, #tpu.memory_space<hbm>> -> memref<1x1x10240xf32, #tpu.memory_space<hbm>>
      %dma_wait3A_139 = tpu.memref_squeeze %dma_wait3A_138 : memref<1x1x10240xf32, #tpu.memory_space<hbm>> -> memref<10240xf32, #tpu.memory_space<hbm>>
      tpu.wait_dma2 semaphore(%run_scoped3A_129 : memref<!tpu.dma_semaphore, #tpu.memory_space<semaphore_mem>>) src(%dma_wait3A_139 : memref<10240xf32, #tpu.memory_space<hbm>>) dst(%arg10 : memref<10240xf32, #tpu.memory_space<vmem>>)
      tpu.yield
    }) : () -> ()
    %scan3A_17 = arith.constant 0 : i32
    %scan3A_18 = arith.constant 0 : i32
    %scan3A_19 = arith.constant 80 : i32
    %scan3A_20 = arith.addi %scan3A_18, %scan3A_19 : i32
    %scan3A_21 = arith.constant 1 : i32
    %scan3A_22 = scf.for %scan3A_129 = %scan3A_18 to %scan3A_20 step %scan3A_21 iter_args(%scan3A_130 = %scan3A_17) -> (i32)  : i32 {
      %swap3A = arith.index_cast %scan3A_129 : i32 to index
      %swap3A_131 = arith.constant 0 : index
      %swap3A_132 = tpu.vector_load %arg11[%swap3A, %swap3A_131] {strides = array<i32>} : memref<80x128xf32, #tpu.memory_space<vmem>>, vector<16xf32>,
      tpu.vector_store %arg11[%swap3A, %swap3A_131], %broadcast_in_dim3A_1 {strides = array<i32>} : memref<80x128xf32, #tpu.memory_space<vmem>>, vector<16xf32>,
      %swap3A_133 = arith.index_cast %scan3A_129 : i32 to index
      %swap3A_134 = arith.constant 16 : index
      %swap3A_135 = tpu.vector_load %arg11[%swap3A_133, %swap3A_134] {strides = array<i32>} : memref<80x128xf32, #tpu.memory_space<vmem>>, vector<16xf32>,
      tpu.vector_store %arg11[%swap3A_133, %swap3A_134], %broadcast_in_dim3A_1 {strides = array<i32>} : memref<80x128xf32, #tpu.memory_space<vmem>>, vector<16xf32>,
      %swap3A_136 = arith.index_cast %scan3A_129 : i32 to index
      %swap3A_137 = arith.constant 32 : index
      %swap3A_138 = tpu.vector_load %arg11[%swap3A_136, %swap3A_137] {strides = array<i32>} : memref<80x128xf32, #tpu.memory_space<vmem>>, vector<16xf32>,
      tpu.vector_store %arg11[%swap3A_136, %swap3A_137], %broadcast_in_dim3A_1 {strides = array<i32>} : memref<80x128xf32, #tpu.memory_space<vmem>>, vector<16xf32>,
      %swap3A_139 = arith.index_cast %scan3A_129 : i32 to index
      %swap3A_140 = arith.constant 48 : index
      %swap3A_141 = tpu.vector_load %arg11[%swap3A_139, %swap3A_140] {strides = array<i32>} : memref<80x128xf32, #tpu.memory_space<vmem>>, vector<16xf32>,
      tpu.vector_store %arg11[%swap3A_139, %swap3A_140], %broadcast_in_dim3A_1 {strides = array<i32>} : memref<80x128xf32, #tpu.memory_space<vmem>>, vector<16xf32>,
      %swap3A_142 = arith.index_cast %scan3A_129 : i32 to index
      %swap3A_143 = arith.constant 64 : index
      %swap3A_144 = tpu.vector_load %arg11[%swap3A_142, %swap3A_143] {strides = array<i32>} : memref<80x128xf32, #tpu.memory_space<vmem>>, vector<16xf32>,
      tpu.vector_store %arg11[%swap3A_142, %swap3A_143], %broadcast_in_dim3A_1 {strides = array<i32>} : memref<80x128xf32, #tpu.memory_space<vmem>>, vector<16xf32>,
      %swap3A_145 = arith.index_cast %scan3A_129 : i32 to index
      %swap3A_146 = arith.constant 80 : index
      %swap3A_147 = tpu.vector_load %arg11[%swap3A_145, %swap3A_146] {strides = array<i32>} : memref<80x128xf32, #tpu.memory_space<vmem>>, vector<16xf32>,
      tpu.vector_store %arg11[%swap3A_145, %swap3A_146], %broadcast_in_dim3A_1 {strides = array<i32>} : memref<80x128xf32, #tpu.memory_space<vmem>>, vector<16xf32>,
      %swap3A_148 = arith.index_cast %scan3A_129 : i32 to index
      %swap3A_149 = arith.constant 96 : index
      %swap3A_150 = tpu.vector_load %arg11[%swap3A_148, %swap3A_149] {strides = array<i32>} : memref<80x128xf32, #tpu.memory_space<vmem>>, vector<16xf32>,
      tpu.vector_store %arg11[%swap3A_148, %swap3A_149], %broadcast_in_dim3A_1 {strides = array<i32>} : memref<80x128xf32, #tpu.memory_space<vmem>>, vector<16xf32>,
      %swap3A_151 = arith.index_cast %scan3A_129 : i32 to index
      %swap3A_152 = arith.constant 112 : index
      %swap3A_153 = tpu.vector_load %arg11[%swap3A_151, %swap3A_152] {strides = array<i32>} : memref<80x128xf32, #tpu.memory_space<vmem>>, vector<16xf32>,
      tpu.vector_store %arg11[%swap3A_151, %swap3A_152], %broadcast_in_dim3A_1 {strides = array<i32>} : memref<80x128xf32, #tpu.memory_space<vmem>>, vector<16xf32>,
      %scan3A_154 = arith.constant 0 : i32
      scf.yield %scan3A_154 : i32
    }
    %scan3A_23 = arith.constant 80 : i32
    %mul3A_24 = arith.constant 640 : i32
    %mul3A_25 = arith.muli %arg1, %mul3A_24 : i32
    %add3A_26 = arith.constant 0 : i32
    %add3A_27 = arith.addi %mul3A_25, %add3A_26 : i32
    "tpu.region"() ({
      %run_scoped3A_129 = tpu.sem_alloc : memref<!tpu.dma_semaphore, #tpu.memory_space<semaphore_mem>>
      %dma_start3A = arith.constant 0 : i32
      %dma_start3A_130 = tpu.memref_slice %arg17[%add3A_27, %dma_start3A] : memref<10240x32xf32, #tpu.memory_space<vmem_shared>> -> memref<128x32xf32, #tpu.memory_space<vmem_shared>>
      %dma_start3A_131 = arith.constant 0 : i32
      %dma_start3A_132 = tpu.memref_slice %arg17[%add3A_27, %dma_start3A_131] : memref<10240x32xf32, #tpu.memory_space<vmem_shared>> -> memref<128x32xf32, #tpu.memory_space<vmem_shared>>
      tpu.enqueue_dma source(%arg12 : memref<128x32xf32, #tpu.memory_space<vmem>>) target(%dma_start3A_132 : memref<128x32xf32, #tpu.memory_space<vmem_shared>>) target_semaphore(%run_scoped3A_129 : memref<!tpu.dma_semaphore, #tpu.memory_space<semaphore_mem>>)
      %dma_wait3A = arith.constant 0 : i32
      %dma_wait3A_133 = tpu.memref_slice %arg17[%add3A_27, %dma_wait3A] : memref<10240x32xf32, #tpu.memory_space<vmem_shared>> -> memref<128x32xf32, #tpu.memory_space<vmem_shared>>
      %dma_wait3A_134 = arith.constant 0 : i32
      %dma_wait3A_135 = tpu.memref_slice %arg17[%add3A_27, %dma_wait3A_134] : memref<10240x32xf32, #tpu.memory_space<vmem_shared>> -> memref<128x32xf32, #tpu.memory_space<vmem_shared>>
      tpu.wait_dma2 semaphore(%run_scoped3A_129 : memref<!tpu.dma_semaphore, #tpu.memory_space<semaphore_mem>>) src(%arg12 : memref<128x32xf32, #tpu.memory_space<vmem>>) dst(%dma_wait3A_135 : memref<128x32xf32, #tpu.memory_space<vmem_shared>>)
      tpu.yield
    }) : () -> ()
    %mul3A_28 = arith.constant 640 : i32
    %mul3A_29 = arith.muli %arg1, %mul3A_28 : i32
    %add3A_30 = arith.constant 128 : i32
    %add3A_31 = arith.addi %mul3A_29, %add3A_30 : i32
    "tpu.region"() ({
      %run_scoped3A_129 = tpu.sem_alloc : memref<!tpu.dma_semaphore, #tpu.memory_space<semaphore_mem>>
      %dma_start3A = arith.constant 0 : i32
      %dma_start3A_130 = tpu.memref_slice %arg17[%add3A_31, %dma_start3A] : memref<10240x32xf32, #tpu.memory_space<vmem_shared>> -> memref<128x32xf32, #tpu.memory_space<vmem_shared>>
      %dma_start3A_131 = arith.constant 0 : i32
      %dma_start3A_132 = tpu.memref_slice %arg17[%add3A_31, %dma_start3A_131] : memref<10240x32xf32, #tpu.memory_space<vmem_shared>> -> memref<128x32xf32, #tpu.memory_space<vmem_shared>>
      tpu.enqueue_dma source(%arg12 : memref<128x32xf32, #tpu.memory_space<vmem>>) target(%dma_start3A_132 : memref<128x32xf32, #tpu.memory_space<vmem_shared>>) target_semaphore(%run_scoped3A_129 : memref<!tpu.dma_semaphore, #tpu.memory_space<semaphore_mem>>)
      %dma_wait3A = arith.constant 0 : i32
      %dma_wait3A_133 = tpu.memref_slice %arg17[%add3A_31, %dma_wait3A] : memref<10240x32xf32, #tpu.memory_space<vmem_shared>> -> memref<128x32xf32, #tpu.memory_space<vmem_shared>>
      %dma_wait3A_134 = arith.constant 0 : i32
      %dma_wait3A_135 = tpu.memref_slice %arg17[%add3A_31, %dma_wait3A_134] : memref<10240x32xf32, #tpu.memory_space<vmem_shared>> -> memref<128x32xf32, #tpu.memory_space<vmem_shared>>
      tpu.wait_dma2 semaphore(%run_scoped3A_129 : memref<!tpu.dma_semaphore, #tpu.memory_space<semaphore_mem>>) src(%arg12 : memref<128x32xf32, #tpu.memory_space<vmem>>) dst(%dma_wait3A_135 : memref<128x32xf32, #tpu.memory_space<vmem_shared>>)
      tpu.yield
    }) : () -> ()
    %mul3A_32 = arith.constant 640 : i32
    %mul3A_33 = arith.muli %arg1, %mul3A_32 : i32
    %add3A_34 = arith.constant 256 : i32
    %add3A_35 = arith.addi %mul3A_33, %add3A_34 : i32
    "tpu.region"() ({
      %run_scoped3A_129 = tpu.sem_alloc : memref<!tpu.dma_semaphore, #tpu.memory_space<semaphore_mem>>
      %dma_start3A = arith.constant 0 : i32
      %dma_start3A_130 = tpu.memref_slice %arg17[%add3A_35, %dma_start3A] : memref<10240x32xf32, #tpu.memory_space<vmem_shared>> -> memref<128x32xf32, #tpu.memory_space<vmem_shared>>
      %dma_start3A_131 = arith.constant 0 : i32
      %dma_start3A_132 = tpu.memref_slice %arg17[%add3A_35, %dma_start3A_131] : memref<10240x32xf32, #tpu.memory_space<vmem_shared>> -> memref<128x32xf32, #tpu.memory_space<vmem_shared>>
      tpu.enqueue_dma source(%arg12 : memref<128x32xf32, #tpu.memory_space<vmem>>) target(%dma_start3A_132 : memref<128x32xf32, #tpu.memory_space<vmem_shared>>) target_semaphore(%run_scoped3A_129 : memref<!tpu.dma_semaphore, #tpu.memory_space<semaphore_mem>>)
      %dma_wait3A = arith.constant 0 : i32
      %dma_wait3A_133 = tpu.memref_slice %arg17[%add3A_35, %dma_wait3A] : memref<10240x32xf32, #tpu.memory_space<vmem_shared>> -> memref<128x32xf32, #tpu.memory_space<vmem_shared>>
      %dma_wait3A_134 = arith.constant 0 : i32
      %dma_wait3A_135 = tpu.memref_slice %arg17[%add3A_35, %dma_wait3A_134] : memref<10240x32xf32, #tpu.memory_space<vmem_shared>> -> memref<128x32xf32, #tpu.memory_space<vmem_shared>>
      tpu.wait_dma2 semaphore(%run_scoped3A_129 : memref<!tpu.dma_semaphore, #tpu.memory_space<semaphore_mem>>) src(%arg12 : memref<128x32xf32, #tpu.memory_space<vmem>>) dst(%dma_wait3A_135 : memref<128x32xf32, #tpu.memory_space<vmem_shared>>)
      tpu.yield
    }) : () -> ()
    %mul3A_36 = arith.constant 640 : i32
    %mul3A_37 = arith.muli %arg1, %mul3A_36 : i32
    %add3A_38 = arith.constant 384 : i32
    %add3A_39 = arith.addi %mul3A_37, %add3A_38 : i32
    "tpu.region"() ({
      %run_scoped3A_129 = tpu.sem_alloc : memref<!tpu.dma_semaphore, #tpu.memory_space<semaphore_mem>>
      %dma_start3A = arith.constant 0 : i32
      %dma_start3A_130 = tpu.memref_slice %arg17[%add3A_39, %dma_start3A] : memref<10240x32xf32, #tpu.memory_space<vmem_shared>> -> memref<128x32xf32, #tpu.memory_space<vmem_shared>>
      %dma_start3A_131 = arith.constant 0 : i32
      %dma_start3A_132 = tpu.memref_slice %arg17[%add3A_39, %dma_start3A_131] : memref<10240x32xf32, #tpu.memory_space<vmem_shared>> -> memref<128x32xf32, #tpu.memory_space<vmem_shared>>
      tpu.enqueue_dma source(%arg12 : memref<128x32xf32, #tpu.memory_space<vmem>>) target(%dma_start3A_132 : memref<128x32xf32, #tpu.memory_space<vmem_shared>>) target_semaphore(%run_scoped3A_129 : memref<!tpu.dma_semaphore, #tpu.memory_space<semaphore_mem>>)
      %dma_wait3A = arith.constant 0 : i32
      %dma_wait3A_133 = tpu.memref_slice %arg17[%add3A_39, %dma_wait3A] : memref<10240x32xf32, #tpu.memory_space<vmem_shared>> -> memref<128x32xf32, #tpu.memory_space<vmem_shared>>
      %dma_wait3A_134 = arith.constant 0 : i32
      %dma_wait3A_135 = tpu.memref_slice %arg17[%add3A_39, %dma_wait3A_134] : memref<10240x32xf32, #tpu.memory_space<vmem_shared>> -> memref<128x32xf32, #tpu.memory_space<vmem_shared>>
      tpu.wait_dma2 semaphore(%run_scoped3A_129 : memref<!tpu.dma_semaphore, #tpu.memory_space<semaphore_mem>>) src(%arg12 : memref<128x32xf32, #tpu.memory_space<vmem>>) dst(%dma_wait3A_135 : memref<128x32xf32, #tpu.memory_space<vmem_shared>>)
      tpu.yield
    }) : () -> ()
    %mul3A_40 = arith.constant 640 : i32
    %mul3A_41 = arith.muli %arg1, %mul3A_40 : i32
    %add3A_42 = arith.constant 512 : i32
    %add3A_43 = arith.addi %mul3A_41, %add3A_42 : i32
    "tpu.region"() ({
      %run_scoped3A_129 = tpu.sem_alloc : memref<!tpu.dma_semaphore, #tpu.memory_space<semaphore_mem>>
      %dma_start3A = arith.constant 0 : i32
      %dma_start3A_130 = tpu.memref_slice %arg17[%add3A_43, %dma_start3A] : memref<10240x32xf32, #tpu.memory_space<vmem_shared>> -> memref<128x32xf32, #tpu.memory_space<vmem_shared>>
      %dma_start3A_131 = arith.constant 0 : i32
      %dma_start3A_132 = tpu.memref_slice %arg17[%add3A_43, %dma_start3A_131] : memref<10240x32xf32, #tpu.memory_space<vmem_shared>> -> memref<128x32xf32, #tpu.memory_space<vmem_shared>>
      tpu.enqueue_dma source(%arg12 : memref<128x32xf32, #tpu.memory_space<vmem>>) target(%dma_start3A_132 : memref<128x32xf32, #tpu.memory_space<vmem_shared>>) target_semaphore(%run_scoped3A_129 : memref<!tpu.dma_semaphore, #tpu.memory_space<semaphore_mem>>)
      %dma_wait3A = arith.constant 0 : i32
      %dma_wait3A_133 = tpu.memref_slice %arg17[%add3A_43, %dma_wait3A] : memref<10240x32xf32, #tpu.memory_space<vmem_shared>> -> memref<128x32xf32, #tpu.memory_space<vmem_shared>>
      %dma_wait3A_134 = arith.constant 0 : i32
      %dma_wait3A_135 = tpu.memref_slice %arg17[%add3A_43, %dma_wait3A_134] : memref<10240x32xf32, #tpu.memory_space<vmem_shared>> -> memref<128x32xf32, #tpu.memory_space<vmem_shared>>
      tpu.wait_dma2 semaphore(%run_scoped3A_129 : memref<!tpu.dma_semaphore, #tpu.memory_space<semaphore_mem>>) src(%arg12 : memref<128x32xf32, #tpu.memory_space<vmem>>) dst(%dma_wait3A_135 : memref<128x32xf32, #tpu.memory_space<vmem_shared>>)
      tpu.yield
    }) : () -> ()
    %mul3A_44 = arith.constant 5 : i32
    %mul3A_45 = arith.muli %arg1, %mul3A_44 : i32
    "tpu.region"() ({
      %run_scoped3A_129 = tpu.sem_alloc : memref<!tpu.dma_semaphore, #tpu.memory_space<semaphore_mem>>
      %dma_start3A = arith.constant 0 : i32
      %dma_start3A_130 = arith.constant 0 : i32
      %dma_start3A_131 = tpu.memref_slice %arg11[%dma_start3A, %dma_start3A_130] : memref<80x128xf32, #tpu.memory_space<vmem>> -> memref<5x128xf32, #tpu.memory_space<vmem>>
      %dma_start3A_132 = arith.constant 0 : i32
      %dma_start3A_133 = tpu.memref_slice %arg18[%mul3A_45, %dma_start3A_132] : memref<80x128xf32, #tpu.memory_space<vmem_shared>> -> memref<5x128xf32, #tpu.memory_space<vmem_shared>>
      %dma_start3A_134 = arith.constant 0 : i32
      %dma_start3A_135 = tpu.memref_slice %arg18[%mul3A_45, %dma_start3A_134] : memref<80x128xf32, #tpu.memory_space<vmem_shared>> -> memref<5x128xf32, #tpu.memory_space<vmem_shared>>
      %dma_start3A_136 = arith.constant 0 : i32
      %dma_start3A_137 = arith.constant 0 : i32
      %dma_start3A_138 = tpu.memref_slice %arg11[%dma_start3A_136, %dma_start3A_137] : memref<80x128xf32, #tpu.memory_space<vmem>> -> memref<5x128xf32, #tpu.memory_space<vmem>>
      tpu.enqueue_dma source(%dma_start3A_138 : memref<5x128xf32, #tpu.memory_space<vmem>>) target(%dma_start3A_135 : memref<5x128xf32, #tpu.memory_space<vmem_shared>>) target_semaphore(%run_scoped3A_129 : memref<!tpu.dma_semaphore, #tpu.memory_space<semaphore_mem>>)
      %dma_wait3A = arith.constant 0 : i32
      %dma_wait3A_139 = arith.constant 0 : i32
      %dma_wait3A_140 = tpu.memref_slice %arg11[%dma_wait3A, %dma_wait3A_139] : memref<80x128xf32, #tpu.memory_space<vmem>> -> memref<5x128xf32, #tpu.memory_space<vmem>>
      %dma_wait3A_141 = arith.constant 0 : i32
      %dma_wait3A_142 = tpu.memref_slice %arg18[%mul3A_45, %dma_wait3A_141] : memref<80x128xf32, #tpu.memory_space<vmem_shared>> -> memref<5x128xf32, #tpu.memory_space<vmem_shared>>
      %dma_wait3A_143 = arith.constant 0 : i32
      %dma_wait3A_144 = tpu.memref_slice %arg18[%mul3A_45, %dma_wait3A_143] : memref<80x128xf32, #tpu.memory_space<vmem_shared>> -> memref<5x128xf32, #tpu.memory_space<vmem_shared>>
      %dma_wait3A_145 = arith.constant 0 : i32
      %dma_wait3A_146 = arith.constant 0 : i32
      %dma_wait3A_147 = tpu.memref_slice %arg11[%dma_wait3A_145, %dma_wait3A_146] : memref<80x128xf32, #tpu.memory_space<vmem>> -> memref<5x128xf32, #tpu.memory_space<vmem>>
      tpu.wait_dma2 semaphore(%run_scoped3A_129 : memref<!tpu.dma_semaphore, #tpu.memory_space<semaphore_mem>>) src(%dma_wait3A_147 : memref<5x128xf32, #tpu.memory_space<vmem>>) dst(%dma_wait3A_144 : memref<5x128xf32, #tpu.memory_space<vmem_shared>>)
      tpu.yield
    }) : () -> ()
    %barrier3A = arith.constant 0 : index
    tpu.barrier barrier_id(%barrier3A)
    %scan3A_46 = arith.constant 0 : i32
    %scan3A_47 = arith.constant 0 : i32
    %scan3A_48 = arith.constant 1296 : i32
    %scan3A_49 = arith.addi %scan3A_47, %scan3A_48 : i32
    %scan3A_50 = arith.constant 1 : i32
    %scan3A_51 = scf.for %scan3A_129 = %scan3A_47 to %scan3A_49 step %scan3A_50 iter_args(%scan3A_130 = %scan3A_46) -> (i32)  : i32 {
      %mul3A_131 = arith.constant 16 : i32
      %mul3A_132 = arith.muli %scan3A_129, %mul3A_131 : i32
      %get3A = arith.index_cast %mul3A_132 : i32 to index
      %get3A_133 = tpu.vector_load %arg7[%get3A] {strides = array<i32>} : memref<20736xi32, #tpu.memory_space<vmem>>, vector<16xi32>,
      %get3A_134 = arith.index_cast %mul3A_132 : i32 to index
      %get3A_135 = tpu.vector_load %arg8[%get3A_134] {strides = array<i32>} : memref<20736xi32, #tpu.memory_space<vmem>>, vector<16xi32>,
      %shift_right_logical3A = arith.constant 7 : i32
      %shift_right_logical3A_136 = vector.broadcast %shift_right_logical3A : i32 to vector<16xi32>
      %shift_right_logical3A_137 = arith.shrui %get3A_135, %shift_right_logical3A_136 : vector<16xi32>
      %and3A = arith.constant 127 : i32
      %and3A_138 = vector.broadcast %and3A : i32 to vector<16xi32>
      %and3A_139 = arith.andi %get3A_135, %and3A_138 : vector<16xi32>
      %gather3A = tpu.vector_load_idx %arg9[%get3A_133] : memref<10240xf32, #tpu.memory_space<vmem>>[vector<16xi32>], vector<16xf32>,
      %gather3A_140 = tpu.vector_load_idx %arg10[%get3A_135] : memref<10240xf32, #tpu.memory_space<vmem>>[vector<16xi32>], vector<16xf32>,
      %add3A_141 = arith.addf %gather3A, %gather3A_140 : vector<16xf32>
      %gt3A = arith.constant 0.000000e+00 : f32
      %gt3A_142 = vector.broadcast %gt3A : f32 to vector<16xf32>
      %gt3A_143 = arith.cmpf ogt, %add3A_141, %gt3A_142 : vector<16xf32>
      %mul3A_144 = arith.constant 2.000000e-01 : f32
      %mul3A_145 = vector.broadcast %mul3A_144 : f32 to vector<16xf32>
      %mul3A_146 = arith.mulf %mul3A_145, %add3A_141 : vector<16xf32>
      %select_n3A = arith.select %gt3A_143, %add3A_141, %mul3A_146 : vector<16xi1>, vector<16xf32>
      %exp3A = math.exp %select_n3A : vector<16xf32>
      tpu.vector_store_idx %arg11[%shift_right_logical3A_137, %and3A_139], %exp3A {add = true} : memref<80x128xf32, #tpu.memory_space<vmem>>[vector<16xi32>, vector<16xi32>], vector<16xf32>,
      %scan3A_147 = arith.constant 0 : i32
      scf.yield %scan3A_147 : i32
    }
    %scan3A_52 = arith.constant 1296 : i32
    "tpu.region"() ({
      %run_scoped3A_129 = tpu.sem_alloc : memref<!tpu.dma_semaphore, #tpu.memory_space<semaphore_mem>>
      %dma_start3A = arith.constant 0 : i32
      %dma_start3A_130 = arith.constant 0 : i32
      %dma_start3A_131 = tpu.memref_slice %arg18[%dma_start3A, %dma_start3A_130] : memref<80x128xf32, #tpu.memory_space<vmem_shared>> -> memref<80x128xf32, #tpu.memory_space<vmem_shared>>
      tpu.enqueue_indirect_dma source(%arg11 : memref<80x128xf32, #tpu.memory_space<vmem>>) target(%dma_start3A_131 : memref<80x128xf32, #tpu.memory_space<vmem_shared>>) offsets(%arg16 : memref<80xi32, #tpu.memory_space<vmem>>) semaphore(%run_scoped3A_129 : memref<!tpu.dma_semaphore, #tpu.memory_space<semaphore_mem>>) {add = true}
      %dma_wait3A = arith.constant 0 : i32
      %dma_wait3A_132 = arith.constant 0 : i32
      %dma_wait3A_133 = tpu.memref_slice %arg18[%dma_wait3A, %dma_wait3A_132] : memref<80x128xf32, #tpu.memory_space<vmem_shared>> -> memref<80x128xf32, #tpu.memory_space<vmem_shared>>
      tpu.wait_indirect_dma semaphore(%run_scoped3A_129 : memref<!tpu.dma_semaphore, #tpu.memory_space<semaphore_mem>>) src(%arg11 : memref<80x128xf32, #tpu.memory_space<vmem>>) dst(%dma_wait3A_133 : memref<80x128xf32, #tpu.memory_space<vmem_shared>>)
      tpu.yield
    }) : () -> ()
    %barrier3A_53 = arith.constant 0 : index
    tpu.barrier barrier_id(%barrier3A_53)
    "tpu.region"() ({
      %run_scoped3A_129 = tpu.sem_alloc : memref<!tpu.dma_semaphore, #tpu.memory_space<semaphore_mem>>
      tpu.enqueue_dma source(%arg18 : memref<80x128xf32, #tpu.memory_space<vmem_shared>>) target(%arg11 : memref<80x128xf32, #tpu.memory_space<vmem>>) target_semaphore(%run_scoped3A_129 : memref<!tpu.dma_semaphore, #tpu.memory_space<semaphore_mem>>)
      tpu.wait_dma2 semaphore(%run_scoped3A_129 : memref<!tpu.dma_semaphore, #tpu.memory_space<semaphore_mem>>) src(%arg18 : memref<80x128xf32, #tpu.memory_space<vmem_shared>>) dst(%arg11 : memref<80x128xf32, #tpu.memory_space<vmem>>)
      tpu.yield
    }) : () -> ()
    %scan3A_54 = arith.constant 0 : i32
    %scan3A_55 = arith.constant 0 : i32
    %scan3A_56 = arith.constant 162 : i32
    %scan3A_57 = arith.addi %scan3A_55, %scan3A_56 : i32
    %scan3A_58 = arith.constant 1 : i32
    %scan3A_59 = scf.for %scan3A_129 = %scan3A_55 to %scan3A_57 step %scan3A_58 iter_args(%scan3A_130 = %scan3A_54) -> (i32)  : i32 {
      %mul3A_131 = arith.constant 128 : i32
      %mul3A_132 = arith.muli %scan3A_129, %mul3A_131 : i32
      %scan3A_133 = arith.constant 0 : i32
      %scan3A_134 = arith.constant 0 : i32
      %scan3A_135 = arith.constant 8 : i32
      %scan3A_136 = arith.addi %scan3A_134, %scan3A_135 : i32
      %scan3A_137 = arith.constant 1 : i32
      %scan3A_138 = scf.for %scan3A_159 = %scan3A_134 to %scan3A_136 step %scan3A_137 iter_args(%scan3A_160 = %scan3A_133) -> (i32)  : i32 {
        %mul3A_161 = arith.constant 16 : i32
        %mul3A_162 = arith.muli %scan3A_159, %mul3A_161 : i32
        %add3A_163 = arith.addi %mul3A_132, %mul3A_162 : i32
        %get3A = arith.index_cast %add3A_163 : i32 to index
        %get3A_164 = tpu.vector_load %arg7[%get3A] {strides = array<i32>} : memref<20736xi32, #tpu.memory_space<vmem>>, vector<16xi32>,
        %mul3A_165 = arith.constant 4 : i32
        %mul3A_166 = vector.broadcast %mul3A_165 : i32 to vector<16xi32>
        %mul3A_167 = arith.muli %get3A_164, %mul3A_166 : vector<16xi32>
        %add3A_168 = vector.broadcast %add3A_15 : i32 to vector<16xi32>
        %add3A_169 = arith.addi %mul3A_167, %add3A_168 : vector<16xi32>
        %mul3A_170 = arith.constant 16 : i32
        %mul3A_171 = arith.muli %scan3A_159, %mul3A_170 : i32
        %swap3A = arith.index_cast %mul3A_171 : i32 to index
        %swap3A_172 = tpu.vector_load %arg13[%swap3A] {strides = array<i32>} : memref<128xi32, #tpu.memory_space<vmem>>, vector<16xi32>,
        tpu.vector_store %arg13[%swap3A], %add3A_169 {strides = array<i32>} : memref<128xi32, #tpu.memory_space<vmem>>, vector<16xi32>,
        %get3A_173 = arith.index_cast %add3A_163 : i32 to index
        %get3A_174 = tpu.vector_load %arg8[%get3A_173] {strides = array<i32>} : memref<20736xi32, #tpu.memory_space<vmem>>, vector<16xi32>,
        %mul3A_175 = arith.constant 16 : i32
        %mul3A_176 = arith.muli %scan3A_159, %mul3A_175 : i32
        %swap3A_177 = arith.index_cast %mul3A_176 : i32 to index
        %swap3A_178 = tpu.vector_load %arg14[%swap3A_177] {strides = array<i32>} : memref<128xi32, #tpu.memory_space<vmem>>, vector<16xi32>,
        tpu.vector_store %arg14[%swap3A_177], %get3A_174 {strides = array<i32>} : memref<128xi32, #tpu.memory_space<vmem>>, vector<16xi32>,
        %scan3A_179 = arith.constant 0 : i32
        scf.yield %scan3A_179 : i32
      }
      %scan3A_139 = arith.constant 8 : i32
      %dma_start3A = arith.constant 0 : i32
      %dma_start3A_140 = arith.constant 0 : i32
      %dma_start3A_141 = tpu.memref_slice %arg2[%dma_start3A, %dma_start3A_140] : memref<40960x32xf32, #tpu.memory_space<hbm>> -> memref<40960x32xf32, #tpu.memory_space<hbm>>
      tpu.enqueue_indirect_dma source(%dma_start3A_141 : memref<40960x32xf32, #tpu.memory_space<hbm>>) target(%arg12 : memref<128x32xf32, #tpu.memory_space<vmem>>) offsets(%arg13 : memref<128xi32, #tpu.memory_space<vmem>>) semaphore(%arg19 : memref<!tpu.dma_semaphore, #tpu.memory_space<semaphore_mem>>)
      %scan3A_142 = arith.constant 0 : i32
      %scan3A_143 = arith.constant 0 : i32
      %scan3A_144 = arith.constant 8 : i32
      %scan3A_145 = arith.addi %scan3A_143, %scan3A_144 : i32
      %scan3A_146 = arith.constant 1 : i32
      %scan3A_147 = scf.for %scan3A_159 = %scan3A_143 to %scan3A_145 step %scan3A_146 iter_args(%scan3A_160 = %scan3A_142) -> (i32)  : i32 {
        %mul3A_161 = arith.constant 16 : i32
        %mul3A_162 = arith.muli %scan3A_159, %mul3A_161 : i32
        %add3A_163 = arith.addi %mul3A_132, %mul3A_162 : i32
        %get3A = arith.index_cast %add3A_163 : i32 to index
        %get3A_164 = tpu.vector_load %arg7[%get3A] {strides = array<i32>} : memref<20736xi32, #tpu.memory_space<vmem>>, vector<16xi32>,
        %get3A_165 = arith.index_cast %add3A_163 : i32 to index
        %get3A_166 = tpu.vector_load %arg8[%get3A_165] {strides = array<i32>} : memref<20736xi32, #tpu.memory_space<vmem>>, vector<16xi32>,
        %shift_right_logical3A = arith.constant 7 : i32
        %shift_right_logical3A_167 = vector.broadcast %shift_right_logical3A : i32 to vector<16xi32>
        %shift_right_logical3A_168 = arith.shrui %get3A_166, %shift_right_logical3A_167 : vector<16xi32>
        %and3A = arith.constant 127 : i32
        %and3A_169 = vector.broadcast %and3A : i32 to vector<16xi32>
        %and3A_170 = arith.andi %get3A_166, %and3A_169 : vector<16xi32>
        %gather3A = tpu.vector_load_idx %arg9[%get3A_164] : memref<10240xf32, #tpu.memory_space<vmem>>[vector<16xi32>], vector<16xf32>,
        %gather3A_171 = tpu.vector_load_idx %arg10[%get3A_166] : memref<10240xf32, #tpu.memory_space<vmem>>[vector<16xi32>], vector<16xf32>,
        %add3A_172 = arith.addf %gather3A, %gather3A_171 : vector<16xf32>
        %gt3A = arith.constant 0.000000e+00 : f32
        %gt3A_173 = vector.broadcast %gt3A : f32 to vector<16xf32>
        %gt3A_174 = arith.cmpf ogt, %add3A_172, %gt3A_173 : vector<16xf32>
        %mul3A_175 = arith.constant 2.000000e-01 : f32
        %mul3A_176 = vector.broadcast %mul3A_175 : f32 to vector<16xf32>
        %mul3A_177 = arith.mulf %mul3A_176, %add3A_172 : vector<16xf32>
        %select_n3A = arith.select %gt3A_174, %add3A_172, %mul3A_177 : vector<16xi1>, vector<16xf32>
        %gather3A_178 = tpu.vector_load_idx %arg11[%shift_right_logical3A_168, %and3A_170] : memref<80x128xf32, #tpu.memory_space<vmem>>[vector<16xi32>, vector<16xi32>], vector<16xf32>,
        %exp3A = math.exp %select_n3A : vector<16xf32>
        %add3A_179 = arith.constant 1.000000e-16 : f32
        %add3A_180 = vector.broadcast %add3A_179 : f32 to vector<16xf32>
        %add3A_181 = arith.addf %gather3A_178, %add3A_180 : vector<16xf32>
        %div3A = arith.divf %exp3A, %add3A_181 : vector<16xf32>
        %mul3A_182 = arith.constant 16 : i32
        %mul3A_183 = arith.muli %scan3A_159, %mul3A_182 : i32
        %swap3A = arith.index_cast %mul3A_183 : i32 to index
        %swap3A_184 = tpu.vector_load %arg15[%swap3A] {strides = array<i32>} : memref<128xf32, #tpu.memory_space<vmem>>, vector<16xf32>,
        tpu.vector_store %arg15[%swap3A], %div3A {strides = array<i32>} : memref<128xf32, #tpu.memory_space<vmem>>, vector<16xf32>,
        %scan3A_185 = arith.constant 0 : i32
        scf.yield %scan3A_185 : i32
      }
      %scan3A_148 = arith.constant 8 : i32
      %dma_wait3A = arith.constant 0 : i32
      %dma_wait3A_149 = arith.constant 0 : i32
      %dma_wait3A_150 = tpu.memref_slice %arg2[%dma_wait3A, %dma_wait3A_149] : memref<40960x32xf32, #tpu.memory_space<hbm>> -> memref<40960x32xf32, #tpu.memory_space<hbm>>
      tpu.wait_indirect_dma semaphore(%arg19 : memref<!tpu.dma_semaphore, #tpu.memory_space<semaphore_mem>>) src(%dma_wait3A_150 : memref<40960x32xf32, #tpu.memory_space<hbm>>) dst(%arg12 : memref<128x32xf32, #tpu.memory_space<vmem>>)
      %scan3A_151 = arith.constant 0 : i32
      %scan3A_152 = arith.constant 0 : i32
      %scan3A_153 = arith.constant 8 : i32
      %scan3A_154 = arith.addi %scan3A_152, %scan3A_153 : i32
      %scan3A_155 = arith.constant 1 : i32
      %scan3A_156 = scf.for %scan3A_159 = %scan3A_152 to %scan3A_154 step %scan3A_155 iter_args(%scan3A_160 = %scan3A_151) -> (i32)  : i32 {
        %mul3A_161 = arith.constant 16 : i32
        %mul3A_162 = arith.muli %scan3A_159, %mul3A_161 : i32
        %get3A = arith.index_cast %mul3A_162 : i32 to index
        %get3A_163 = tpu.vector_load %arg15[%get3A] {strides = array<i32>} : memref<128xf32, #tpu.memory_space<vmem>>, vector<16xf32>,
        %mul3A_164 = arith.constant 16 : i32
        %mul3A_165 = arith.muli %scan3A_159, %mul3A_164 : i32
        %add3A_166 = arith.constant 0 : i32
        %add3A_167 = arith.addi %mul3A_165, %add3A_166 : i32
        %slice3A = vector.extract_strided_slice %get3A_163 {offsets = [0], sizes = [1], strides = [1]} : vector<16xf32> to vector<1xf32>
        %squeeze3A = vector.extract %slice3A[0] : f32 from vector<1xf32>
        %get3A_168 = arith.index_cast %add3A_167 : i32 to index
        %get3A_169 = arith.constant 0 : index
        %get3A_170 = tpu.vector_load %arg12[%get3A_168, %get3A_169] {strides = array<i32>} : memref<128x32xf32, #tpu.memory_space<vmem>>, vector<16xf32>,
        %mul3A_171 = vector.broadcast %squeeze3A : f32 to vector<16xf32>
        %mul3A_172 = arith.mulf %get3A_170, %mul3A_171 : vector<16xf32>
        %swap3A = arith.index_cast %add3A_167 : i32 to index
        %swap3A_173 = arith.constant 0 : index
        %swap3A_174 = tpu.vector_load %arg12[%swap3A, %swap3A_173] {strides = array<i32>} : memref<128x32xf32, #tpu.memory_space<vmem>>, vector<16xf32>,
        tpu.vector_store %arg12[%swap3A, %swap3A_173], %mul3A_172 {strides = array<i32>} : memref<128x32xf32, #tpu.memory_space<vmem>>, vector<16xf32>,
        %get3A_175 = arith.index_cast %add3A_167 : i32 to index
        %get3A_176 = arith.constant 16 : index
        %get3A_177 = tpu.vector_load %arg12[%get3A_175, %get3A_176] {strides = array<i32>} : memref<128x32xf32, #tpu.memory_space<vmem>>, vector<16xf32>,
        %mul3A_178 = vector.broadcast %squeeze3A : f32 to vector<16xf32>
        %mul3A_179 = arith.mulf %get3A_177, %mul3A_178 : vector<16xf32>
        %swap3A_180 = arith.index_cast %add3A_167 : i32 to index
        %swap3A_181 = arith.constant 16 : index
        %swap3A_182 = tpu.vector_load %arg12[%swap3A_180, %swap3A_181] {strides = array<i32>} : memref<128x32xf32, #tpu.memory_space<vmem>>, vector<16xf32>,
        tpu.vector_store %arg12[%swap3A_180, %swap3A_181], %mul3A_179 {strides = array<i32>} : memref<128x32xf32, #tpu.memory_space<vmem>>, vector<16xf32>,
        %mul3A_183 = arith.constant 16 : i32
        %mul3A_184 = arith.muli %scan3A_159, %mul3A_183 : i32
        %add3A_185 = arith.constant 1 : i32
        %add3A_186 = arith.addi %mul3A_184, %add3A_185 : i32
        %slice3A_187 = vector.extract_strided_slice %get3A_163 {offsets = [1], sizes = [1], strides = [1]} : vector<16xf32> to vector<1xf32>
        %squeeze3A_188 = vector.extract %slice3A_187[0] : f32 from vector<1xf32>
        %get3A_189 = arith.index_cast %add3A_186 : i32 to index
        %get3A_190 = arith.constant 0 : index
        %get3A_191 = tpu.vector_load %arg12[%get3A_189, %get3A_190] {strides = array<i32>} : memref<128x32xf32, #tpu.memory_space<vmem>>, vector<16xf32>,
        %mul3A_192 = vector.broadcast %squeeze3A_188 : f32 to vector<16xf32>
        %mul3A_193 = arith.mulf %get3A_191, %mul3A_192 : vector<16xf32>
        %swap3A_194 = arith.index_cast %add3A_186 : i32 to index
        %swap3A_195 = arith.constant 0 : index
        %swap3A_196 = tpu.vector_load %arg12[%swap3A_194, %swap3A_195] {strides = array<i32>} : memref<128x32xf32, #tpu.memory_space<vmem>>, vector<16xf32>,
        tpu.vector_store %arg12[%swap3A_194, %swap3A_195], %mul3A_193 {strides = array<i32>} : memref<128x32xf32, #tpu.memory_space<vmem>>, vector<16xf32>,
        %get3A_197 = arith.index_cast %add3A_186 : i32 to index
        %get3A_198 = arith.constant 16 : index
        %get3A_199 = tpu.vector_load %arg12[%get3A_197, %get3A_198] {strides = array<i32>} : memref<128x32xf32, #tpu.memory_space<vmem>>, vector<16xf32>,
        %mul3A_200 = vector.broadcast %squeeze3A_188 : f32 to vector<16xf32>
        %mul3A_201 = arith.mulf %get3A_199, %mul3A_200 : vector<16xf32>
        %swap3A_202 = arith.index_cast %add3A_186 : i32 to index
        %swap3A_203 = arith.constant 16 : index
        %swap3A_204 = tpu.vector_load %arg12[%swap3A_202, %swap3A_203] {strides = array<i32>} : memref<128x32xf32, #tpu.memory_space<vmem>>, vector<16xf32>,
        tpu.vector_store %arg12[%swap3A_202, %swap3A_203], %mul3A_201 {strides = array<i32>} : memref<128x32xf32, #tpu.memory_space<vmem>>, vector<16xf32>,
        %mul3A_205 = arith.constant 16 : i32
        %mul3A_206 = arith.muli %scan3A_159, %mul3A_205 : i32
        %add3A_207 = arith.constant 2 : i32
        %add3A_208 = arith.addi %mul3A_206, %add3A_207 : i32
        %slice3A_209 = vector.extract_strided_slice %get3A_163 {offsets = [2], sizes = [1], strides = [1]} : vector<16xf32> to vector<1xf32>
        %squeeze3A_210 = vector.extract %slice3A_209[0] : f32 from vector<1xf32>
        %get3A_211 = arith.index_cast %add3A_208 : i32 to index
        %get3A_212 = arith.constant 0 : index
        %get3A_213 = tpu.vector_load %arg12[%get3A_211, %get3A_212] {strides = array<i32>} : memref<128x32xf32, #tpu.memory_space<vmem>>, vector<16xf32>,
        %mul3A_214 = vector.broadcast %squeeze3A_210 : f32 to vector<16xf32>
        %mul3A_215 = arith.mulf %get3A_213, %mul3A_214 : vector<16xf32>
        %swap3A_216 = arith.index_cast %add3A_208 : i32 to index
        %swap3A_217 = arith.constant 0 : index
        %swap3A_218 = tpu.vector_load %arg12[%swap3A_216, %swap3A_217] {strides = array<i32>} : memref<128x32xf32, #tpu.memory_space<vmem>>, vector<16xf32>,
        tpu.vector_store %arg12[%swap3A_216, %swap3A_217], %mul3A_215 {strides = array<i32>} : memref<128x32xf32, #tpu.memory_space<vmem>>, vector<16xf32>,
        %get3A_219 = arith.index_cast %add3A_208 : i32 to index
        %get3A_220 = arith.constant 16 : index
        %get3A_221 = tpu.vector_load %arg12[%get3A_219, %get3A_220] {strides = array<i32>} : memref<128x32xf32, #tpu.memory_space<vmem>>, vector<16xf32>,
        %mul3A_222 = vector.broadcast %squeeze3A_210 : f32 to vector<16xf32>
        %mul3A_223 = arith.mulf %get3A_221, %mul3A_222 : vector<16xf32>
        %swap3A_224 = arith.index_cast %add3A_208 : i32 to index
        %swap3A_225 = arith.constant 16 : index
        %swap3A_226 = tpu.vector_load %arg12[%swap3A_224, %swap3A_225] {strides = array<i32>} : memref<128x32xf32, #tpu.memory_space<vmem>>, vector<16xf32>,
        tpu.vector_store %arg12[%swap3A_224, %swap3A_225], %mul3A_223 {strides = array<i32>} : memref<128x32xf32, #tpu.memory_space<vmem>>, vector<16xf32>,
        %mul3A_227 = arith.constant 16 : i32
        %mul3A_228 = arith.muli %scan3A_159, %mul3A_227 : i32
        %add3A_229 = arith.constant 3 : i32
        %add3A_230 = arith.addi %mul3A_228, %add3A_229 : i32
        %slice3A_231 = vector.extract_strided_slice %get3A_163 {offsets = [3], sizes = [1], strides = [1]} : vector<16xf32> to vector<1xf32>
        %squeeze3A_232 = vector.extract %slice3A_231[0] : f32 from vector<1xf32>
        %get3A_233 = arith.index_cast %add3A_230 : i32 to index
        %get3A_234 = arith.constant 0 : index
        %get3A_235 = tpu.vector_load %arg12[%get3A_233, %get3A_234] {strides = array<i32>} : memref<128x32xf32, #tpu.memory_space<vmem>>, vector<16xf32>,
        %mul3A_236 = vector.broadcast %squeeze3A_232 : f32 to vector<16xf32>
        %mul3A_237 = arith.mulf %get3A_235, %mul3A_236 : vector<16xf32>
        %swap3A_238 = arith.index_cast %add3A_230 : i32 to index
        %swap3A_239 = arith.constant 0 : index
        %swap3A_240 = tpu.vector_load %arg12[%swap3A_238, %swap3A_239] {strides = array<i32>} : memref<128x32xf32, #tpu.memory_space<vmem>>, vector<16xf32>,
        tpu.vector_store %arg12[%swap3A_238, %swap3A_239], %mul3A_237 {strides = array<i32>} : memref<128x32xf32, #tpu.memory_space<vmem>>, vector<16xf32>,
        %get3A_241 = arith.index_cast %add3A_230 : i32 to index
        %get3A_242 = arith.constant 16 : index
        %get3A_243 = tpu.vector_load %arg12[%get3A_241, %get3A_242] {strides = array<i32>} : memref<128x32xf32, #tpu.memory_space<vmem>>, vector<16xf32>,
        %mul3A_244 = vector.broadcast %squeeze3A_232 : f32 to vector<16xf32>
        %mul3A_245 = arith.mulf %get3A_243, %mul3A_244 : vector<16xf32>
        %swap3A_246 = arith.index_cast %add3A_230 : i32 to index
        %swap3A_247 = arith.constant 16 : index
        %swap3A_248 = tpu.vector_load %arg12[%swap3A_246, %swap3A_247] {strides = array<i32>} : memref<128x32xf32, #tpu.memory_space<vmem>>, vector<16xf32>,
        tpu.vector_store %arg12[%swap3A_246, %swap3A_247], %mul3A_245 {strides = array<i32>} : memref<128x32xf32, #tpu.memory_space<vmem>>, vector<16xf32>,
        %mul3A_249 = arith.constant 16 : i32
        %mul3A_250 = arith.muli %scan3A_159, %mul3A_249 : i32
        %add3A_251 = arith.constant 4 : i32
        %add3A_252 = arith.addi %mul3A_250, %add3A_251 : i32
        %slice3A_253 = vector.extract_strided_slice %get3A_163 {offsets = [4], sizes = [1], strides = [1]} : vector<16xf32> to vector<1xf32>
        %squeeze3A_254 = vector.extract %slice3A_253[0] : f32 from vector<1xf32>
        %get3A_255 = arith.index_cast %add3A_252 : i32 to index
        %get3A_256 = arith.constant 0 : index
        %get3A_257 = tpu.vector_load %arg12[%get3A_255, %get3A_256] {strides = array<i32>} : memref<128x32xf32, #tpu.memory_space<vmem>>, vector<16xf32>,
        %mul3A_258 = vector.broadcast %squeeze3A_254 : f32 to vector<16xf32>
        %mul3A_259 = arith.mulf %get3A_257, %mul3A_258 : vector<16xf32>
        %swap3A_260 = arith.index_cast %add3A_252 : i32 to index
        %swap3A_261 = arith.constant 0 : index
        %swap3A_262 = tpu.vector_load %arg12[%swap3A_260, %swap3A_261] {strides = array<i32>} : memref<128x32xf32, #tpu.memory_space<vmem>>, vector<16xf32>,
        tpu.vector_store %arg12[%swap3A_260, %swap3A_261], %mul3A_259 {strides = array<i32>} : memref<128x32xf32, #tpu.memory_space<vmem>>, vector<16xf32>,
        %get3A_263 = arith.index_cast %add3A_252 : i32 to index
        %get3A_264 = arith.constant 16 : index
        %get3A_265 = tpu.vector_load %arg12[%get3A_263, %get3A_264] {strides = array<i32>} : memref<128x32xf32, #tpu.memory_space<vmem>>, vector<16xf32>,
        %mul3A_266 = vector.broadcast %squeeze3A_254 : f32 to vector<16xf32>
        %mul3A_267 = arith.mulf %get3A_265, %mul3A_266 : vector<16xf32>
        %swap3A_268 = arith.index_cast %add3A_252 : i32 to index
        %swap3A_269 = arith.constant 16 : index
        %swap3A_270 = tpu.vector_load %arg12[%swap3A_268, %swap3A_269] {strides = array<i32>} : memref<128x32xf32, #tpu.memory_space<vmem>>, vector<16xf32>,
        tpu.vector_store %arg12[%swap3A_268, %swap3A_269], %mul3A_267 {strides = array<i32>} : memref<128x32xf32, #tpu.memory_space<vmem>>, vector<16xf32>,
        %mul3A_271 = arith.constant 16 : i32
        %mul3A_272 = arith.muli %scan3A_159, %mul3A_271 : i32
        %add3A_273 = arith.constant 5 : i32
        %add3A_274 = arith.addi %mul3A_272, %add3A_273 : i32
        %slice3A_275 = vector.extract_strided_slice %get3A_163 {offsets = [5], sizes = [1], strides = [1]} : vector<16xf32> to vector<1xf32>
        %squeeze3A_276 = vector.extract %slice3A_275[0] : f32 from vector<1xf32>
        %get3A_277 = arith.index_cast %add3A_274 : i32 to index
        %get3A_278 = arith.constant 0 : index
        %get3A_279 = tpu.vector_load %arg12[%get3A_277, %get3A_278] {strides = array<i32>} : memref<128x32xf32, #tpu.memory_space<vmem>>, vector<16xf32>,
        %mul3A_280 = vector.broadcast %squeeze3A_276 : f32 to vector<16xf32>
        %mul3A_281 = arith.mulf %get3A_279, %mul3A_280 : vector<16xf32>
        %swap3A_282 = arith.index_cast %add3A_274 : i32 to index
        %swap3A_283 = arith.constant 0 : index
        %swap3A_284 = tpu.vector_load %arg12[%swap3A_282, %swap3A_283] {strides = array<i32>} : memref<128x32xf32, #tpu.memory_space<vmem>>, vector<16xf32>,
        tpu.vector_store %arg12[%swap3A_282, %swap3A_283], %mul3A_281 {strides = array<i32>} : memref<128x32xf32, #tpu.memory_space<vmem>>, vector<16xf32>,
        %get3A_285 = arith.index_cast %add3A_274 : i32 to index
        %get3A_286 = arith.constant 16 : index
        %get3A_287 = tpu.vector_load %arg12[%get3A_285, %get3A_286] {strides = array<i32>} : memref<128x32xf32, #tpu.memory_space<vmem>>, vector<16xf32>,
        %mul3A_288 = vector.broadcast %squeeze3A_276 : f32 to vector<16xf32>
        %mul3A_289 = arith.mulf %get3A_287, %mul3A_288 : vector<16xf32>
        %swap3A_290 = arith.index_cast %add3A_274 : i32 to index
        %swap3A_291 = arith.constant 16 : index
        %swap3A_292 = tpu.vector_load %arg12[%swap3A_290, %swap3A_291] {strides = array<i32>} : memref<128x32xf32, #tpu.memory_space<vmem>>, vector<16xf32>,
        tpu.vector_store %arg12[%swap3A_290, %swap3A_291], %mul3A_289 {strides = array<i32>} : memref<128x32xf32, #tpu.memory_space<vmem>>, vector<16xf32>,
        %mul3A_293 = arith.constant 16 : i32
        %mul3A_294 = arith.muli %scan3A_159, %mul3A_293 : i32
        %add3A_295 = arith.constant 6 : i32
        %add3A_296 = arith.addi %mul3A_294, %add3A_295 : i32
        %slice3A_297 = vector.extract_strided_slice %get3A_163 {offsets = [6], sizes = [1], strides = [1]} : vector<16xf32> to vector<1xf32>
        %squeeze3A_298 = vector.extract %slice3A_297[0] : f32 from vector<1xf32>
        %get3A_299 = arith.index_cast %add3A_296 : i32 to index
        %get3A_300 = arith.constant 0 : index
        %get3A_301 = tpu.vector_load %arg12[%get3A_299, %get3A_300] {strides = array<i32>} : memref<128x32xf32, #tpu.memory_space<vmem>>, vector<16xf32>,
        %mul3A_302 = vector.broadcast %squeeze3A_298 : f32 to vector<16xf32>
        %mul3A_303 = arith.mulf %get3A_301, %mul3A_302 : vector<16xf32>
        %swap3A_304 = arith.index_cast %add3A_296 : i32 to index
        %swap3A_305 = arith.constant 0 : index
        %swap3A_306 = tpu.vector_load %arg12[%swap3A_304, %swap3A_305] {strides = array<i32>} : memref<128x32xf32, #tpu.memory_space<vmem>>, vector<16xf32>,
        tpu.vector_store %arg12[%swap3A_304, %swap3A_305], %mul3A_303 {strides = array<i32>} : memref<128x32xf32, #tpu.memory_space<vmem>>, vector<16xf32>,
        %get3A_307 = arith.index_cast %add3A_296 : i32 to index
        %get3A_308 = arith.constant 16 : index
        %get3A_309 = tpu.vector_load %arg12[%get3A_307, %get3A_308] {strides = array<i32>} : memref<128x32xf32, #tpu.memory_space<vmem>>, vector<16xf32>,
        %mul3A_310 = vector.broadcast %squeeze3A_298 : f32 to vector<16xf32>
        %mul3A_311 = arith.mulf %get3A_309, %mul3A_310 : vector<16xf32>
        %swap3A_312 = arith.index_cast %add3A_296 : i32 to index
        %swap3A_313 = arith.constant 16 : index
        %swap3A_314 = tpu.vector_load %arg12[%swap3A_312, %swap3A_313] {strides = array<i32>} : memref<128x32xf32, #tpu.memory_space<vmem>>, vector<16xf32>,
        tpu.vector_store %arg12[%swap3A_312, %swap3A_313], %mul3A_311 {strides = array<i32>} : memref<128x32xf32, #tpu.memory_space<vmem>>, vector<16xf32>,
        %mul3A_315 = arith.constant 16 : i32
        %mul3A_316 = arith.muli %scan3A_159, %mul3A_315 : i32
        %add3A_317 = arith.constant 7 : i32
        %add3A_318 = arith.addi %mul3A_316, %add3A_317 : i32
        %slice3A_319 = vector.extract_strided_slice %get3A_163 {offsets = [7], sizes = [1], strides = [1]} : vector<16xf32> to vector<1xf32>
        %squeeze3A_320 = vector.extract %slice3A_319[0] : f32 from vector<1xf32>
        %get3A_321 = arith.index_cast %add3A_318 : i32 to index
        %get3A_322 = arith.constant 0 : index
        %get3A_323 = tpu.vector_load %arg12[%get3A_321, %get3A_322] {strides = array<i32>} : memref<128x32xf32, #tpu.memory_space<vmem>>, vector<16xf32>,
        %mul3A_324 = vector.broadcast %squeeze3A_320 : f32 to vector<16xf32>
        %mul3A_325 = arith.mulf %get3A_323, %mul3A_324 : vector<16xf32>
        %swap3A_326 = arith.index_cast %add3A_318 : i32 to index
        %swap3A_327 = arith.constant 0 : index
        %swap3A_328 = tpu.vector_load %arg12[%swap3A_326, %swap3A_327] {strides = array<i32>} : memref<128x32xf32, #tpu.memory_space<vmem>>, vector<16xf32>,
        tpu.vector_store %arg12[%swap3A_326, %swap3A_327], %mul3A_325 {strides = array<i32>} : memref<128x32xf32, #tpu.memory_space<vmem>>, vector<16xf32>,
        %get3A_329 = arith.index_cast %add3A_318 : i32 to index
        %get3A_330 = arith.constant 16 : index
        %get3A_331 = tpu.vector_load %arg12[%get3A_329, %get3A_330] {strides = array<i32>} : memref<128x32xf32, #tpu.memory_space<vmem>>, vector<16xf32>,
        %mul3A_332 = vector.broadcast %squeeze3A_320 : f32 to vector<16xf32>
        %mul3A_333 = arith.mulf %get3A_331, %mul3A_332 : vector<16xf32>
        %swap3A_334 = arith.index_cast %add3A_318 : i32 to index
        %swap3A_335 = arith.constant 16 : index
        %swap3A_336 = tpu.vector_load %arg12[%swap3A_334, %swap3A_335] {strides = array<i32>} : memref<128x32xf32, #tpu.memory_space<vmem>>, vector<16xf32>,
        tpu.vector_store %arg12[%swap3A_334, %swap3A_335], %mul3A_333 {strides = array<i32>} : memref<128x32xf32, #tpu.memory_space<vmem>>, vector<16xf32>,
        %mul3A_337 = arith.constant 16 : i32
        %mul3A_338 = arith.muli %scan3A_159, %mul3A_337 : i32
        %add3A_339 = arith.constant 8 : i32
        %add3A_340 = arith.addi %mul3A_338, %add3A_339 : i32
        %slice3A_341 = vector.extract_strided_slice %get3A_163 {offsets = [8], sizes = [1], strides = [1]} : vector<16xf32> to vector<1xf32>
        %squeeze3A_342 = vector.extract %slice3A_341[0] : f32 from vector<1xf32>
        %get3A_343 = arith.index_cast %add3A_340 : i32 to index
        %get3A_344 = arith.constant 0 : index
        %get3A_345 = tpu.vector_load %arg12[%get3A_343, %get3A_344] {strides = array<i32>} : memref<128x32xf32, #tpu.memory_space<vmem>>, vector<16xf32>,
        %mul3A_346 = vector.broadcast %squeeze3A_342 : f32 to vector<16xf32>
        %mul3A_347 = arith.mulf %get3A_345, %mul3A_346 : vector<16xf32>
        %swap3A_348 = arith.index_cast %add3A_340 : i32 to index
        %swap3A_349 = arith.constant 0 : index
        %swap3A_350 = tpu.vector_load %arg12[%swap3A_348, %swap3A_349] {strides = array<i32>} : memref<128x32xf32, #tpu.memory_space<vmem>>, vector<16xf32>,
        tpu.vector_store %arg12[%swap3A_348, %swap3A_349], %mul3A_347 {strides = array<i32>} : memref<128x32xf32, #tpu.memory_space<vmem>>, vector<16xf32>,
        %get3A_351 = arith.index_cast %add3A_340 : i32 to index
        %get3A_352 = arith.constant 16 : index
        %get3A_353 = tpu.vector_load %arg12[%get3A_351, %get3A_352] {strides = array<i32>} : memref<128x32xf32, #tpu.memory_space<vmem>>, vector<16xf32>,
        %mul3A_354 = vector.broadcast %squeeze3A_342 : f32 to vector<16xf32>
        %mul3A_355 = arith.mulf %get3A_353, %mul3A_354 : vector<16xf32>
        %swap3A_356 = arith.index_cast %add3A_340 : i32 to index
        %swap3A_357 = arith.constant 16 : index
        %swap3A_358 = tpu.vector_load %arg12[%swap3A_356, %swap3A_357] {strides = array<i32>} : memref<128x32xf32, #tpu.memory_space<vmem>>, vector<16xf32>,
        tpu.vector_store %arg12[%swap3A_356, %swap3A_357], %mul3A_355 {strides = array<i32>} : memref<128x32xf32, #tpu.memory_space<vmem>>, vector<16xf32>,
        %mul3A_359 = arith.constant 16 : i32
        %mul3A_360 = arith.muli %scan3A_159, %mul3A_359 : i32
        %add3A_361 = arith.constant 9 : i32
        %add3A_362 = arith.addi %mul3A_360, %add3A_361 : i32
        %slice3A_363 = vector.extract_strided_slice %get3A_163 {offsets = [9], sizes = [1], strides = [1]} : vector<16xf32> to vector<1xf32>
        %squeeze3A_364 = vector.extract %slice3A_363[0] : f32 from vector<1xf32>
        %get3A_365 = arith.index_cast %add3A_362 : i32 to index
        %get3A_366 = arith.constant 0 : index
        %get3A_367 = tpu.vector_load %arg12[%get3A_365, %get3A_366] {strides = array<i32>} : memref<128x32xf32, #tpu.memory_space<vmem>>, vector<16xf32>,
        %mul3A_368 = vector.broadcast %squeeze3A_364 : f32 to vector<16xf32>
        %mul3A_369 = arith.mulf %get3A_367, %mul3A_368 : vector<16xf32>
        %swap3A_370 = arith.index_cast %add3A_362 : i32 to index
        %swap3A_371 = arith.constant 0 : index
        %swap3A_372 = tpu.vector_load %arg12[%swap3A_370, %swap3A_371] {strides = array<i32>} : memref<128x32xf32, #tpu.memory_space<vmem>>, vector<16xf32>,
        tpu.vector_store %arg12[%swap3A_370, %swap3A_371], %mul3A_369 {strides = array<i32>} : memref<128x32xf32, #tpu.memory_space<vmem>>, vector<16xf32>,
        %get3A_373 = arith.index_cast %add3A_362 : i32 to index
        %get3A_374 = arith.constant 16 : index
        %get3A_375 = tpu.vector_load %arg12[%get3A_373, %get3A_374] {strides = array<i32>} : memref<128x32xf32, #tpu.memory_space<vmem>>, vector<16xf32>,
        %mul3A_376 = vector.broadcast %squeeze3A_364 : f32 to vector<16xf32>
        %mul3A_377 = arith.mulf %get3A_375, %mul3A_376 : vector<16xf32>
        %swap3A_378 = arith.index_cast %add3A_362 : i32 to index
        %swap3A_379 = arith.constant 16 : index
        %swap3A_380 = tpu.vector_load %arg12[%swap3A_378, %swap3A_379] {strides = array<i32>} : memref<128x32xf32, #tpu.memory_space<vmem>>, vector<16xf32>,
        tpu.vector_store %arg12[%swap3A_378, %swap3A_379], %mul3A_377 {strides = array<i32>} : memref<128x32xf32, #tpu.memory_space<vmem>>, vector<16xf32>,
        %mul3A_381 = arith.constant 16 : i32
        %mul3A_382 = arith.muli %scan3A_159, %mul3A_381 : i32
        %add3A_383 = arith.constant 10 : i32
        %add3A_384 = arith.addi %mul3A_382, %add3A_383 : i32
        %slice3A_385 = vector.extract_strided_slice %get3A_163 {offsets = [10], sizes = [1], strides = [1]} : vector<16xf32> to vector<1xf32>
        %squeeze3A_386 = vector.extract %slice3A_385[0] : f32 from vector<1xf32>
        %get3A_387 = arith.index_cast %add3A_384 : i32 to index
        %get3A_388 = arith.constant 0 : index
        %get3A_389 = tpu.vector_load %arg12[%get3A_387, %get3A_388] {strides = array<i32>} : memref<128x32xf32, #tpu.memory_space<vmem>>, vector<16xf32>,
        %mul3A_390 = vector.broadcast %squeeze3A_386 : f32 to vector<16xf32>
        %mul3A_391 = arith.mulf %get3A_389, %mul3A_390 : vector<16xf32>
        %swap3A_392 = arith.index_cast %add3A_384 : i32 to index
        %swap3A_393 = arith.constant 0 : index
        %swap3A_394 = tpu.vector_load %arg12[%swap3A_392, %swap3A_393] {strides = array<i32>} : memref<128x32xf32, #tpu.memory_space<vmem>>, vector<16xf32>,
        tpu.vector_store %arg12[%swap3A_392, %swap3A_393], %mul3A_391 {strides = array<i32>} : memref<128x32xf32, #tpu.memory_space<vmem>>, vector<16xf32>,
        %get3A_395 = arith.index_cast %add3A_384 : i32 to index
        %get3A_396 = arith.constant 16 : index
        %get3A_397 = tpu.vector_load %arg12[%get3A_395, %get3A_396] {strides = array<i32>} : memref<128x32xf32, #tpu.memory_space<vmem>>, vector<16xf32>,
        %mul3A_398 = vector.broadcast %squeeze3A_386 : f32 to vector<16xf32>
        %mul3A_399 = arith.mulf %get3A_397, %mul3A_398 : vector<16xf32>
        %swap3A_400 = arith.index_cast %add3A_384 : i32 to index
        %swap3A_401 = arith.constant 16 : index
        %swap3A_402 = tpu.vector_load %arg12[%swap3A_400, %swap3A_401] {strides = array<i32>} : memref<128x32xf32, #tpu.memory_space<vmem>>, vector<16xf32>,
        tpu.vector_store %arg12[%swap3A_400, %swap3A_401], %mul3A_399 {strides = array<i32>} : memref<128x32xf32, #tpu.memory_space<vmem>>, vector<16xf32>,
        %mul3A_403 = arith.constant 16 : i32
        %mul3A_404 = arith.muli %scan3A_159, %mul3A_403 : i32
        %add3A_405 = arith.constant 11 : i32
        %add3A_406 = arith.addi %mul3A_404, %add3A_405 : i32
        %slice3A_407 = vector.extract_strided_slice %get3A_163 {offsets = [11], sizes = [1], strides = [1]} : vector<16xf32> to vector<1xf32>
        %squeeze3A_408 = vector.extract %slice3A_407[0] : f32 from vector<1xf32>
        %get3A_409 = arith.index_cast %add3A_406 : i32 to index
        %get3A_410 = arith.constant 0 : index
        %get3A_411 = tpu.vector_load %arg12[%get3A_409, %get3A_410] {strides = array<i32>} : memref<128x32xf32, #tpu.memory_space<vmem>>, vector<16xf32>,
        %mul3A_412 = vector.broadcast %squeeze3A_408 : f32 to vector<16xf32>
        %mul3A_413 = arith.mulf %get3A_411, %mul3A_412 : vector<16xf32>
        %swap3A_414 = arith.index_cast %add3A_406 : i32 to index
        %swap3A_415 = arith.constant 0 : index
        %swap3A_416 = tpu.vector_load %arg12[%swap3A_414, %swap3A_415] {strides = array<i32>} : memref<128x32xf32, #tpu.memory_space<vmem>>, vector<16xf32>,
        tpu.vector_store %arg12[%swap3A_414, %swap3A_415], %mul3A_413 {strides = array<i32>} : memref<128x32xf32, #tpu.memory_space<vmem>>, vector<16xf32>,
        %get3A_417 = arith.index_cast %add3A_406 : i32 to index
        %get3A_418 = arith.constant 16 : index
        %get3A_419 = tpu.vector_load %arg12[%get3A_417, %get3A_418] {strides = array<i32>} : memref<128x32xf32, #tpu.memory_space<vmem>>, vector<16xf32>,
        %mul3A_420 = vector.broadcast %squeeze3A_408 : f32 to vector<16xf32>
        %mul3A_421 = arith.mulf %get3A_419, %mul3A_420 : vector<16xf32>
        %swap3A_422 = arith.index_cast %add3A_406 : i32 to index
        %swap3A_423 = arith.constant 16 : index
        %swap3A_424 = tpu.vector_load %arg12[%swap3A_422, %swap3A_423] {strides = array<i32>} : memref<128x32xf32, #tpu.memory_space<vmem>>, vector<16xf32>,
        tpu.vector_store %arg12[%swap3A_422, %swap3A_423], %mul3A_421 {strides = array<i32>} : memref<128x32xf32, #tpu.memory_space<vmem>>, vector<16xf32>,
        %mul3A_425 = arith.constant 16 : i32
        %mul3A_426 = arith.muli %scan3A_159, %mul3A_425 : i32
        %add3A_427 = arith.constant 12 : i32
        %add3A_428 = arith.addi %mul3A_426, %add3A_427 : i32
        %slice3A_429 = vector.extract_strided_slice %get3A_163 {offsets = [12], sizes = [1], strides = [1]} : vector<16xf32> to vector<1xf32>
        %squeeze3A_430 = vector.extract %slice3A_429[0] : f32 from vector<1xf32>
        %get3A_431 = arith.index_cast %add3A_428 : i32 to index
        %get3A_432 = arith.constant 0 : index
        %get3A_433 = tpu.vector_load %arg12[%get3A_431, %get3A_432] {strides = array<i32>} : memref<128x32xf32, #tpu.memory_space<vmem>>, vector<16xf32>,
        %mul3A_434 = vector.broadcast %squeeze3A_430 : f32 to vector<16xf32>
        %mul3A_435 = arith.mulf %get3A_433, %mul3A_434 : vector<16xf32>
        %swap3A_436 = arith.index_cast %add3A_428 : i32 to index
        %swap3A_437 = arith.constant 0 : index
        %swap3A_438 = tpu.vector_load %arg12[%swap3A_436, %swap3A_437] {strides = array<i32>} : memref<128x32xf32, #tpu.memory_space<vmem>>, vector<16xf32>,
        tpu.vector_store %arg12[%swap3A_436, %swap3A_437], %mul3A_435 {strides = array<i32>} : memref<128x32xf32, #tpu.memory_space<vmem>>, vector<16xf32>,
        %get3A_439 = arith.index_cast %add3A_428 : i32 to index
        %get3A_440 = arith.constant 16 : index
        %get3A_441 = tpu.vector_load %arg12[%get3A_439, %get3A_440] {strides = array<i32>} : memref<128x32xf32, #tpu.memory_space<vmem>>, vector<16xf32>,
        %mul3A_442 = vector.broadcast %squeeze3A_430 : f32 to vector<16xf32>
        %mul3A_443 = arith.mulf %get3A_441, %mul3A_442 : vector<16xf32>
        %swap3A_444 = arith.index_cast %add3A_428 : i32 to index
        %swap3A_445 = arith.constant 16 : index
        %swap3A_446 = tpu.vector_load %arg12[%swap3A_444, %swap3A_445] {strides = array<i32>} : memref<128x32xf32, #tpu.memory_space<vmem>>, vector<16xf32>,
        tpu.vector_store %arg12[%swap3A_444, %swap3A_445], %mul3A_443 {strides = array<i32>} : memref<128x32xf32, #tpu.memory_space<vmem>>, vector<16xf32>,
        %mul3A_447 = arith.constant 16 : i32
        %mul3A_448 = arith.muli %scan3A_159, %mul3A_447 : i32
        %add3A_449 = arith.constant 13 : i32
        %add3A_450 = arith.addi %mul3A_448, %add3A_449 : i32
        %slice3A_451 = vector.extract_strided_slice %get3A_163 {offsets = [13], sizes = [1], strides = [1]} : vector<16xf32> to vector<1xf32>
        %squeeze3A_452 = vector.extract %slice3A_451[0] : f32 from vector<1xf32>
        %get3A_453 = arith.index_cast %add3A_450 : i32 to index
        %get3A_454 = arith.constant 0 : index
        %get3A_455 = tpu.vector_load %arg12[%get3A_453, %get3A_454] {strides = array<i32>} : memref<128x32xf32, #tpu.memory_space<vmem>>, vector<16xf32>,
        %mul3A_456 = vector.broadcast %squeeze3A_452 : f32 to vector<16xf32>
        %mul3A_457 = arith.mulf %get3A_455, %mul3A_456 : vector<16xf32>
        %swap3A_458 = arith.index_cast %add3A_450 : i32 to index
        %swap3A_459 = arith.constant 0 : index
        %swap3A_460 = tpu.vector_load %arg12[%swap3A_458, %swap3A_459] {strides = array<i32>} : memref<128x32xf32, #tpu.memory_space<vmem>>, vector<16xf32>,
        tpu.vector_store %arg12[%swap3A_458, %swap3A_459], %mul3A_457 {strides = array<i32>} : memref<128x32xf32, #tpu.memory_space<vmem>>, vector<16xf32>,
        %get3A_461 = arith.index_cast %add3A_450 : i32 to index
        %get3A_462 = arith.constant 16 : index
        %get3A_463 = tpu.vector_load %arg12[%get3A_461, %get3A_462] {strides = array<i32>} : memref<128x32xf32, #tpu.memory_space<vmem>>, vector<16xf32>,
        %mul3A_464 = vector.broadcast %squeeze3A_452 : f32 to vector<16xf32>
        %mul3A_465 = arith.mulf %get3A_463, %mul3A_464 : vector<16xf32>
        %swap3A_466 = arith.index_cast %add3A_450 : i32 to index
        %swap3A_467 = arith.constant 16 : index
        %swap3A_468 = tpu.vector_load %arg12[%swap3A_466, %swap3A_467] {strides = array<i32>} : memref<128x32xf32, #tpu.memory_space<vmem>>, vector<16xf32>,
        tpu.vector_store %arg12[%swap3A_466, %swap3A_467], %mul3A_465 {strides = array<i32>} : memref<128x32xf32, #tpu.memory_space<vmem>>, vector<16xf32>,
        %mul3A_469 = arith.constant 16 : i32
        %mul3A_470 = arith.muli %scan3A_159, %mul3A_469 : i32
        %add3A_471 = arith.constant 14 : i32
        %add3A_472 = arith.addi %mul3A_470, %add3A_471 : i32
        %slice3A_473 = vector.extract_strided_slice %get3A_163 {offsets = [14], sizes = [1], strides = [1]} : vector<16xf32> to vector<1xf32>
        %squeeze3A_474 = vector.extract %slice3A_473[0] : f32 from vector<1xf32>
        %get3A_475 = arith.index_cast %add3A_472 : i32 to index
        %get3A_476 = arith.constant 0 : index
        %get3A_477 = tpu.vector_load %arg12[%get3A_475, %get3A_476] {strides = array<i32>} : memref<128x32xf32, #tpu.memory_space<vmem>>, vector<16xf32>,
        %mul3A_478 = vector.broadcast %squeeze3A_474 : f32 to vector<16xf32>
        %mul3A_479 = arith.mulf %get3A_477, %mul3A_478 : vector<16xf32>
        %swap3A_480 = arith.index_cast %add3A_472 : i32 to index
        %swap3A_481 = arith.constant 0 : index
        %swap3A_482 = tpu.vector_load %arg12[%swap3A_480, %swap3A_481] {strides = array<i32>} : memref<128x32xf32, #tpu.memory_space<vmem>>, vector<16xf32>,
        tpu.vector_store %arg12[%swap3A_480, %swap3A_481], %mul3A_479 {strides = array<i32>} : memref<128x32xf32, #tpu.memory_space<vmem>>, vector<16xf32>,
        %get3A_483 = arith.index_cast %add3A_472 : i32 to index
        %get3A_484 = arith.constant 16 : index
        %get3A_485 = tpu.vector_load %arg12[%get3A_483, %get3A_484] {strides = array<i32>} : memref<128x32xf32, #tpu.memory_space<vmem>>, vector<16xf32>,
        %mul3A_486 = vector.broadcast %squeeze3A_474 : f32 to vector<16xf32>
        %mul3A_487 = arith.mulf %get3A_485, %mul3A_486 : vector<16xf32>
        %swap3A_488 = arith.index_cast %add3A_472 : i32 to index
        %swap3A_489 = arith.constant 16 : index
        %swap3A_490 = tpu.vector_load %arg12[%swap3A_488, %swap3A_489] {strides = array<i32>} : memref<128x32xf32, #tpu.memory_space<vmem>>, vector<16xf32>,
        tpu.vector_store %arg12[%swap3A_488, %swap3A_489], %mul3A_487 {strides = array<i32>} : memref<128x32xf32, #tpu.memory_space<vmem>>, vector<16xf32>,
        %mul3A_491 = arith.constant 16 : i32
        %mul3A_492 = arith.muli %scan3A_159, %mul3A_491 : i32
        %add3A_493 = arith.constant 15 : i32
        %add3A_494 = arith.addi %mul3A_492, %add3A_493 : i32
        %slice3A_495 = vector.extract_strided_slice %get3A_163 {offsets = [15], sizes = [1], strides = [1]} : vector<16xf32> to vector<1xf32>
        %squeeze3A_496 = vector.extract %slice3A_495[0] : f32 from vector<1xf32>
        %get3A_497 = arith.index_cast %add3A_494 : i32 to index
        %get3A_498 = arith.constant 0 : index
        %get3A_499 = tpu.vector_load %arg12[%get3A_497, %get3A_498] {strides = array<i32>} : memref<128x32xf32, #tpu.memory_space<vmem>>, vector<16xf32>,
        %mul3A_500 = vector.broadcast %squeeze3A_496 : f32 to vector<16xf32>
        %mul3A_501 = arith.mulf %get3A_499, %mul3A_500 : vector<16xf32>
        %swap3A_502 = arith.index_cast %add3A_494 : i32 to index
        %swap3A_503 = arith.constant 0 : index
        %swap3A_504 = tpu.vector_load %arg12[%swap3A_502, %swap3A_503] {strides = array<i32>} : memref<128x32xf32, #tpu.memory_space<vmem>>, vector<16xf32>,
        tpu.vector_store %arg12[%swap3A_502, %swap3A_503], %mul3A_501 {strides = array<i32>} : memref<128x32xf32, #tpu.memory_space<vmem>>, vector<16xf32>,
        %get3A_505 = arith.index_cast %add3A_494 : i32 to index
        %get3A_506 = arith.constant 16 : index
        %get3A_507 = tpu.vector_load %arg12[%get3A_505, %get3A_506] {strides = array<i32>} : memref<128x32xf32, #tpu.memory_space<vmem>>, vector<16xf32>,
        %mul3A_508 = vector.broadcast %squeeze3A_496 : f32 to vector<16xf32>
        %mul3A_509 = arith.mulf %get3A_507, %mul3A_508 : vector<16xf32>
        %swap3A_510 = arith.index_cast %add3A_494 : i32 to index
        %swap3A_511 = arith.constant 16 : index
        %swap3A_512 = tpu.vector_load %arg12[%swap3A_510, %swap3A_511] {strides = array<i32>} : memref<128x32xf32, #tpu.memory_space<vmem>>, vector<16xf32>,
        tpu.vector_store %arg12[%swap3A_510, %swap3A_511], %mul3A_509 {strides = array<i32>} : memref<128x32xf32, #tpu.memory_space<vmem>>, vector<16xf32>,
        %scan3A_513 = arith.constant 0 : i32
        scf.yield %scan3A_513 : i32
      }
      %scan3A_157 = arith.constant 8 : i32
      "tpu.region"() ({
        %run_scoped3A_159 = tpu.sem_alloc : memref<!tpu.dma_semaphore, #tpu.memory_space<semaphore_mem>>
        %dma_start3A_160 = arith.constant 0 : i32
        %dma_start3A_161 = arith.constant 0 : i32
        %dma_start3A_162 = tpu.memref_slice %arg17[%dma_start3A_160, %dma_start3A_161] : memref<10240x32xf32, #tpu.memory_space<vmem_shared>> -> memref<10240x32xf32, #tpu.memory_space<vmem_shared>>
        tpu.enqueue_indirect_dma source(%arg12 : memref<128x32xf32, #tpu.memory_space<vmem>>) target(%dma_start3A_162 : memref<10240x32xf32, #tpu.memory_space<vmem_shared>>) offsets(%arg14 : memref<128xi32, #tpu.memory_space<vmem>>) semaphore(%run_scoped3A_159 : memref<!tpu.dma_semaphore, #tpu.memory_space<semaphore_mem>>) {add = true}
        %dma_wait3A_163 = arith.constant 0 : i32
        %dma_wait3A_164 = arith.constant 0 : i32
        %dma_wait3A_165 = tpu.memref_slice %arg17[%dma_wait3A_163, %dma_wait3A_164] : memref<10240x32xf32, #tpu.memory_space<vmem_shared>> -> memref<10240x32xf32, #tpu.memory_space<vmem_shared>>
        tpu.wait_indirect_dma semaphore(%run_scoped3A_159 : memref<!tpu.dma_semaphore, #tpu.memory_space<semaphore_mem>>) src(%arg12 : memref<128x32xf32, #tpu.memory_space<vmem>>) dst(%dma_wait3A_165 : memref<10240x32xf32, #tpu.memory_space<vmem_shared>>)
        tpu.yield
      }) : () -> ()
      %scan3A_158 = arith.constant 0 : i32
      scf.yield %scan3A_158 : i32
    }
    %scan3A_60 = arith.constant 162 : i32
    %barrier3A_61 = arith.constant 0 : index
    tpu.barrier barrier_id(%barrier3A_61)
    %mul3A_62 = arith.constant 640 : i32
    %mul3A_63 = arith.muli %arg1, %mul3A_62 : i32
    %mul3A_64 = arith.constant 640 : i32
    %mul3A_65 = arith.muli %arg1, %mul3A_64 : i32
    %run_scoped3A_66 = arith.constant 0 : i32
    "tpu.region"() ({
      %run_scoped3A_129 = tpu.sem_alloc : memref<!tpu.dma_semaphore, #tpu.memory_space<semaphore_mem>>
      %dma_start3A = arith.constant 0 : i32
      %dma_start3A_130 = tpu.memref_slice %arg6[%run_scoped3A_66, %arg0, %mul3A_65, %dma_start3A] : memref<2x2x10240x32xf32, #tpu.memory_space<hbm>> -> memref<1x1x640x32xf32, #tpu.memory_space<hbm>>
      %dma_start3A_131 = tpu.memref_squeeze %dma_start3A_130 : memref<1x1x640x32xf32, #tpu.memory_space<hbm>> -> memref<640x32xf32, #tpu.memory_space<hbm>>
      %dma_start3A_132 = arith.constant 0 : i32
      %dma_start3A_133 = tpu.memref_slice %arg17[%mul3A_63, %dma_start3A_132] : memref<10240x32xf32, #tpu.memory_space<vmem_shared>> -> memref<640x32xf32, #tpu.memory_space<vmem_shared>>
      tpu.enqueue_dma source(%dma_start3A_133 : memref<640x32xf32, #tpu.memory_space<vmem_shared>>) target(%dma_start3A_131 : memref<640x32xf32, #tpu.memory_space<hbm>>) target_semaphore(%run_scoped3A_129 : memref<!tpu.dma_semaphore, #tpu.memory_space<semaphore_mem>>)
      %dma_wait3A = arith.constant 0 : i32
      %dma_wait3A_134 = tpu.memref_slice %arg6[%run_scoped3A_66, %arg0, %mul3A_65, %dma_wait3A] : memref<2x2x10240x32xf32, #tpu.memory_space<hbm>> -> memref<1x1x640x32xf32, #tpu.memory_space<hbm>>
      %dma_wait3A_135 = tpu.memref_squeeze %dma_wait3A_134 : memref<1x1x640x32xf32, #tpu.memory_space<hbm>> -> memref<640x32xf32, #tpu.memory_space<hbm>>
      %dma_wait3A_136 = arith.constant 0 : i32
      %dma_wait3A_137 = tpu.memref_slice %arg17[%mul3A_63, %dma_wait3A_136] : memref<10240x32xf32, #tpu.memory_space<vmem_shared>> -> memref<640x32xf32, #tpu.memory_space<vmem_shared>>
      tpu.wait_dma2 semaphore(%run_scoped3A_129 : memref<!tpu.dma_semaphore, #tpu.memory_space<semaphore_mem>>) src(%dma_wait3A_137 : memref<640x32xf32, #tpu.memory_space<vmem_shared>>) dst(%dma_wait3A_135 : memref<640x32xf32, #tpu.memory_space<hbm>>)
      tpu.yield
    }) : () -> ()
    %scan3A_67 = arith.constant 0 : i32
    %scan3A_68 = arith.constant 0 : i32
    %scan3A_69 = arith.constant 128 : i32
    %scan3A_70 = arith.addi %scan3A_68, %scan3A_69 : i32
    %scan3A_71 = arith.constant 1 : i32
    %scan3A_72 = scf.for %scan3A_129 = %scan3A_68 to %scan3A_70 step %scan3A_71 iter_args(%scan3A_130 = %scan3A_67) -> (i32)  : i32 {
      %swap3A = arith.index_cast %scan3A_129 : i32 to index
      %swap3A_131 = arith.constant 0 : index
      %swap3A_132 = tpu.vector_load %arg12[%swap3A, %swap3A_131] {strides = array<i32>} : memref<128x32xf32, #tpu.memory_space<vmem>>, vector<16xf32>,
      tpu.vector_store %arg12[%swap3A, %swap3A_131], %broadcast_in_dim3A_1 {strides = array<i32>} : memref<128x32xf32, #tpu.memory_space<vmem>>, vector<16xf32>,
      %swap3A_133 = arith.index_cast %scan3A_129 : i32 to index
      %swap3A_134 = arith.constant 16 : index
      %swap3A_135 = tpu.vector_load %arg12[%swap3A_133, %swap3A_134] {strides = array<i32>} : memref<128x32xf32, #tpu.memory_space<vmem>>, vector<16xf32>,
      tpu.vector_store %arg12[%swap3A_133, %swap3A_134], %broadcast_in_dim3A_1 {strides = array<i32>} : memref<128x32xf32, #tpu.memory_space<vmem>>, vector<16xf32>,
      %scan3A_136 = arith.constant 0 : i32
      scf.yield %scan3A_136 : i32
    }
    %scan3A_73 = arith.constant 128 : i32
    %add3A_74 = arith.constant 2 : i32
    %add3A_75 = arith.addi %add3A_74, %arg0 : i32
    %run_scoped3A_76 = arith.constant 0 : i32
    "tpu.region"() ({
      %run_scoped3A_129 = tpu.sem_alloc : memref<!tpu.dma_semaphore, #tpu.memory_space<semaphore_mem>>
      %dma_start3A = arith.constant 0 : i32
      %dma_start3A_130 = tpu.memref_slice %arg5[%add3A_75, %run_scoped3A_76, %dma_start3A] : memref<4x2x10240xf32, #tpu.memory_space<hbm>> -> memref<1x1x10240xf32, #tpu.memory_space<hbm>>
      %dma_start3A_131 = tpu.memref_squeeze %dma_start3A_130 : memref<1x1x10240xf32, #tpu.memory_space<hbm>> -> memref<10240xf32, #tpu.memory_space<hbm>>
      %dma_start3A_132 = arith.constant 0 : i32
      %dma_start3A_133 = tpu.memref_slice %arg5[%add3A_75, %run_scoped3A_76, %dma_start3A_132] : memref<4x2x10240xf32, #tpu.memory_space<hbm>> -> memref<1x1x10240xf32, #tpu.memory_space<hbm>>
      %dma_start3A_134 = tpu.memref_squeeze %dma_start3A_133 : memref<1x1x10240xf32, #tpu.memory_space<hbm>> -> memref<10240xf32, #tpu.memory_space<hbm>>
      tpu.enqueue_dma source(%dma_start3A_134 : memref<10240xf32, #tpu.memory_space<hbm>>) target(%arg9 : memref<10240xf32, #tpu.memory_space<vmem>>) target_semaphore(%run_scoped3A_129 : memref<!tpu.dma_semaphore, #tpu.memory_space<semaphore_mem>>)
      %dma_wait3A = arith.constant 0 : i32
      %dma_wait3A_135 = tpu.memref_slice %arg5[%add3A_75, %run_scoped3A_76, %dma_wait3A] : memref<4x2x10240xf32, #tpu.memory_space<hbm>> -> memref<1x1x10240xf32, #tpu.memory_space<hbm>>
      %dma_wait3A_136 = tpu.memref_squeeze %dma_wait3A_135 : memref<1x1x10240xf32, #tpu.memory_space<hbm>> -> memref<10240xf32, #tpu.memory_space<hbm>>
      %dma_wait3A_137 = arith.constant 0 : i32
      %dma_wait3A_138 = tpu.memref_slice %arg5[%add3A_75, %run_scoped3A_76, %dma_wait3A_137] : memref<4x2x10240xf32, #tpu.memory_space<hbm>> -> memref<1x1x10240xf32, #tpu.memory_space<hbm>>
      %dma_wait3A_139 = tpu.memref_squeeze %dma_wait3A_138 : memref<1x1x10240xf32, #tpu.memory_space<hbm>> -> memref<10240xf32, #tpu.memory_space<hbm>>
      tpu.wait_dma2 semaphore(%run_scoped3A_129 : memref<!tpu.dma_semaphore, #tpu.memory_space<semaphore_mem>>) src(%dma_wait3A_139 : memref<10240xf32, #tpu.memory_space<hbm>>) dst(%arg9 : memref<10240xf32, #tpu.memory_space<vmem>>)
      tpu.yield
    }) : () -> ()
    %run_scoped3A_77 = arith.constant 1 : i32
    "tpu.region"() ({
      %run_scoped3A_129 = tpu.sem_alloc : memref<!tpu.dma_semaphore, #tpu.memory_space<semaphore_mem>>
      %dma_start3A = arith.constant 0 : i32
      %dma_start3A_130 = tpu.memref_slice %arg5[%add3A_75, %run_scoped3A_77, %dma_start3A] : memref<4x2x10240xf32, #tpu.memory_space<hbm>> -> memref<1x1x10240xf32, #tpu.memory_space<hbm>>
      %dma_start3A_131 = tpu.memref_squeeze %dma_start3A_130 : memref<1x1x10240xf32, #tpu.memory_space<hbm>> -> memref<10240xf32, #tpu.memory_space<hbm>>
      %dma_start3A_132 = arith.constant 0 : i32
      %dma_start3A_133 = tpu.memref_slice %arg5[%add3A_75, %run_scoped3A_77, %dma_start3A_132] : memref<4x2x10240xf32, #tpu.memory_space<hbm>> -> memref<1x1x10240xf32, #tpu.memory_space<hbm>>
      %dma_start3A_134 = tpu.memref_squeeze %dma_start3A_133 : memref<1x1x10240xf32, #tpu.memory_space<hbm>> -> memref<10240xf32, #tpu.memory_space<hbm>>
      tpu.enqueue_dma source(%dma_start3A_134 : memref<10240xf32, #tpu.memory_space<hbm>>) target(%arg10 : memref<10240xf32, #tpu.memory_space<vmem>>) target_semaphore(%run_scoped3A_129 : memref<!tpu.dma_semaphore, #tpu.memory_space<semaphore_mem>>)
      %dma_wait3A = arith.constant 0 : i32
      %dma_wait3A_135 = tpu.memref_slice %arg5[%add3A_75, %run_scoped3A_77, %dma_wait3A] : memref<4x2x10240xf32, #tpu.memory_space<hbm>> -> memref<1x1x10240xf32, #tpu.memory_space<hbm>>
      %dma_wait3A_136 = tpu.memref_squeeze %dma_wait3A_135 : memref<1x1x10240xf32, #tpu.memory_space<hbm>> -> memref<10240xf32, #tpu.memory_space<hbm>>
      %dma_wait3A_137 = arith.constant 0 : i32
      %dma_wait3A_138 = tpu.memref_slice %arg5[%add3A_75, %run_scoped3A_77, %dma_wait3A_137] : memref<4x2x10240xf32, #tpu.memory_space<hbm>> -> memref<1x1x10240xf32, #tpu.memory_space<hbm>>
      %dma_wait3A_139 = tpu.memref_squeeze %dma_wait3A_138 : memref<1x1x10240xf32, #tpu.memory_space<hbm>> -> memref<10240xf32, #tpu.memory_space<hbm>>
      tpu.wait_dma2 semaphore(%run_scoped3A_129 : memref<!tpu.dma_semaphore, #tpu.memory_space<semaphore_mem>>) src(%dma_wait3A_139 : memref<10240xf32, #tpu.memory_space<hbm>>) dst(%arg10 : memref<10240xf32, #tpu.memory_space<vmem>>)
      tpu.yield
    }) : () -> ()
    %scan3A_78 = arith.constant 0 : i32
    %scan3A_79 = arith.constant 0 : i32
    %scan3A_80 = arith.constant 80 : i32
    %scan3A_81 = arith.addi %scan3A_79, %scan3A_80 : i32
    %scan3A_82 = arith.constant 1 : i32
    %scan3A_83 = scf.for %scan3A_129 = %scan3A_79 to %scan3A_81 step %scan3A_82 iter_args(%scan3A_130 = %scan3A_78) -> (i32)  : i32 {
      %swap3A = arith.index_cast %scan3A_129 : i32 to index
      %swap3A_131 = arith.constant 0 : index
      %swap3A_132 = tpu.vector_load %arg11[%swap3A, %swap3A_131] {strides = array<i32>} : memref<80x128xf32, #tpu.memory_space<vmem>>, vector<16xf32>,
      tpu.vector_store %arg11[%swap3A, %swap3A_131], %broadcast_in_dim3A_1 {strides = array<i32>} : memref<80x128xf32, #tpu.memory_space<vmem>>, vector<16xf32>,
      %swap3A_133 = arith.index_cast %scan3A_129 : i32 to index
      %swap3A_134 = arith.constant 16 : index
      %swap3A_135 = tpu.vector_load %arg11[%swap3A_133, %swap3A_134] {strides = array<i32>} : memref<80x128xf32, #tpu.memory_space<vmem>>, vector<16xf32>,
      tpu.vector_store %arg11[%swap3A_133, %swap3A_134], %broadcast_in_dim3A_1 {strides = array<i32>} : memref<80x128xf32, #tpu.memory_space<vmem>>, vector<16xf32>,
      %swap3A_136 = arith.index_cast %scan3A_129 : i32 to index
      %swap3A_137 = arith.constant 32 : index
      %swap3A_138 = tpu.vector_load %arg11[%swap3A_136, %swap3A_137] {strides = array<i32>} : memref<80x128xf32, #tpu.memory_space<vmem>>, vector<16xf32>,
      tpu.vector_store %arg11[%swap3A_136, %swap3A_137], %broadcast_in_dim3A_1 {strides = array<i32>} : memref<80x128xf32, #tpu.memory_space<vmem>>, vector<16xf32>,
      %swap3A_139 = arith.index_cast %scan3A_129 : i32 to index
      %swap3A_140 = arith.constant 48 : index
      %swap3A_141 = tpu.vector_load %arg11[%swap3A_139, %swap3A_140] {strides = array<i32>} : memref<80x128xf32, #tpu.memory_space<vmem>>, vector<16xf32>,
      tpu.vector_store %arg11[%swap3A_139, %swap3A_140], %broadcast_in_dim3A_1 {strides = array<i32>} : memref<80x128xf32, #tpu.memory_space<vmem>>, vector<16xf32>,
      %swap3A_142 = arith.index_cast %scan3A_129 : i32 to index
      %swap3A_143 = arith.constant 64 : index
      %swap3A_144 = tpu.vector_load %arg11[%swap3A_142, %swap3A_143] {strides = array<i32>} : memref<80x128xf32, #tpu.memory_space<vmem>>, vector<16xf32>,
      tpu.vector_store %arg11[%swap3A_142, %swap3A_143], %broadcast_in_dim3A_1 {strides = array<i32>} : memref<80x128xf32, #tpu.memory_space<vmem>>, vector<16xf32>,
      %swap3A_145 = arith.index_cast %scan3A_129 : i32 to index
      %swap3A_146 = arith.constant 80 : index
      %swap3A_147 = tpu.vector_load %arg11[%swap3A_145, %swap3A_146] {strides = array<i32>} : memref<80x128xf32, #tpu.memory_space<vmem>>, vector<16xf32>,
      tpu.vector_store %arg11[%swap3A_145, %swap3A_146], %broadcast_in_dim3A_1 {strides = array<i32>} : memref<80x128xf32, #tpu.memory_space<vmem>>, vector<16xf32>,
      %swap3A_148 = arith.index_cast %scan3A_129 : i32 to index
      %swap3A_149 = arith.constant 96 : index
      %swap3A_150 = tpu.vector_load %arg11[%swap3A_148, %swap3A_149] {strides = array<i32>} : memref<80x128xf32, #tpu.memory_space<vmem>>, vector<16xf32>,
      tpu.vector_store %arg11[%swap3A_148, %swap3A_149], %broadcast_in_dim3A_1 {strides = array<i32>} : memref<80x128xf32, #tpu.memory_space<vmem>>, vector<16xf32>,
      %swap3A_151 = arith.index_cast %scan3A_129 : i32 to index
      %swap3A_152 = arith.constant 112 : index
      %swap3A_153 = tpu.vector_load %arg11[%swap3A_151, %swap3A_152] {strides = array<i32>} : memref<80x128xf32, #tpu.memory_space<vmem>>, vector<16xf32>,
      tpu.vector_store %arg11[%swap3A_151, %swap3A_152], %broadcast_in_dim3A_1 {strides = array<i32>} : memref<80x128xf32, #tpu.memory_space<vmem>>, vector<16xf32>,
      %scan3A_154 = arith.constant 0 : i32
      scf.yield %scan3A_154 : i32
    }
    %scan3A_84 = arith.constant 80 : i32
    %mul3A_85 = arith.constant 640 : i32
    %mul3A_86 = arith.muli %arg1, %mul3A_85 : i32
    %add3A_87 = arith.constant 0 : i32
    %add3A_88 = arith.addi %mul3A_86, %add3A_87 : i32
    "tpu.region"() ({
      %run_scoped3A_129 = tpu.sem_alloc : memref<!tpu.dma_semaphore, #tpu.memory_space<semaphore_mem>>
      %dma_start3A = arith.constant 0 : i32
      %dma_start3A_130 = tpu.memref_slice %arg17[%add3A_88, %dma_start3A] : memref<10240x32xf32, #tpu.memory_space<vmem_shared>> -> memref<128x32xf32, #tpu.memory_space<vmem_shared>>
      %dma_start3A_131 = arith.constant 0 : i32
      %dma_start3A_132 = tpu.memref_slice %arg17[%add3A_88, %dma_start3A_131] : memref<10240x32xf32, #tpu.memory_space<vmem_shared>> -> memref<128x32xf32, #tpu.memory_space<vmem_shared>>
      tpu.enqueue_dma source(%arg12 : memref<128x32xf32, #tpu.memory_space<vmem>>) target(%dma_start3A_132 : memref<128x32xf32, #tpu.memory_space<vmem_shared>>) target_semaphore(%run_scoped3A_129 : memref<!tpu.dma_semaphore, #tpu.memory_space<semaphore_mem>>)
      %dma_wait3A = arith.constant 0 : i32
      %dma_wait3A_133 = tpu.memref_slice %arg17[%add3A_88, %dma_wait3A] : memref<10240x32xf32, #tpu.memory_space<vmem_shared>> -> memref<128x32xf32, #tpu.memory_space<vmem_shared>>
      %dma_wait3A_134 = arith.constant 0 : i32
      %dma_wait3A_135 = tpu.memref_slice %arg17[%add3A_88, %dma_wait3A_134] : memref<10240x32xf32, #tpu.memory_space<vmem_shared>> -> memref<128x32xf32, #tpu.memory_space<vmem_shared>>
      tpu.wait_dma2 semaphore(%run_scoped3A_129 : memref<!tpu.dma_semaphore, #tpu.memory_space<semaphore_mem>>) src(%arg12 : memref<128x32xf32, #tpu.memory_space<vmem>>) dst(%dma_wait3A_135 : memref<128x32xf32, #tpu.memory_space<vmem_shared>>)
      tpu.yield
    }) : () -> ()
    %mul3A_89 = arith.constant 640 : i32
    %mul3A_90 = arith.muli %arg1, %mul3A_89 : i32
    %add3A_91 = arith.constant 128 : i32
    %add3A_92 = arith.addi %mul3A_90, %add3A_91 : i32
    "tpu.region"() ({
      %run_scoped3A_129 = tpu.sem_alloc : memref<!tpu.dma_semaphore, #tpu.memory_space<semaphore_mem>>
      %dma_start3A = arith.constant 0 : i32
      %dma_start3A_130 = tpu.memref_slice %arg17[%add3A_92, %dma_start3A] : memref<10240x32xf32, #tpu.memory_space<vmem_shared>> -> memref<128x32xf32, #tpu.memory_space<vmem_shared>>
      %dma_start3A_131 = arith.constant 0 : i32
      %dma_start3A_132 = tpu.memref_slice %arg17[%add3A_92, %dma_start3A_131] : memref<10240x32xf32, #tpu.memory_space<vmem_shared>> -> memref<128x32xf32, #tpu.memory_space<vmem_shared>>
      tpu.enqueue_dma source(%arg12 : memref<128x32xf32, #tpu.memory_space<vmem>>) target(%dma_start3A_132 : memref<128x32xf32, #tpu.memory_space<vmem_shared>>) target_semaphore(%run_scoped3A_129 : memref<!tpu.dma_semaphore, #tpu.memory_space<semaphore_mem>>)
      %dma_wait3A = arith.constant 0 : i32
      %dma_wait3A_133 = tpu.memref_slice %arg17[%add3A_92, %dma_wait3A] : memref<10240x32xf32, #tpu.memory_space<vmem_shared>> -> memref<128x32xf32, #tpu.memory_space<vmem_shared>>
      %dma_wait3A_134 = arith.constant 0 : i32
      %dma_wait3A_135 = tpu.memref_slice %arg17[%add3A_92, %dma_wait3A_134] : memref<10240x32xf32, #tpu.memory_space<vmem_shared>> -> memref<128x32xf32, #tpu.memory_space<vmem_shared>>
      tpu.wait_dma2 semaphore(%run_scoped3A_129 : memref<!tpu.dma_semaphore, #tpu.memory_space<semaphore_mem>>) src(%arg12 : memref<128x32xf32, #tpu.memory_space<vmem>>) dst(%dma_wait3A_135 : memref<128x32xf32, #tpu.memory_space<vmem_shared>>)
      tpu.yield
    }) : () -> ()
    %mul3A_93 = arith.constant 640 : i32
    %mul3A_94 = arith.muli %arg1, %mul3A_93 : i32
    %add3A_95 = arith.constant 256 : i32
    %add3A_96 = arith.addi %mul3A_94, %add3A_95 : i32
    "tpu.region"() ({
      %run_scoped3A_129 = tpu.sem_alloc : memref<!tpu.dma_semaphore, #tpu.memory_space<semaphore_mem>>
      %dma_start3A = arith.constant 0 : i32
      %dma_start3A_130 = tpu.memref_slice %arg17[%add3A_96, %dma_start3A] : memref<10240x32xf32, #tpu.memory_space<vmem_shared>> -> memref<128x32xf32, #tpu.memory_space<vmem_shared>>
      %dma_start3A_131 = arith.constant 0 : i32
      %dma_start3A_132 = tpu.memref_slice %arg17[%add3A_96, %dma_start3A_131] : memref<10240x32xf32, #tpu.memory_space<vmem_shared>> -> memref<128x32xf32, #tpu.memory_space<vmem_shared>>
      tpu.enqueue_dma source(%arg12 : memref<128x32xf32, #tpu.memory_space<vmem>>) target(%dma_start3A_132 : memref<128x32xf32, #tpu.memory_space<vmem_shared>>) target_semaphore(%run_scoped3A_129 : memref<!tpu.dma_semaphore, #tpu.memory_space<semaphore_mem>>)
      %dma_wait3A = arith.constant 0 : i32
      %dma_wait3A_133 = tpu.memref_slice %arg17[%add3A_96, %dma_wait3A] : memref<10240x32xf32, #tpu.memory_space<vmem_shared>> -> memref<128x32xf32, #tpu.memory_space<vmem_shared>>
      %dma_wait3A_134 = arith.constant 0 : i32
      %dma_wait3A_135 = tpu.memref_slice %arg17[%add3A_96, %dma_wait3A_134] : memref<10240x32xf32, #tpu.memory_space<vmem_shared>> -> memref<128x32xf32, #tpu.memory_space<vmem_shared>>
      tpu.wait_dma2 semaphore(%run_scoped3A_129 : memref<!tpu.dma_semaphore, #tpu.memory_space<semaphore_mem>>) src(%arg12 : memref<128x32xf32, #tpu.memory_space<vmem>>) dst(%dma_wait3A_135 : memref<128x32xf32, #tpu.memory_space<vmem_shared>>)
      tpu.yield
    }) : () -> ()
    %mul3A_97 = arith.constant 640 : i32
    %mul3A_98 = arith.muli %arg1, %mul3A_97 : i32
    %add3A_99 = arith.constant 384 : i32
    %add3A_100 = arith.addi %mul3A_98, %add3A_99 : i32
    "tpu.region"() ({
      %run_scoped3A_129 = tpu.sem_alloc : memref<!tpu.dma_semaphore, #tpu.memory_space<semaphore_mem>>
      %dma_start3A = arith.constant 0 : i32
      %dma_start3A_130 = tpu.memref_slice %arg17[%add3A_100, %dma_start3A] : memref<10240x32xf32, #tpu.memory_space<vmem_shared>> -> memref<128x32xf32, #tpu.memory_space<vmem_shared>>
      %dma_start3A_131 = arith.constant 0 : i32
      %dma_start3A_132 = tpu.memref_slice %arg17[%add3A_100, %dma_start3A_131] : memref<10240x32xf32, #tpu.memory_space<vmem_shared>> -> memref<128x32xf32, #tpu.memory_space<vmem_shared>>
      tpu.enqueue_dma source(%arg12 : memref<128x32xf32, #tpu.memory_space<vmem>>) target(%dma_start3A_132 : memref<128x32xf32, #tpu.memory_space<vmem_shared>>) target_semaphore(%run_scoped3A_129 : memref<!tpu.dma_semaphore, #tpu.memory_space<semaphore_mem>>)
      %dma_wait3A = arith.constant 0 : i32
      %dma_wait3A_133 = tpu.memref_slice %arg17[%add3A_100, %dma_wait3A] : memref<10240x32xf32, #tpu.memory_space<vmem_shared>> -> memref<128x32xf32, #tpu.memory_space<vmem_shared>>
      %dma_wait3A_134 = arith.constant 0 : i32
      %dma_wait3A_135 = tpu.memref_slice %arg17[%add3A_100, %dma_wait3A_134] : memref<10240x32xf32, #tpu.memory_space<vmem_shared>> -> memref<128x32xf32, #tpu.memory_space<vmem_shared>>
      tpu.wait_dma2 semaphore(%run_scoped3A_129 : memref<!tpu.dma_semaphore, #tpu.memory_space<semaphore_mem>>) src(%arg12 : memref<128x32xf32, #tpu.memory_space<vmem>>) dst(%dma_wait3A_135 : memref<128x32xf32, #tpu.memory_space<vmem_shared>>)
      tpu.yield
    }) : () -> ()
    %mul3A_101 = arith.constant 640 : i32
    %mul3A_102 = arith.muli %arg1, %mul3A_101 : i32
    %add3A_103 = arith.constant 512 : i32
    %add3A_104 = arith.addi %mul3A_102, %add3A_103 : i32
    "tpu.region"() ({
      %run_scoped3A_129 = tpu.sem_alloc : memref<!tpu.dma_semaphore, #tpu.memory_space<semaphore_mem>>
      %dma_start3A = arith.constant 0 : i32
      %dma_start3A_130 = tpu.memref_slice %arg17[%add3A_104, %dma_start3A] : memref<10240x32xf32, #tpu.memory_space<vmem_shared>> -> memref<128x32xf32, #tpu.memory_space<vmem_shared>>
      %dma_start3A_131 = arith.constant 0 : i32
      %dma_start3A_132 = tpu.memref_slice %arg17[%add3A_104, %dma_start3A_131] : memref<10240x32xf32, #tpu.memory_space<vmem_shared>> -> memref<128x32xf32, #tpu.memory_space<vmem_shared>>
      tpu.enqueue_dma source(%arg12 : memref<128x32xf32, #tpu.memory_space<vmem>>) target(%dma_start3A_132 : memref<128x32xf32, #tpu.memory_space<vmem_shared>>) target_semaphore(%run_scoped3A_129 : memref<!tpu.dma_semaphore, #tpu.memory_space<semaphore_mem>>)
      %dma_wait3A = arith.constant 0 : i32
      %dma_wait3A_133 = tpu.memref_slice %arg17[%add3A_104, %dma_wait3A] : memref<10240x32xf32, #tpu.memory_space<vmem_shared>> -> memref<128x32xf32, #tpu.memory_space<vmem_shared>>
      %dma_wait3A_134 = arith.constant 0 : i32
      %dma_wait3A_135 = tpu.memref_slice %arg17[%add3A_104, %dma_wait3A_134] : memref<10240x32xf32, #tpu.memory_space<vmem_shared>> -> memref<128x32xf32, #tpu.memory_space<vmem_shared>>
      tpu.wait_dma2 semaphore(%run_scoped3A_129 : memref<!tpu.dma_semaphore, #tpu.memory_space<semaphore_mem>>) src(%arg12 : memref<128x32xf32, #tpu.memory_space<vmem>>) dst(%dma_wait3A_135 : memref<128x32xf32, #tpu.memory_space<vmem_shared>>)
      tpu.yield
    }) : () -> ()
    %mul3A_105 = arith.constant 5 : i32
    %mul3A_106 = arith.muli %arg1, %mul3A_105 : i32
    "tpu.region"() ({
      %run_scoped3A_129 = tpu.sem_alloc : memref<!tpu.dma_semaphore, #tpu.memory_space<semaphore_mem>>
      %dma_start3A = arith.constant 0 : i32
      %dma_start3A_130 = arith.constant 0 : i32
      %dma_start3A_131 = tpu.memref_slice %arg11[%dma_start3A, %dma_start3A_130] : memref<80x128xf32, #tpu.memory_space<vmem>> -> memref<5x128xf32, #tpu.memory_space<vmem>>
      %dma_start3A_132 = arith.constant 0 : i32
      %dma_start3A_133 = tpu.memref_slice %arg18[%mul3A_106, %dma_start3A_132] : memref<80x128xf32, #tpu.memory_space<vmem_shared>> -> memref<5x128xf32, #tpu.memory_space<vmem_shared>>
      %dma_start3A_134 = arith.constant 0 : i32
      %dma_start3A_135 = tpu.memref_slice %arg18[%mul3A_106, %dma_start3A_134] : memref<80x128xf32, #tpu.memory_space<vmem_shared>> -> memref<5x128xf32, #tpu.memory_space<vmem_shared>>
      %dma_start3A_136 = arith.constant 0 : i32
      %dma_start3A_137 = arith.constant 0 : i32
      %dma_start3A_138 = tpu.memref_slice %arg11[%dma_start3A_136, %dma_start3A_137] : memref<80x128xf32, #tpu.memory_space<vmem>> -> memref<5x128xf32, #tpu.memory_space<vmem>>
      tpu.enqueue_dma source(%dma_start3A_138 : memref<5x128xf32, #tpu.memory_space<vmem>>) target(%dma_start3A_135 : memref<5x128xf32, #tpu.memory_space<vmem_shared>>) target_semaphore(%run_scoped3A_129 : memref<!tpu.dma_semaphore, #tpu.memory_space<semaphore_mem>>)
      %dma_wait3A = arith.constant 0 : i32
      %dma_wait3A_139 = arith.constant 0 : i32
      %dma_wait3A_140 = tpu.memref_slice %arg11[%dma_wait3A, %dma_wait3A_139] : memref<80x128xf32, #tpu.memory_space<vmem>> -> memref<5x128xf32, #tpu.memory_space<vmem>>
      %dma_wait3A_141 = arith.constant 0 : i32
      %dma_wait3A_142 = tpu.memref_slice %arg18[%mul3A_106, %dma_wait3A_141] : memref<80x128xf32, #tpu.memory_space<vmem_shared>> -> memref<5x128xf32, #tpu.memory_space<vmem_shared>>
      %dma_wait3A_143 = arith.constant 0 : i32
      %dma_wait3A_144 = tpu.memref_slice %arg18[%mul3A_106, %dma_wait3A_143] : memref<80x128xf32, #tpu.memory_space<vmem_shared>> -> memref<5x128xf32, #tpu.memory_space<vmem_shared>>
      %dma_wait3A_145 = arith.constant 0 : i32
      %dma_wait3A_146 = arith.constant 0 : i32
      %dma_wait3A_147 = tpu.memref_slice %arg11[%dma_wait3A_145, %dma_wait3A_146] : memref<80x128xf32, #tpu.memory_space<vmem>> -> memref<5x128xf32, #tpu.memory_space<vmem>>
      tpu.wait_dma2 semaphore(%run_scoped3A_129 : memref<!tpu.dma_semaphore, #tpu.memory_space<semaphore_mem>>) src(%dma_wait3A_147 : memref<5x128xf32, #tpu.memory_space<vmem>>) dst(%dma_wait3A_144 : memref<5x128xf32, #tpu.memory_space<vmem_shared>>)
      tpu.yield
    }) : () -> ()
    %barrier3A_107 = arith.constant 0 : index
    tpu.barrier barrier_id(%barrier3A_107)
    %scan3A_108 = arith.constant 0 : i32
    %scan3A_109 = arith.constant 0 : i32
    %scan3A_110 = arith.constant 1296 : i32
    %scan3A_111 = arith.addi %scan3A_109, %scan3A_110 : i32
    %scan3A_112 = arith.constant 1 : i32
    %scan3A_113 = scf.for %scan3A_129 = %scan3A_109 to %scan3A_111 step %scan3A_112 iter_args(%scan3A_130 = %scan3A_108) -> (i32)  : i32 {
      %mul3A_131 = arith.constant 16 : i32
      %mul3A_132 = arith.muli %scan3A_129, %mul3A_131 : i32
      %get3A = arith.index_cast %mul3A_132 : i32 to index
      %get3A_133 = tpu.vector_load %arg7[%get3A] {strides = array<i32>} : memref<20736xi32, #tpu.memory_space<vmem>>, vector<16xi32>,
      %get3A_134 = arith.index_cast %mul3A_132 : i32 to index
      %get3A_135 = tpu.vector_load %arg8[%get3A_134] {strides = array<i32>} : memref<20736xi32, #tpu.memory_space<vmem>>, vector<16xi32>,
      %shift_right_logical3A = arith.constant 7 : i32
      %shift_right_logical3A_136 = vector.broadcast %shift_right_logical3A : i32 to vector<16xi32>
      %shift_right_logical3A_137 = arith.shrui %get3A_135, %shift_right_logical3A_136 : vector<16xi32>
      %and3A = arith.constant 127 : i32
      %and3A_138 = vector.broadcast %and3A : i32 to vector<16xi32>
      %and3A_139 = arith.andi %get3A_135, %and3A_138 : vector<16xi32>
      %gather3A = tpu.vector_load_idx %arg9[%get3A_133] : memref<10240xf32, #tpu.memory_space<vmem>>[vector<16xi32>], vector<16xf32>,
      %gather3A_140 = tpu.vector_load_idx %arg10[%get3A_135] : memref<10240xf32, #tpu.memory_space<vmem>>[vector<16xi32>], vector<16xf32>,
      %add3A_141 = arith.addf %gather3A, %gather3A_140 : vector<16xf32>
      %gt3A = arith.constant 0.000000e+00 : f32
      %gt3A_142 = vector.broadcast %gt3A : f32 to vector<16xf32>
      %gt3A_143 = arith.cmpf ogt, %add3A_141, %gt3A_142 : vector<16xf32>
      %mul3A_144 = arith.constant 2.000000e-01 : f32
      %mul3A_145 = vector.broadcast %mul3A_144 : f32 to vector<16xf32>
      %mul3A_146 = arith.mulf %mul3A_145, %add3A_141 : vector<16xf32>
      %select_n3A = arith.select %gt3A_143, %add3A_141, %mul3A_146 : vector<16xi1>, vector<16xf32>
      %exp3A = math.exp %select_n3A : vector<16xf32>
      tpu.vector_store_idx %arg11[%shift_right_logical3A_137, %and3A_139], %exp3A {add = true} : memref<80x128xf32, #tpu.memory_space<vmem>>[vector<16xi32>, vector<16xi32>], vector<16xf32>,
      %scan3A_147 = arith.constant 0 : i32
      scf.yield %scan3A_147 : i32
    }
    %scan3A_114 = arith.constant 1296 : i32
    "tpu.region"() ({
      %run_scoped3A_129 = tpu.sem_alloc : memref<!tpu.dma_semaphore, #tpu.memory_space<semaphore_mem>>
      %dma_start3A = arith.constant 0 : i32
      %dma_start3A_130 = arith.constant 0 : i32
      %dma_start3A_131 = tpu.memref_slice %arg18[%dma_start3A, %dma_start3A_130] : memref<80x128xf32, #tpu.memory_space<vmem_shared>> -> memref<80x128xf32, #tpu.memory_space<vmem_shared>>
      tpu.enqueue_indirect_dma source(%arg11 : memref<80x128xf32, #tpu.memory_space<vmem>>) target(%dma_start3A_131 : memref<80x128xf32, #tpu.memory_space<vmem_shared>>) offsets(%arg16 : memref<80xi32, #tpu.memory_space<vmem>>) semaphore(%run_scoped3A_129 : memref<!tpu.dma_semaphore, #tpu.memory_space<semaphore_mem>>) {add = true}
      %dma_wait3A = arith.constant 0 : i32
      %dma_wait3A_132 = arith.constant 0 : i32
      %dma_wait3A_133 = tpu.memref_slice %arg18[%dma_wait3A, %dma_wait3A_132] : memref<80x128xf32, #tpu.memory_space<vmem_shared>> -> memref<80x128xf32, #tpu.memory_space<vmem_shared>>
      tpu.wait_indirect_dma semaphore(%run_scoped3A_129 : memref<!tpu.dma_semaphore, #tpu.memory_space<semaphore_mem>>) src(%arg11 : memref<80x128xf32, #tpu.memory_space<vmem>>) dst(%dma_wait3A_133 : memref<80x128xf32, #tpu.memory_space<vmem_shared>>)
      tpu.yield
    }) : () -> ()
    %barrier3A_115 = arith.constant 0 : index
    tpu.barrier barrier_id(%barrier3A_115)
    "tpu.region"() ({
      %run_scoped3A_129 = tpu.sem_alloc : memref<!tpu.dma_semaphore, #tpu.memory_space<semaphore_mem>>
      tpu.enqueue_dma source(%arg18 : memref<80x128xf32, #tpu.memory_space<vmem_shared>>) target(%arg11 : memref<80x128xf32, #tpu.memory_space<vmem>>) target_semaphore(%run_scoped3A_129 : memref<!tpu.dma_semaphore, #tpu.memory_space<semaphore_mem>>)
      tpu.wait_dma2 semaphore(%run_scoped3A_129 : memref<!tpu.dma_semaphore, #tpu.memory_space<semaphore_mem>>) src(%arg18 : memref<80x128xf32, #tpu.memory_space<vmem_shared>>) dst(%arg11 : memref<80x128xf32, #tpu.memory_space<vmem>>)
      tpu.yield
    }) : () -> ()
    %scan3A_116 = arith.constant 0 : i32
    %scan3A_117 = arith.constant 0 : i32
    %scan3A_118 = arith.constant 162 : i32
    %scan3A_119 = arith.addi %scan3A_117, %scan3A_118 : i32
    %scan3A_120 = arith.constant 1 : i32
    %scan3A_121 = scf.for %scan3A_129 = %scan3A_117 to %scan3A_119 step %scan3A_120 iter_args(%scan3A_130 = %scan3A_116) -> (i32)  : i32 {
      %mul3A_131 = arith.constant 128 : i32
      %mul3A_132 = arith.muli %scan3A_129, %mul3A_131 : i32
      %scan3A_133 = arith.constant 0 : i32
      %scan3A_134 = arith.constant 0 : i32
      %scan3A_135 = arith.constant 8 : i32
      %scan3A_136 = arith.addi %scan3A_134, %scan3A_135 : i32
      %scan3A_137 = arith.constant 1 : i32
      %scan3A_138 = scf.for %scan3A_159 = %scan3A_134 to %scan3A_136 step %scan3A_137 iter_args(%scan3A_160 = %scan3A_133) -> (i32)  : i32 {
        %mul3A_161 = arith.constant 16 : i32
        %mul3A_162 = arith.muli %scan3A_159, %mul3A_161 : i32
        %add3A_163 = arith.addi %mul3A_132, %mul3A_162 : i32
        %get3A = arith.index_cast %add3A_163 : i32 to index
        %get3A_164 = tpu.vector_load %arg7[%get3A] {strides = array<i32>} : memref<20736xi32, #tpu.memory_space<vmem>>, vector<16xi32>,
        %mul3A_165 = arith.constant 4 : i32
        %mul3A_166 = vector.broadcast %mul3A_165 : i32 to vector<16xi32>
        %mul3A_167 = arith.muli %get3A_164, %mul3A_166 : vector<16xi32>
        %add3A_168 = vector.broadcast %add3A_75 : i32 to vector<16xi32>
        %add3A_169 = arith.addi %mul3A_167, %add3A_168 : vector<16xi32>
        %mul3A_170 = arith.constant 16 : i32
        %mul3A_171 = arith.muli %scan3A_159, %mul3A_170 : i32
        %swap3A = arith.index_cast %mul3A_171 : i32 to index
        %swap3A_172 = tpu.vector_load %arg13[%swap3A] {strides = array<i32>} : memref<128xi32, #tpu.memory_space<vmem>>, vector<16xi32>,
        tpu.vector_store %arg13[%swap3A], %add3A_169 {strides = array<i32>} : memref<128xi32, #tpu.memory_space<vmem>>, vector<16xi32>,
        %get3A_173 = arith.index_cast %add3A_163 : i32 to index
        %get3A_174 = tpu.vector_load %arg8[%get3A_173] {strides = array<i32>} : memref<20736xi32, #tpu.memory_space<vmem>>, vector<16xi32>,
        %mul3A_175 = arith.constant 16 : i32
        %mul3A_176 = arith.muli %scan3A_159, %mul3A_175 : i32
        %swap3A_177 = arith.index_cast %mul3A_176 : i32 to index
        %swap3A_178 = tpu.vector_load %arg14[%swap3A_177] {strides = array<i32>} : memref<128xi32, #tpu.memory_space<vmem>>, vector<16xi32>,
        tpu.vector_store %arg14[%swap3A_177], %get3A_174 {strides = array<i32>} : memref<128xi32, #tpu.memory_space<vmem>>, vector<16xi32>,
        %scan3A_179 = arith.constant 0 : i32
        scf.yield %scan3A_179 : i32
      }
      %scan3A_139 = arith.constant 8 : i32
      %dma_start3A = arith.constant 0 : i32
      %dma_start3A_140 = arith.constant 0 : i32
      %dma_start3A_141 = tpu.memref_slice %arg2[%dma_start3A, %dma_start3A_140] : memref<40960x32xf32, #tpu.memory_space<hbm>> -> memref<40960x32xf32, #tpu.memory_space<hbm>>
      tpu.enqueue_indirect_dma source(%dma_start3A_141 : memref<40960x32xf32, #tpu.memory_space<hbm>>) target(%arg12 : memref<128x32xf32, #tpu.memory_space<vmem>>) offsets(%arg13 : memref<128xi32, #tpu.memory_space<vmem>>) semaphore(%arg19 : memref<!tpu.dma_semaphore, #tpu.memory_space<semaphore_mem>>)
      %scan3A_142 = arith.constant 0 : i32
      %scan3A_143 = arith.constant 0 : i32
      %scan3A_144 = arith.constant 8 : i32
      %scan3A_145 = arith.addi %scan3A_143, %scan3A_144 : i32
      %scan3A_146 = arith.constant 1 : i32
      %scan3A_147 = scf.for %scan3A_159 = %scan3A_143 to %scan3A_145 step %scan3A_146 iter_args(%scan3A_160 = %scan3A_142) -> (i32)  : i32 {
        %mul3A_161 = arith.constant 16 : i32
        %mul3A_162 = arith.muli %scan3A_159, %mul3A_161 : i32
        %add3A_163 = arith.addi %mul3A_132, %mul3A_162 : i32
        %get3A = arith.index_cast %add3A_163 : i32 to index
        %get3A_164 = tpu.vector_load %arg7[%get3A] {strides = array<i32>} : memref<20736xi32, #tpu.memory_space<vmem>>, vector<16xi32>,
        %get3A_165 = arith.index_cast %add3A_163 : i32 to index
        %get3A_166 = tpu.vector_load %arg8[%get3A_165] {strides = array<i32>} : memref<20736xi32, #tpu.memory_space<vmem>>, vector<16xi32>,
        %shift_right_logical3A = arith.constant 7 : i32
        %shift_right_logical3A_167 = vector.broadcast %shift_right_logical3A : i32 to vector<16xi32>
        %shift_right_logical3A_168 = arith.shrui %get3A_166, %shift_right_logical3A_167 : vector<16xi32>
        %and3A = arith.constant 127 : i32
        %and3A_169 = vector.broadcast %and3A : i32 to vector<16xi32>
        %and3A_170 = arith.andi %get3A_166, %and3A_169 : vector<16xi32>
        %gather3A = tpu.vector_load_idx %arg9[%get3A_164] : memref<10240xf32, #tpu.memory_space<vmem>>[vector<16xi32>], vector<16xf32>,
        %gather3A_171 = tpu.vector_load_idx %arg10[%get3A_166] : memref<10240xf32, #tpu.memory_space<vmem>>[vector<16xi32>], vector<16xf32>,
        %add3A_172 = arith.addf %gather3A, %gather3A_171 : vector<16xf32>
        %gt3A = arith.constant 0.000000e+00 : f32
        %gt3A_173 = vector.broadcast %gt3A : f32 to vector<16xf32>
        %gt3A_174 = arith.cmpf ogt, %add3A_172, %gt3A_173 : vector<16xf32>
        %mul3A_175 = arith.constant 2.000000e-01 : f32
        %mul3A_176 = vector.broadcast %mul3A_175 : f32 to vector<16xf32>
        %mul3A_177 = arith.mulf %mul3A_176, %add3A_172 : vector<16xf32>
        %select_n3A = arith.select %gt3A_174, %add3A_172, %mul3A_177 : vector<16xi1>, vector<16xf32>
        %gather3A_178 = tpu.vector_load_idx %arg11[%shift_right_logical3A_168, %and3A_170] : memref<80x128xf32, #tpu.memory_space<vmem>>[vector<16xi32>, vector<16xi32>], vector<16xf32>,
        %exp3A = math.exp %select_n3A : vector<16xf32>
        %add3A_179 = arith.constant 1.000000e-16 : f32
        %add3A_180 = vector.broadcast %add3A_179 : f32 to vector<16xf32>
        %add3A_181 = arith.addf %gather3A_178, %add3A_180 : vector<16xf32>
        %div3A = arith.divf %exp3A, %add3A_181 : vector<16xf32>
        %mul3A_182 = arith.constant 16 : i32
        %mul3A_183 = arith.muli %scan3A_159, %mul3A_182 : i32
        %swap3A = arith.index_cast %mul3A_183 : i32 to index
        %swap3A_184 = tpu.vector_load %arg15[%swap3A] {strides = array<i32>} : memref<128xf32, #tpu.memory_space<vmem>>, vector<16xf32>,
        tpu.vector_store %arg15[%swap3A], %div3A {strides = array<i32>} : memref<128xf32, #tpu.memory_space<vmem>>, vector<16xf32>,
        %scan3A_185 = arith.constant 0 : i32
        scf.yield %scan3A_185 : i32
      }
      %scan3A_148 = arith.constant 8 : i32
      %dma_wait3A = arith.constant 0 : i32
      %dma_wait3A_149 = arith.constant 0 : i32
      %dma_wait3A_150 = tpu.memref_slice %arg2[%dma_wait3A, %dma_wait3A_149] : memref<40960x32xf32, #tpu.memory_space<hbm>> -> memref<40960x32xf32, #tpu.memory_space<hbm>>
      tpu.wait_indirect_dma semaphore(%arg19 : memref<!tpu.dma_semaphore, #tpu.memory_space<semaphore_mem>>) src(%dma_wait3A_150 : memref<40960x32xf32, #tpu.memory_space<hbm>>) dst(%arg12 : memref<128x32xf32, #tpu.memory_space<vmem>>)
      %scan3A_151 = arith.constant 0 : i32
      %scan3A_152 = arith.constant 0 : i32
      %scan3A_153 = arith.constant 8 : i32
      %scan3A_154 = arith.addi %scan3A_152, %scan3A_153 : i32
      %scan3A_155 = arith.constant 1 : i32
      %scan3A_156 = scf.for %scan3A_159 = %scan3A_152 to %scan3A_154 step %scan3A_155 iter_args(%scan3A_160 = %scan3A_151) -> (i32)  : i32 {
        %mul3A_161 = arith.constant 16 : i32
        %mul3A_162 = arith.muli %scan3A_159, %mul3A_161 : i32
        %get3A = arith.index_cast %mul3A_162 : i32 to index
        %get3A_163 = tpu.vector_load %arg15[%get3A] {strides = array<i32>} : memref<128xf32, #tpu.memory_space<vmem>>, vector<16xf32>,
        %mul3A_164 = arith.constant 16 : i32
        %mul3A_165 = arith.muli %scan3A_159, %mul3A_164 : i32
        %add3A_166 = arith.constant 0 : i32
        %add3A_167 = arith.addi %mul3A_165, %add3A_166 : i32
        %slice3A = vector.extract_strided_slice %get3A_163 {offsets = [0], sizes = [1], strides = [1]} : vector<16xf32> to vector<1xf32>
        %squeeze3A = vector.extract %slice3A[0] : f32 from vector<1xf32>
        %get3A_168 = arith.index_cast %add3A_167 : i32 to index
        %get3A_169 = arith.constant 0 : index
        %get3A_170 = tpu.vector_load %arg12[%get3A_168, %get3A_169] {strides = array<i32>} : memref<128x32xf32, #tpu.memory_space<vmem>>, vector<16xf32>,
        %mul3A_171 = vector.broadcast %squeeze3A : f32 to vector<16xf32>
        %mul3A_172 = arith.mulf %get3A_170, %mul3A_171 : vector<16xf32>
        %swap3A = arith.index_cast %add3A_167 : i32 to index
        %swap3A_173 = arith.constant 0 : index
        %swap3A_174 = tpu.vector_load %arg12[%swap3A, %swap3A_173] {strides = array<i32>} : memref<128x32xf32, #tpu.memory_space<vmem>>, vector<16xf32>,
        tpu.vector_store %arg12[%swap3A, %swap3A_173], %mul3A_172 {strides = array<i32>} : memref<128x32xf32, #tpu.memory_space<vmem>>, vector<16xf32>,
        %get3A_175 = arith.index_cast %add3A_167 : i32 to index
        %get3A_176 = arith.constant 16 : index
        %get3A_177 = tpu.vector_load %arg12[%get3A_175, %get3A_176] {strides = array<i32>} : memref<128x32xf32, #tpu.memory_space<vmem>>, vector<16xf32>,
        %mul3A_178 = vector.broadcast %squeeze3A : f32 to vector<16xf32>
        %mul3A_179 = arith.mulf %get3A_177, %mul3A_178 : vector<16xf32>
        %swap3A_180 = arith.index_cast %add3A_167 : i32 to index
        %swap3A_181 = arith.constant 16 : index
        %swap3A_182 = tpu.vector_load %arg12[%swap3A_180, %swap3A_181] {strides = array<i32>} : memref<128x32xf32, #tpu.memory_space<vmem>>, vector<16xf32>,
        tpu.vector_store %arg12[%swap3A_180, %swap3A_181], %mul3A_179 {strides = array<i32>} : memref<128x32xf32, #tpu.memory_space<vmem>>, vector<16xf32>,
        %mul3A_183 = arith.constant 16 : i32
        %mul3A_184 = arith.muli %scan3A_159, %mul3A_183 : i32
        %add3A_185 = arith.constant 1 : i32
        %add3A_186 = arith.addi %mul3A_184, %add3A_185 : i32
        %slice3A_187 = vector.extract_strided_slice %get3A_163 {offsets = [1], sizes = [1], strides = [1]} : vector<16xf32> to vector<1xf32>
        %squeeze3A_188 = vector.extract %slice3A_187[0] : f32 from vector<1xf32>
        %get3A_189 = arith.index_cast %add3A_186 : i32 to index
        %get3A_190 = arith.constant 0 : index
        %get3A_191 = tpu.vector_load %arg12[%get3A_189, %get3A_190] {strides = array<i32>} : memref<128x32xf32, #tpu.memory_space<vmem>>, vector<16xf32>,
        %mul3A_192 = vector.broadcast %squeeze3A_188 : f32 to vector<16xf32>
        %mul3A_193 = arith.mulf %get3A_191, %mul3A_192 : vector<16xf32>
        %swap3A_194 = arith.index_cast %add3A_186 : i32 to index
        %swap3A_195 = arith.constant 0 : index
        %swap3A_196 = tpu.vector_load %arg12[%swap3A_194, %swap3A_195] {strides = array<i32>} : memref<128x32xf32, #tpu.memory_space<vmem>>, vector<16xf32>,
        tpu.vector_store %arg12[%swap3A_194, %swap3A_195], %mul3A_193 {strides = array<i32>} : memref<128x32xf32, #tpu.memory_space<vmem>>, vector<16xf32>,
        %get3A_197 = arith.index_cast %add3A_186 : i32 to index
        %get3A_198 = arith.constant 16 : index
        %get3A_199 = tpu.vector_load %arg12[%get3A_197, %get3A_198] {strides = array<i32>} : memref<128x32xf32, #tpu.memory_space<vmem>>, vector<16xf32>,
        %mul3A_200 = vector.broadcast %squeeze3A_188 : f32 to vector<16xf32>
        %mul3A_201 = arith.mulf %get3A_199, %mul3A_200 : vector<16xf32>
        %swap3A_202 = arith.index_cast %add3A_186 : i32 to index
        %swap3A_203 = arith.constant 16 : index
        %swap3A_204 = tpu.vector_load %arg12[%swap3A_202, %swap3A_203] {strides = array<i32>} : memref<128x32xf32, #tpu.memory_space<vmem>>, vector<16xf32>,
        tpu.vector_store %arg12[%swap3A_202, %swap3A_203], %mul3A_201 {strides = array<i32>} : memref<128x32xf32, #tpu.memory_space<vmem>>, vector<16xf32>,
        %mul3A_205 = arith.constant 16 : i32
        %mul3A_206 = arith.muli %scan3A_159, %mul3A_205 : i32
        %add3A_207 = arith.constant 2 : i32
        %add3A_208 = arith.addi %mul3A_206, %add3A_207 : i32
        %slice3A_209 = vector.extract_strided_slice %get3A_163 {offsets = [2], sizes = [1], strides = [1]} : vector<16xf32> to vector<1xf32>
        %squeeze3A_210 = vector.extract %slice3A_209[0] : f32 from vector<1xf32>
        %get3A_211 = arith.index_cast %add3A_208 : i32 to index
        %get3A_212 = arith.constant 0 : index
        %get3A_213 = tpu.vector_load %arg12[%get3A_211, %get3A_212] {strides = array<i32>} : memref<128x32xf32, #tpu.memory_space<vmem>>, vector<16xf32>,
        %mul3A_214 = vector.broadcast %squeeze3A_210 : f32 to vector<16xf32>
        %mul3A_215 = arith.mulf %get3A_213, %mul3A_214 : vector<16xf32>
        %swap3A_216 = arith.index_cast %add3A_208 : i32 to index
        %swap3A_217 = arith.constant 0 : index
        %swap3A_218 = tpu.vector_load %arg12[%swap3A_216, %swap3A_217] {strides = array<i32>} : memref<128x32xf32, #tpu.memory_space<vmem>>, vector<16xf32>,
        tpu.vector_store %arg12[%swap3A_216, %swap3A_217], %mul3A_215 {strides = array<i32>} : memref<128x32xf32, #tpu.memory_space<vmem>>, vector<16xf32>,
        %get3A_219 = arith.index_cast %add3A_208 : i32 to index
        %get3A_220 = arith.constant 16 : index
        %get3A_221 = tpu.vector_load %arg12[%get3A_219, %get3A_220] {strides = array<i32>} : memref<128x32xf32, #tpu.memory_space<vmem>>, vector<16xf32>,
        %mul3A_222 = vector.broadcast %squeeze3A_210 : f32 to vector<16xf32>
        %mul3A_223 = arith.mulf %get3A_221, %mul3A_222 : vector<16xf32>
        %swap3A_224 = arith.index_cast %add3A_208 : i32 to index
        %swap3A_225 = arith.constant 16 : index
        %swap3A_226 = tpu.vector_load %arg12[%swap3A_224, %swap3A_225] {strides = array<i32>} : memref<128x32xf32, #tpu.memory_space<vmem>>, vector<16xf32>,
        tpu.vector_store %arg12[%swap3A_224, %swap3A_225], %mul3A_223 {strides = array<i32>} : memref<128x32xf32, #tpu.memory_space<vmem>>, vector<16xf32>,
        %mul3A_227 = arith.constant 16 : i32
        %mul3A_228 = arith.muli %scan3A_159, %mul3A_227 : i32
        %add3A_229 = arith.constant 3 : i32
        %add3A_230 = arith.addi %mul3A_228, %add3A_229 : i32
        %slice3A_231 = vector.extract_strided_slice %get3A_163 {offsets = [3], sizes = [1], strides = [1]} : vector<16xf32> to vector<1xf32>
        %squeeze3A_232 = vector.extract %slice3A_231[0] : f32 from vector<1xf32>
        %get3A_233 = arith.index_cast %add3A_230 : i32 to index
        %get3A_234 = arith.constant 0 : index
        %get3A_235 = tpu.vector_load %arg12[%get3A_233, %get3A_234] {strides = array<i32>} : memref<128x32xf32, #tpu.memory_space<vmem>>, vector<16xf32>,
        %mul3A_236 = vector.broadcast %squeeze3A_232 : f32 to vector<16xf32>
        %mul3A_237 = arith.mulf %get3A_235, %mul3A_236 : vector<16xf32>
        %swap3A_238 = arith.index_cast %add3A_230 : i32 to index
        %swap3A_239 = arith.constant 0 : index
        %swap3A_240 = tpu.vector_load %arg12[%swap3A_238, %swap3A_239] {strides = array<i32>} : memref<128x32xf32, #tpu.memory_space<vmem>>, vector<16xf32>,
        tpu.vector_store %arg12[%swap3A_238, %swap3A_239], %mul3A_237 {strides = array<i32>} : memref<128x32xf32, #tpu.memory_space<vmem>>, vector<16xf32>,
        %get3A_241 = arith.index_cast %add3A_230 : i32 to index
        %get3A_242 = arith.constant 16 : index
        %get3A_243 = tpu.vector_load %arg12[%get3A_241, %get3A_242] {strides = array<i32>} : memref<128x32xf32, #tpu.memory_space<vmem>>, vector<16xf32>,
        %mul3A_244 = vector.broadcast %squeeze3A_232 : f32 to vector<16xf32>
        %mul3A_245 = arith.mulf %get3A_243, %mul3A_244 : vector<16xf32>
        %swap3A_246 = arith.index_cast %add3A_230 : i32 to index
        %swap3A_247 = arith.constant 16 : index
        %swap3A_248 = tpu.vector_load %arg12[%swap3A_246, %swap3A_247] {strides = array<i32>} : memref<128x32xf32, #tpu.memory_space<vmem>>, vector<16xf32>,
        tpu.vector_store %arg12[%swap3A_246, %swap3A_247], %mul3A_245 {strides = array<i32>} : memref<128x32xf32, #tpu.memory_space<vmem>>, vector<16xf32>,
        %mul3A_249 = arith.constant 16 : i32
        %mul3A_250 = arith.muli %scan3A_159, %mul3A_249 : i32
        %add3A_251 = arith.constant 4 : i32
        %add3A_252 = arith.addi %mul3A_250, %add3A_251 : i32
        %slice3A_253 = vector.extract_strided_slice %get3A_163 {offsets = [4], sizes = [1], strides = [1]} : vector<16xf32> to vector<1xf32>
        %squeeze3A_254 = vector.extract %slice3A_253[0] : f32 from vector<1xf32>
        %get3A_255 = arith.index_cast %add3A_252 : i32 to index
        %get3A_256 = arith.constant 0 : index
        %get3A_257 = tpu.vector_load %arg12[%get3A_255, %get3A_256] {strides = array<i32>} : memref<128x32xf32, #tpu.memory_space<vmem>>, vector<16xf32>,
        %mul3A_258 = vector.broadcast %squeeze3A_254 : f32 to vector<16xf32>
        %mul3A_259 = arith.mulf %get3A_257, %mul3A_258 : vector<16xf32>
        %swap3A_260 = arith.index_cast %add3A_252 : i32 to index
        %swap3A_261 = arith.constant 0 : index
        %swap3A_262 = tpu.vector_load %arg12[%swap3A_260, %swap3A_261] {strides = array<i32>} : memref<128x32xf32, #tpu.memory_space<vmem>>, vector<16xf32>,
        tpu.vector_store %arg12[%swap3A_260, %swap3A_261], %mul3A_259 {strides = array<i32>} : memref<128x32xf32, #tpu.memory_space<vmem>>, vector<16xf32>,
        %get3A_263 = arith.index_cast %add3A_252 : i32 to index
        %get3A_264 = arith.constant 16 : index
        %get3A_265 = tpu.vector_load %arg12[%get3A_263, %get3A_264] {strides = array<i32>} : memref<128x32xf32, #tpu.memory_space<vmem>>, vector<16xf32>,
        %mul3A_266 = vector.broadcast %squeeze3A_254 : f32 to vector<16xf32>
        %mul3A_267 = arith.mulf %get3A_265, %mul3A_266 : vector<16xf32>
        %swap3A_268 = arith.index_cast %add3A_252 : i32 to index
        %swap3A_269 = arith.constant 16 : index
        %swap3A_270 = tpu.vector_load %arg12[%swap3A_268, %swap3A_269] {strides = array<i32>} : memref<128x32xf32, #tpu.memory_space<vmem>>, vector<16xf32>,
        tpu.vector_store %arg12[%swap3A_268, %swap3A_269], %mul3A_267 {strides = array<i32>} : memref<128x32xf32, #tpu.memory_space<vmem>>, vector<16xf32>,
        %mul3A_271 = arith.constant 16 : i32
        %mul3A_272 = arith.muli %scan3A_159, %mul3A_271 : i32
        %add3A_273 = arith.constant 5 : i32
        %add3A_274 = arith.addi %mul3A_272, %add3A_273 : i32
        %slice3A_275 = vector.extract_strided_slice %get3A_163 {offsets = [5], sizes = [1], strides = [1]} : vector<16xf32> to vector<1xf32>
        %squeeze3A_276 = vector.extract %slice3A_275[0] : f32 from vector<1xf32>
        %get3A_277 = arith.index_cast %add3A_274 : i32 to index
        %get3A_278 = arith.constant 0 : index
        %get3A_279 = tpu.vector_load %arg12[%get3A_277, %get3A_278] {strides = array<i32>} : memref<128x32xf32, #tpu.memory_space<vmem>>, vector<16xf32>,
        %mul3A_280 = vector.broadcast %squeeze3A_276 : f32 to vector<16xf32>
        %mul3A_281 = arith.mulf %get3A_279, %mul3A_280 : vector<16xf32>
        %swap3A_282 = arith.index_cast %add3A_274 : i32 to index
        %swap3A_283 = arith.constant 0 : index
        %swap3A_284 = tpu.vector_load %arg12[%swap3A_282, %swap3A_283] {strides = array<i32>} : memref<128x32xf32, #tpu.memory_space<vmem>>, vector<16xf32>,
        tpu.vector_store %arg12[%swap3A_282, %swap3A_283], %mul3A_281 {strides = array<i32>} : memref<128x32xf32, #tpu.memory_space<vmem>>, vector<16xf32>,
        %get3A_285 = arith.index_cast %add3A_274 : i32 to index
        %get3A_286 = arith.constant 16 : index
        %get3A_287 = tpu.vector_load %arg12[%get3A_285, %get3A_286] {strides = array<i32>} : memref<128x32xf32, #tpu.memory_space<vmem>>, vector<16xf32>,
        %mul3A_288 = vector.broadcast %squeeze3A_276 : f32 to vector<16xf32>
        %mul3A_289 = arith.mulf %get3A_287, %mul3A_288 : vector<16xf32>
        %swap3A_290 = arith.index_cast %add3A_274 : i32 to index
        %swap3A_291 = arith.constant 16 : index
        %swap3A_292 = tpu.vector_load %arg12[%swap3A_290, %swap3A_291] {strides = array<i32>} : memref<128x32xf32, #tpu.memory_space<vmem>>, vector<16xf32>,
        tpu.vector_store %arg12[%swap3A_290, %swap3A_291], %mul3A_289 {strides = array<i32>} : memref<128x32xf32, #tpu.memory_space<vmem>>, vector<16xf32>,
        %mul3A_293 = arith.constant 16 : i32
        %mul3A_294 = arith.muli %scan3A_159, %mul3A_293 : i32
        %add3A_295 = arith.constant 6 : i32
        %add3A_296 = arith.addi %mul3A_294, %add3A_295 : i32
        %slice3A_297 = vector.extract_strided_slice %get3A_163 {offsets = [6], sizes = [1], strides = [1]} : vector<16xf32> to vector<1xf32>
        %squeeze3A_298 = vector.extract %slice3A_297[0] : f32 from vector<1xf32>
        %get3A_299 = arith.index_cast %add3A_296 : i32 to index
        %get3A_300 = arith.constant 0 : index
        %get3A_301 = tpu.vector_load %arg12[%get3A_299, %get3A_300] {strides = array<i32>} : memref<128x32xf32, #tpu.memory_space<vmem>>, vector<16xf32>,
        %mul3A_302 = vector.broadcast %squeeze3A_298 : f32 to vector<16xf32>
        %mul3A_303 = arith.mulf %get3A_301, %mul3A_302 : vector<16xf32>
        %swap3A_304 = arith.index_cast %add3A_296 : i32 to index
        %swap3A_305 = arith.constant 0 : index
        %swap3A_306 = tpu.vector_load %arg12[%swap3A_304, %swap3A_305] {strides = array<i32>} : memref<128x32xf32, #tpu.memory_space<vmem>>, vector<16xf32>,
        tpu.vector_store %arg12[%swap3A_304, %swap3A_305], %mul3A_303 {strides = array<i32>} : memref<128x32xf32, #tpu.memory_space<vmem>>, vector<16xf32>,
        %get3A_307 = arith.index_cast %add3A_296 : i32 to index
        %get3A_308 = arith.constant 16 : index
        %get3A_309 = tpu.vector_load %arg12[%get3A_307, %get3A_308] {strides = array<i32>} : memref<128x32xf32, #tpu.memory_space<vmem>>, vector<16xf32>,
        %mul3A_310 = vector.broadcast %squeeze3A_298 : f32 to vector<16xf32>
        %mul3A_311 = arith.mulf %get3A_309, %mul3A_310 : vector<16xf32>
        %swap3A_312 = arith.index_cast %add3A_296 : i32 to index
        %swap3A_313 = arith.constant 16 : index
        %swap3A_314 = tpu.vector_load %arg12[%swap3A_312, %swap3A_313] {strides = array<i32>} : memref<128x32xf32, #tpu.memory_space<vmem>>, vector<16xf32>,
        tpu.vector_store %arg12[%swap3A_312, %swap3A_313], %mul3A_311 {strides = array<i32>} : memref<128x32xf32, #tpu.memory_space<vmem>>, vector<16xf32>,
        %mul3A_315 = arith.constant 16 : i32
        %mul3A_316 = arith.muli %scan3A_159, %mul3A_315 : i32
        %add3A_317 = arith.constant 7 : i32
        %add3A_318 = arith.addi %mul3A_316, %add3A_317 : i32
        %slice3A_319 = vector.extract_strided_slice %get3A_163 {offsets = [7], sizes = [1], strides = [1]} : vector<16xf32> to vector<1xf32>
        %squeeze3A_320 = vector.extract %slice3A_319[0] : f32 from vector<1xf32>
        %get3A_321 = arith.index_cast %add3A_318 : i32 to index
        %get3A_322 = arith.constant 0 : index
        %get3A_323 = tpu.vector_load %arg12[%get3A_321, %get3A_322] {strides = array<i32>} : memref<128x32xf32, #tpu.memory_space<vmem>>, vector<16xf32>,
        %mul3A_324 = vector.broadcast %squeeze3A_320 : f32 to vector<16xf32>
        %mul3A_325 = arith.mulf %get3A_323, %mul3A_324 : vector<16xf32>
        %swap3A_326 = arith.index_cast %add3A_318 : i32 to index
        %swap3A_327 = arith.constant 0 : index
        %swap3A_328 = tpu.vector_load %arg12[%swap3A_326, %swap3A_327] {strides = array<i32>} : memref<128x32xf32, #tpu.memory_space<vmem>>, vector<16xf32>,
        tpu.vector_store %arg12[%swap3A_326, %swap3A_327], %mul3A_325 {strides = array<i32>} : memref<128x32xf32, #tpu.memory_space<vmem>>, vector<16xf32>,
        %get3A_329 = arith.index_cast %add3A_318 : i32 to index
        %get3A_330 = arith.constant 16 : index
        %get3A_331 = tpu.vector_load %arg12[%get3A_329, %get3A_330] {strides = array<i32>} : memref<128x32xf32, #tpu.memory_space<vmem>>, vector<16xf32>,
        %mul3A_332 = vector.broadcast %squeeze3A_320 : f32 to vector<16xf32>
        %mul3A_333 = arith.mulf %get3A_331, %mul3A_332 : vector<16xf32>
        %swap3A_334 = arith.index_cast %add3A_318 : i32 to index
        %swap3A_335 = arith.constant 16 : index
        %swap3A_336 = tpu.vector_load %arg12[%swap3A_334, %swap3A_335] {strides = array<i32>} : memref<128x32xf32, #tpu.memory_space<vmem>>, vector<16xf32>,
        tpu.vector_store %arg12[%swap3A_334, %swap3A_335], %mul3A_333 {strides = array<i32>} : memref<128x32xf32, #tpu.memory_space<vmem>>, vector<16xf32>,
        %mul3A_337 = arith.constant 16 : i32
        %mul3A_338 = arith.muli %scan3A_159, %mul3A_337 : i32
        %add3A_339 = arith.constant 8 : i32
        %add3A_340 = arith.addi %mul3A_338, %add3A_339 : i32
        %slice3A_341 = vector.extract_strided_slice %get3A_163 {offsets = [8], sizes = [1], strides = [1]} : vector<16xf32> to vector<1xf32>
        %squeeze3A_342 = vector.extract %slice3A_341[0] : f32 from vector<1xf32>
        %get3A_343 = arith.index_cast %add3A_340 : i32 to index
        %get3A_344 = arith.constant 0 : index
        %get3A_345 = tpu.vector_load %arg12[%get3A_343, %get3A_344] {strides = array<i32>} : memref<128x32xf32, #tpu.memory_space<vmem>>, vector<16xf32>,
        %mul3A_346 = vector.broadcast %squeeze3A_342 : f32 to vector<16xf32>
        %mul3A_347 = arith.mulf %get3A_345, %mul3A_346 : vector<16xf32>
        %swap3A_348 = arith.index_cast %add3A_340 : i32 to index
        %swap3A_349 = arith.constant 0 : index
        %swap3A_350 = tpu.vector_load %arg12[%swap3A_348, %swap3A_349] {strides = array<i32>} : memref<128x32xf32, #tpu.memory_space<vmem>>, vector<16xf32>,
        tpu.vector_store %arg12[%swap3A_348, %swap3A_349], %mul3A_347 {strides = array<i32>} : memref<128x32xf32, #tpu.memory_space<vmem>>, vector<16xf32>,
        %get3A_351 = arith.index_cast %add3A_340 : i32 to index
        %get3A_352 = arith.constant 16 : index
        %get3A_353 = tpu.vector_load %arg12[%get3A_351, %get3A_352] {strides = array<i32>} : memref<128x32xf32, #tpu.memory_space<vmem>>, vector<16xf32>,
        %mul3A_354 = vector.broadcast %squeeze3A_342 : f32 to vector<16xf32>
        %mul3A_355 = arith.mulf %get3A_353, %mul3A_354 : vector<16xf32>
        %swap3A_356 = arith.index_cast %add3A_340 : i32 to index
        %swap3A_357 = arith.constant 16 : index
        %swap3A_358 = tpu.vector_load %arg12[%swap3A_356, %swap3A_357] {strides = array<i32>} : memref<128x32xf32, #tpu.memory_space<vmem>>, vector<16xf32>,
        tpu.vector_store %arg12[%swap3A_356, %swap3A_357], %mul3A_355 {strides = array<i32>} : memref<128x32xf32, #tpu.memory_space<vmem>>, vector<16xf32>,
        %mul3A_359 = arith.constant 16 : i32
        %mul3A_360 = arith.muli %scan3A_159, %mul3A_359 : i32
        %add3A_361 = arith.constant 9 : i32
        %add3A_362 = arith.addi %mul3A_360, %add3A_361 : i32
        %slice3A_363 = vector.extract_strided_slice %get3A_163 {offsets = [9], sizes = [1], strides = [1]} : vector<16xf32> to vector<1xf32>
        %squeeze3A_364 = vector.extract %slice3A_363[0] : f32 from vector<1xf32>
        %get3A_365 = arith.index_cast %add3A_362 : i32 to index
        %get3A_366 = arith.constant 0 : index
        %get3A_367 = tpu.vector_load %arg12[%get3A_365, %get3A_366] {strides = array<i32>} : memref<128x32xf32, #tpu.memory_space<vmem>>, vector<16xf32>,
        %mul3A_368 = vector.broadcast %squeeze3A_364 : f32 to vector<16xf32>
        %mul3A_369 = arith.mulf %get3A_367, %mul3A_368 : vector<16xf32>
        %swap3A_370 = arith.index_cast %add3A_362 : i32 to index
        %swap3A_371 = arith.constant 0 : index
        %swap3A_372 = tpu.vector_load %arg12[%swap3A_370, %swap3A_371] {strides = array<i32>} : memref<128x32xf32, #tpu.memory_space<vmem>>, vector<16xf32>,
        tpu.vector_store %arg12[%swap3A_370, %swap3A_371], %mul3A_369 {strides = array<i32>} : memref<128x32xf32, #tpu.memory_space<vmem>>, vector<16xf32>,
        %get3A_373 = arith.index_cast %add3A_362 : i32 to index
        %get3A_374 = arith.constant 16 : index
        %get3A_375 = tpu.vector_load %arg12[%get3A_373, %get3A_374] {strides = array<i32>} : memref<128x32xf32, #tpu.memory_space<vmem>>, vector<16xf32>,
        %mul3A_376 = vector.broadcast %squeeze3A_364 : f32 to vector<16xf32>
        %mul3A_377 = arith.mulf %get3A_375, %mul3A_376 : vector<16xf32>
        %swap3A_378 = arith.index_cast %add3A_362 : i32 to index
        %swap3A_379 = arith.constant 16 : index
        %swap3A_380 = tpu.vector_load %arg12[%swap3A_378, %swap3A_379] {strides = array<i32>} : memref<128x32xf32, #tpu.memory_space<vmem>>, vector<16xf32>,
        tpu.vector_store %arg12[%swap3A_378, %swap3A_379], %mul3A_377 {strides = array<i32>} : memref<128x32xf32, #tpu.memory_space<vmem>>, vector<16xf32>,
        %mul3A_381 = arith.constant 16 : i32
        %mul3A_382 = arith.muli %scan3A_159, %mul3A_381 : i32
        %add3A_383 = arith.constant 10 : i32
        %add3A_384 = arith.addi %mul3A_382, %add3A_383 : i32
        %slice3A_385 = vector.extract_strided_slice %get3A_163 {offsets = [10], sizes = [1], strides = [1]} : vector<16xf32> to vector<1xf32>
        %squeeze3A_386 = vector.extract %slice3A_385[0] : f32 from vector<1xf32>
        %get3A_387 = arith.index_cast %add3A_384 : i32 to index
        %get3A_388 = arith.constant 0 : index
        %get3A_389 = tpu.vector_load %arg12[%get3A_387, %get3A_388] {strides = array<i32>} : memref<128x32xf32, #tpu.memory_space<vmem>>, vector<16xf32>,
        %mul3A_390 = vector.broadcast %squeeze3A_386 : f32 to vector<16xf32>
        %mul3A_391 = arith.mulf %get3A_389, %mul3A_390 : vector<16xf32>
        %swap3A_392 = arith.index_cast %add3A_384 : i32 to index
        %swap3A_393 = arith.constant 0 : index
        %swap3A_394 = tpu.vector_load %arg12[%swap3A_392, %swap3A_393] {strides = array<i32>} : memref<128x32xf32, #tpu.memory_space<vmem>>, vector<16xf32>,
        tpu.vector_store %arg12[%swap3A_392, %swap3A_393], %mul3A_391 {strides = array<i32>} : memref<128x32xf32, #tpu.memory_space<vmem>>, vector<16xf32>,
        %get3A_395 = arith.index_cast %add3A_384 : i32 to index
        %get3A_396 = arith.constant 16 : index
        %get3A_397 = tpu.vector_load %arg12[%get3A_395, %get3A_396] {strides = array<i32>} : memref<128x32xf32, #tpu.memory_space<vmem>>, vector<16xf32>,
        %mul3A_398 = vector.broadcast %squeeze3A_386 : f32 to vector<16xf32>
        %mul3A_399 = arith.mulf %get3A_397, %mul3A_398 : vector<16xf32>
        %swap3A_400 = arith.index_cast %add3A_384 : i32 to index
        %swap3A_401 = arith.constant 16 : index
        %swap3A_402 = tpu.vector_load %arg12[%swap3A_400, %swap3A_401] {strides = array<i32>} : memref<128x32xf32, #tpu.memory_space<vmem>>, vector<16xf32>,
        tpu.vector_store %arg12[%swap3A_400, %swap3A_401], %mul3A_399 {strides = array<i32>} : memref<128x32xf32, #tpu.memory_space<vmem>>, vector<16xf32>,
        %mul3A_403 = arith.constant 16 : i32
        %mul3A_404 = arith.muli %scan3A_159, %mul3A_403 : i32
        %add3A_405 = arith.constant 11 : i32
        %add3A_406 = arith.addi %mul3A_404, %add3A_405 : i32
        %slice3A_407 = vector.extract_strided_slice %get3A_163 {offsets = [11], sizes = [1], strides = [1]} : vector<16xf32> to vector<1xf32>
        %squeeze3A_408 = vector.extract %slice3A_407[0] : f32 from vector<1xf32>
        %get3A_409 = arith.index_cast %add3A_406 : i32 to index
        %get3A_410 = arith.constant 0 : index
        %get3A_411 = tpu.vector_load %arg12[%get3A_409, %get3A_410] {strides = array<i32>} : memref<128x32xf32, #tpu.memory_space<vmem>>, vector<16xf32>,
        %mul3A_412 = vector.broadcast %squeeze3A_408 : f32 to vector<16xf32>
        %mul3A_413 = arith.mulf %get3A_411, %mul3A_412 : vector<16xf32>
        %swap3A_414 = arith.index_cast %add3A_406 : i32 to index
        %swap3A_415 = arith.constant 0 : index
        %swap3A_416 = tpu.vector_load %arg12[%swap3A_414, %swap3A_415] {strides = array<i32>} : memref<128x32xf32, #tpu.memory_space<vmem>>, vector<16xf32>,
        tpu.vector_store %arg12[%swap3A_414, %swap3A_415], %mul3A_413 {strides = array<i32>} : memref<128x32xf32, #tpu.memory_space<vmem>>, vector<16xf32>,
        %get3A_417 = arith.index_cast %add3A_406 : i32 to index
        %get3A_418 = arith.constant 16 : index
        %get3A_419 = tpu.vector_load %arg12[%get3A_417, %get3A_418] {strides = array<i32>} : memref<128x32xf32, #tpu.memory_space<vmem>>, vector<16xf32>,
        %mul3A_420 = vector.broadcast %squeeze3A_408 : f32 to vector<16xf32>
        %mul3A_421 = arith.mulf %get3A_419, %mul3A_420 : vector<16xf32>
        %swap3A_422 = arith.index_cast %add3A_406 : i32 to index
        %swap3A_423 = arith.constant 16 : index
        %swap3A_424 = tpu.vector_load %arg12[%swap3A_422, %swap3A_423] {strides = array<i32>} : memref<128x32xf32, #tpu.memory_space<vmem>>, vector<16xf32>,
        tpu.vector_store %arg12[%swap3A_422, %swap3A_423], %mul3A_421 {strides = array<i32>} : memref<128x32xf32, #tpu.memory_space<vmem>>, vector<16xf32>,
        %mul3A_425 = arith.constant 16 : i32
        %mul3A_426 = arith.muli %scan3A_159, %mul3A_425 : i32
        %add3A_427 = arith.constant 12 : i32
        %add3A_428 = arith.addi %mul3A_426, %add3A_427 : i32
        %slice3A_429 = vector.extract_strided_slice %get3A_163 {offsets = [12], sizes = [1], strides = [1]} : vector<16xf32> to vector<1xf32>
        %squeeze3A_430 = vector.extract %slice3A_429[0] : f32 from vector<1xf32>
        %get3A_431 = arith.index_cast %add3A_428 : i32 to index
        %get3A_432 = arith.constant 0 : index
        %get3A_433 = tpu.vector_load %arg12[%get3A_431, %get3A_432] {strides = array<i32>} : memref<128x32xf32, #tpu.memory_space<vmem>>, vector<16xf32>,
        %mul3A_434 = vector.broadcast %squeeze3A_430 : f32 to vector<16xf32>
        %mul3A_435 = arith.mulf %get3A_433, %mul3A_434 : vector<16xf32>
        %swap3A_436 = arith.index_cast %add3A_428 : i32 to index
        %swap3A_437 = arith.constant 0 : index
        %swap3A_438 = tpu.vector_load %arg12[%swap3A_436, %swap3A_437] {strides = array<i32>} : memref<128x32xf32, #tpu.memory_space<vmem>>, vector<16xf32>,
        tpu.vector_store %arg12[%swap3A_436, %swap3A_437], %mul3A_435 {strides = array<i32>} : memref<128x32xf32, #tpu.memory_space<vmem>>, vector<16xf32>,
        %get3A_439 = arith.index_cast %add3A_428 : i32 to index
        %get3A_440 = arith.constant 16 : index
        %get3A_441 = tpu.vector_load %arg12[%get3A_439, %get3A_440] {strides = array<i32>} : memref<128x32xf32, #tpu.memory_space<vmem>>, vector<16xf32>,
        %mul3A_442 = vector.broadcast %squeeze3A_430 : f32 to vector<16xf32>
        %mul3A_443 = arith.mulf %get3A_441, %mul3A_442 : vector<16xf32>
        %swap3A_444 = arith.index_cast %add3A_428 : i32 to index
        %swap3A_445 = arith.constant 16 : index
        %swap3A_446 = tpu.vector_load %arg12[%swap3A_444, %swap3A_445] {strides = array<i32>} : memref<128x32xf32, #tpu.memory_space<vmem>>, vector<16xf32>,
        tpu.vector_store %arg12[%swap3A_444, %swap3A_445], %mul3A_443 {strides = array<i32>} : memref<128x32xf32, #tpu.memory_space<vmem>>, vector<16xf32>,
        %mul3A_447 = arith.constant 16 : i32
        %mul3A_448 = arith.muli %scan3A_159, %mul3A_447 : i32
        %add3A_449 = arith.constant 13 : i32
        %add3A_450 = arith.addi %mul3A_448, %add3A_449 : i32
        %slice3A_451 = vector.extract_strided_slice %get3A_163 {offsets = [13], sizes = [1], strides = [1]} : vector<16xf32> to vector<1xf32>
        %squeeze3A_452 = vector.extract %slice3A_451[0] : f32 from vector<1xf32>
        %get3A_453 = arith.index_cast %add3A_450 : i32 to index
        %get3A_454 = arith.constant 0 : index
        %get3A_455 = tpu.vector_load %arg12[%get3A_453, %get3A_454] {strides = array<i32>} : memref<128x32xf32, #tpu.memory_space<vmem>>, vector<16xf32>,
        %mul3A_456 = vector.broadcast %squeeze3A_452 : f32 to vector<16xf32>
        %mul3A_457 = arith.mulf %get3A_455, %mul3A_456 : vector<16xf32>
        %swap3A_458 = arith.index_cast %add3A_450 : i32 to index
        %swap3A_459 = arith.constant 0 : index
        %swap3A_460 = tpu.vector_load %arg12[%swap3A_458, %swap3A_459] {strides = array<i32>} : memref<128x32xf32, #tpu.memory_space<vmem>>, vector<16xf32>,
        tpu.vector_store %arg12[%swap3A_458, %swap3A_459], %mul3A_457 {strides = array<i32>} : memref<128x32xf32, #tpu.memory_space<vmem>>, vector<16xf32>,
        %get3A_461 = arith.index_cast %add3A_450 : i32 to index
        %get3A_462 = arith.constant 16 : index
        %get3A_463 = tpu.vector_load %arg12[%get3A_461, %get3A_462] {strides = array<i32>} : memref<128x32xf32, #tpu.memory_space<vmem>>, vector<16xf32>,
        %mul3A_464 = vector.broadcast %squeeze3A_452 : f32 to vector<16xf32>
        %mul3A_465 = arith.mulf %get3A_463, %mul3A_464 : vector<16xf32>
        %swap3A_466 = arith.index_cast %add3A_450 : i32 to index
        %swap3A_467 = arith.constant 16 : index
        %swap3A_468 = tpu.vector_load %arg12[%swap3A_466, %swap3A_467] {strides = array<i32>} : memref<128x32xf32, #tpu.memory_space<vmem>>, vector<16xf32>,
        tpu.vector_store %arg12[%swap3A_466, %swap3A_467], %mul3A_465 {strides = array<i32>} : memref<128x32xf32, #tpu.memory_space<vmem>>, vector<16xf32>,
        %mul3A_469 = arith.constant 16 : i32
        %mul3A_470 = arith.muli %scan3A_159, %mul3A_469 : i32
        %add3A_471 = arith.constant 14 : i32
        %add3A_472 = arith.addi %mul3A_470, %add3A_471 : i32
        %slice3A_473 = vector.extract_strided_slice %get3A_163 {offsets = [14], sizes = [1], strides = [1]} : vector<16xf32> to vector<1xf32>
        %squeeze3A_474 = vector.extract %slice3A_473[0] : f32 from vector<1xf32>
        %get3A_475 = arith.index_cast %add3A_472 : i32 to index
        %get3A_476 = arith.constant 0 : index
        %get3A_477 = tpu.vector_load %arg12[%get3A_475, %get3A_476] {strides = array<i32>} : memref<128x32xf32, #tpu.memory_space<vmem>>, vector<16xf32>,
        %mul3A_478 = vector.broadcast %squeeze3A_474 : f32 to vector<16xf32>
        %mul3A_479 = arith.mulf %get3A_477, %mul3A_478 : vector<16xf32>
        %swap3A_480 = arith.index_cast %add3A_472 : i32 to index
        %swap3A_481 = arith.constant 0 : index
        %swap3A_482 = tpu.vector_load %arg12[%swap3A_480, %swap3A_481] {strides = array<i32>} : memref<128x32xf32, #tpu.memory_space<vmem>>, vector<16xf32>,
        tpu.vector_store %arg12[%swap3A_480, %swap3A_481], %mul3A_479 {strides = array<i32>} : memref<128x32xf32, #tpu.memory_space<vmem>>, vector<16xf32>,
        %get3A_483 = arith.index_cast %add3A_472 : i32 to index
        %get3A_484 = arith.constant 16 : index
        %get3A_485 = tpu.vector_load %arg12[%get3A_483, %get3A_484] {strides = array<i32>} : memref<128x32xf32, #tpu.memory_space<vmem>>, vector<16xf32>,
        %mul3A_486 = vector.broadcast %squeeze3A_474 : f32 to vector<16xf32>
        %mul3A_487 = arith.mulf %get3A_485, %mul3A_486 : vector<16xf32>
        %swap3A_488 = arith.index_cast %add3A_472 : i32 to index
        %swap3A_489 = arith.constant 16 : index
        %swap3A_490 = tpu.vector_load %arg12[%swap3A_488, %swap3A_489] {strides = array<i32>} : memref<128x32xf32, #tpu.memory_space<vmem>>, vector<16xf32>,
        tpu.vector_store %arg12[%swap3A_488, %swap3A_489], %mul3A_487 {strides = array<i32>} : memref<128x32xf32, #tpu.memory_space<vmem>>, vector<16xf32>,
        %mul3A_491 = arith.constant 16 : i32
        %mul3A_492 = arith.muli %scan3A_159, %mul3A_491 : i32
        %add3A_493 = arith.constant 15 : i32
        %add3A_494 = arith.addi %mul3A_492, %add3A_493 : i32
        %slice3A_495 = vector.extract_strided_slice %get3A_163 {offsets = [15], sizes = [1], strides = [1]} : vector<16xf32> to vector<1xf32>
        %squeeze3A_496 = vector.extract %slice3A_495[0] : f32 from vector<1xf32>
        %get3A_497 = arith.index_cast %add3A_494 : i32 to index
        %get3A_498 = arith.constant 0 : index
        %get3A_499 = tpu.vector_load %arg12[%get3A_497, %get3A_498] {strides = array<i32>} : memref<128x32xf32, #tpu.memory_space<vmem>>, vector<16xf32>,
        %mul3A_500 = vector.broadcast %squeeze3A_496 : f32 to vector<16xf32>
        %mul3A_501 = arith.mulf %get3A_499, %mul3A_500 : vector<16xf32>
        %swap3A_502 = arith.index_cast %add3A_494 : i32 to index
        %swap3A_503 = arith.constant 0 : index
        %swap3A_504 = tpu.vector_load %arg12[%swap3A_502, %swap3A_503] {strides = array<i32>} : memref<128x32xf32, #tpu.memory_space<vmem>>, vector<16xf32>,
        tpu.vector_store %arg12[%swap3A_502, %swap3A_503], %mul3A_501 {strides = array<i32>} : memref<128x32xf32, #tpu.memory_space<vmem>>, vector<16xf32>,
        %get3A_505 = arith.index_cast %add3A_494 : i32 to index
        %get3A_506 = arith.constant 16 : index
        %get3A_507 = tpu.vector_load %arg12[%get3A_505, %get3A_506] {strides = array<i32>} : memref<128x32xf32, #tpu.memory_space<vmem>>, vector<16xf32>,
        %mul3A_508 = vector.broadcast %squeeze3A_496 : f32 to vector<16xf32>
        %mul3A_509 = arith.mulf %get3A_507, %mul3A_508 : vector<16xf32>
        %swap3A_510 = arith.index_cast %add3A_494 : i32 to index
        %swap3A_511 = arith.constant 16 : index
        %swap3A_512 = tpu.vector_load %arg12[%swap3A_510, %swap3A_511] {strides = array<i32>} : memref<128x32xf32, #tpu.memory_space<vmem>>, vector<16xf32>,
        tpu.vector_store %arg12[%swap3A_510, %swap3A_511], %mul3A_509 {strides = array<i32>} : memref<128x32xf32, #tpu.memory_space<vmem>>, vector<16xf32>,
        %scan3A_513 = arith.constant 0 : i32
        scf.yield %scan3A_513 : i32
      }
      %scan3A_157 = arith.constant 8 : i32
      "tpu.region"() ({
        %run_scoped3A_159 = tpu.sem_alloc : memref<!tpu.dma_semaphore, #tpu.memory_space<semaphore_mem>>
        %dma_start3A_160 = arith.constant 0 : i32
        %dma_start3A_161 = arith.constant 0 : i32
        %dma_start3A_162 = tpu.memref_slice %arg17[%dma_start3A_160, %dma_start3A_161] : memref<10240x32xf32, #tpu.memory_space<vmem_shared>> -> memref<10240x32xf32, #tpu.memory_space<vmem_shared>>
        tpu.enqueue_indirect_dma source(%arg12 : memref<128x32xf32, #tpu.memory_space<vmem>>) target(%dma_start3A_162 : memref<10240x32xf32, #tpu.memory_space<vmem_shared>>) offsets(%arg14 : memref<128xi32, #tpu.memory_space<vmem>>) semaphore(%run_scoped3A_159 : memref<!tpu.dma_semaphore, #tpu.memory_space<semaphore_mem>>) {add = true}
        %dma_wait3A_163 = arith.constant 0 : i32
        %dma_wait3A_164 = arith.constant 0 : i32
        %dma_wait3A_165 = tpu.memref_slice %arg17[%dma_wait3A_163, %dma_wait3A_164] : memref<10240x32xf32, #tpu.memory_space<vmem_shared>> -> memref<10240x32xf32, #tpu.memory_space<vmem_shared>>
        tpu.wait_indirect_dma semaphore(%run_scoped3A_159 : memref<!tpu.dma_semaphore, #tpu.memory_space<semaphore_mem>>) src(%arg12 : memref<128x32xf32, #tpu.memory_space<vmem>>) dst(%dma_wait3A_165 : memref<10240x32xf32, #tpu.memory_space<vmem_shared>>)
        tpu.yield
      }) : () -> ()
      %scan3A_158 = arith.constant 0 : i32
      scf.yield %scan3A_158 : i32
    }
    %scan3A_122 = arith.constant 162 : i32
    %barrier3A_123 = arith.constant 0 : index
    tpu.barrier barrier_id(%barrier3A_123)
    %mul3A_124 = arith.constant 640 : i32
    %mul3A_125 = arith.muli %arg1, %mul3A_124 : i32
    %mul3A_126 = arith.constant 640 : i32
    %mul3A_127 = arith.muli %arg1, %mul3A_126 : i32
    %run_scoped3A_128 = arith.constant 1 : i32
    "tpu.region"() ({
      %run_scoped3A_129 = tpu.sem_alloc : memref<!tpu.dma_semaphore, #tpu.memory_space<semaphore_mem>>
      %dma_start3A = arith.constant 0 : i32
      %dma_start3A_130 = tpu.memref_slice %arg6[%run_scoped3A_128, %arg0, %mul3A_127, %dma_start3A] : memref<2x2x10240x32xf32, #tpu.memory_space<hbm>> -> memref<1x1x640x32xf32, #tpu.memory_space<hbm>>
      %dma_start3A_131 = tpu.memref_squeeze %dma_start3A_130 : memref<1x1x640x32xf32, #tpu.memory_space<hbm>> -> memref<640x32xf32, #tpu.memory_space<hbm>>
      %dma_start3A_132 = arith.constant 0 : i32
      %dma_start3A_133 = tpu.memref_slice %arg17[%mul3A_125, %dma_start3A_132] : memref<10240x32xf32, #tpu.memory_space<vmem_shared>> -> memref<640x32xf32, #tpu.memory_space<vmem_shared>>
      tpu.enqueue_dma source(%dma_start3A_133 : memref<640x32xf32, #tpu.memory_space<vmem_shared>>) target(%dma_start3A_131 : memref<640x32xf32, #tpu.memory_space<hbm>>) target_semaphore(%run_scoped3A_129 : memref<!tpu.dma_semaphore, #tpu.memory_space<semaphore_mem>>)
      %dma_wait3A = arith.constant 0 : i32
      %dma_wait3A_134 = tpu.memref_slice %arg6[%run_scoped3A_128, %arg0, %mul3A_127, %dma_wait3A] : memref<2x2x10240x32xf32, #tpu.memory_space<hbm>> -> memref<1x1x640x32xf32, #tpu.memory_space<hbm>>
      %dma_wait3A_135 = tpu.memref_squeeze %dma_wait3A_134 : memref<1x1x640x32xf32, #tpu.memory_space<hbm>> -> memref<640x32xf32, #tpu.memory_space<hbm>>
      %dma_wait3A_136 = arith.constant 0 : i32
      %dma_wait3A_137 = tpu.memref_slice %arg17[%mul3A_125, %dma_wait3A_136] : memref<10240x32xf32, #tpu.memory_space<vmem_shared>> -> memref<640x32xf32, #tpu.memory_space<vmem_shared>>
      tpu.wait_dma2 semaphore(%run_scoped3A_129 : memref<!tpu.dma_semaphore, #tpu.memory_space<semaphore_mem>>) src(%dma_wait3A_137 : memref<640x32xf32, #tpu.memory_space<vmem_shared>>) dst(%dma_wait3A_135 : memref<640x32xf32, #tpu.memory_space<hbm>>)
      tpu.yield
    }) : () -> ()
    return
  }
}

module attributes {stable_mosaic.version = 14 : i64} {
  func.func @_k1_body(%arg0: i32, %arg1: memref<1024x128xf32, #tpu.memory_space<vmem>>, %arg2: memref<128x256xf32, #tpu.memory_space<vmem>>, %arg3: memref<256x8xf32, #tpu.memory_space<vmem>>, %arg4: memref<1024x4x64xf32, #tpu.memory_space<vmem>>, %arg5: memref<1024x8xf32, #tpu.memory_space<vmem>>) attributes {dimension_semantics = [#tpu.dimension_semantics<arbitrary>], iteration_bounds = array<i64: 10>, scalar_prefetch = 0 : i64, scratch_operands = 0 : i64, tpu.core_type = #tpu.core_type<tc>, window_params = [{transform_indices = @transform_0, window_bounds = array<i64: 1024, 128>}, {pipeline_mode = #tpu.pipeline_mode<synchronous>, transform_indices = @transform_1, window_bounds = array<i64: 128, 256>}, {pipeline_mode = #tpu.pipeline_mode<synchronous>, transform_indices = @transform_2, window_bounds = array<i64: 256, 8>}, {transform_indices = @transform_3, window_bounds = array<i64: 1024, 4, 64>}, {transform_indices = @transform_4, window_bounds = array<i64: 1024, 8>}]} {
    %get3A = arith.constant 0 : index
    %get3A_0 = arith.constant 0 : index
    %get3A_1 = vector.load %arg1[%get3A, %get3A_0] : memref<1024x128xf32, #tpu.memory_space<vmem>>, vector<1024x128xf32>
    %get3A_2 = arith.constant 0 : index
    %get3A_3 = arith.constant 0 : index
    %get3A_4 = vector.load %arg2[%get3A_2, %get3A_3] : memref<128x256xf32, #tpu.memory_space<vmem>>, vector<128x256xf32>
    %dot_general3A = arith.constant dense<0.000000e+00> : vector<1024x256xf32>
    %dot_general3A_5 = tpu.matmul %get3A_1, %get3A_4, %dot_general3A {dimension_numbers = #tpu.dot_dimension_numbers<[1], [0], [0], [1], [0, 0, 1, 1], [], []>, transpose_lhs_hint = false} : vector<1024x128xf32>, vector<128x256xf32>, vector<1024x256xf32> -> vector<1024x256xf32>
    %slice3A = vector.extract_strided_slice %dot_general3A_5 {offsets = [0, 0], sizes = [1024, 64], strides = [1, 1]} : vector<1024x256xf32> to vector<1024x64xf32>
    %swap3A = arith.constant 0 : index
    %swap3A_6 = arith.constant 0 : index
    %swap3A_7 = arith.constant 0 : index
    %swap3A_8 = vector.load %arg4[%swap3A, %swap3A_6, %swap3A_7] : memref<1024x4x64xf32, #tpu.memory_space<vmem>>, vector<1024x1x64xf32>
    %swap3A_9 = vector.shape_cast %swap3A_8 : vector<1024x1x64xf32> to vector<1024x64xf32>
    %swap3A_10 = vector.shape_cast %slice3A : vector<1024x64xf32> to vector<1024x1x64xf32>
    tpu.vector_store %arg4[%swap3A, %swap3A_6, %swap3A_7], %swap3A_10 {strides = array<i32>} : memref<1024x4x64xf32, #tpu.memory_space<vmem>>, vector<1024x1x64xf32>,
    %slice3A_11 = vector.extract_strided_slice %dot_general3A_5 {offsets = [0, 64], sizes = [1024, 64], strides = [1, 1]} : vector<1024x256xf32> to vector<1024x64xf32>
    %swap3A_12 = arith.constant 0 : index
    %swap3A_13 = arith.constant 1 : index
    %swap3A_14 = arith.constant 0 : index
    %swap3A_15 = vector.load %arg4[%swap3A_12, %swap3A_13, %swap3A_14] : memref<1024x4x64xf32, #tpu.memory_space<vmem>>, vector<1024x1x64xf32>
    %swap3A_16 = vector.shape_cast %swap3A_15 : vector<1024x1x64xf32> to vector<1024x64xf32>
    %swap3A_17 = vector.shape_cast %slice3A_11 : vector<1024x64xf32> to vector<1024x1x64xf32>
    tpu.vector_store %arg4[%swap3A_12, %swap3A_13, %swap3A_14], %swap3A_17 {strides = array<i32>} : memref<1024x4x64xf32, #tpu.memory_space<vmem>>, vector<1024x1x64xf32>,
    %slice3A_18 = vector.extract_strided_slice %dot_general3A_5 {offsets = [0, 128], sizes = [1024, 64], strides = [1, 1]} : vector<1024x256xf32> to vector<1024x64xf32>
    %swap3A_19 = arith.constant 0 : index
    %swap3A_20 = arith.constant 2 : index
    %swap3A_21 = arith.constant 0 : index
    %swap3A_22 = vector.load %arg4[%swap3A_19, %swap3A_20, %swap3A_21] : memref<1024x4x64xf32, #tpu.memory_space<vmem>>, vector<1024x1x64xf32>
    %swap3A_23 = vector.shape_cast %swap3A_22 : vector<1024x1x64xf32> to vector<1024x64xf32>
    %swap3A_24 = vector.shape_cast %slice3A_18 : vector<1024x64xf32> to vector<1024x1x64xf32>
    tpu.vector_store %arg4[%swap3A_19, %swap3A_20, %swap3A_21], %swap3A_24 {strides = array<i32>} : memref<1024x4x64xf32, #tpu.memory_space<vmem>>, vector<1024x1x64xf32>,
    %slice3A_25 = vector.extract_strided_slice %dot_general3A_5 {offsets = [0, 192], sizes = [1024, 64], strides = [1, 1]} : vector<1024x256xf32> to vector<1024x64xf32>
    %swap3A_26 = arith.constant 0 : index
    %swap3A_27 = arith.constant 3 : index
    %swap3A_28 = arith.constant 0 : index
    %swap3A_29 = vector.load %arg4[%swap3A_26, %swap3A_27, %swap3A_28] : memref<1024x4x64xf32, #tpu.memory_space<vmem>>, vector<1024x1x64xf32>
    %swap3A_30 = vector.shape_cast %swap3A_29 : vector<1024x1x64xf32> to vector<1024x64xf32>
    %swap3A_31 = vector.shape_cast %slice3A_25 : vector<1024x64xf32> to vector<1024x1x64xf32>
    tpu.vector_store %arg4[%swap3A_26, %swap3A_27, %swap3A_28], %swap3A_31 {strides = array<i32>} : memref<1024x4x64xf32, #tpu.memory_space<vmem>>, vector<1024x1x64xf32>,
    %get3A_32 = arith.constant 0 : index
    %get3A_33 = arith.constant 0 : index
    %get3A_34 = vector.load %arg3[%get3A_32, %get3A_33] : memref<256x8xf32, #tpu.memory_space<vmem>>, vector<256x8xf32>
    %dot_general3A_35 = arith.constant dense<0.000000e+00> : vector<1024x8xf32>
    %dot_general3A_36 = tpu.matmul %dot_general3A_5, %get3A_34, %dot_general3A_35 {dimension_numbers = #tpu.dot_dimension_numbers<[1], [0], [0], [1], [0, 0, 1, 1], [], []>, transpose_lhs_hint = false} : vector<1024x256xf32>, vector<256x8xf32>, vector<1024x8xf32> -> vector<1024x8xf32>
    %swap3A_37 = arith.constant 0 : index
    %swap3A_38 = arith.constant 0 : index
    %swap3A_39 = vector.load %arg5[%swap3A_37, %swap3A_38] : memref<1024x8xf32, #tpu.memory_space<vmem>>, vector<1024x8xf32>
    tpu.vector_store %arg5[%swap3A_37, %swap3A_38], %dot_general3A_36 {strides = array<i32>} : memref<1024x8xf32, #tpu.memory_space<vmem>>, vector<1024x8xf32>,
    return
  }
  func.func @transform_0(%arg0: i32) -> (i32, i32) {
    %c0_i32 = arith.constant 0 : i32
    %c0_i32_0 = arith.constant 0 : i32
    return %arg0, %c0_i32 : i32, i32
  }
  func.func @transform_1(%arg0: i32) -> (i32, i32) {
    %c0_i32 = arith.constant 0 : i32
    %c0_i32_0 = arith.constant 0 : i32
    %c0_i32_1 = arith.constant 0 : i32
    return %c0_i32, %c0_i32_0 : i32, i32
  }
  func.func @transform_2(%arg0: i32) -> (i32, i32) {
    %c0_i32 = arith.constant 0 : i32
    %c0_i32_0 = arith.constant 0 : i32
    %c0_i32_1 = arith.constant 0 : i32
    return %c0_i32, %c0_i32_0 : i32, i32
  }
  func.func @transform_3(%arg0: i32) -> (i32, i32, i32) {
    %c0_i32 = arith.constant 0 : i32
    %c0_i32_0 = arith.constant 0 : i32
    %c0_i32_1 = arith.constant 0 : i32
    return %arg0, %c0_i32, %c0_i32_0 : i32, i32, i32
  }
  func.func @transform_4(%arg0: i32) -> (i32, i32) {
    %c0_i32 = arith.constant 0 : i32
    %c0_i32_0 = arith.constant 0 : i32
    return %arg0, %c0_i32 : i32, i32
  }
}

module attributes {stable_mosaic.version = 14 : i64} {
  func.func @_k2_body(%arg0: i32, %arg1: memref<2x2x1024x64xf32, #tpu.memory_space<vmem>>, %arg2: memref<1x256xf32, #tpu.memory_space<vmem>>, %arg3: memref<1x256xf32, #tpu.memory_space<vmem>>, %arg4: memref<1x256xf32, #tpu.memory_space<vmem>>, %arg5: memref<1x256xf32, #tpu.memory_space<vmem>>, %arg6: memref<1x256xf32, #tpu.memory_space<vmem>>, %arg7: memref<256x128xf32, #tpu.memory_space<vmem>>, %arg8: memref<128x8xf32, #tpu.memory_space<vmem>>, %arg9: memref<1024x4x32xf32, #tpu.memory_space<vmem>>, %arg10: memref<1024x8xf32, #tpu.memory_space<vmem>>) attributes {dimension_semantics = [#tpu.dimension_semantics<arbitrary>], iteration_bounds = array<i64: 10>, scalar_prefetch = 0 : i64, scratch_operands = 0 : i64, tpu.core_type = #tpu.core_type<tc>, window_params = [{transform_indices = @transform_0, window_bounds = array<i64: 2, 2, 1024, 64>}, {pipeline_mode = #tpu.pipeline_mode<synchronous>, transform_indices = @transform_1, window_bounds = array<i64: 1, 256>}, {pipeline_mode = #tpu.pipeline_mode<synchronous>, transform_indices = @transform_2, window_bounds = array<i64: 1, 256>}, {pipeline_mode = #tpu.pipeline_mode<synchronous>, transform_indices = @transform_3, window_bounds = array<i64: 1, 256>}, {pipeline_mode = #tpu.pipeline_mode<synchronous>, transform_indices = @transform_4, window_bounds = array<i64: 1, 256>}, {pipeline_mode = #tpu.pipeline_mode<synchronous>, transform_indices = @transform_5, window_bounds = array<i64: 1, 256>}, {pipeline_mode = #tpu.pipeline_mode<synchronous>, transform_indices = @transform_6, window_bounds = array<i64: 256, 128>}, {pipeline_mode = #tpu.pipeline_mode<synchronous>, transform_indices = @transform_7, window_bounds = array<i64: 128, 8>}, {transform_indices = @transform_8, window_bounds = array<i64: 1024, 4, 32>}, {transform_indices = @transform_9, window_bounds = array<i64: 1024, 8>}]} {
    %get3A = arith.constant 0 : index
    %get3A_0 = arith.constant 0 : index
    %get3A_1 = arith.constant 0 : index
    %get3A_2 = arith.constant 0 : index
    %get3A_3 = vector.load %arg1[%get3A, %get3A_0, %get3A_1, %get3A_2] : memref<2x2x1024x64xf32, #tpu.memory_space<vmem>>, vector<1x1x1024x64xf32>
    %get3A_4 = vector.shape_cast %get3A_3 : vector<1x1x1024x64xf32> to vector<1024x64xf32>
    %get3A_5 = arith.constant 0 : index
    %get3A_6 = arith.constant 1 : index
    %get3A_7 = arith.constant 0 : index
    %get3A_8 = arith.constant 0 : index
    %get3A_9 = vector.load %arg1[%get3A_5, %get3A_6, %get3A_7, %get3A_8] : memref<2x2x1024x64xf32, #tpu.memory_space<vmem>>, vector<1x1x1024x64xf32>
    %get3A_10 = vector.shape_cast %get3A_9 : vector<1x1x1024x64xf32> to vector<1024x64xf32>
    %get3A_11 = arith.constant 1 : index
    %get3A_12 = arith.constant 0 : index
    %get3A_13 = arith.constant 0 : index
    %get3A_14 = arith.constant 0 : index
    %get3A_15 = vector.load %arg1[%get3A_11, %get3A_12, %get3A_13, %get3A_14] : memref<2x2x1024x64xf32, #tpu.memory_space<vmem>>, vector<1x1x1024x64xf32>
    %get3A_16 = vector.shape_cast %get3A_15 : vector<1x1x1024x64xf32> to vector<1024x64xf32>
    %get3A_17 = arith.constant 1 : index
    %get3A_18 = arith.constant 1 : index
    %get3A_19 = arith.constant 0 : index
    %get3A_20 = arith.constant 0 : index
    %get3A_21 = vector.load %arg1[%get3A_17, %get3A_18, %get3A_19, %get3A_20] : memref<2x2x1024x64xf32, #tpu.memory_space<vmem>>, vector<1x1x1024x64xf32>
    %get3A_22 = vector.shape_cast %get3A_21 : vector<1x1x1024x64xf32> to vector<1024x64xf32>
    %concatenate3A = tpu.concatenate %get3A_4, %get3A_10, %get3A_16, %get3A_22 in 1 : vector<1024x64xf32>, vector<1024x64xf32>, vector<1024x64xf32>, vector<1024x64xf32> -> vector<1024x256xf32>
    %get3A_23 = arith.constant 0 : index
    %get3A_24 = arith.constant 0 : index
    %get3A_25 = vector.load %arg2[%get3A_23, %get3A_24] : memref<1x256xf32, #tpu.memory_space<vmem>>, vector<1x256xf32>
    %add3A = vector.broadcast %get3A_25 : vector<1x256xf32> to vector<1024x256xf32>
    %add3A_26 = arith.addf %concatenate3A, %add3A : vector<1024x256xf32>
    %get3A_27 = arith.constant 0 : index
    %get3A_28 = arith.constant 0 : index
    %get3A_29 = vector.load %arg5[%get3A_27, %get3A_28] : memref<1x256xf32, #tpu.memory_space<vmem>>, vector<1x256xf32>
    %sub3A = vector.broadcast %get3A_29 : vector<1x256xf32> to vector<1024x256xf32>
    %sub3A_30 = arith.subf %add3A_26, %sub3A : vector<1024x256xf32>
    %get3A_31 = arith.constant 0 : index
    %get3A_32 = arith.constant 0 : index
    %get3A_33 = vector.load %arg6[%get3A_31, %get3A_32] : memref<1x256xf32, #tpu.memory_space<vmem>>, vector<1x256xf32>
    %add3A_34 = arith.constant 9.99999974E-6 : f32
    %add3A_35 = vector.broadcast %add3A_34 : f32 to vector<1x256xf32>
    %add3A_36 = arith.addf %get3A_33, %add3A_35 : vector<1x256xf32>
    %sqrt3A = math.sqrt %add3A_36 : vector<1x256xf32>
    %div3A = vector.broadcast %sqrt3A : vector<1x256xf32> to vector<1024x256xf32>
    %div3A_37 = arith.divf %sub3A_30, %div3A : vector<1024x256xf32>
    %get3A_38 = arith.constant 0 : index
    %get3A_39 = arith.constant 0 : index
    %get3A_40 = vector.load %arg3[%get3A_38, %get3A_39] : memref<1x256xf32, #tpu.memory_space<vmem>>, vector<1x256xf32>
    %mul3A = vector.broadcast %get3A_40 : vector<1x256xf32> to vector<1024x256xf32>
    %mul3A_41 = arith.mulf %div3A_37, %mul3A : vector<1024x256xf32>
    %get3A_42 = arith.constant 0 : index
    %get3A_43 = arith.constant 0 : index
    %get3A_44 = vector.load %arg4[%get3A_42, %get3A_43] : memref<1x256xf32, #tpu.memory_space<vmem>>, vector<1x256xf32>
    %add3A_45 = vector.broadcast %get3A_44 : vector<1x256xf32> to vector<1024x256xf32>
    %add3A_46 = arith.addf %mul3A_41, %add3A_45 : vector<1024x256xf32>
    %gt3A = arith.constant 0.000000e+00 : f32
    %gt3A_47 = vector.broadcast %gt3A : f32 to vector<1024x256xf32>
    %gt3A_48 = arith.cmpf ogt, %add3A_46, %gt3A_47 : vector<1024x256xf32>
    %exp3A = math.exp %add3A_46 : vector<1024x256xf32>
    %sub3A_49 = arith.constant 1.000000e+00 : f32
    %sub3A_50 = vector.broadcast %sub3A_49 : f32 to vector<1024x256xf32>
    %sub3A_51 = arith.subf %exp3A, %sub3A_50 : vector<1024x256xf32>
    %select_n3A = arith.select %gt3A_48, %add3A_46, %sub3A_51 : vector<1024x256xi1>, vector<1024x256xf32>
    %get3A_52 = arith.constant 0 : index
    %get3A_53 = arith.constant 0 : index
    %get3A_54 = vector.load %arg7[%get3A_52, %get3A_53] : memref<256x128xf32, #tpu.memory_space<vmem>>, vector<256x128xf32>
    %dot_general3A = arith.constant dense<0.000000e+00> : vector<1024x128xf32>
    %dot_general3A_55 = tpu.matmul %select_n3A, %get3A_54, %dot_general3A {dimension_numbers = #tpu.dot_dimension_numbers<[1], [0], [0], [1], [0, 0, 1, 1], [], []>, transpose_lhs_hint = false} : vector<1024x256xf32>, vector<256x128xf32>, vector<1024x128xf32> -> vector<1024x128xf32>
    %slice3A = vector.extract_strided_slice %dot_general3A_55 {offsets = [0, 0], sizes = [1024, 32], strides = [1, 1]} : vector<1024x128xf32> to vector<1024x32xf32>
    %swap3A = arith.constant 0 : index
    %swap3A_56 = arith.constant 0 : index
    %swap3A_57 = arith.constant 0 : index
    %swap3A_58 = vector.load %arg9[%swap3A, %swap3A_56, %swap3A_57] : memref<1024x4x32xf32, #tpu.memory_space<vmem>>, vector<1024x1x32xf32>
    %swap3A_59 = vector.shape_cast %swap3A_58 : vector<1024x1x32xf32> to vector<1024x32xf32>
    %swap3A_60 = vector.shape_cast %slice3A : vector<1024x32xf32> to vector<1024x1x32xf32>
    tpu.vector_store %arg9[%swap3A, %swap3A_56, %swap3A_57], %swap3A_60 {strides = array<i32>} : memref<1024x4x32xf32, #tpu.memory_space<vmem>>, vector<1024x1x32xf32>,
    %slice3A_61 = vector.extract_strided_slice %dot_general3A_55 {offsets = [0, 32], sizes = [1024, 32], strides = [1, 1]} : vector<1024x128xf32> to vector<1024x32xf32>
    %swap3A_62 = arith.constant 0 : index
    %swap3A_63 = arith.constant 1 : index
    %swap3A_64 = arith.constant 0 : index
    %swap3A_65 = vector.load %arg9[%swap3A_62, %swap3A_63, %swap3A_64] : memref<1024x4x32xf32, #tpu.memory_space<vmem>>, vector<1024x1x32xf32>
    %swap3A_66 = vector.shape_cast %swap3A_65 : vector<1024x1x32xf32> to vector<1024x32xf32>
    %swap3A_67 = vector.shape_cast %slice3A_61 : vector<1024x32xf32> to vector<1024x1x32xf32>
    tpu.vector_store %arg9[%swap3A_62, %swap3A_63, %swap3A_64], %swap3A_67 {strides = array<i32>} : memref<1024x4x32xf32, #tpu.memory_space<vmem>>, vector<1024x1x32xf32>,
    %slice3A_68 = vector.extract_strided_slice %dot_general3A_55 {offsets = [0, 64], sizes = [1024, 32], strides = [1, 1]} : vector<1024x128xf32> to vector<1024x32xf32>
    %swap3A_69 = arith.constant 0 : index
    %swap3A_70 = arith.constant 2 : index
    %swap3A_71 = arith.constant 0 : index
    %swap3A_72 = vector.load %arg9[%swap3A_69, %swap3A_70, %swap3A_71] : memref<1024x4x32xf32, #tpu.memory_space<vmem>>, vector<1024x1x32xf32>
    %swap3A_73 = vector.shape_cast %swap3A_72 : vector<1024x1x32xf32> to vector<1024x32xf32>
    %swap3A_74 = vector.shape_cast %slice3A_68 : vector<1024x32xf32> to vector<1024x1x32xf32>
    tpu.vector_store %arg9[%swap3A_69, %swap3A_70, %swap3A_71], %swap3A_74 {strides = array<i32>} : memref<1024x4x32xf32, #tpu.memory_space<vmem>>, vector<1024x1x32xf32>,
    %slice3A_75 = vector.extract_strided_slice %dot_general3A_55 {offsets = [0, 96], sizes = [1024, 32], strides = [1, 1]} : vector<1024x128xf32> to vector<1024x32xf32>
    %swap3A_76 = arith.constant 0 : index
    %swap3A_77 = arith.constant 3 : index
    %swap3A_78 = arith.constant 0 : index
    %swap3A_79 = vector.load %arg9[%swap3A_76, %swap3A_77, %swap3A_78] : memref<1024x4x32xf32, #tpu.memory_space<vmem>>, vector<1024x1x32xf32>
    %swap3A_80 = vector.shape_cast %swap3A_79 : vector<1024x1x32xf32> to vector<1024x32xf32>
    %swap3A_81 = vector.shape_cast %slice3A_75 : vector<1024x32xf32> to vector<1024x1x32xf32>
    tpu.vector_store %arg9[%swap3A_76, %swap3A_77, %swap3A_78], %swap3A_81 {strides = array<i32>} : memref<1024x4x32xf32, #tpu.memory_space<vmem>>, vector<1024x1x32xf32>,
    %get3A_82 = arith.constant 0 : index
    %get3A_83 = arith.constant 0 : index
    %get3A_84 = vector.load %arg8[%get3A_82, %get3A_83] : memref<128x8xf32, #tpu.memory_space<vmem>>, vector<128x8xf32>
    %dot_general3A_85 = arith.constant dense<0.000000e+00> : vector<1024x8xf32>
    %dot_general3A_86 = tpu.matmul %dot_general3A_55, %get3A_84, %dot_general3A_85 {dimension_numbers = #tpu.dot_dimension_numbers<[1], [0], [0], [1], [0, 0, 1, 1], [], []>, transpose_lhs_hint = false} : vector<1024x128xf32>, vector<128x8xf32>, vector<1024x8xf32> -> vector<1024x8xf32>
    %swap3A_87 = arith.constant 0 : index
    %swap3A_88 = arith.constant 0 : index
    %swap3A_89 = vector.load %arg10[%swap3A_87, %swap3A_88] : memref<1024x8xf32, #tpu.memory_space<vmem>>, vector<1024x8xf32>
    tpu.vector_store %arg10[%swap3A_87, %swap3A_88], %dot_general3A_86 {strides = array<i32>} : memref<1024x8xf32, #tpu.memory_space<vmem>>, vector<1024x8xf32>,
    return
  }
  func.func @transform_0(%arg0: i32) -> (i32, i32, i32, i32) {
    %c0_i32 = arith.constant 0 : i32
    %c0_i32_0 = arith.constant 0 : i32
    %c0_i32_1 = arith.constant 0 : i32
    %c0_i32_2 = arith.constant 0 : i32
    return %c0_i32, %c0_i32_0, %arg0, %c0_i32_1 : i32, i32, i32, i32
  }
  func.func @transform_1(%arg0: i32) -> (i32, i32) {
    %c0_i32 = arith.constant 0 : i32
    %c0_i32_0 = arith.constant 0 : i32
    %c0_i32_1 = arith.constant 0 : i32
    return %c0_i32, %c0_i32_0 : i32, i32
  }
  func.func @transform_2(%arg0: i32) -> (i32, i32) {
    %c0_i32 = arith.constant 0 : i32
    %c0_i32_0 = arith.constant 0 : i32
    %c0_i32_1 = arith.constant 0 : i32
    return %c0_i32, %c0_i32_0 : i32, i32
  }
  func.func @transform_3(%arg0: i32) -> (i32, i32) {
    %c0_i32 = arith.constant 0 : i32
    %c0_i32_0 = arith.constant 0 : i32
    %c0_i32_1 = arith.constant 0 : i32
    return %c0_i32, %c0_i32_0 : i32, i32
  }
  func.func @transform_4(%arg0: i32) -> (i32, i32) {
    %c0_i32 = arith.constant 0 : i32
    %c0_i32_0 = arith.constant 0 : i32
    %c0_i32_1 = arith.constant 0 : i32
    return %c0_i32, %c0_i32_0 : i32, i32
  }
  func.func @transform_5(%arg0: i32) -> (i32, i32) {
    %c0_i32 = arith.constant 0 : i32
    %c0_i32_0 = arith.constant 0 : i32
    %c0_i32_1 = arith.constant 0 : i32
    return %c0_i32, %c0_i32_0 : i32, i32
  }
  func.func @transform_6(%arg0: i32) -> (i32, i32) {
    %c0_i32 = arith.constant 0 : i32
    %c0_i32_0 = arith.constant 0 : i32
    %c0_i32_1 = arith.constant 0 : i32
    return %c0_i32, %c0_i32_0 : i32, i32
  }
  func.func @transform_7(%arg0: i32) -> (i32, i32) {
    %c0_i32 = arith.constant 0 : i32
    %c0_i32_0 = arith.constant 0 : i32
    %c0_i32_1 = arith.constant 0 : i32
    return %c0_i32, %c0_i32_0 : i32, i32
  }
  func.func @transform_8(%arg0: i32) -> (i32, i32, i32) {
    %c0_i32 = arith.constant 0 : i32
    %c0_i32_0 = arith.constant 0 : i32
    %c0_i32_1 = arith.constant 0 : i32
    return %arg0, %c0_i32, %c0_i32_0 : i32, i32, i32
  }
  func.func @transform_9(%arg0: i32) -> (i32, i32) {
    %c0_i32 = arith.constant 0 : i32
    %c0_i32_0 = arith.constant 0 : i32
    return %arg0, %c0_i32 : i32, i32
  }
}

module attributes {stable_mosaic.version = 14 : i64} {
  func.func @_k3_body(%arg0: i32, %arg1: memref<2x2x1024x32xf32, #tpu.memory_space<vmem>>, %arg2: memref<1x128xf32, #tpu.memory_space<vmem>>, %arg3: memref<1x128xf32, #tpu.memory_space<vmem>>, %arg4: memref<1x128xf32, #tpu.memory_space<vmem>>, %arg5: memref<1x128xf32, #tpu.memory_space<vmem>>, %arg6: memref<1x128xf32, #tpu.memory_space<vmem>>, %arg7: memref<128x1xf32, #tpu.memory_space<vmem>>, %arg8: memref<1x1xf32, #tpu.memory_space<vmem>>, %arg9: memref<1024x1xf32, #tpu.memory_space<vmem>>) attributes {dimension_semantics = [#tpu.dimension_semantics<arbitrary>], iteration_bounds = array<i64: 10>, scalar_prefetch = 0 : i64, scratch_operands = 0 : i64, tpu.core_type = #tpu.core_type<tc>, window_params = [{transform_indices = @transform_0, window_bounds = array<i64: 2, 2, 1024, 32>}, {pipeline_mode = #tpu.pipeline_mode<synchronous>, transform_indices = @transform_1, window_bounds = array<i64: 1, 128>}, {pipeline_mode = #tpu.pipeline_mode<synchronous>, transform_indices = @transform_2, window_bounds = array<i64: 1, 128>}, {pipeline_mode = #tpu.pipeline_mode<synchronous>, transform_indices = @transform_3, window_bounds = array<i64: 1, 128>}, {pipeline_mode = #tpu.pipeline_mode<synchronous>, transform_indices = @transform_4, window_bounds = array<i64: 1, 128>}, {pipeline_mode = #tpu.pipeline_mode<synchronous>, transform_indices = @transform_5, window_bounds = array<i64: 1, 128>}, {pipeline_mode = #tpu.pipeline_mode<synchronous>, transform_indices = @transform_6, window_bounds = array<i64: 128, 1>}, {pipeline_mode = #tpu.pipeline_mode<synchronous>, transform_indices = @transform_7, window_bounds = array<i64: 1, 1>}, {transform_indices = @transform_8, window_bounds = array<i64: 1024, 1>}]} {
    %get3A = arith.constant 0 : index
    %get3A_0 = arith.constant 0 : index
    %get3A_1 = arith.constant 0 : index
    %get3A_2 = arith.constant 0 : index
    %get3A_3 = vector.load %arg1[%get3A, %get3A_0, %get3A_1, %get3A_2] : memref<2x2x1024x32xf32, #tpu.memory_space<vmem>>, vector<1x1x1024x32xf32>
    %get3A_4 = vector.shape_cast %get3A_3 : vector<1x1x1024x32xf32> to vector<1024x32xf32>
    %get3A_5 = arith.constant 0 : index
    %get3A_6 = arith.constant 1 : index
    %get3A_7 = arith.constant 0 : index
    %get3A_8 = arith.constant 0 : index
    %get3A_9 = vector.load %arg1[%get3A_5, %get3A_6, %get3A_7, %get3A_8] : memref<2x2x1024x32xf32, #tpu.memory_space<vmem>>, vector<1x1x1024x32xf32>
    %get3A_10 = vector.shape_cast %get3A_9 : vector<1x1x1024x32xf32> to vector<1024x32xf32>
    %get3A_11 = arith.constant 1 : index
    %get3A_12 = arith.constant 0 : index
    %get3A_13 = arith.constant 0 : index
    %get3A_14 = arith.constant 0 : index
    %get3A_15 = vector.load %arg1[%get3A_11, %get3A_12, %get3A_13, %get3A_14] : memref<2x2x1024x32xf32, #tpu.memory_space<vmem>>, vector<1x1x1024x32xf32>
    %get3A_16 = vector.shape_cast %get3A_15 : vector<1x1x1024x32xf32> to vector<1024x32xf32>
    %get3A_17 = arith.constant 1 : index
    %get3A_18 = arith.constant 1 : index
    %get3A_19 = arith.constant 0 : index
    %get3A_20 = arith.constant 0 : index
    %get3A_21 = vector.load %arg1[%get3A_17, %get3A_18, %get3A_19, %get3A_20] : memref<2x2x1024x32xf32, #tpu.memory_space<vmem>>, vector<1x1x1024x32xf32>
    %get3A_22 = vector.shape_cast %get3A_21 : vector<1x1x1024x32xf32> to vector<1024x32xf32>
    %concatenate3A = tpu.concatenate %get3A_4, %get3A_10, %get3A_16, %get3A_22 in 1 : vector<1024x32xf32>, vector<1024x32xf32>, vector<1024x32xf32>, vector<1024x32xf32> -> vector<1024x128xf32>
    %get3A_23 = arith.constant 0 : index
    %get3A_24 = arith.constant 0 : index
    %get3A_25 = vector.load %arg2[%get3A_23, %get3A_24] : memref<1x128xf32, #tpu.memory_space<vmem>>, vector<1x128xf32>
    %add3A = vector.broadcast %get3A_25 : vector<1x128xf32> to vector<1024x128xf32>
    %add3A_26 = arith.addf %concatenate3A, %add3A : vector<1024x128xf32>
    %get3A_27 = arith.constant 0 : index
    %get3A_28 = arith.constant 0 : index
    %get3A_29 = vector.load %arg5[%get3A_27, %get3A_28] : memref<1x128xf32, #tpu.memory_space<vmem>>, vector<1x128xf32>
    %sub3A = vector.broadcast %get3A_29 : vector<1x128xf32> to vector<1024x128xf32>
    %sub3A_30 = arith.subf %add3A_26, %sub3A : vector<1024x128xf32>
    %get3A_31 = arith.constant 0 : index
    %get3A_32 = arith.constant 0 : index
    %get3A_33 = vector.load %arg6[%get3A_31, %get3A_32] : memref<1x128xf32, #tpu.memory_space<vmem>>, vector<1x128xf32>
    %add3A_34 = arith.constant 9.99999974E-6 : f32
    %add3A_35 = vector.broadcast %add3A_34 : f32 to vector<1x128xf32>
    %add3A_36 = arith.addf %get3A_33, %add3A_35 : vector<1x128xf32>
    %sqrt3A = math.sqrt %add3A_36 : vector<1x128xf32>
    %div3A = vector.broadcast %sqrt3A : vector<1x128xf32> to vector<1024x128xf32>
    %div3A_37 = arith.divf %sub3A_30, %div3A : vector<1024x128xf32>
    %get3A_38 = arith.constant 0 : index
    %get3A_39 = arith.constant 0 : index
    %get3A_40 = vector.load %arg3[%get3A_38, %get3A_39] : memref<1x128xf32, #tpu.memory_space<vmem>>, vector<1x128xf32>
    %mul3A = vector.broadcast %get3A_40 : vector<1x128xf32> to vector<1024x128xf32>
    %mul3A_41 = arith.mulf %div3A_37, %mul3A : vector<1024x128xf32>
    %get3A_42 = arith.constant 0 : index
    %get3A_43 = arith.constant 0 : index
    %get3A_44 = vector.load %arg4[%get3A_42, %get3A_43] : memref<1x128xf32, #tpu.memory_space<vmem>>, vector<1x128xf32>
    %add3A_45 = vector.broadcast %get3A_44 : vector<1x128xf32> to vector<1024x128xf32>
    %add3A_46 = arith.addf %mul3A_41, %add3A_45 : vector<1024x128xf32>
    %gt3A = arith.constant 0.000000e+00 : f32
    %gt3A_47 = vector.broadcast %gt3A : f32 to vector<1024x128xf32>
    %gt3A_48 = arith.cmpf ogt, %add3A_46, %gt3A_47 : vector<1024x128xf32>
    %exp3A = math.exp %add3A_46 : vector<1024x128xf32>
    %sub3A_49 = arith.constant 1.000000e+00 : f32
    %sub3A_50 = vector.broadcast %sub3A_49 : f32 to vector<1024x128xf32>
    %sub3A_51 = arith.subf %exp3A, %sub3A_50 : vector<1024x128xf32>
    %select_n3A = arith.select %gt3A_48, %add3A_46, %sub3A_51 : vector<1024x128xi1>, vector<1024x128xf32>
    %get3A_52 = arith.constant 0 : index
    %get3A_53 = arith.constant 0 : index
    %get3A_54 = vector.load %arg7[%get3A_52, %get3A_53] : memref<128x1xf32, #tpu.memory_space<vmem>>, vector<128x1xf32>
    %dot_general3A = arith.constant dense<0.000000e+00> : vector<1024x1xf32>
    %dot_general3A_55 = tpu.matmul %select_n3A, %get3A_54, %dot_general3A {dimension_numbers = #tpu.dot_dimension_numbers<[1], [0], [0], [1], [0, 0, 1, 1], [], []>, transpose_lhs_hint = false} : vector<1024x128xf32>, vector<128x1xf32>, vector<1024x1xf32> -> vector<1024x1xf32>
    %get3A_56 = arith.constant 0 : index
    %get3A_57 = arith.constant 0 : index
    %get3A_58 = vector.load %arg8[%get3A_56, %get3A_57] : memref<1x1xf32, #tpu.memory_space<vmem>>, vector<1x1xf32>
    %add3A_59 = vector.broadcast %get3A_58 : vector<1x1xf32> to vector<1024x1xf32>
    %add3A_60 = arith.addf %dot_general3A_55, %add3A_59 : vector<1024x1xf32>
    %swap3A = arith.constant 0 : index
    %swap3A_61 = arith.constant 0 : index
    %swap3A_62 = vector.load %arg9[%swap3A, %swap3A_61] : memref<1024x1xf32, #tpu.memory_space<vmem>>, vector<1024x1xf32>
    tpu.vector_store %arg9[%swap3A, %swap3A_61], %add3A_60 {strides = array<i32>} : memref<1024x1xf32, #tpu.memory_space<vmem>>, vector<1024x1xf32>,
    return
  }
  func.func @transform_0(%arg0: i32) -> (i32, i32, i32, i32) {
    %c0_i32 = arith.constant 0 : i32
    %c0_i32_0 = arith.constant 0 : i32
    %c0_i32_1 = arith.constant 0 : i32
    %c0_i32_2 = arith.constant 0 : i32
    return %c0_i32, %c0_i32_0, %arg0, %c0_i32_1 : i32, i32, i32, i32
  }
  func.func @transform_1(%arg0: i32) -> (i32, i32) {
    %c0_i32 = arith.constant 0 : i32
    %c0_i32_0 = arith.constant 0 : i32
    %c0_i32_1 = arith.constant 0 : i32
    return %c0_i32, %c0_i32_0 : i32, i32
  }
  func.func @transform_2(%arg0: i32) -> (i32, i32) {
    %c0_i32 = arith.constant 0 : i32
    %c0_i32_0 = arith.constant 0 : i32
    %c0_i32_1 = arith.constant 0 : i32
    return %c0_i32, %c0_i32_0 : i32, i32
  }
  func.func @transform_3(%arg0: i32) -> (i32, i32) {
    %c0_i32 = arith.constant 0 : i32
    %c0_i32_0 = arith.constant 0 : i32
    %c0_i32_1 = arith.constant 0 : i32
    return %c0_i32, %c0_i32_0 : i32, i32
  }
  func.func @transform_4(%arg0: i32) -> (i32, i32) {
    %c0_i32 = arith.constant 0 : i32
    %c0_i32_0 = arith.constant 0 : i32
    %c0_i32_1 = arith.constant 0 : i32
    return %c0_i32, %c0_i32_0 : i32, i32
  }
  func.func @transform_5(%arg0: i32) -> (i32, i32) {
    %c0_i32 = arith.constant 0 : i32
    %c0_i32_0 = arith.constant 0 : i32
    %c0_i32_1 = arith.constant 0 : i32
    return %c0_i32, %c0_i32_0 : i32, i32
  }
  func.func @transform_6(%arg0: i32) -> (i32, i32) {
    %c0_i32 = arith.constant 0 : i32
    %c0_i32_0 = arith.constant 0 : i32
    %c0_i32_1 = arith.constant 0 : i32
    return %c0_i32, %c0_i32_0 : i32, i32
  }
  func.func @transform_7(%arg0: i32) -> (i32, i32) {
    %c0_i32 = arith.constant 0 : i32
    %c0_i32_0 = arith.constant 0 : i32
    %c0_i32_1 = arith.constant 0 : i32
    return %c0_i32, %c0_i32_0 : i32, i32
  }
  func.func @transform_8(%arg0: i32) -> (i32, i32) {
    %c0_i32 = arith.constant 0 : i32
    %c0_i32_0 = arith.constant 0 : i32
    return %arg0, %c0_i32 : i32, i32
  }
}

</mosaic_0001>

<sc_bundles>
// kernel: kernel.10.cloned.1.call-start
scs
__scs_entry_jumppad:
0x0: {  	(pc) =	sbr.rel $0x88, $3  }
0x1: {  	(tag) =	ssettag $0x0;
	lr =	simm.s32 $0x1  }
0x2: {  	[smem:$0x3F8D] =	sst lr;
	_ =	strace $0xD0000000  }
0x3: {  	_ = 	snop  }
0x4: {  	_ = 	snop  }
0x5: {  	_ = 	snop  }
0x6: {  	_ = 	snop  }
0x7: {  	_ = 	snop  }
__scs_overlays_trampoline_lowered:
0x8: {  	[smem:$0x3F9C] =	sst s0  }
0x9: {  	[smem:$0x3F9D] =	sst s1  }
0xa: {  	[smem:$0x3F9E] =	sst s2  }
0xb: {  	[smem:$0x3F9F] =	sst s3  }
0xc: {  	[smem:$0x3FA0] =	sst s4  }
0xd: {  	[smem:$0x3FA1] =	sst s5  }
0xe: {  	[smem:$0x3FA2] =	sst s6  }
0xf: {  	[smem:$0x3FA3] =	sst s7  }
0x10: {  	[smem:$0x3FA4] =	sst s8  }
0x11: {  	[smem:$0x3FA5] =	sst s9;
	s0 =	simm.s32 @!p0 $0x0  }
0x12: {  	s1 =	sld [smem:$0x3F8B];
	s0 =	simm.s32 @p0 $0x1  }
0x13: {  	[smem:$0x3FA6] =	sst s0;
	s0 =	simm.s32 @!p1 $0x0  }
0x14: {  	s2 =	sld [smem:$0x3F8A];
	s0 =	simm.s32 @p1 $0x1  }
0x15: {  	[smem:$0x3FA7] =	sst s0;
	s0 =	simm.s32 @!p2 $0x0  }
0x16: {  	s3 =	sld [smem:$0x3FDB];
	s0 =	simm.s32 @p2 $0x1  }
0x17: {  	s4 =	simm.s32 $0x1BF5;
	[smem:$0x3FA9] =	sst s0  }
0x18: {  	s0 =	sld [smem:$0x3F8C];
	_ =	swait.ge [sflag:s4], $0x0  }
0x19: {  	s7 =	sld [smem:$0x3F8D]  }
0x1a: {  	s8 =	sadd.s32 $0xFFFFE003, lr  }
0x1b: {  	s9 =	sadd.s32 $0xFFFFFEF7, lr;
	s5 =	simm.s32 $0xFFFFFFFF;
	p2 =	slt.u32 s8, $0xFFFFF086  }
0x1c: {  	p1 =	slt.u32 s9, $0xF7A;
	s5 =	simm.s32 @!p2 $0x0  }
0x1d: {  	s5 =	simm.s32 @p1 $0x1;
	p0 =	seq.s32 s7, s2  }
0x1e: {  	s7 =	smul.u32 @!p0 $0xF7A, s2;
	p2 =	seq.s32 @!p0 s5, $0x0  }
0x1f: {  	s9 =	smul.u32 $0xF7A, s1;
	s8 =	simm.s32 @!p0 $0x1BF5;
	p2 =	por !p2, p0  }
0x20: {  	[sflag:s8] =	ssyncset.s32 @!p0 $0xFFFFF086;
	s6 =	sadd.s32 @!p0 s3, s7;
	s7 =	simm.s32 @!p0 $0x108  }
0x21: {  	s3 =	sadd.s32 s3, s9;
	s6 =	sadd.s32 @!p0 $0x88, s6;
	s7 =	simm.s32 @p2 $0x1082  }
0x22: {  	[simem:s7], [sflag:s8] =	dma.local @!p0 [hbm:s6], $0xF7A  }
0x23: {  	s9 =	sor.u32 $0xD0000000, s2;
	s6 =	simm.s32 $0x108;
	_ =	swait.ge @!p0 [sflag:s8], $0x0  }
0x24: {  	s3 =	sadd.s32 $0x88, s3;
	s6 =	simm.s32 @!p1 $0x1082;
	[sflag:s4] =	ssyncset.s32 $0xFFFFF086  }
0x25: {  	[simem:s6], [sflag:s4] =	dma.local [hbm:s3], $0xF7A  }
0x26: {  	[smem:$0x3F8D] =	sst s1;
	(tag) =	ssettag s2;
	_ =	strace s9  }
0x27: {  	s1 =	sld [smem:$0x3F9D]  }
0x28: {  	s2 =	sld [smem:$0x3F9E]  }
0x29: {  	s4 =	sld [smem:$0x3FA0]  }
0x2a: {  	p0 =	seq.s32 s5, $0x0;
	s5 =	sld [smem:$0x3FA1]  }
0x2b: {  	s6 =	sld [smem:$0x3FA2]  }
0x2c: {  	s7 =	sld [smem:$0x3FA3]  }
0x2d: {  	s3 =	simm.s32 $0x108;
	s8 =	sld [smem:$0x3FA4]  }
0x2e: {  	s3 =	simm.s32 @!p0 $0x1082;
	s9 =	sld [smem:$0x3FA5]  }
0x2f: {  	lr =	sadd.s32 s0, s3;
	s0 =	sld [smem:$0x3F9C]  }
0x30: {  	s3 =	sld [smem:$0x3F9F]  }
0x31: {  	[smem:$0x3FA8] =	sst s10  }
0x32: {  	s10 =	sld [smem:$0x3FA6];
	_ =	sdelay $0x3  }
0x33: {  	p0 =	seq.s32 s10, $0x1;
	s10 =	sld [smem:$0x3FA8];
	_ =	sdelay $0x3  }
0x34: {  	[smem:$0x3FA8] =	sst s10  }
0x35: {  	s10 =	sld [smem:$0x3FA7];
	_ =	sdelay $0x3  }
0x36: {  	p1 =	seq.s32 s10, $0x1;
	s10 =	sld [smem:$0x3FA8];
	_ =	sdelay $0x3  }
0x37: {  	[smem:$0x3FA8] =	sst s10  }
0x38: {  	s10 =	sld [smem:$0x3FA9]  }
0x39: {  	_ = 	snop;
	(pc) =	sbr.ind lr, $3  }
0x3a: {  	_ = 	snop  }
0x3b: {  	_ = 	snop  }
0x3c: {  	p2 =	seq.s32 s10, $0x1;
	s10 =	sld [smem:$0x3FA8]  }
0x3d: {  	_ =	shalt  }
0x3e: {  	_ =	shalt  }
0x3f: {  	_ =	shalt  }
0x40: {  	_ =	shalt  }
0x41: {  	_ =	shalt  }
0x42: {  	_ =	shalt  }
0x43: {  	_ =	shalt  }
0x44: {  	_ =	shalt  }
0x45: {  	_ =	shalt  }
0x46: {  	_ =	shalt  }
0x47: {  	_ =	shalt  }
0x48: {  	_ =	shalt  }
0x49: {  	_ =	shalt  }
0x4a: {  	_ =	shalt  }
0x4b: {  	_ =	shalt  }
0x4c: {  	_ =	shalt  }
0x4d: {  	_ =	shalt  }
0x4e: {  	_ =	shalt  }
0x4f: {  	_ =	shalt  }
0x50: {  	_ =	shalt  }
0x51: {  	_ =	shalt  }
0x52: {  	_ =	shalt  }
0x53: {  	_ =	shalt  }
0x54: {  	_ =	shalt  }
0x55: {  	_ =	shalt  }
0x56: {  	_ =	shalt  }
0x57: {  	_ =	shalt  }
0x58: {  	_ =	shalt  }
0x59: {  	_ =	shalt  }
0x5a: {  	_ =	shalt  }
0x5b: {  	_ =	shalt  }
0x5c: {  	_ =	shalt  }
0x5d: {  	_ =	shalt  }
0x5e: {  	_ =	shalt  }
0x5f: {  	_ =	shalt  }
0x60: {  	_ =	shalt  }
0x61: {  	_ =	shalt  }
0x62: {  	_ =	shalt  }
0x63: {  	_ =	shalt  }
0x64: {  	_ =	shalt  }
0x65: {  	_ =	shalt  }
0x66: {  	_ =	shalt  }
0x67: {  	_ =	shalt  }
0x68: {  	_ =	shalt  }
0x69: {  	_ =	shalt  }
0x6a: {  	_ =	shalt  }
0x6b: {  	_ =	shalt  }
0x6c: {  	_ =	shalt  }
0x6d: {  	_ =	shalt  }
0x6e: {  	_ =	shalt  }
0x6f: {  	_ =	shalt  }
0x70: {  	_ =	shalt  }
0x71: {  	_ =	shalt  }
0x72: {  	_ =	shalt  }
0x73: {  	_ =	shalt  }
0x74: {  	_ =	shalt  }
0x75: {  	_ =	shalt  }
0x76: {  	_ =	shalt  }
0x77: {  	_ =	shalt  }
0x78: {  	_ =	shalt  }
0x79: {  	_ =	shalt  }
0x7a: {  	_ =	shalt  }
0x7b: {  	_ =	shalt  }
0x7c: {  	_ =	shalt  }
0x7d: {  	_ =	shalt  }
0x7e: {  	_ =	shalt  }
0x7f: {  	_ =	shalt  }
0x80: {  	_ =	shalt  }
0x81: {  	_ =	shalt  }
0x82: {  	_ =	shalt  }
0x83: {  	_ =	shalt  }
0x84: {  	_ =	shalt  }
0x85: {  	_ =	shalt  }
0x86: {  	_ =	shalt  }
0x87: {  	_ =	shalt  }
.Lfunc_end0:
.L_simem_size_0:
called_computation.1_lowered:
.L_overlay_start_0:
0x88: {  	s2 =	sld [smem:$0x3FD9]  }
0x89: {  	s3 =	sld [smem:$0x3FFE];
	_ =	sdelay $0x1  }
0x8a: {  	s1 =	srdreg.scid  }
0x8b: {  	s0 =	sand.u32 $0x1, s1  }
0x8c: {  	s16 =	sshll.u32 s0, $0xA;
	s2 =	sadd.s32 s3, s2  }
0x8d: {  	s2 =	sadd.s32 s2, s16  }
0x8e: {  	[smem:$0x3FB4] =	sst s2  }
0x8f: {  	_ = 	snop  }
0x90: {  	(tm) =	ssettm $0x1  }
0x91: {  	s17 =	sld [smem:$0x3FFB];
	_ =	sdelay $0x3  }
0x92: {  	_ =	strace s17  }
0x93: {  	s2 =	sld [smem:$0x3FFC];
	_ =	sdelay $0x3  }
0x94: {  	_ =	strace s2  }
0x95: {  	s2 =	sld [smem:$0x3FFD];
	_ =	sdelay $0x3  }
0x96: {  	_ =	strace s2  }
0x97: {  	_ =	strace $0x8FFFFFFF  }
0x98: {  	s18 =	sld [smem:$0x3FDB];
	_ =	sdelay $0x1  }
0x99: {  	s19 =	simm.s32 $_scs_section_size  }
0x9a: {  	s4 =	simm.s32 $_size__tile_overlayer_lowered;
	s5 =	simm.s32 $_tile_overlayer_lowered  }
0x9b: {  	s22 =	simm.s32 $0x1BFF;
	s21 =	sshll.u32 s5, $0x1;
	s2 =	sadd.s32 s19, s18  }
0x9c: {  	s6 =	simm.s32 $0x0;
	s20 =	sshll.u32 s4, $0x1;
	s4 =	sadd.s32 s21, s2  }
0x9d: {  	[timem:s6], [sflag:s22] =	dma.local [hbm:s4], s20  }
0x9e: {  	_ =	swait.ge [sflag:s22], s20  }
0x9f: {  	s3 =	ssub.s32 $0x0, s20;
	[sflag:s22] =	ssyncset.done $0x0  }
0xa0: {  	[sflag:s22] =	ssyncadd.s32 s3;
	_ =	sdelay $0x1  }
0xa1: {  	s23 =	simm.s32 $0x1B8B  }
0xa2: {  	_ =	swait.ge [sflag:s23], $0x1  }
0xa3: {  	[sflag:s23] =	ssyncset.done $0x0  }
0xa4: {  	s25 =	simm.s32 $0x1B8E;
	s24 =	sld [smem:$0x3FFE];
	[sflag:s23] =	ssyncadd.s32 $0xFFFFFFFF  }
0xa5: {  	s26 =	simm.s32 $execute0_lowered;
	[smem:$0x3FD2] =	sst s25  }
0xa6: {  	s4 =	sshll.u32 s26, $0x1;
	_ =	strace $0x80000049;
	[dreg:$0x1] =	wrdreg $0xFFFFFFFF  }
0xa7: {  	s28 =	simm.s32 $_size_execute0_lowered;
	s2 =	sadd.s32 s2, s4;
	[dreg:$0x0] =	wrdreg $0x0  }
0xa8: {  	s4 =	sshll.u32 s28, $0x1;
	[dreg:$0x2] =	wrdreg s2  }
0xa9: {  	[dreg:$0x3] =	wrdreg s4  }
0xaa: {  	[dreg:$0x4] =	wrdreg $0xC0  }
0xab: {  	_ =	task [dreg:s6], $0x5FFFF  }
0xac: {  	[dreg:$0x1] =	wrdreg $0xFFFFFFFF  }
0xad: {  	[dreg:$0x0] =	wrdreg $0x60  }
0xae: {  	[dreg:$0x2] =	wrdreg s24  }
0xaf: {  	[dreg:$0x3] =	wrdreg $0x12BD00  }
0xb0: {  	[dreg:$0x4] =	wrdreg $0x17BD00  }
0xb1: {  	[dreg:$0x5] =	wrdreg $0x9  }
0xb2: {  	_ =	task.clear_ibuf [dreg:s6], $0x6FFFF;
	_ =	strace $0x90000049  }
0xb3: {  	s29 =	simm.s32 $0x9;
	_ =	strace $0x8000004B  }
0xb4: {  	_ =	swait.ge [sflag:s29], $0x1  }
0xb5: {  	[sflag:s29] =	ssyncadd.s32 $0xFFFFFFFF  }
0xb6: {  	_ =	strace $0x9000004B  }
0xb7: {  	_ =	sfence  }
0xb8: {  	s30 =	sld [smem:$0x0];
	_ =	sdelay $0x2  }
0xb9: {  	s31 =	sshll.u32 s1, $0xD;
	s1 =	sshrl.u32 s1, $0x2  }
0xba: {  	s3 =	sand.u32 $0x4000, s31;
	s1 =	sadd.s32 s1, s30  }
0xbb: {  	s0 =	sor.u32 s3, s0;
	s1 =	sshll.u32 s1, $0x11  }
0xbc: {  	s0 =	sor.u32 s1, s0  }
0xbd: {  	s0 =	sadd.s32 $0x8F2B, s0  }
0xbe: {  	[sflag:s0] =	ssyncadd.remote.s32 $0x1  }
0xbf: {  	_ =	sfence.sel $0xFFFF  }
0xc0: {  	[dreg:$0x0] =	wrdreg $0xFFFFFFFF;
	(pc) =	sbr.abs _section_cstart, $3  }
0xc1: {  	[dreg:$0x1] =	wrdreg $0xFFFFFFFF  }
0xc2: {  	_ =	task.clear_ibuf [dreg:s6], $0x2FFFF;
	_ =	strace $0x9FFFFFFF  }
0xc3: {  	(tm) =	ssettm $0x7FFFFFFF  }
tec
execute0_lowered:
.L_overlay_start_1:
0x0: {  	(tag) =	ssettag $0x1  }
0x1: {  	s0 =	rddreg [dreg:$0x0]  }
0x2: {  	s2 =	rddreg [dreg:$0x1]  }
0x3: {  	s3 =	rddreg [dreg:$0x2];
	s12 =	stileid.u32  }
0x4: {  	s4 =	srdreg.scid;
	s5 =	simm.s32 $0x0;
	s1 =	smul.u32 $0xA20, s12  }
0x5: {  	s29 =	simm.s32 $0x50;
	s30 =	simm.s32 $0x80;
	s6 =	smul.u32 $0x5000, s12  }
0x6: {  	s31 =	simm.s32 $0x12A00;
	s4 =	sand.u32 $0x1, s4;
	s20 =	smul.u32 $0x14000, s12  }
0x7: {  	[smem:$0x7FF] =	sst s5;
	s5 =	sadd.s32 $0x19600, s0;
	s25 =	smul.u32 $0xA00, s12  }
0x8: {  	s9 =	sadd.s32 $0x16E00, s0;
	s7 =	smul.u32 $0x50000, s4;
	_ =	strace $0x8000004A  }
0x9: {  	s8 =	ssub.s32 $0x2, s4;
	s11 =	smul.u32 $0x5000, s4;
	s17 =	sor.u32 $0x2, s4  }
0xa: {  	s1 =	sadd.s32 s1, s0;
	s10 =	sshrl.u32 s8, $0x1;
	s23 =	sshrl.u32 s20, $0x2  }
0xb: {  	s14 =	smul.u32 $0x5000, s17;
	s26 =	sshrl.u32 s25, $0x2;
	s25 =	simm.s32 $0x11A00  }
0xc: {  	s7 =	sadd.s32 s6, s7;
	s21 =	sadd.s32 $0xCC00, s1;
	s1 =	sadd.s32 $0x2A00, s1  }
0xd: {  	s22 =	sshrl.u32 s11, $0x3;
	s16 =	sadd.s32 s26, s3;
	[dreg:$0x4] =	wrdreg s21  }
0xe: {  	s26 =	simm.s32 $0xF200;
	s7 =	sshrl.u32 s7, $0x3;
	[dreg:$0x5] =	wrdreg s1  }
0xf: {  	s1 =	sadd.s32 s23, s2;
	s15 =	sshrl.u32 s14, $0x3;
	s21 =	simm.s32 $0x2  }
0x10: {  	s23 =	simm.s32 $0xA200;
	s0 =	sadd.s32 s7, s0;
	s7 =	ssub.s32 s8, s10  }
0x11: {  	s8 =	sadd.s32 s9, s22;
	s10 =	sadd.s32 s6, s2;
	s11 =	sadd.s32 $0x1000, s1  }
0x12: {  	s12 =	sadd.s32 $0x2000, s1;
	s13 =	sadd.s32 $0x3000, s1;
	s14 =	sadd.s32 $0x4000, s1  }
0x13: {  	s15 =	sadd.s32 s9, s15;
	s22 =	simm.s32 $0x12A80;
	s1 =	simm.s32 $0x0  }
0x14: {  	v1 =	vlaneseq.u32;
	v3 =	vimm.f32 $0.0e+00;
	s24 =	sadd.s32 $0x500, s8;
	s28 =	sadd.s32 $0x41600, s0;
	s18 =	sadd.s32 $0x500, s15  }
0x15: {  	v4 =	vor.u32 $0x10, v1;
	v5 =	vor.u32 $0x20, v1;
	v6 =	vor.u32 $0x30, v1;
	s19 =	sadd.s32 $0x55600, s0;
	s20 =	smax.u32 s7, $0x1;
	[dreg:$0x6] =	wrdreg s24  }
0x16: {  	v7 =	vor.u32 $0x40, v1;
	v0 =	vmov s4;
	v2 =	vmov s17;
	s0 =	simm.s32 $0x1;
	[dreg:$0x7] =	wrdreg s28;
	s24 =	simm.s32 $0xCA00  }
.LBB2_1:
0x17: {  	s4 =	simm.s32 $0x0;
	s6 =	rddreg [dreg:$0x4]  }
0x18: {  	[tilespmem:s4], [sflag:$0x2] =	stream.linear.gather [hbm4b:s6+s4], $0x5100, $0x38;
	[tilespmem:$0x17E50] =	vst v63  }
0x19: {  	_ =	swait.ge [sflag:s21], $0x5100  }
0x1a: {  	[sflag:s21] =	ssyncset.done $0x0  }
0x1b: {  	s7 =	simm.s32 $0x5100;
	s28 =	rddreg [dreg:$0x5];
	[sflag:s21] =	ssyncadd.s32 $0xFFFFAF00  }
0x1c: {  	[tilespmem:s7], [sflag:$0x2] =	stream.linear.gather [hbm4b:s28+s4], $0x5100, $0x38;
	[tilespmem:$0x17E50] =	vst v63  }
0x1d: {  	_ =	swait.ge [sflag:s21], $0x5100  }
0x1e: {  	[sflag:s21] =	ssyncset.done $0x0  }
0x1f: {  	s6 =	simm.s32 $0x0;
	s4 =	simm.s32 $0x80;
	[sflag:s21] =	ssyncadd.s32 $0xFFFFAF00  }
.LBB2_2:
0x20: {  	p0 =	sne.s32 s4, $0x3F80;
	[tilespmem:s6+$0x11A00] =	vst v3;
	s7 =	smov.u32 s4;
	s4 =	sadd.s32 $0x80, s4  }
.Ltmp0:
0x21: {  	[tilespmem:s6+$0x11A10] =	vst v3;
	(pc) =	sbr.rel @p0 .LBB2_2-.Ltmp0, $2  }
0x22: {  	_ =	sdelay $0x2  }
0x23: {  	s6 =	sshra.s32 s7, $0x2  }
0x24: {  	[tilespmem:s6+$0x11A00] =	vst v3  }
0x25: {  	[tilespmem:s6+$0x11A10] =	vst v3  }
0x26: {  	[tilespmem:$0x12B80] =	vst v1  }
0x27: {  	[tilespmem:$0x12B90] =	vst v4  }
0x28: {  	[tilespmem:$0x12BA0] =	vst v5  }
0x29: {  	[tilespmem:$0x12BB0] =	vst v6  }
0x2a: {  	s4 =	simm.s32 $0x0;
	[tilespmem:$0x12BC0] =	vst v7  }
0x2b: {  	[tilespmem:s23], [sflag:$0x2] =	stream.linear.gather [hbm4b:s8+s4], $0x2800, $0x38;
	[tilespmem:$0x17E50] =	vst v63  }
0x2c: {  	_ =	swait.ge [sflag:s21], $0x2800  }
0x2d: {  	[sflag:s21] =	ssyncset.done $0x0  }
0x2e: {  	s28 =	rddreg [dreg:$0x6];
	[sflag:s21] =	ssyncadd.s32 $0xFFFFD800  }
0x2f: {  	[tilespmem:s24], [sflag:$0x2] =	stream.linear.gather [hbm4b:s28+s4], $0x2800, $0x38;
	[tilespmem:$0x17E50] =	vst v63  }
0x30: {  	_ =	swait.ge [sflag:s21], $0x2800  }
0x31: {  	[sflag:s21] =	ssyncset.done $0x0  }
0x32: {  	s6 =	simm.s32 $0x200;
	s4 =	simm.s32 $0x0;
	[sflag:s21] =	ssyncadd.s32 $0xFFFFD800  }
.LBB2_4:
0x33: {  	p0 =	sne.s32 s6, $0x9E00;
	[tilespmem:s4+$0xF270] =	vst v3  }
0x34: {  	[tilespmem:s4+$0xF200] =	vst v3  }
0x35: {  	[tilespmem:s4+$0xF210] =	vst v3  }
.Ltmp1:
0x36: {  	[tilespmem:s4+$0xF220] =	vst v3;
	(pc) =	sbr.rel @p0 .LBB2_4-.Ltmp1, $4  }
0x37: {  	[tilespmem:s4+$0xF230] =	vst v3  }
0x38: {  	[tilespmem:s4+$0xF240] =	vst v3  }
0x39: {  	[tilespmem:s4+$0xF250] =	vst v3  }
0x3a: {  	[tilespmem:s4+$0xF260] =	vst v3;
	s4 =	sshra.s32 s6, $0x2;
	s6 =	sadd.s32 $0x200, s6  }
0x3b: {  	[tilespmem:s4+$0xF270] =	vst v3  }
0x3c: {  	[tilespmem:s4+$0xF200] =	vst v3  }
0x3d: {  	[tilespmem:s4+$0xF210] =	vst v3  }
0x3e: {  	[tilespmem:s4+$0xF220] =	vst v3  }
0x3f: {  	[tilespmem:s4+$0xF230] =	vst v3  }
0x40: {  	[tilespmem:s4+$0xF240] =	vst v3  }
0x41: {  	[tilespmem:s4+$0xF250] =	vst v3  }
0x42: {  	[tilespmem:s4+$0xF260] =	vst v3  }
0x43: {  	[spmem:s10] =	stream.linear.scatter [tilespmem:s25], [sflag:$0x2], $0x1000, $0x38;
	[tilespmem:$0x17E50] =	vst v63  }
0x44: {  	_ =	swait.ge [sflag:s21], $0x1000  }
0x45: {  	[sflag:s21] =	ssyncset.done $0x0  }
0x46: {  	[sflag:s21] =	ssyncadd.s32 $0xFFFFF000  }
0x47: {  	[spmem:s11] =	stream.linear.scatter [tilespmem:s25], [sflag:$0x2], $0x1000, $0x38;
	[tilespmem:$0x17E50] =	vst v63  }
0x48: {  	_ =	swait.ge [sflag:s21], $0x1000  }
0x49: {  	[sflag:s21] =	ssyncset.done $0x0  }
0x4a: {  	[sflag:s21] =	ssyncadd.s32 $0xFFFFF000  }
0x4b: {  	[spmem:s12] =	stream.linear.scatter [tilespmem:s25], [sflag:$0x2], $0x1000, $0x38;
	[tilespmem:$0x17E50] =	vst v63  }
0x4c: {  	_ =	swait.ge [sflag:s21], $0x1000  }
0x4d: {  	[sflag:s21] =	ssyncset.done $0x0  }
0x4e: {  	[sflag:s21] =	ssyncadd.s32 $0xFFFFF000  }
0x4f: {  	[spmem:s13] =	stream.linear.scatter [tilespmem:s25], [sflag:$0x2], $0x1000, $0x38;
	[tilespmem:$0x17E50] =	vst v63  }
0x50: {  	_ =	swait.ge [sflag:s21], $0x1000  }
0x51: {  	[sflag:s21] =	ssyncset.done $0x0  }
0x52: {  	[sflag:s21] =	ssyncadd.s32 $0xFFFFF000  }
0x53: {  	[spmem:s14] =	stream.linear.scatter [tilespmem:s25], [sflag:$0x2], $0x1000, $0x38;
	[tilespmem:$0x17E50] =	vst v63  }
0x54: {  	_ =	swait.ge [sflag:s21], $0x1000  }
0x55: {  	[sflag:s21] =	ssyncset.done $0x0  }
0x56: {  	[sflag:s21] =	ssyncadd.s32 $0xFFFFF000  }
0x57: {  	[spmem:s16] =	stream.linear.scatter [tilespmem:s26], [sflag:$0x2], $0x280, $0x38;
	[tilespmem:$0x17E50] =	vst v63  }
0x58: {  	_ =	swait.ge [sflag:s21], $0x280  }
0x59: {  	[sflag:s21] =	ssyncset.done $0x0  }
0x5a: {  	[sflag:s21] =	ssyncadd.s32 $0xFFFFFD80  }
0x5b: {  	s6 =	simm.s32 $0x0;
	[bflag:$0x0] =	sbarrier.arrive $0xFFFF  }
0x5c: {  	s4 =	simm.s32 $0x40;
	v8 =	vld [tilespmem:s6+$0x5100]  }
.LBB2_6:
0x5d: {  	p0 =	sne.s32 s4, $0x143C0;
	v9 =	vld [tilespmem:s6+$0x0];
	_ =	sdelay $0x6  }
0x5e: {  	v10 =	vld.idx.msk [tilespmem:v8+s24+$0x0], $0xffff  }
0x5f: {  	v9 =	vld.idx.msk [tilespmem:v9+s23+$0x0], $0xffff;
	_ =	sdelay $0x5  }
0x60: {  	v9 =	vadd.f32 v10, v9;
	_ =	sdelay $0x1  }
0x61: {  	v10 =	vmul.f32 $2.000000030e-01, v9  }
0x62: {  	vm0 =	vgt.f32 v9, $0.0e+00  }
0x63: {  	v9 =	vsel vm0, v9, v10  }
0x64: {  	v9 =	vmul.f32 $1.442695020e+00, v9;
	_ =	sdelay $0x1  }
0x65: {  	(erf) = vpow2.f32 v9;
	_ =	sdelay $0x6  }
.Ltmp2:
0x66: {  	(pc) =	sbr.rel @p0 .LBB2_6-.Ltmp2, $4  }
0x67: {  	_ = 	snop  }
0x68: {  	v9 =	vpop (erf)  }
0x69: {  	s6 =	sshra.s32 s4, $0x2;
	[tilespmem:v8+s26+$0x0] =	vst.idx.add.f32.msk $0xffff, v9  }
0x6a: {  	s4 =	sadd.s32 $0x40, s4;
	v8 =	vld [tilespmem:s6+$0x5100]  }
0x6b: {  	_ = 	snop  }
0x6c: {  	v9 =	vld [tilespmem:s6+$0x0];
	_ =	sdelay $0x6  }
0x6d: {  	v10 =	vld.idx.msk [tilespmem:v8+s24+$0x0], $0xffff  }
0x6e: {  	v9 =	vld.idx.msk [tilespmem:v9+s23+$0x0], $0xffff;
	_ =	sdelay $0x4  }
0x6f: {  	v9 =	vadd.f32 v10, v9;
	_ =	sdelay $0x1  }
0x70: {  	v10 =	vmul.f32 $2.000000030e-01, v9  }
0x71: {  	vm0 =	vgt.f32 v9, $0.0e+00  }
0x72: {  	v9 =	vsel vm0, v9, v10  }
0x73: {  	v9 =	vmul.f32 $1.442695020e+00, v9;
	_ =	sdelay $0x1  }
0x74: {  	(erf) = vpow2.f32 v9;
	_ =	sdelay $0x8  }
0x75: {  	v9 =	vpop (erf)  }
0x76: {  	s4 =	simm.s32 $0x12B80;
	[tilespmem:v8+s26+$0x0] =	vst.idx.add.f32.msk $0xffff, v9  }
0x77: {  	[spmem:s3] =	stream.indirect.scatter.add.f32 [tilespmem:s26], [sflag:$0x2], $0x80, s4, s29, $0xb8;
	[tilespmem:$0x17E50] =	vst v63  }
0x78: {  	_ =	swait.ge [sflag:s21], $0x2800  }
0x79: {  	[sflag:s21] =	ssyncset.done $0x0  }
0x7a: {  	[sflag:s21] =	ssyncadd.s32 $0xFFFFD800  }
0x7b: {  	[bflag:$0x0] =	sbarrier.arrive $0xFFFF  }
0x7c: {  	[tilespmem:s26], [sflag:$0x2] =	stream.linear.gather [spmem:s3], $0x2800, $0x38;
	[tilespmem:$0x17E50] =	vst v63  }
0x7d: {  	_ =	swait.ge [sflag:s21], $0x2800  }
0x7e: {  	[sflag:s21] =	ssyncset.done $0x0  }
0x7f: {  	s4 =	simm.s32 $0x0;
	[sflag:s21] =	ssyncadd.s32 $0xFFFFD800  }
.LBB2_8:
0x80: {  	s6 =	sshll.u32 s4, $0x7  }
0x81: {  	v8 =	vld [tilespmem:s6+$0x0];
	_ =	sdelay $0x4  }
0x82: {  	v8 =	vshll.u32 v8, $0x2  }
0x83: {  	v8 =	vor.u32 v0, v8  }
0x84: {  	[tilespmem:$0x12A00] =	vst v8  }
0x85: {  	v8 =	vld [tilespmem:s6+$0x5100];
	_ =	sdelay $0x4  }
0x86: {  	[tilespmem:$0x12A80] =	vst v8  }
0x87: {  	v8 =	vld [tilespmem:s6+$0x10];
	_ =	sdelay $0x4  }
0x88: {  	v8 =	vshll.u32 v8, $0x2  }
0x89: {  	v8 =	vor.u32 v0, v8  }
0x8a: {  	[tilespmem:$0x12A10] =	vst v8  }
0x8b: {  	v8 =	vld [tilespmem:s6+$0x5110];
	_ =	sdelay $0x4  }
0x8c: {  	[tilespmem:$0x12A90] =	vst v8  }
0x8d: {  	v8 =	vld [tilespmem:s6+$0x20];
	_ =	sdelay $0x4  }
0x8e: {  	v8 =	vshll.u32 v8, $0x2  }
0x8f: {  	v8 =	vor.u32 v0, v8  }
0x90: {  	[tilespmem:$0x12A20] =	vst v8  }
0x91: {  	v8 =	vld [tilespmem:s6+$0x5120];
	_ =	sdelay $0x4  }
0x92: {  	[tilespmem:$0x12AA0] =	vst v8  }
0x93: {  	v8 =	vld [tilespmem:s6+$0x30];
	_ =	sdelay $0x4  }
0x94: {  	v8 =	vshll.u32 v8, $0x2  }
0x95: {  	v8 =	vor.u32 v0, v8  }
0x96: {  	[tilespmem:$0x12A30] =	vst v8  }
0x97: {  	v8 =	vld [tilespmem:s6+$0x5130];
	_ =	sdelay $0x4  }
0x98: {  	[tilespmem:$0x12AB0] =	vst v8  }
0x99: {  	v8 =	vld [tilespmem:s6+$0x40];
	_ =	sdelay $0x4  }
0x9a: {  	v8 =	vshll.u32 v8, $0x2  }
0x9b: {  	v8 =	vor.u32 v0, v8  }
0x9c: {  	[tilespmem:$0x12A40] =	vst v8  }
0x9d: {  	v8 =	vld [tilespmem:s6+$0x5140];
	_ =	sdelay $0x4  }
0x9e: {  	[tilespmem:$0x12AC0] =	vst v8  }
0x9f: {  	v8 =	vld [tilespmem:s6+$0x50];
	_ =	sdelay $0x4  }
0xa0: {  	v8 =	vshll.u32 v8, $0x2  }
0xa1: {  	v8 =	vor.u32 v0, v8  }
0xa2: {  	[tilespmem:$0x12A50] =	vst v8  }
0xa3: {  	v8 =	vld [tilespmem:s6+$0x5150];
	_ =	sdelay $0x4  }
0xa4: {  	[tilespmem:$0x12AD0] =	vst v8  }
0xa5: {  	v8 =	vld [tilespmem:s6+$0x60];
	_ =	sdelay $0x4  }
0xa6: {  	v8 =	vshll.u32 v8, $0x2  }
0xa7: {  	v8 =	vor.u32 v0, v8  }
0xa8: {  	[tilespmem:$0x12A60] =	vst v8  }
0xa9: {  	v8 =	vld [tilespmem:s6+$0x5160];
	_ =	sdelay $0x4  }
0xaa: {  	[tilespmem:$0x12AE0] =	vst v8  }
0xab: {  	v8 =	vld [tilespmem:s6+$0x70];
	_ =	sdelay $0x4  }
0xac: {  	v8 =	vshll.u32 v8, $0x2  }
0xad: {  	v8 =	vor.u32 v0, v8  }
0xae: {  	[tilespmem:$0x12A70] =	vst v8  }
0xaf: {  	v8 =	vld [tilespmem:s6+$0x5170];
	_ =	sdelay $0x4  }
0xb0: {  	[tilespmem:$0x12AF0] =	vst v8  }
0xb1: {  	[tilespmem:s25], [sflag:$0x1] =	stream.indirect.gather [hbm4b:s5+s30], $0x20, s31, s30, $0xb8;
	[tilespmem:$0x17E50] =	vst v63  }
0xb2: {  	v8 =	vld [tilespmem:s6+$0x0]  }
0xb3: {  	v9 =	vld [tilespmem:s6+$0x5100];
	_ =	sdelay $0x6  }
0xb4: {  	v8 =	vld.idx.msk [tilespmem:v8+s23+$0x0], $0xffff  }
0xb5: {  	v10 =	vld.idx.msk [tilespmem:v9+s24+$0x0], $0xffff;
	_ =	sdelay $0x4  }
0xb6: {  	v8 =	vadd.f32 v10, v8  }
0xb7: {  	v9 =	vld.idx.msk [tilespmem:v9+s26+$0x0], $0xffff  }
0xb8: {  	v10 =	vmul.f32 $2.000000030e-01, v8  }
0xb9: {  	vm0 =	vgt.f32 v8, $0.0e+00  }
0xba: {  	v8 =	vsel vm0, v8, v10  }
0xbb: {  	v8 =	vmul.f32 $1.442695020e+00, v8  }
0xbc: {  	v9 =	vadd.f32 $1.000000020e-16, v9  }
0xbd: {  	(erf) = vpow2.f32 v8  }
0xbe: {  	(erf) = vrcp.f32 v9;
	_ =	sdelay $0x7  }
0xbf: {  	v8 =	vpop (erf)  }
0xc0: {  	v9 =	vpop (erf)  }
0xc1: {  	v8 =	vmul.f32 v8, v9;
	_ =	sdelay $0x1  }
0xc2: {  	[tilespmem:$0x12B00] =	vst v8  }
0xc3: {  	v8 =	vld [tilespmem:s6+$0x10]  }
0xc4: {  	v9 =	vld [tilespmem:s6+$0x5110];
	_ =	sdelay $0x6  }
0xc5: {  	v8 =	vld.idx.msk [tilespmem:v8+s23+$0x0], $0xffff  }
0xc6: {  	v10 =	vld.idx.msk [tilespmem:v9+s24+$0x0], $0xffff;
	_ =	sdelay $0x4  }
0xc7: {  	v8 =	vadd.f32 v10, v8  }
0xc8: {  	v9 =	vld.idx.msk [tilespmem:v9+s26+$0x0], $0xffff  }
0xc9: {  	v10 =	vmul.f32 $2.000000030e-01, v8  }
0xca: {  	vm9 =	vgt.f32 v8, $0.0e+00  }
0xcb: {  	v8 =	vsel vm9, v8, v10  }
0xcc: {  	v8 =	vmul.f32 $1.442695020e+00, v8  }
0xcd: {  	v9 =	vadd.f32 $1.000000020e-16, v9  }
0xce: {  	(erf) = vpow2.f32 v8  }
0xcf: {  	(erf) = vrcp.f32 v9;
	_ =	sdelay $0x7  }
0xd0: {  	v8 =	vpop (erf)  }
0xd1: {  	v9 =	vpop (erf)  }
0xd2: {  	v8 =	vmul.f32 v8, v9;
	_ =	sdelay $0x1  }
0xd3: {  	[tilespmem:$0x12B10] =	vst v8  }
0xd4: {  	v8 =	vld [tilespmem:s6+$0x20]  }
0xd5: {  	v9 =	vld [tilespmem:s6+$0x5120];
	_ =	sdelay $0x6  }
0xd6: {  	v8 =	vld.idx.msk [tilespmem:v8+s23+$0x0], $0xffff  }
0xd7: {  	v10 =	vld.idx.msk [tilespmem:v9+s24+$0x0], $0xffff;
	_ =	sdelay $0x4  }
0xd8: {  	v8 =	vadd.f32 v10, v8  }
0xd9: {  	v9 =	vld.idx.msk [tilespmem:v9+s26+$0x0], $0xffff  }
0xda: {  	v10 =	vmul.f32 $2.000000030e-01, v8  }
0xdb: {  	vm10 =	vgt.f32 v8, $0.0e+00  }
0xdc: {  	v8 =	vsel vm10, v8, v10  }
0xdd: {  	v8 =	vmul.f32 $1.442695020e+00, v8  }
0xde: {  	v9 =	vadd.f32 $1.000000020e-16, v9  }
0xdf: {  	(erf) = vpow2.f32 v8  }
0xe0: {  	(erf) = vrcp.f32 v9;
	_ =	sdelay $0x7  }
0xe1: {  	v8 =	vpop (erf)  }
0xe2: {  	v9 =	vpop (erf)  }
0xe3: {  	v8 =	vmul.f32 v8, v9;
	_ =	sdelay $0x1  }
0xe4: {  	[tilespmem:$0x12B20] =	vst v8  }
0xe5: {  	v8 =	vld [tilespmem:s6+$0x30]  }
0xe6: {  	v9 =	vld [tilespmem:s6+$0x5130];
	_ =	sdelay $0x6  }
0xe7: {  	v8 =	vld.idx.msk [tilespmem:v8+s23+$0x0], $0xffff  }
0xe8: {  	v10 =	vld.idx.msk [tilespmem:v9+s24+$0x0], $0xffff;
	_ =	sdelay $0x4  }
0xe9: {  	v8 =	vadd.f32 v10, v8  }
0xea: {  	v9 =	vld.idx.msk [tilespmem:v9+s26+$0x0], $0xffff  }
0xeb: {  	v10 =	vmul.f32 $2.000000030e-01, v8  }
0xec: {  	vm11 =	vgt.f32 v8, $0.0e+00  }
0xed: {  	v8 =	vsel vm11, v8, v10  }
0xee: {  	v8 =	vmul.f32 $1.442695020e+00, v8  }
0xef: {  	v9 =	vadd.f32 $1.000000020e-16, v9  }
0xf0: {  	(erf) = vpow2.f32 v8  }
0xf1: {  	(erf) = vrcp.f32 v9;
	_ =	sdelay $0x7  }
0xf2: {  	v8 =	vpop (erf)  }
0xf3: {  	v9 =	vpop (erf)  }
0xf4: {  	v8 =	vmul.f32 v8, v9;
	_ =	sdelay $0x1  }
0xf5: {  	[tilespmem:$0x12B30] =	vst v8  }
0xf6: {  	v8 =	vld [tilespmem:s6+$0x40]  }
0xf7: {  	v9 =	vld [tilespmem:s6+$0x5140];
	_ =	sdelay $0x6  }
0xf8: {  	v8 =	vld.idx.msk [tilespmem:v8+s23+$0x0], $0xffff  }
0xf9: {  	v10 =	vld.idx.msk [tilespmem:v9+s24+$0x0], $0xffff;
	_ =	sdelay $0x4  }
0xfa: {  	v8 =	vadd.f32 v10, v8  }
0xfb: {  	v9 =	vld.idx.msk [tilespmem:v9+s26+$0x0], $0xffff  }
0xfc: {  	v10 =	vmul.f32 $2.000000030e-01, v8  }
0xfd: {  	vm12 =	vgt.f32 v8, $0.0e+00  }
0xfe: {  	v8 =	vsel vm12, v8, v10  }
0xff: {  	v8 =	vmul.f32 $1.442695020e+00, v8  }
0x100: {  	v9 =	vadd.f32 $1.000000020e-16, v9  }
0x101: {  	(erf) = vpow2.f32 v8  }
0x102: {  	(erf) = vrcp.f32 v9;
	_ =	sdelay $0x7  }
0x103: {  	v8 =	vpop (erf)  }
0x104: {  	v9 =	vpop (erf)  }
0x105: {  	v8 =	vmul.f32 v8, v9;
	_ =	sdelay $0x1  }
0x106: {  	[tilespmem:$0x12B40] =	vst v8  }
0x107: {  	v8 =	vld [tilespmem:s6+$0x50]  }
0x108: {  	v9 =	vld [tilespmem:s6+$0x5150];
	_ =	sdelay $0x6  }
0x109: {  	v8 =	vld.idx.msk [tilespmem:v8+s23+$0x0], $0xffff  }
0x10a: {  	v10 =	vld.idx.msk [tilespmem:v9+s24+$0x0], $0xffff;
	_ =	sdelay $0x4  }
0x10b: {  	v8 =	vadd.f32 v10, v8  }
0x10c: {  	v9 =	vld.idx.msk [tilespmem:v9+s26+$0x0], $0xffff  }
0x10d: {  	v10 =	vmul.f32 $2.000000030e-01, v8  }
0x10e: {  	vm13 =	vgt.f32 v8, $0.0e+00  }
0x10f: {  	v8 =	vsel vm13, v8, v10  }
0x110: {  	v8 =	vmul.f32 $1.442695020e+00, v8  }
0x111: {  	v9 =	vadd.f32 $1.000000020e-16, v9  }
0x112: {  	(erf) = vpow2.f32 v8  }
0x113: {  	(erf) = vrcp.f32 v9;
	_ =	sdelay $0x7  }
0x114: {  	v8 =	vpop (erf)  }
0x115: {  	v9 =	vpop (erf)  }
0x116: {  	v8 =	vmul.f32 v8, v9;
	_ =	sdelay $0x1  }
0x117: {  	[tilespmem:$0x12B50] =	vst v8  }
0x118: {  	v8 =	vld [tilespmem:s6+$0x60]  }
0x119: {  	v9 =	vld [tilespmem:s6+$0x5160];
	_ =	sdelay $0x6  }
0x11a: {  	v8 =	vld.idx.msk [tilespmem:v8+s23+$0x0], $0xffff  }
0x11b: {  	v10 =	vld.idx.msk [tilespmem:v9+s24+$0x0], $0xffff;
	_ =	sdelay $0x4  }
0x11c: {  	v8 =	vadd.f32 v10, v8  }
0x11d: {  	v9 =	vld.idx.msk [tilespmem:v9+s26+$0x0], $0xffff  }
0x11e: {  	v10 =	vmul.f32 $2.000000030e-01, v8  }
0x11f: {  	vm14 =	vgt.f32 v8, $0.0e+00  }
0x120: {  	v8 =	vsel vm14, v8, v10  }
0x121: {  	v8 =	vmul.f32 $1.442695020e+00, v8  }
0x122: {  	v9 =	vadd.f32 $1.000000020e-16, v9  }
0x123: {  	(erf) = vpow2.f32 v8  }
0x124: {  	(erf) = vrcp.f32 v9;
	_ =	sdelay $0x7  }
0x125: {  	v8 =	vpop (erf)  }
0x126: {  	v9 =	vpop (erf)  }
0x127: {  	v8 =	vmul.f32 v8, v9;
	_ =	sdelay $0x1  }
0x128: {  	[tilespmem:$0x12B60] =	vst v8  }
0x129: {  	v8 =	vld [tilespmem:s6+$0x70]  }
0x12a: {  	v9 =	vld [tilespmem:s6+$0x5170];
	_ =	sdelay $0x6  }
0x12b: {  	v8 =	vld.idx.msk [tilespmem:v8+s23+$0x0], $0xffff  }
0x12c: {  	v10 =	vld.idx.msk [tilespmem:v9+s24+$0x0], $0xffff;
	_ =	sdelay $0x4  }
0x12d: {  	v8 =	vadd.f32 v10, v8  }
0x12e: {  	v9 =	vld.idx.msk [tilespmem:v9+s26+$0x0], $0xffff  }
0x12f: {  	v10 =	vmul.f32 $2.000000030e-01, v8  }
0x130: {  	vm15 =	vgt.f32 v8, $0.0e+00  }
0x131: {  	v8 =	vsel vm15, v8, v10  }
0x132: {  	v8 =	vmul.f32 $1.442695020e+00, v8  }
0x133: {  	v9 =	vadd.f32 $1.000000020e-16, v9  }
0x134: {  	(erf) = vpow2.f32 v8  }
0x135: {  	(erf) = vrcp.f32 v9;
	_ =	sdelay $0x7  }
0x136: {  	v8 =	vpop (erf)  }
0x137: {  	v9 =	vpop (erf)  }
0x138: {  	v8 =	vmul.f32 v8, v9;
	_ =	sdelay $0x1  }
0x139: {  	[tilespmem:$0x12B70] =	vst v8  }
0x13a: {  	_ =	swait.ge [sflag:s0], $0x1000  }
0x13b: {  	[sflag:s0] =	ssyncset.done $0x0  }
0x13c: {  	s6 =	simm.s32 $0x11B00;
	[sflag:s0] =	ssyncadd.s32 $0xFFFFF000  }
0x13d: {  	v13 =	vld [tilespmem:s6+$0xFFFFFFA0]  }
0x13e: {  	v11 =	vld [tilespmem:s6+$0xFFFFFFF0]  }
0x13f: {  	v8 =	vld [tilespmem:s6+$0xFFFFFF60]  }
0x140: {  	v14 =	vld [tilespmem:s6+$0xFFFFFFD0]  }
0x141: {  	v15 =	vld [tilespmem:s6+$0x80]  }
0x142: {  	v18 =	vld [tilespmem:s6+$0xFFFFFF10]  }
0x143: {  	v22 =	vld [tilespmem:s6+$0xE0]  }
0x144: {  	v17 =	vld [tilespmem:s6+$0xFFFFFF40]  }
0x145: {  	s7 =	simm.s32 $0x0;
	v9 =	vld [tilespmem:s6+$0xFFFFFF90]  }
0x146: {  	v10 =	vld [tilespmem:s7+$0x12B00]  }
0x147: {  	v16 =	vld [tilespmem:s6+$0xFFFFFFC0]  }
0x148: {  	v19 =	vld [tilespmem:s6+$0xFFFFFF00]  }
0x149: {  	v20 =	vld [tilespmem:s6+$0xD0]  }
0x14a: {  	v29 =	vld [tilespmem:s6+$0xC0]  }
0x14b: {  	v27 =	vld [tilespmem:s6+$0x90];
	v25 =	vbroadcast v10, $0x0;
	v12 =	vbroadcast v10, $0xF  }
0x14c: {  	v28 =	vld [tilespmem:s6+$0xFFFFFF50];
	v26 =	vbroadcast v10, $0x2;
	v24 =	vbroadcast v10, $0xE  }
0x14d: {  	v23 =	vld [tilespmem:s6+$0xB0];
	v21 =	vbroadcast v10, $0xC;
	v31 =	vmul.f32 v25, v19  }
0x14e: {  	s9 =	simm.s32 $0x11B00;
	s7 =	simm.s32 $0x40;
	v19 =	vbroadcast v10, $0xD;
	v30 =	vmul.f32 v17, v26;
	v17 =	vld [tilespmem:s6+$0x60]  }
.LBB2_9:
0x14f: {  	p0 =	sne.s32 s7, $0x1C0  }
0x150: {  	[tilespmem:s6+$0xFFFFFF00] =	vst v31;
	v31 =	vld [tilespmem:s6+$0xFFFFFFB0];
	v29 =	vmul.f32 v29, v24;
	v22 =	vmul.f32 v22, v12;
	s9 =	sadd.s32 $0x200, s9;
	s28 =	smov.u32 s7;
	s7 =	sadd.s32 $0x40, s7  }
0x151: {  	[tilespmem:s6+$0xFFFFFF40] =	vst v30;
	v30 =	vbroadcast v10, $0xA;
	v27 =	vmul.f32 v27, v21;
	v32 =	vld [tilespmem:s6+$0xA0]  }
0x152: {  	v18 =	vmul.f32 v18, v25;
	v25 =	vmul.f32 v28, v26;
	v26 =	vld [tilespmem:s6+$0x70];
	[tilespmem:s6+$0xE0] =	vst v22  }
0x153: {  	v22 =	vbroadcast v10, $0x5;
	v28 =	vld [tilespmem:s6+$0xFFFFFFE0];
	v23 =	vmul.f32 v23, v19;
	[tilespmem:s6+$0xC0] =	vst v29  }
0x154: {  	v20 =	vmul.f32 v20, v24;
	[tilespmem:s6+$0xFFFFFF10] =	vst v18;
	v18 =	vbroadcast v10, $0x6;
	v29 =	vld [tilespmem:s6+$0x40]  }
0x155: {  	v33 =	vbroadcast v10, $0xB;
	v13 =	vmul.f32 v13, v22;
	v24 =	vld [tilespmem:s6+$0xFFFFFF20];
	[tilespmem:s6+$0x90] =	vst v27  }
0x156: {  	v27 =	vbroadcast v10, $0x9;
	[tilespmem:s6+$0xFFFFFF50] =	vst v25;
	v25 =	vld [tilespmem:s6+$0x20];
	v19 =	vmul.f32 v32, v19  }
0x157: {  	v22 =	vmul.f32 v31, v22;
	v31 =	vld [tilespmem:s6+$0x50];
	v26 =	vmul.f32 v26, v33;
	[tilespmem:s6+$0xD0] =	vst v20  }
0x158: {  	v15 =	vmul.f32 v15, v21;
	v20 =	vbroadcast v10, $0x7;
	v32 =	vld [tilespmem:s6+$0x30];
	[tilespmem:s6+$0xA0] =	vst v19  }
0x159: {  	v16 =	vmul.f32 v16, v18;
	v19 =	vbroadcast v10, $0x3;
	v21 =	vld [tilespmem:s6+$0x0];
	[tilespmem:s6+$0x70] =	vst v26  }
0x15a: {  	v17 =	vmul.f32 v17, v33;
	v14 =	vmul.f32 v14, v18;
	v18 =	vld [tilespmem:s6+$0x10];
	[tilespmem:s6+$0x80] =	vst v15  }
0x15b: {  	v26 =	vbroadcast v10, $0x8;
	v29 =	vmul.f32 v29, v30;
	v15 =	vld [tilespmem:s6+$0xFFFFFF30];
	[tilespmem:s6+$0xB0] =	vst v23  }
0x15c: {  	v23 =	vbroadcast v10, $0x1;
	v33 =	vld [tilespmem:s6+$0xFFFFFF70];
	[tilespmem:s6+$0xFFFFFFD0] =	vst v14;
	v30 =	vmul.f32 v31, v30  }
0x15d: {  	v11 =	vmul.f32 v11, v20;
	v14 =	vmul.f32 v28, v20;
	[tilespmem:s6+$0xFFFFFFC0] =	vst v16;
	v16 =	vld [tilespmem:s6+$0xF0]  }
0x15e: {  	v28 =	vmul.f32 v32, v27;
	v20 =	vld [tilespmem:s6+$0xFFFFFF80];
	[tilespmem:s6+$0xFFFFFFA0] =	vst v13;
	v21 =	vmul.f32 v21, v26  }
0x15f: {  	v13 =	vld [tilespmem:s9+$0xFFFFFFA0];
	[tilespmem:s6+$0xFFFFFFF0] =	vst v11;
	v26 =	vmul.f32 v18, v26;
	v18 =	vmul.f32 v25, v27  }
0x160: {  	v11 =	vmul.f32 v24, v23;
	v23 =	vmul.f32 v15, v23;
	[tilespmem:s6+$0x60] =	vst v17  }
0x161: {  	v8 =	vmul.f32 v8, v19;
	v15 =	vmul.f32 v33, v19;
	[tilespmem:s6+$0xFFFFFFB0] =	vst v22  }
0x162: {  	v10 =	vbroadcast v10, $0x4;
	[tilespmem:s6+$0xFFFFFF20] =	vst v11;
	v11 =	vmul.f32 v16, v12  }
0x163: {  	[tilespmem:s6+$0xFFFFFF60] =	vst v8  }
0x164: {  	v12 =	vmul.f32 v20, v10;
	v8 =	vmul.f32 v9, v10;
	[tilespmem:s6+$0x40] =	vst v29  }
0x165: {  	[tilespmem:s6+$0xFFFFFFE0] =	vst v14  }
0x166: {  	[tilespmem:s6+$0xF0] =	vst v11  }
0x167: {  	[tilespmem:s6+$0xFFFFFF90] =	vst v8  }
0x168: {  	v11 =	vld [tilespmem:s9+$0xFFFFFFF0];
	[tilespmem:s6+$0xFFFFFF70] =	vst v15  }
0x169: {  	v8 =	vld [tilespmem:s9+$0xFFFFFF60];
	[tilespmem:s6+$0x20] =	vst v18  }
0x16a: {  	v14 =	vld [tilespmem:s9+$0xFFFFFFD0];
	[tilespmem:s6+$0x30] =	vst v28  }
0x16b: {  	v15 =	vld [tilespmem:s9+$0x80];
	[tilespmem:s6+$0xFFFFFF80] =	vst v12  }
0x16c: {  	v18 =	vld [tilespmem:s9+$0xFFFFFF10];
	[tilespmem:s6+$0x50] =	vst v30  }
0x16d: {  	v22 =	vld [tilespmem:s9+$0xE0];
	[tilespmem:s6+$0x0] =	vst v21  }
0x16e: {  	v17 =	vld [tilespmem:s9+$0xFFFFFF40];
	[tilespmem:s6+$0xFFFFFF30] =	vst v23  }
0x16f: {  	s17 =	sshra.s32 s28, $0x2;
	v9 =	vld [tilespmem:s9+$0xFFFFFF90];
	[tilespmem:s6+$0x10] =	vst v26;
	s6 =	smov.u32 s9  }
0x170: {  	v10 =	vld [tilespmem:s17+$0x12B00]  }
0x171: {  	v16 =	vld [tilespmem:s9+$0xFFFFFFC0]  }
0x172: {  	v19 =	vld [tilespmem:s9+$0xFFFFFF00]  }
0x173: {  	v20 =	vld [tilespmem:s9+$0xD0]  }
.Ltmp3:
0x174: {  	v29 =	vld [tilespmem:s9+$0xC0];
	(pc) =	sbr.rel @p0 .LBB2_9-.Ltmp3, $4  }
0x175: {  	v25 =	vbroadcast v10, $0x0;
	v27 =	vld [tilespmem:s9+$0x90];
	v12 =	vbroadcast v10, $0xF  }
0x176: {  	v26 =	vbroadcast v10, $0x2;
	v24 =	vbroadcast v10, $0xE;
	v28 =	vld [tilespmem:s9+$0xFFFFFF50]  }
0x177: {  	v31 =	vmul.f32 v25, v19;
	v19 =	vbroadcast v10, $0xD;
	v23 =	vld [tilespmem:s9+$0xB0]  }
0x178: {  	v21 =	vbroadcast v10, $0xC;
	v30 =	vmul.f32 v17, v26;
	v17 =	vld [tilespmem:s9+$0x60]  }
0x179: {  	[tilespmem:s6+$0xFFFFFF00] =	vst v31;
	v22 =	vmul.f32 v22, v12  }
0x17a: {  	v29 =	vmul.f32 v29, v24;
	[tilespmem:s6+$0xFFFFFF40] =	vst v30  }
0x17b: {  	v18 =	vmul.f32 v18, v25;
	[tilespmem:s6+$0xE0] =	vst v22  }
0x17c: {  	v32 =	vmul.f32 v20, v24;
	[tilespmem:s6+$0xC0] =	vst v29  }
0x17d: {  	v62 =	vmul.f32 v27, v21;
	[tilespmem:s6+$0xFFFFFF10] =	vst v18  }
0x17e: {  	v38 =	vbroadcast v10, $0x6;
	v15 =	vmul.f32 v15, v21;
	[tilespmem:s6+$0xD0] =	vst v32  }
0x17f: {  	v26 =	vmul.f32 v28, v26;
	[tilespmem:s6+$0x90] =	vst v62  }
0x180: {  	v42 =	vbroadcast v10, $0x5;
	v14 =	vmul.f32 v14, v38;
	[tilespmem:s6+$0x80] =	vst v15  }
0x181: {  	v44 =	vbroadcast v10, $0x7;
	v16 =	vmul.f32 v16, v38;
	[tilespmem:s6+$0xFFFFFF50] =	vst v26  }
0x182: {  	v51 =	vbroadcast v10, $0x3;
	v13 =	vmul.f32 v13, v42;
	[tilespmem:s6+$0xFFFFFFD0] =	vst v14  }
0x183: {  	v60 =	vld [tilespmem:s6+$0xA0];
	v56 =	vbroadcast v10, $0x4;
	v11 =	vmul.f32 v11, v44;
	[tilespmem:s6+$0xFFFFFFC0] =	vst v16  }
0x184: {  	v61 =	vld [tilespmem:s6+$0x70];
	v8 =	vmul.f32 v8, v51;
	[tilespmem:s6+$0xFFFFFFA0] =	vst v13  }
0x185: {  	v63 =	vld [tilespmem:s6+$0xFFFFFFB0];
	v34 =	vbroadcast v10, $0xB;
	v9 =	vmul.f32 v9, v56;
	[tilespmem:s6+$0xFFFFFFF0] =	vst v11  }
0x186: {  	v33 =	vld [tilespmem:s6+$0xFFFFFF20];
	v40 =	vmul.f32 v23, v19;
	[tilespmem:s6+$0xFFFFFF60] =	vst v8  }
0x187: {  	v37 =	vld [tilespmem:s6+$0x40];
	v17 =	vmul.f32 v17, v34;
	[tilespmem:s6+$0xFFFFFF90] =	vst v9  }
0x188: {  	v35 =	vld [tilespmem:s6+$0xFFFFFFE0];
	v36 =	vmul.f32 v60, v19;
	[tilespmem:s6+$0xB0] =	vst v40  }
0x189: {  	v49 =	vbroadcast v10, $0x1;
	v52 =	vld [tilespmem:s6+$0xF0];
	v25 =	vmul.f32 v61, v34;
	[tilespmem:s6+$0x60] =	vst v17  }
0x18a: {  	v46 =	vld [tilespmem:s6+$0xFFFFFF70];
	v53 =	vbroadcast v10, $0xA;
	v50 =	vmul.f32 v63, v42;
	[tilespmem:s6+$0xA0] =	vst v36  }
0x18b: {  	v43 =	vld [tilespmem:s6+$0x30];
	v20 =	vmul.f32 v33, v49;
	[tilespmem:s6+$0x70] =	vst v25  }
0x18c: {  	v47 =	vld [tilespmem:s6+$0xFFFFFF80];
	v55 =	vmul.f32 v37, v53;
	[tilespmem:s6+$0xFFFFFFB0] =	vst v50  }
0x18d: {  	v41 =	vld [tilespmem:s6+$0x20];
	v15 =	vmul.f32 v35, v44;
	[tilespmem:s6+$0xFFFFFF20] =	vst v20  }
0x18e: {  	v54 =	vld [tilespmem:s6+$0xFFFFFF30];
	v57 =	vbroadcast v10, $0x9;
	v8 =	vmul.f32 v52, v12;
	[tilespmem:s6+$0x40] =	vst v55  }
0x18f: {  	v39 =	vld [tilespmem:s6+$0x50];
	v58 =	vmul.f32 v46, v51;
	[tilespmem:s6+$0xFFFFFFE0] =	vst v15  }
0x190: {  	v45 =	vld [tilespmem:s6+$0x0];
	v59 =	vmul.f32 v43, v57;
	[tilespmem:s6+$0xF0] =	vst v8  }
0x191: {  	v48 =	vld [tilespmem:s6+$0x10];
	v61 =	vmul.f32 v47, v56;
	[tilespmem:s6+$0xFFFFFF70] =	vst v58  }
0x192: {  	v8 =	vmul.f32 v41, v57;
	[tilespmem:s6+$0x30] =	vst v59  }
0x193: {  	v60 =	vbroadcast v10, $0x8;
	v63 =	vmul.f32 v54, v49;
	[tilespmem:s6+$0xFFFFFF80] =	vst v61  }
0x194: {  	[tilespmem:s6+$0x20] =	vst v8;
	v8 =	vmul.f32 v39, v53  }
0x195: {  	v62 =	vmul.f32 v45, v60;
	[tilespmem:s6+$0xFFFFFF30] =	vst v63  }
0x196: {  	s4 =	sadd.s32 $0x1, s4;
	[tilespmem:s6+$0x50] =	vst v8;
	v8 =	vmul.f32 v48, v60  }
0x197: {  	p0 =	sne.s32 s4, $0xA2;
	[tilespmem:s6+$0x0] =	vst v62  }
.Ltmp4:
0x198: {  	[tilespmem:s6+$0x10] =	vst v8;
	(pc) =	sbr.rel @p0 .LBB2_8-.Ltmp4, $4  }
0x199: {  	[spmem:s2] =	stream.indirect.scatter.add.f32 [tilespmem:s25], [sflag:$0x2], $0x20, s22, s30, $0xb8;
	[tilespmem:$0x17E50] =	vst v63  }
0x19a: {  	_ =	swait.ge [sflag:s21], $0x1000  }
0x19b: {  	[sflag:s21] =	ssyncset.done $0x0  }
0x19c: {  	[sflag:s21] =	ssyncadd.s32 $0xFFFFF000  }
0x19d: {  	s4 =	stileid.u32  }
0x19e: {  	[bflag:$0x0] =	sbarrier.arrive $0xFFFF;
	s4 =	sshll.u32 s4, $0x6  }
0x19f: {  	s6 =	sshrl.u32 s10, $0x3;
	s7 =	rddreg [dreg:$0x7];
	s4 =	sor.u32 $0x1C02, s4  }
0x1a0: {  	[hbm:s7], [sflag:s4] =	dma.local [spmem:s6], $0xA00  }
0x1a1: {  	_ =	swait.ge [sflag:s21], $0xA00  }
0x1a2: {  	[sflag:s21] =	ssyncset.done $0x0  }
0x1a3: {  	s9 =	simm.s32 $0x0;
	s7 =	simm.s32 $0x80;
	[sflag:s21] =	ssyncadd.s32 $0xFFFFF600  }
.LBB2_12:
0x1a4: {  	p0 =	sne.s32 s7, $0x3F80;
	[tilespmem:s9+$0x11A00] =	vst v3;
	s17 =	smov.u32 s7;
	s7 =	sadd.s32 $0x80, s7  }
.Ltmp5:
0x1a5: {  	[tilespmem:s9+$0x11A10] =	vst v3;
	(pc) =	sbr.rel @p0 .LBB2_12-.Ltmp5, $2  }
0x1a6: {  	_ =	sdelay $0x2  }
0x1a7: {  	s9 =	sshra.s32 s17, $0x2  }
0x1a8: {  	[tilespmem:s9+$0x11A00] =	vst v3  }
0x1a9: {  	[tilespmem:s9+$0x11A10] =	vst v3;
	s7 =	simm.s32 $0x0  }
0x1aa: {  	[tilespmem:s23], [sflag:$0x2] =	stream.linear.gather [hbm4b:s15+s7], $0x2800, $0x38;
	[tilespmem:$0x17E50] =	vst v63  }
0x1ab: {  	_ =	swait.ge [sflag:s21], $0x2800  }
0x1ac: {  	[sflag:s21] =	ssyncset.done $0x0  }
0x1ad: {  	[sflag:s21] =	ssyncadd.s32 $0xFFFFD800  }
0x1ae: {  	[tilespmem:s24], [sflag:$0x2] =	stream.linear.gather [hbm4b:s18+s7], $0x2800, $0x38;
	[tilespmem:$0x17E50] =	vst v63  }
0x1af: {  	_ =	swait.ge [sflag:s21], $0x2800  }
0x1b0: {  	[sflag:s21] =	ssyncset.done $0x0  }
0x1b1: {  	s9 =	simm.s32 $0x200;
	s7 =	simm.s32 $0x0;
	[sflag:s21] =	ssyncadd.s32 $0xFFFFD800  }
.LBB2_14:
0x1b2: {  	p0 =	sne.s32 s9, $0x9E00;
	[tilespmem:s7+$0xF270] =	vst v3  }
0x1b3: {  	[tilespmem:s7+$0xF200] =	vst v3  }
0x1b4: {  	[tilespmem:s7+$0xF210] =	vst v3  }
.Ltmp6:
0x1b5: {  	[tilespmem:s7+$0xF220] =	vst v3;
	(pc) =	sbr.rel @p0 .LBB2_14-.Ltmp6, $4  }
0x1b6: {  	[tilespmem:s7+$0xF230] =	vst v3  }
0x1b7: {  	[tilespmem:s7+$0xF240] =	vst v3  }
0x1b8: {  	[tilespmem:s7+$0xF250] =	vst v3  }
0x1b9: {  	[tilespmem:s7+$0xF260] =	vst v3;
	s7 =	sshra.s32 s9, $0x2;
	s9 =	sadd.s32 $0x200, s9  }
0x1ba: {  	[tilespmem:s7+$0xF270] =	vst v3  }
0x1bb: {  	[tilespmem:s7+$0xF200] =	vst v3  }
0x1bc: {  	[tilespmem:s7+$0xF210] =	vst v3  }
0x1bd: {  	[tilespmem:s7+$0xF220] =	vst v3  }
0x1be: {  	[tilespmem:s7+$0xF230] =	vst v3  }
0x1bf: {  	[tilespmem:s7+$0xF240] =	vst v3  }
0x1c0: {  	[tilespmem:s7+$0xF250] =	vst v3  }
0x1c1: {  	[tilespmem:s7+$0xF260] =	vst v3  }
0x1c2: {  	[spmem:s10] =	stream.linear.scatter [tilespmem:s25], [sflag:$0x2], $0x1000, $0x38;
	[tilespmem:$0x17E50] =	vst v63  }
0x1c3: {  	_ =	swait.ge [sflag:s21], $0x1000  }
0x1c4: {  	[sflag:s21] =	ssyncset.done $0x0  }
0x1c5: {  	[sflag:s21] =	ssyncadd.s32 $0xFFFFF000  }
0x1c6: {  	[spmem:s11] =	stream.linear.scatter [tilespmem:s25], [sflag:$0x2], $0x1000, $0x38;
	[tilespmem:$0x17E50] =	vst v63  }
0x1c7: {  	_ =	swait.ge [sflag:s21], $0x1000  }
0x1c8: {  	[sflag:s21] =	ssyncset.done $0x0  }
0x1c9: {  	[sflag:s21] =	ssyncadd.s32 $0xFFFFF000  }
0x1ca: {  	[spmem:s12] =	stream.linear.scatter [tilespmem:s25], [sflag:$0x2], $0x1000, $0x38;
	[tilespmem:$0x17E50] =	vst v63  }
0x1cb: {  	_ =	swait.ge [sflag:s21], $0x1000  }
0x1cc: {  	[sflag:s21] =	ssyncset.done $0x0  }
0x1cd: {  	[sflag:s21] =	ssyncadd.s32 $0xFFFFF000  }
0x1ce: {  	[spmem:s13] =	stream.linear.scatter [tilespmem:s25], [sflag:$0x2], $0x1000, $0x38;
	[tilespmem:$0x17E50] =	vst v63  }
0x1cf: {  	_ =	swait.ge [sflag:s21], $0x1000  }
0x1d0: {  	[sflag:s21] =	ssyncset.done $0x0  }
0x1d1: {  	[sflag:s21] =	ssyncadd.s32 $0xFFFFF000  }
0x1d2: {  	[spmem:s14] =	stream.linear.scatter [tilespmem:s25], [sflag:$0x2], $0x1000, $0x38;
	[tilespmem:$0x17E50] =	vst v63  }
0x1d3: {  	_ =	swait.ge [sflag:s21], $0x1000  }
0x1d4: {  	[sflag:s21] =	ssyncset.done $0x0  }
0x1d5: {  	[sflag:s21] =	ssyncadd.s32 $0xFFFFF000  }
0x1d6: {  	[spmem:s16] =	stream.linear.scatter [tilespmem:s26], [sflag:$0x2], $0x280, $0x38;
	[tilespmem:$0x17E50] =	vst v63  }
0x1d7: {  	_ =	swait.ge [sflag:s21], $0x280  }
0x1d8: {  	[sflag:s21] =	ssyncset.done $0x0  }
0x1d9: {  	[sflag:s21] =	ssyncadd.s32 $0xFFFFFD80  }
0x1da: {  	s9 =	simm.s32 $0x0;
	[bflag:$0x0] =	sbarrier.arrive $0xFFFF  }
0x1db: {  	s7 =	simm.s32 $0x40;
	v8 =	vld [tilespmem:s9+$0x5100]  }
.LBB2_16:
0x1dc: {  	p0 =	sne.s32 s7, $0x143C0;
	v9 =	vld [tilespmem:s9+$0x0];
	_ =	sdelay $0x6  }
0x1dd: {  	v10 =	vld.idx.msk [tilespmem:v8+s24+$0x0], $0xffff  }
0x1de: {  	v9 =	vld.idx.msk [tilespmem:v9+s23+$0x0], $0xffff;
	_ =	sdelay $0x5  }
0x1df: {  	v9 =	vadd.f32 v10, v9;
	_ =	sdelay $0x1  }
0x1e0: {  	v10 =	vmul.f32 $2.000000030e-01, v9  }
0x1e1: {  	vm0 =	vgt.f32 v9, $0.0e+00  }
0x1e2: {  	v9 =	vsel vm0, v9, v10  }
0x1e3: {  	v9 =	vmul.f32 $1.442695020e+00, v9;
	_ =	sdelay $0x1  }
0x1e4: {  	(erf) = vpow2.f32 v9;
	_ =	sdelay $0x6  }
.Ltmp7:
0x1e5: {  	(pc) =	sbr.rel @p0 .LBB2_16-.Ltmp7, $4  }
0x1e6: {  	_ = 	snop  }
0x1e7: {  	v9 =	vpop (erf)  }
0x1e8: {  	s9 =	sshra.s32 s7, $0x2;
	[tilespmem:v8+s26+$0x0] =	vst.idx.add.f32.msk $0xffff, v9  }
0x1e9: {  	s7 =	sadd.s32 $0x40, s7;
	v8 =	vld [tilespmem:s9+$0x5100]  }
0x1ea: {  	_ = 	snop  }
0x1eb: {  	v9 =	vld [tilespmem:s9+$0x0];
	_ =	sdelay $0x6  }
0x1ec: {  	v10 =	vld.idx.msk [tilespmem:v8+s24+$0x0], $0xffff  }
0x1ed: {  	v9 =	vld.idx.msk [tilespmem:v9+s23+$0x0], $0xffff;
	_ =	sdelay $0x4  }
0x1ee: {  	v9 =	vadd.f32 v10, v9;
	_ =	sdelay $0x1  }
0x1ef: {  	v10 =	vmul.f32 $2.000000030e-01, v9  }
0x1f0: {  	vm0 =	vgt.f32 v9, $0.0e+00  }
0x1f1: {  	v9 =	vsel vm0, v9, v10  }
0x1f2: {  	v9 =	vmul.f32 $1.442695020e+00, v9;
	_ =	sdelay $0x1  }
0x1f3: {  	(erf) = vpow2.f32 v9;
	_ =	sdelay $0x8  }
0x1f4: {  	v9 =	vpop (erf)  }
0x1f5: {  	s7 =	simm.s32 $0x12B80;
	[tilespmem:v8+s26+$0x0] =	vst.idx.add.f32.msk $0xffff, v9  }
0x1f6: {  	[spmem:s3] =	stream.indirect.scatter.add.f32 [tilespmem:s26], [sflag:$0x2], $0x80, s7, s29, $0xb8;
	[tilespmem:$0x17E50] =	vst v63  }
0x1f7: {  	_ =	swait.ge [sflag:s21], $0x2800  }
0x1f8: {  	[sflag:s21] =	ssyncset.done $0x0  }
0x1f9: {  	[sflag:s21] =	ssyncadd.s32 $0xFFFFD800  }
0x1fa: {  	[bflag:$0x0] =	sbarrier.arrive $0xFFFF  }
0x1fb: {  	[tilespmem:s26], [sflag:$0x2] =	stream.linear.gather [spmem:s3], $0x2800, $0x38;
	[tilespmem:$0x17E50] =	vst v63  }
0x1fc: {  	_ =	swait.ge [sflag:s21], $0x2800  }
0x1fd: {  	[sflag:s21] =	ssyncset.done $0x0  }
0x1fe: {  	s7 =	simm.s32 $0x0;
	[sflag:s21] =	ssyncadd.s32 $0xFFFFD800  }
.LBB2_18:
0x1ff: {  	s9 =	sshll.u32 s7, $0x7  }
0x200: {  	v8 =	vld [tilespmem:s9+$0x0];
	_ =	sdelay $0x4  }
0x201: {  	v8 =	vshll.u32 v8, $0x2  }
0x202: {  	v8 =	vor.u32 v2, v8  }
0x203: {  	[tilespmem:$0x12A00] =	vst v8  }
0x204: {  	v8 =	vld [tilespmem:s9+$0x5100];
	_ =	sdelay $0x4  }
0x205: {  	[tilespmem:$0x12A80] =	vst v8  }
0x206: {  	v8 =	vld [tilespmem:s9+$0x10];
	_ =	sdelay $0x4  }
0x207: {  	v8 =	vshll.u32 v8, $0x2  }
0x208: {  	v8 =	vor.u32 v2, v8  }
0x209: {  	[tilespmem:$0x12A10] =	vst v8  }
0x20a: {  	v8 =	vld [tilespmem:s9+$0x5110];
	_ =	sdelay $0x4  }
0x20b: {  	[tilespmem:$0x12A90] =	vst v8  }
0x20c: {  	v8 =	vld [tilespmem:s9+$0x20];
	_ =	sdelay $0x4  }
0x20d: {  	v8 =	vshll.u32 v8, $0x2  }
0x20e: {  	v8 =	vor.u32 v2, v8  }
0x20f: {  	[tilespmem:$0x12A20] =	vst v8  }
0x210: {  	v8 =	vld [tilespmem:s9+$0x5120];
	_ =	sdelay $0x4  }
0x211: {  	[tilespmem:$0x12AA0] =	vst v8  }
0x212: {  	v8 =	vld [tilespmem:s9+$0x30];
	_ =	sdelay $0x4  }
0x213: {  	v8 =	vshll.u32 v8, $0x2  }
0x214: {  	v8 =	vor.u32 v2, v8  }
0x215: {  	[tilespmem:$0x12A30] =	vst v8  }
0x216: {  	v8 =	vld [tilespmem:s9+$0x5130];
	_ =	sdelay $0x4  }
0x217: {  	[tilespmem:$0x12AB0] =	vst v8  }
0x218: {  	v8 =	vld [tilespmem:s9+$0x40];
	_ =	sdelay $0x4  }
0x219: {  	v8 =	vshll.u32 v8, $0x2  }
0x21a: {  	v8 =	vor.u32 v2, v8  }
0x21b: {  	[tilespmem:$0x12A40] =	vst v8  }
0x21c: {  	v8 =	vld [tilespmem:s9+$0x5140];
	_ =	sdelay $0x4  }
0x21d: {  	[tilespmem:$0x12AC0] =	vst v8  }
0x21e: {  	v8 =	vld [tilespmem:s9+$0x50];
	_ =	sdelay $0x4  }
0x21f: {  	v8 =	vshll.u32 v8, $0x2  }
0x220: {  	v8 =	vor.u32 v2, v8  }
0x221: {  	[tilespmem:$0x12A50] =	vst v8  }
0x222: {  	v8 =	vld [tilespmem:s9+$0x5150];
	_ =	sdelay $0x4  }
0x223: {  	[tilespmem:$0x12AD0] =	vst v8  }
0x224: {  	v8 =	vld [tilespmem:s9+$0x60];
	_ =	sdelay $0x4  }
0x225: {  	v8 =	vshll.u32 v8, $0x2  }
0x226: {  	v8 =	vor.u32 v2, v8  }
0x227: {  	[tilespmem:$0x12A60] =	vst v8  }
0x228: {  	v8 =	vld [tilespmem:s9+$0x5160];
	_ =	sdelay $0x4  }
0x229: {  	[tilespmem:$0x12AE0] =	vst v8  }
0x22a: {  	v8 =	vld [tilespmem:s9+$0x70];
	_ =	sdelay $0x4  }
0x22b: {  	v8 =	vshll.u32 v8, $0x2  }
0x22c: {  	v8 =	vor.u32 v2, v8  }
0x22d: {  	[tilespmem:$0x12A70] =	vst v8  }
0x22e: {  	v8 =	vld [tilespmem:s9+$0x5170];
	_ =	sdelay $0x4  }
0x22f: {  	[tilespmem:$0x12AF0] =	vst v8  }
0x230: {  	[tilespmem:s25], [sflag:$0x1] =	stream.indirect.gather [hbm4b:s5+s30], $0x20, s31, s30, $0xb8;
	[tilespmem:$0x17E50] =	vst v63  }
0x231: {  	v8 =	vld [tilespmem:s9+$0x0]  }
0x232: {  	v9 =	vld [tilespmem:s9+$0x5100];
	_ =	sdelay $0x6  }
0x233: {  	v8 =	vld.idx.msk [tilespmem:v8+s23+$0x0], $0xffff  }
0x234: {  	v10 =	vld.idx.msk [tilespmem:v9+s24+$0x0], $0xffff;
	_ =	sdelay $0x4  }
0x235: {  	v8 =	vadd.f32 v10, v8  }
0x236: {  	v9 =	vld.idx.msk [tilespmem:v9+s26+$0x0], $0xffff  }
0x237: {  	v10 =	vmul.f32 $2.000000030e-01, v8  }
0x238: {  	vm0 =	vgt.f32 v8, $0.0e+00  }
0x239: {  	v8 =	vsel vm0, v8, v10  }
0x23a: {  	v8 =	vmul.f32 $1.442695020e+00, v8  }
0x23b: {  	v9 =	vadd.f32 $1.000000020e-16, v9  }
0x23c: {  	(erf) = vpow2.f32 v8  }
0x23d: {  	(erf) = vrcp.f32 v9;
	_ =	sdelay $0x7  }
0x23e: {  	v8 =	vpop (erf)  }
0x23f: {  	v9 =	vpop (erf)  }
0x240: {  	v8 =	vmul.f32 v8, v9;
	_ =	sdelay $0x1  }
0x241: {  	[tilespmem:$0x12B00] =	vst v8  }
0x242: {  	v8 =	vld [tilespmem:s9+$0x10]  }
0x243: {  	v9 =	vld [tilespmem:s9+$0x5110];
	_ =	sdelay $0x6  }
0x244: {  	v8 =	vld.idx.msk [tilespmem:v8+s23+$0x0], $0xffff  }
0x245: {  	v10 =	vld.idx.msk [tilespmem:v9+s24+$0x0], $0xffff;
	_ =	sdelay $0x4  }
0x246: {  	v8 =	vadd.f32 v10, v8  }
0x247: {  	v9 =	vld.idx.msk [tilespmem:v9+s26+$0x0], $0xffff  }
0x248: {  	v10 =	vmul.f32 $2.000000030e-01, v8  }
0x249: {  	vm9 =	vgt.f32 v8, $0.0e+00  }
0x24a: {  	v8 =	vsel vm9, v8, v10  }
0x24b: {  	v8 =	vmul.f32 $1.442695020e+00, v8  }
0x24c: {  	v9 =	vadd.f32 $1.000000020e-16, v9  }
0x24d: {  	(erf) = vpow2.f32 v8  }
0x24e: {  	(erf) = vrcp.f32 v9;
	_ =	sdelay $0x7  }
0x24f: {  	v8 =	vpop (erf)  }
0x250: {  	v9 =	vpop (erf)  }
0x251: {  	v8 =	vmul.f32 v8, v9;
	_ =	sdelay $0x1  }
0x252: {  	[tilespmem:$0x12B10] =	vst v8  }
0x253: {  	v8 =	vld [tilespmem:s9+$0x20]  }
0x254: {  	v9 =	vld [tilespmem:s9+$0x5120];
	_ =	sdelay $0x6  }
0x255: {  	v8 =	vld.idx.msk [tilespmem:v8+s23+$0x0], $0xffff  }
0x256: {  	v10 =	vld.idx.msk [tilespmem:v9+s24+$0x0], $0xffff;
	_ =	sdelay $0x4  }
0x257: {  	v8 =	vadd.f32 v10, v8  }
0x258: {  	v9 =	vld.idx.msk [tilespmem:v9+s26+$0x0], $0xffff  }
0x259: {  	v10 =	vmul.f32 $2.000000030e-01, v8  }
0x25a: {  	vm10 =	vgt.f32 v8, $0.0e+00  }
0x25b: {  	v8 =	vsel vm10, v8, v10  }
0x25c: {  	v8 =	vmul.f32 $1.442695020e+00, v8  }
0x25d: {  	v9 =	vadd.f32 $1.000000020e-16, v9  }
0x25e: {  	(erf) = vpow2.f32 v8  }
0x25f: {  	(erf) = vrcp.f32 v9;
	_ =	sdelay $0x7  }
0x260: {  	v8 =	vpop (erf)  }
0x261: {  	v9 =	vpop (erf)  }
0x262: {  	v8 =	vmul.f32 v8, v9;
	_ =	sdelay $0x1  }
0x263: {  	[tilespmem:$0x12B20] =	vst v8  }
0x264: {  	v8 =	vld [tilespmem:s9+$0x30]  }
0x265: {  	v9 =	vld [tilespmem:s9+$0x5130];
	_ =	sdelay $0x6  }
0x266: {  	v8 =	vld.idx.msk [tilespmem:v8+s23+$0x0], $0xffff  }
0x267: {  	v10 =	vld.idx.msk [tilespmem:v9+s24+$0x0], $0xffff;
	_ =	sdelay $0x4  }
0x268: {  	v8 =	vadd.f32 v10, v8  }
0x269: {  	v9 =	vld.idx.msk [tilespmem:v9+s26+$0x0], $0xffff  }
0x26a: {  	v10 =	vmul.f32 $2.000000030e-01, v8  }
0x26b: {  	vm11 =	vgt.f32 v8, $0.0e+00  }
0x26c: {  	v8 =	vsel vm11, v8, v10  }
0x26d: {  	v8 =	vmul.f32 $1.442695020e+00, v8  }
0x26e: {  	v9 =	vadd.f32 $1.000000020e-16, v9  }
0x26f: {  	(erf) = vpow2.f32 v8  }
0x270: {  	(erf) = vrcp.f32 v9;
	_ =	sdelay $0x7  }
0x271: {  	v8 =	vpop (erf)  }
0x272: {  	v9 =	vpop (erf)  }
0x273: {  	v8 =	vmul.f32 v8, v9;
	_ =	sdelay $0x1  }
0x274: {  	[tilespmem:$0x12B30] =	vst v8  }
0x275: {  	v8 =	vld [tilespmem:s9+$0x40]  }
0x276: {  	v9 =	vld [tilespmem:s9+$0x5140];
	_ =	sdelay $0x6  }
0x277: {  	v8 =	vld.idx.msk [tilespmem:v8+s23+$0x0], $0xffff  }
0x278: {  	v10 =	vld.idx.msk [tilespmem:v9+s24+$0x0], $0xffff;
	_ =	sdelay $0x4  }
0x279: {  	v8 =	vadd.f32 v10, v8  }
0x27a: {  	v9 =	vld.idx.msk [tilespmem:v9+s26+$0x0], $0xffff  }
0x27b: {  	v10 =	vmul.f32 $2.000000030e-01, v8  }
0x27c: {  	vm12 =	vgt.f32 v8, $0.0e+00  }
0x27d: {  	v8 =	vsel vm12, v8, v10  }
0x27e: {  	v8 =	vmul.f32 $1.442695020e+00, v8  }
0x27f: {  	v9 =	vadd.f32 $1.000000020e-16, v9  }
0x280: {  	(erf) = vpow2.f32 v8  }
0x281: {  	(erf) = vrcp.f32 v9;
	_ =	sdelay $0x7  }
0x282: {  	v8 =	vpop (erf)  }
0x283: {  	v9 =	vpop (erf)  }
0x284: {  	v8 =	vmul.f32 v8, v9;
	_ =	sdelay $0x1  }
0x285: {  	[tilespmem:$0x12B40] =	vst v8  }
0x286: {  	v8 =	vld [tilespmem:s9+$0x50]  }
0x287: {  	v9 =	vld [tilespmem:s9+$0x5150];
	_ =	sdelay $0x6  }
0x288: {  	v8 =	vld.idx.msk [tilespmem:v8+s23+$0x0], $0xffff  }
0x289: {  	v10 =	vld.idx.msk [tilespmem:v9+s24+$0x0], $0xffff;
	_ =	sdelay $0x4  }
0x28a: {  	v8 =	vadd.f32 v10, v8  }
0x28b: {  	v9 =	vld.idx.msk [tilespmem:v9+s26+$0x0], $0xffff  }
0x28c: {  	v10 =	vmul.f32 $2.000000030e-01, v8  }
0x28d: {  	vm13 =	vgt.f32 v8, $0.0e+00  }
0x28e: {  	v8 =	vsel vm13, v8, v10  }
0x28f: {  	v8 =	vmul.f32 $1.442695020e+00, v8  }
0x290: {  	v9 =	vadd.f32 $1.000000020e-16, v9  }
0x291: {  	(erf) = vpow2.f32 v8  }
0x292: {  	(erf) = vrcp.f32 v9;
	_ =	sdelay $0x7  }
0x293: {  	v8 =	vpop (erf)  }
0x294: {  	v9 =	vpop (erf)  }
0x295: {  	v8 =	vmul.f32 v8, v9;
	_ =	sdelay $0x1  }
0x296: {  	[tilespmem:$0x12B50] =	vst v8  }
0x297: {  	v8 =	vld [tilespmem:s9+$0x60]  }
0x298: {  	v9 =	vld [tilespmem:s9+$0x5160];
	_ =	sdelay $0x6  }
0x299: {  	v8 =	vld.idx.msk [tilespmem:v8+s23+$0x0], $0xffff  }
0x29a: {  	v10 =	vld.idx.msk [tilespmem:v9+s24+$0x0], $0xffff;
	_ =	sdelay $0x4  }
0x29b: {  	v8 =	vadd.f32 v10, v8  }
0x29c: {  	v9 =	vld.idx.msk [tilespmem:v9+s26+$0x0], $0xffff  }
0x29d: {  	v10 =	vmul.f32 $2.000000030e-01, v8  }
0x29e: {  	vm14 =	vgt.f32 v8, $0.0e+00  }
0x29f: {  	v8 =	vsel vm14, v8, v10  }
0x2a0: {  	v8 =	vmul.f32 $1.442695020e+00, v8  }
0x2a1: {  	v9 =	vadd.f32 $1.000000020e-16, v9  }
0x2a2: {  	(erf) = vpow2.f32 v8  }
0x2a3: {  	(erf) = vrcp.f32 v9;
	_ =	sdelay $0x7  }
0x2a4: {  	v8 =	vpop (erf)  }
0x2a5: {  	v9 =	vpop (erf)  }
0x2a6: {  	v8 =	vmul.f32 v8, v9;
	_ =	sdelay $0x1  }
0x2a7: {  	[tilespmem:$0x12B60] =	vst v8  }
0x2a8: {  	v8 =	vld [tilespmem:s9+$0x70]  }
0x2a9: {  	v9 =	vld [tilespmem:s9+$0x5170];
	_ =	sdelay $0x6  }
0x2aa: {  	v8 =	vld.idx.msk [tilespmem:v8+s23+$0x0], $0xffff  }
0x2ab: {  	v10 =	vld.idx.msk [tilespmem:v9+s24+$0x0], $0xffff;
	_ =	sdelay $0x4  }
0x2ac: {  	v8 =	vadd.f32 v10, v8  }
0x2ad: {  	v9 =	vld.idx.msk [tilespmem:v9+s26+$0x0], $0xffff  }
0x2ae: {  	v10 =	vmul.f32 $2.000000030e-01, v8  }
0x2af: {  	vm15 =	vgt.f32 v8, $0.0e+00  }
0x2b0: {  	v8 =	vsel vm15, v8, v10  }
0x2b1: {  	v8 =	vmul.f32 $1.442695020e+00, v8  }
0x2b2: {  	v9 =	vadd.f32 $1.000000020e-16, v9  }
0x2b3: {  	(erf) = vpow2.f32 v8  }
0x2b4: {  	(erf) = vrcp.f32 v9;
	_ =	sdelay $0x7  }
0x2b5: {  	v8 =	vpop (erf)  }
0x2b6: {  	v9 =	vpop (erf)  }
0x2b7: {  	v8 =	vmul.f32 v8, v9;
	_ =	sdelay $0x1  }
0x2b8: {  	[tilespmem:$0x12B70] =	vst v8  }
0x2b9: {  	_ =	swait.ge [sflag:s0], $0x1000  }
0x2ba: {  	[sflag:s0] =	ssyncset.done $0x0  }
0x2bb: {  	s9 =	simm.s32 $0x11B00;
	[sflag:s0] =	ssyncadd.s32 $0xFFFFF000  }
0x2bc: {  	v13 =	vld [tilespmem:s9+$0xFFFFFFA0]  }
0x2bd: {  	v11 =	vld [tilespmem:s9+$0xFFFFFFF0]  }
0x2be: {  	v8 =	vld [tilespmem:s9+$0xFFFFFF60]  }
0x2bf: {  	v14 =	vld [tilespmem:s9+$0xFFFFFFD0]  }
0x2c0: {  	v15 =	vld [tilespmem:s9+$0x80]  }
0x2c1: {  	v18 =	vld [tilespmem:s9+$0xFFFFFF10]  }
0x2c2: {  	v22 =	vld [tilespmem:s9+$0xE0]  }
0x2c3: {  	v17 =	vld [tilespmem:s9+$0xFFFFFF40]  }
0x2c4: {  	s17 =	simm.s32 $0x0;
	v9 =	vld [tilespmem:s9+$0xFFFFFF90]  }
0x2c5: {  	v10 =	vld [tilespmem:s17+$0x12B00]  }
0x2c6: {  	v16 =	vld [tilespmem:s9+$0xFFFFFFC0]  }
0x2c7: {  	v19 =	vld [tilespmem:s9+$0xFFFFFF00]  }
0x2c8: {  	v20 =	vld [tilespmem:s9+$0xD0]  }
0x2c9: {  	v29 =	vld [tilespmem:s9+$0xC0]  }
0x2ca: {  	v27 =	vld [tilespmem:s9+$0x90];
	v25 =	vbroadcast v10, $0x0;
	v12 =	vbroadcast v10, $0xF  }
0x2cb: {  	v28 =	vld [tilespmem:s9+$0xFFFFFF50];
	v26 =	vbroadcast v10, $0x2;
	v24 =	vbroadcast v10, $0xE  }
0x2cc: {  	v23 =	vld [tilespmem:s9+$0xB0];
	v21 =	vbroadcast v10, $0xC;
	v31 =	vmul.f32 v25, v19  }
0x2cd: {  	s28 =	simm.s32 $0x40;
	s29 =	simm.s32 $0x11B00;
	v19 =	vbroadcast v10, $0xD;
	v30 =	vmul.f32 v17, v26;
	v17 =	vld [tilespmem:s9+$0x60]  }
.LBB2_19:
0x2ce: {  	p0 =	sne.s32 s28, $0x1C0  }
0x2cf: {  	[tilespmem:s9+$0xFFFFFF00] =	vst v31;
	v31 =	vld [tilespmem:s9+$0xFFFFFFB0];
	v29 =	vmul.f32 v29, v24;
	v22 =	vmul.f32 v22, v12;
	s29 =	sadd.s32 $0x200, s29;
	s17 =	smov.u32 s28;
	s28 =	sadd.s32 $0x40, s28  }
0x2d0: {  	[tilespmem:s9+$0xFFFFFF40] =	vst v30;
	v30 =	vbroadcast v10, $0xA;
	v27 =	vmul.f32 v27, v21;
	v32 =	vld [tilespmem:s9+$0xA0]  }
0x2d1: {  	v18 =	vmul.f32 v18, v25;
	v25 =	vmul.f32 v28, v26;
	v26 =	vld [tilespmem:s9+$0x70];
	[tilespmem:s9+$0xE0] =	vst v22  }
0x2d2: {  	v22 =	vbroadcast v10, $0x5;
	v28 =	vld [tilespmem:s9+$0xFFFFFFE0];
	v23 =	vmul.f32 v23, v19;
	[tilespmem:s9+$0xC0] =	vst v29  }
0x2d3: {  	v20 =	vmul.f32 v20, v24;
	[tilespmem:s9+$0xFFFFFF10] =	vst v18;
	v18 =	vbroadcast v10, $0x6;
	v29 =	vld [tilespmem:s9+$0x40]  }
0x2d4: {  	v33 =	vbroadcast v10, $0xB;
	v13 =	vmul.f32 v13, v22;
	v24 =	vld [tilespmem:s9+$0xFFFFFF20];
	[tilespmem:s9+$0x90] =	vst v27  }
0x2d5: {  	v27 =	vbroadcast v10, $0x9;
	[tilespmem:s9+$0xFFFFFF50] =	vst v25;
	v25 =	vld [tilespmem:s9+$0x20];
	v19 =	vmul.f32 v32, v19  }
0x2d6: {  	v22 =	vmul.f32 v31, v22;
	v31 =	vld [tilespmem:s9+$0x50];
	v26 =	vmul.f32 v26, v33;
	[tilespmem:s9+$0xD0] =	vst v20  }
0x2d7: {  	v15 =	vmul.f32 v15, v21;
	v20 =	vbroadcast v10, $0x7;
	v32 =	vld [tilespmem:s9+$0x30];
	[tilespmem:s9+$0xA0] =	vst v19  }
0x2d8: {  	v16 =	vmul.f32 v16, v18;
	v19 =	vbroadcast v10, $0x3;
	v21 =	vld [tilespmem:s9+$0x0];
	[tilespmem:s9+$0x70] =	vst v26  }
0x2d9: {  	v17 =	vmul.f32 v17, v33;
	v14 =	vmul.f32 v14, v18;
	v18 =	vld [tilespmem:s9+$0x10];
	[tilespmem:s9+$0x80] =	vst v15  }
0x2da: {  	v26 =	vbroadcast v10, $0x8;
	v29 =	vmul.f32 v29, v30;
	v15 =	vld [tilespmem:s9+$0xFFFFFF30];
	[tilespmem:s9+$0xB0] =	vst v23  }
0x2db: {  	v23 =	vbroadcast v10, $0x1;
	v33 =	vld [tilespmem:s9+$0xFFFFFF70];
	[tilespmem:s9+$0xFFFFFFD0] =	vst v14;
	v30 =	vmul.f32 v31, v30  }
0x2dc: {  	v11 =	vmul.f32 v11, v20;
	v14 =	vmul.f32 v28, v20;
	[tilespmem:s9+$0xFFFFFFC0] =	vst v16;
	v16 =	vld [tilespmem:s9+$0xF0]  }
0x2dd: {  	v28 =	vmul.f32 v32, v27;
	v20 =	vld [tilespmem:s9+$0xFFFFFF80];
	[tilespmem:s9+$0xFFFFFFA0] =	vst v13;
	v21 =	vmul.f32 v21, v26  }
0x2de: {  	v13 =	vld [tilespmem:s29+$0xFFFFFFA0];
	[tilespmem:s9+$0xFFFFFFF0] =	vst v11;
	v26 =	vmul.f32 v18, v26;
	v18 =	vmul.f32 v25, v27  }
0x2df: {  	v11 =	vmul.f32 v24, v23;
	v23 =	vmul.f32 v15, v23;
	[tilespmem:s9+$0x60] =	vst v17  }
0x2e0: {  	v8 =	vmul.f32 v8, v19;
	v15 =	vmul.f32 v33, v19;
	[tilespmem:s9+$0xFFFFFFB0] =	vst v22  }
0x2e1: {  	v10 =	vbroadcast v10, $0x4;
	[tilespmem:s9+$0xFFFFFF20] =	vst v11;
	v11 =	vmul.f32 v16, v12  }
0x2e2: {  	[tilespmem:s9+$0xFFFFFF60] =	vst v8  }
0x2e3: {  	v12 =	vmul.f32 v20, v10;
	v8 =	vmul.f32 v9, v10;
	[tilespmem:s9+$0x40] =	vst v29  }
0x2e4: {  	[tilespmem:s9+$0xFFFFFFE0] =	vst v14  }
0x2e5: {  	[tilespmem:s9+$0xF0] =	vst v11  }
0x2e6: {  	[tilespmem:s9+$0xFFFFFF90] =	vst v8  }
0x2e7: {  	v11 =	vld [tilespmem:s29+$0xFFFFFFF0];
	[tilespmem:s9+$0xFFFFFF70] =	vst v15  }
0x2e8: {  	v8 =	vld [tilespmem:s29+$0xFFFFFF60];
	[tilespmem:s9+$0x20] =	vst v18  }
0x2e9: {  	v14 =	vld [tilespmem:s29+$0xFFFFFFD0];
	[tilespmem:s9+$0x30] =	vst v28  }
0x2ea: {  	v15 =	vld [tilespmem:s29+$0x80];
	[tilespmem:s9+$0xFFFFFF80] =	vst v12  }
0x2eb: {  	v18 =	vld [tilespmem:s29+$0xFFFFFF10];
	[tilespmem:s9+$0x50] =	vst v30  }
0x2ec: {  	v22 =	vld [tilespmem:s29+$0xE0];
	[tilespmem:s9+$0x0] =	vst v21  }
0x2ed: {  	v17 =	vld [tilespmem:s29+$0xFFFFFF40];
	[tilespmem:s9+$0xFFFFFF30] =	vst v23  }
0x2ee: {  	s17 =	sshra.s32 s17, $0x2;
	v9 =	vld [tilespmem:s29+$0xFFFFFF90];
	[tilespmem:s9+$0x10] =	vst v26;
	s9 =	smov.u32 s29  }
0x2ef: {  	v10 =	vld [tilespmem:s17+$0x12B00]  }
0x2f0: {  	v16 =	vld [tilespmem:s29+$0xFFFFFFC0]  }
0x2f1: {  	v19 =	vld [tilespmem:s29+$0xFFFFFF00]  }
0x2f2: {  	v20 =	vld [tilespmem:s29+$0xD0]  }
.Ltmp8:
0x2f3: {  	v29 =	vld [tilespmem:s29+$0xC0];
	(pc) =	sbr.rel @p0 .LBB2_19-.Ltmp8, $4  }
0x2f4: {  	v25 =	vbroadcast v10, $0x0;
	v27 =	vld [tilespmem:s29+$0x90];
	v12 =	vbroadcast v10, $0xF  }
0x2f5: {  	v26 =	vbroadcast v10, $0x2;
	v24 =	vbroadcast v10, $0xE;
	v28 =	vld [tilespmem:s29+$0xFFFFFF50]  }
0x2f6: {  	v31 =	vmul.f32 v25, v19;
	v19 =	vbroadcast v10, $0xD;
	v23 =	vld [tilespmem:s29+$0xB0]  }
0x2f7: {  	v21 =	vbroadcast v10, $0xC;
	v30 =	vmul.f32 v17, v26;
	v17 =	vld [tilespmem:s29+$0x60]  }
0x2f8: {  	[tilespmem:s9+$0xFFFFFF00] =	vst v31;
	v22 =	vmul.f32 v22, v12  }
0x2f9: {  	v29 =	vmul.f32 v29, v24;
	[tilespmem:s9+$0xFFFFFF40] =	vst v30  }
0x2fa: {  	v18 =	vmul.f32 v18, v25;
	[tilespmem:s9+$0xE0] =	vst v22  }
0x2fb: {  	v32 =	vmul.f32 v20, v24;
	[tilespmem:s9+$0xC0] =	vst v29  }
0x2fc: {  	v62 =	vmul.f32 v27, v21;
	[tilespmem:s9+$0xFFFFFF10] =	vst v18  }
0x2fd: {  	v38 =	vbroadcast v10, $0x6;
	v15 =	vmul.f32 v15, v21;
	[tilespmem:s9+$0xD0] =	vst v32  }
0x2fe: {  	v26 =	vmul.f32 v28, v26;
	[tilespmem:s9+$0x90] =	vst v62  }
0x2ff: {  	v42 =	vbroadcast v10, $0x5;
	v14 =	vmul.f32 v14, v38;
	[tilespmem:s9+$0x80] =	vst v15  }
0x300: {  	v44 =	vbroadcast v10, $0x7;
	v16 =	vmul.f32 v16, v38;
	[tilespmem:s9+$0xFFFFFF50] =	vst v26  }
0x301: {  	v51 =	vbroadcast v10, $0x3;
	v13 =	vmul.f32 v13, v42;
	[tilespmem:s9+$0xFFFFFFD0] =	vst v14  }
0x302: {  	v60 =	vld [tilespmem:s9+$0xA0];
	v56 =	vbroadcast v10, $0x4;
	v11 =	vmul.f32 v11, v44;
	[tilespmem:s9+$0xFFFFFFC0] =	vst v16  }
0x303: {  	v61 =	vld [tilespmem:s9+$0x70];
	v8 =	vmul.f32 v8, v51;
	[tilespmem:s9+$0xFFFFFFA0] =	vst v13  }
0x304: {  	v63 =	vld [tilespmem:s9+$0xFFFFFFB0];
	v34 =	vbroadcast v10, $0xB;
	v9 =	vmul.f32 v9, v56;
	[tilespmem:s9+$0xFFFFFFF0] =	vst v11  }
0x305: {  	v33 =	vld [tilespmem:s9+$0xFFFFFF20];
	v40 =	vmul.f32 v23, v19;
	[tilespmem:s9+$0xFFFFFF60] =	vst v8  }
0x306: {  	v37 =	vld [tilespmem:s9+$0x40];
	v17 =	vmul.f32 v17, v34;
	[tilespmem:s9+$0xFFFFFF90] =	vst v9  }
0x307: {  	v35 =	vld [tilespmem:s9+$0xFFFFFFE0];
	v36 =	vmul.f32 v60, v19;
	[tilespmem:s9+$0xB0] =	vst v40  }
0x308: {  	v49 =	vbroadcast v10, $0x1;
	v52 =	vld [tilespmem:s9+$0xF0];
	v25 =	vmul.f32 v61, v34;
	[tilespmem:s9+$0x60] =	vst v17  }
0x309: {  	v46 =	vld [tilespmem:s9+$0xFFFFFF70];
	v53 =	vbroadcast v10, $0xA;
	v50 =	vmul.f32 v63, v42;
	[tilespmem:s9+$0xA0] =	vst v36  }
0x30a: {  	v43 =	vld [tilespmem:s9+$0x30];
	v20 =	vmul.f32 v33, v49;
	[tilespmem:s9+$0x70] =	vst v25  }
0x30b: {  	v47 =	vld [tilespmem:s9+$0xFFFFFF80];
	v55 =	vmul.f32 v37, v53;
	[tilespmem:s9+$0xFFFFFFB0] =	vst v50  }
0x30c: {  	v41 =	vld [tilespmem:s9+$0x20];
	v15 =	vmul.f32 v35, v44;
	[tilespmem:s9+$0xFFFFFF20] =	vst v20  }
0x30d: {  	v54 =	vld [tilespmem:s9+$0xFFFFFF30];
	v57 =	vbroadcast v10, $0x9;
	v8 =	vmul.f32 v52, v12;
	[tilespmem:s9+$0x40] =	vst v55  }
0x30e: {  	v39 =	vld [tilespmem:s9+$0x50];
	v58 =	vmul.f32 v46, v51;
	[tilespmem:s9+$0xFFFFFFE0] =	vst v15  }
0x30f: {  	v45 =	vld [tilespmem:s9+$0x0];
	v59 =	vmul.f32 v43, v57;
	[tilespmem:s9+$0xF0] =	vst v8  }
0x310: {  	v48 =	vld [tilespmem:s9+$0x10];
	v61 =	vmul.f32 v47, v56;
	[tilespmem:s9+$0xFFFFFF70] =	vst v58  }
0x311: {  	v8 =	vmul.f32 v41, v57;
	[tilespmem:s9+$0x30] =	vst v59  }
0x312: {  	v60 =	vbroadcast v10, $0x8;
	v63 =	vmul.f32 v54, v49;
	[tilespmem:s9+$0xFFFFFF80] =	vst v61  }
0x313: {  	[tilespmem:s9+$0x20] =	vst v8;
	v8 =	vmul.f32 v39, v53  }
0x314: {  	v62 =	vmul.f32 v45, v60;
	[tilespmem:s9+$0xFFFFFF30] =	vst v63  }
0x315: {  	s7 =	sadd.s32 $0x1, s7;
	[tilespmem:s9+$0x50] =	vst v8;
	v8 =	vmul.f32 v48, v60  }
0x316: {  	p0 =	sne.s32 s7, $0xA2;
	[tilespmem:s9+$0x0] =	vst v62  }
.Ltmp9:
0x317: {  	[tilespmem:s9+$0x10] =	vst v8;
	(pc) =	sbr.rel @p0 .LBB2_18-.Ltmp9, $4  }
0x318: {  	[spmem:s2] =	stream.indirect.scatter.add.f32 [tilespmem:s25], [sflag:$0x2], $0x20, s22, s30, $0xb8;
	[tilespmem:$0x17E50] =	vst v63  }
0x319: {  	_ =	swait.ge [sflag:s21], $0x1000  }
0x31a: {  	[sflag:s21] =	ssyncset.done $0x0  }
0x31b: {  	[sflag:s21] =	ssyncadd.s32 $0xFFFFF000  }
0x31c: {  	s1 =	sadd.s32 $0x1, s1  }
0x31d: {  	p0 =	sne.s32 s1, s20  }
.Ltmp10:
0x31e: {  	[bflag:$0x0] =	sbarrier.arrive $0xFFFF;
	(pc) =	sbr.rel @p0 .LBB2_1-.Ltmp10, $4  }
0x31f: {  	[hbm:s19], [sflag:s4] =	dma.local [spmem:s6], $0xA00  }
0x320: {  	_ =	swait.ge [sflag:s21], $0xA00  }
0x321: {  	[sflag:s21] =	ssyncset.done $0x0  }
0x322: {  	s29 =	simm.s32 $0x50;
	[sflag:s21] =	ssyncadd.s32 $0xFFFFF600  }
0x323: {  	_ =	sfence.sel $0x180000  }
0x324: {  	[bflag:$0x0] =	sbarrier.arrive $0xFFFF  }
0x325: {  	_ =	strace $0x9000004A  }
0x326: {  	s0 =	stileid.u32;
	[bflag:$0x2] =	sbarrier.arrive $0xFFFF  }
0x327: {  	p0 =	sne.s32 s0, $0x0;
	s0 =	rddreg [dreg:$0x3]  }
0x328: {  	s0 =	sadd.s32 @!p0 $0x100000, s0  }
0x329: {  	[sflag:s0] =	ssyncadd.tile.s32 @!p0 $0x1;
	_ =	shalt  }
.Lfunc_end2:
_tile_overlayer_lowered:
.L_overlay_start_2:
0x32a: {  	(tag) =	ssettag $0x2  }
0x32b: {  	s0 =	rddreg [dreg:$0x0];
	s2 =	stileid.u32  }
0x32c: {  	s1 =	rddreg [dreg:$0x1];
	p0 =	sne.s32 s2, $0x0  }
0x32d: {  	s3 =	rddreg [dreg:$0x2];
	[bflag:$0x3] =	sbarrier.arrive $0xFFFF;
	s2 =	simm.s32 @!p0 $0x1C02  }
0x32e: {  	[timem:s3], [sflag:s2] =	dma.local @!p0 [hbm:s0], s1  }
0x32f: {  	s0 =	simm.s32 @!p0 $0x2  }
0x330: {  	_ =	swait.ge @!p0 [sflag:s0], s1  }
0x331: {  	s1 =	ssub.s32 @!p0 $0x0, s1;
	[sflag:s0] =	ssyncset.done @!p0 $0x0  }
0x332: {  	[sflag:s0] =	ssyncadd.s32 @!p0 s1  }
0x333: {  	[bflag:$0x3] =	sbarrier.arrive $0xFFFF  }
0x334: {  	_ =	shalt  }

// kernel: kernel.7.cloned.1.call-start
scs
__scs_entry_jumppad:
0x0: {  	(pc) =	sbr.rel $0x88, $3  }
0x1: {  	(tag) =	ssettag $0x0;
	lr =	simm.s32 $0x1  }
0x2: {  	[smem:$0x3F8D] =	sst lr;
	_ =	strace $0xD0000000  }
0x3: {  	_ = 	snop  }
0x4: {  	_ = 	snop  }
0x5: {  	_ = 	snop  }
0x6: {  	_ = 	snop  }
0x7: {  	_ = 	snop  }
__scs_overlays_trampoline_lowered:
0x8: {  	[smem:$0x3F9C] =	sst s0  }
0x9: {  	[smem:$0x3F9D] =	sst s1  }
0xa: {  	[smem:$0x3F9E] =	sst s2  }
0xb: {  	[smem:$0x3F9F] =	sst s3  }
0xc: {  	[smem:$0x3FA0] =	sst s4  }
0xd: {  	[smem:$0x3FA1] =	sst s5  }
0xe: {  	[smem:$0x3FA2] =	sst s6  }
0xf: {  	[smem:$0x3FA3] =	sst s7  }
0x10: {  	[smem:$0x3FA4] =	sst s8  }
0x11: {  	[smem:$0x3FA5] =	sst s9;
	s0 =	simm.s32 @!p0 $0x0  }
0x12: {  	s1 =	sld [smem:$0x3F8B];
	s0 =	simm.s32 @p0 $0x1  }
0x13: {  	[smem:$0x3FA6] =	sst s0;
	s0 =	simm.s32 @!p1 $0x0  }
0x14: {  	s2 =	sld [smem:$0x3F8A];
	s0 =	simm.s32 @p1 $0x1  }
0x15: {  	[smem:$0x3FA7] =	sst s0;
	s0 =	simm.s32 @!p2 $0x0  }
0x16: {  	s3 =	sld [smem:$0x3FDB];
	s0 =	simm.s32 @p2 $0x1  }
0x17: {  	s4 =	simm.s32 $0x1BF5;
	[smem:$0x3FA9] =	sst s0  }
0x18: {  	s0 =	sld [smem:$0x3F8C];
	_ =	swait.ge [sflag:s4], $0x0  }
0x19: {  	s7 =	sld [smem:$0x3F8D]  }
0x1a: {  	s8 =	sadd.s32 $0xFFFFE003, lr  }
0x1b: {  	s9 =	sadd.s32 $0xFFFFFEF7, lr;
	s5 =	simm.s32 $0xFFFFFFFF;
	p2 =	slt.u32 s8, $0xFFFFF086  }
0x1c: {  	p1 =	slt.u32 s9, $0xF7A;
	s5 =	simm.s32 @!p2 $0x0  }
0x1d: {  	s5 =	simm.s32 @p1 $0x1;
	p0 =	seq.s32 s7, s2  }
0x1e: {  	s7 =	smul.u32 @!p0 $0xF7A, s2;
	p2 =	seq.s32 @!p0 s5, $0x0  }
0x1f: {  	s9 =	smul.u32 $0xF7A, s1;
	s8 =	simm.s32 @!p0 $0x1BF5;
	p2 =	por !p2, p0  }
0x20: {  	[sflag:s8] =	ssyncset.s32 @!p0 $0xFFFFF086;
	s6 =	sadd.s32 @!p0 s3, s7;
	s7 =	simm.s32 @!p0 $0x108  }
0x21: {  	s3 =	sadd.s32 s3, s9;
	s6 =	sadd.s32 @!p0 $0x88, s6;
	s7 =	simm.s32 @p2 $0x1082  }
0x22: {  	[simem:s7], [sflag:s8] =	dma.local @!p0 [hbm:s6], $0xF7A  }
0x23: {  	s9 =	sor.u32 $0xD0000000, s2;
	s6 =	simm.s32 $0x108;
	_ =	swait.ge @!p0 [sflag:s8], $0x0  }
0x24: {  	s3 =	sadd.s32 $0x88, s3;
	s6 =	simm.s32 @!p1 $0x1082;
	[sflag:s4] =	ssyncset.s32 $0xFFFFF086  }
0x25: {  	[simem:s6], [sflag:s4] =	dma.local [hbm:s3], $0xF7A  }
0x26: {  	[smem:$0x3F8D] =	sst s1;
	(tag) =	ssettag s2;
	_ =	strace s9  }
0x27: {  	s1 =	sld [smem:$0x3F9D]  }
0x28: {  	s2 =	sld [smem:$0x3F9E]  }
0x29: {  	s4 =	sld [smem:$0x3FA0]  }
0x2a: {  	p0 =	seq.s32 s5, $0x0;
	s5 =	sld [smem:$0x3FA1]  }
0x2b: {  	s6 =	sld [smem:$0x3FA2]  }
0x2c: {  	s7 =	sld [smem:$0x3FA3]  }
0x2d: {  	s3 =	simm.s32 $0x108;
	s8 =	sld [smem:$0x3FA4]  }
0x2e: {  	s3 =	simm.s32 @!p0 $0x1082;
	s9 =	sld [smem:$0x3FA5]  }
0x2f: {  	lr =	sadd.s32 s0, s3;
	s0 =	sld [smem:$0x3F9C]  }
0x30: {  	s3 =	sld [smem:$0x3F9F]  }
0x31: {  	[smem:$0x3FA8] =	sst s10  }
0x32: {  	s10 =	sld [smem:$0x3FA6];
	_ =	sdelay $0x3  }
0x33: {  	p0 =	seq.s32 s10, $0x1;
	s10 =	sld [smem:$0x3FA8];
	_ =	sdelay $0x3  }
0x34: {  	[smem:$0x3FA8] =	sst s10  }
0x35: {  	s10 =	sld [smem:$0x3FA7];
	_ =	sdelay $0x3  }
0x36: {  	p1 =	seq.s32 s10, $0x1;
	s10 =	sld [smem:$0x3FA8];
	_ =	sdelay $0x3  }
0x37: {  	[smem:$0x3FA8] =	sst s10  }
0x38: {  	s10 =	sld [smem:$0x3FA9]  }
0x39: {  	_ = 	snop;
	(pc) =	sbr.ind lr, $3  }
0x3a: {  	_ = 	snop  }
0x3b: {  	_ = 	snop  }
0x3c: {  	p2 =	seq.s32 s10, $0x1;
	s10 =	sld [smem:$0x3FA8]  }
0x3d: {  	_ =	shalt  }
0x3e: {  	_ =	shalt  }
0x3f: {  	_ =	shalt  }
0x40: {  	_ =	shalt  }
0x41: {  	_ =	shalt  }
0x42: {  	_ =	shalt  }
0x43: {  	_ =	shalt  }
0x44: {  	_ =	shalt  }
0x45: {  	_ =	shalt  }
0x46: {  	_ =	shalt  }
0x47: {  	_ =	shalt  }
0x48: {  	_ =	shalt  }
0x49: {  	_ =	shalt  }
0x4a: {  	_ =	shalt  }
0x4b: {  	_ =	shalt  }
0x4c: {  	_ =	shalt  }
0x4d: {  	_ =	shalt  }
0x4e: {  	_ =	shalt  }
0x4f: {  	_ =	shalt  }
0x50: {  	_ =	shalt  }
0x51: {  	_ =	shalt  }
0x52: {  	_ =	shalt  }
0x53: {  	_ =	shalt  }
0x54: {  	_ =	shalt  }
0x55: {  	_ =	shalt  }
0x56: {  	_ =	shalt  }
0x57: {  	_ =	shalt  }
0x58: {  	_ =	shalt  }
0x59: {  	_ =	shalt  }
0x5a: {  	_ =	shalt  }
0x5b: {  	_ =	shalt  }
0x5c: {  	_ =	shalt  }
0x5d: {  	_ =	shalt  }
0x5e: {  	_ =	shalt  }
0x5f: {  	_ =	shalt  }
0x60: {  	_ =	shalt  }
0x61: {  	_ =	shalt  }
0x62: {  	_ =	shalt  }
0x63: {  	_ =	shalt  }
0x64: {  	_ =	shalt  }
0x65: {  	_ =	shalt  }
0x66: {  	_ =	shalt  }
0x67: {  	_ =	shalt  }
0x68: {  	_ =	shalt  }
0x69: {  	_ =	shalt  }
0x6a: {  	_ =	shalt  }
0x6b: {  	_ =	shalt  }
0x6c: {  	_ =	shalt  }
0x6d: {  	_ =	shalt  }
0x6e: {  	_ =	shalt  }
0x6f: {  	_ =	shalt  }
0x70: {  	_ =	shalt  }
0x71: {  	_ =	shalt  }
0x72: {  	_ =	shalt  }
0x73: {  	_ =	shalt  }
0x74: {  	_ =	shalt  }
0x75: {  	_ =	shalt  }
0x76: {  	_ =	shalt  }
0x77: {  	_ =	shalt  }
0x78: {  	_ =	shalt  }
0x79: {  	_ =	shalt  }
0x7a: {  	_ =	shalt  }
0x7b: {  	_ =	shalt  }
0x7c: {  	_ =	shalt  }
0x7d: {  	_ =	shalt  }
0x7e: {  	_ =	shalt  }
0x7f: {  	_ =	shalt  }
0x80: {  	_ =	shalt  }
0x81: {  	_ =	shalt  }
0x82: {  	_ =	shalt  }
0x83: {  	_ =	shalt  }
0x84: {  	_ =	shalt  }
0x85: {  	_ =	shalt  }
0x86: {  	_ =	shalt  }
0x87: {  	_ =	shalt  }
.Lfunc_end0:
.L_simem_size_0:
called_computation_lowered:
.L_overlay_start_0:
0x88: {  	s2 =	sld [smem:$0x3FD9]  }
0x89: {  	s3 =	sld [smem:$0x3FFE];
	_ =	sdelay $0x1  }
0x8a: {  	s1 =	srdreg.scid  }
0x8b: {  	s0 =	sand.u32 $0x1, s1  }
0x8c: {  	s16 =	sshll.u32 s0, $0xA;
	s2 =	sadd.s32 s3, s2  }
0x8d: {  	s2 =	sadd.s32 s2, s16  }
0x8e: {  	[smem:$0x3FB4] =	sst s2  }
0x8f: {  	_ = 	snop  }
0x90: {  	(tm) =	ssettm $0x1  }
0x91: {  	s17 =	sld [smem:$0x3FFB];
	_ =	sdelay $0x3  }
0x92: {  	_ =	strace s17  }
0x93: {  	s2 =	sld [smem:$0x3FFC];
	_ =	sdelay $0x3  }
0x94: {  	_ =	strace s2  }
0x95: {  	s2 =	sld [smem:$0x3FFD];
	_ =	sdelay $0x3  }
0x96: {  	_ =	strace s2  }
0x97: {  	_ =	strace $0x8FFFFFFF  }
0x98: {  	s18 =	sld [smem:$0x3FDB];
	_ =	sdelay $0x1  }
0x99: {  	s19 =	simm.s32 $_scs_section_size  }
0x9a: {  	s4 =	simm.s32 $_size__tile_overlayer_lowered;
	s5 =	simm.s32 $_tile_overlayer_lowered  }
0x9b: {  	s22 =	simm.s32 $0x1BFF;
	s21 =	sshll.u32 s5, $0x1;
	s2 =	sadd.s32 s19, s18  }
0x9c: {  	s6 =	simm.s32 $0x0;
	s20 =	sshll.u32 s4, $0x1;
	s4 =	sadd.s32 s21, s2  }
0x9d: {  	[timem:s6], [sflag:s22] =	dma.local [hbm:s4], s20  }
0x9e: {  	_ =	swait.ge [sflag:s22], s20  }
0x9f: {  	s3 =	ssub.s32 $0x0, s20;
	[sflag:s22] =	ssyncset.done $0x0  }
0xa0: {  	[sflag:s22] =	ssyncadd.s32 s3;
	_ =	sdelay $0x1  }
0xa1: {  	s23 =	simm.s32 $0x1B8B  }
0xa2: {  	_ =	swait.ge [sflag:s23], $0x1  }
0xa3: {  	[sflag:s23] =	ssyncset.done $0x0  }
0xa4: {  	s25 =	simm.s32 $0x1B8E;
	s24 =	sld [smem:$0x3FFE];
	[sflag:s23] =	ssyncadd.s32 $0xFFFFFFFF  }
0xa5: {  	s26 =	simm.s32 $execute0_lowered;
	[smem:$0x3FD2] =	sst s25  }
0xa6: {  	s4 =	sshll.u32 s26, $0x1;
	_ =	strace $0x80000046;
	[dreg:$0x1] =	wrdreg $0xFFFFFFFF  }
0xa7: {  	s28 =	simm.s32 $_size_execute0_lowered;
	s2 =	sadd.s32 s2, s4;
	[dreg:$0x0] =	wrdreg $0x0  }
0xa8: {  	s4 =	sshll.u32 s28, $0x1;
	[dreg:$0x2] =	wrdreg s2  }
0xa9: {  	[dreg:$0x3] =	wrdreg s4  }
0xaa: {  	[dreg:$0x4] =	wrdreg $0xC0  }
0xab: {  	_ =	task [dreg:s6], $0x5FFFF  }
0xac: {  	[dreg:$0x1] =	wrdreg $0xFFFFFFFF  }
0xad: {  	[dreg:$0x0] =	wrdreg $0x60  }
0xae: {  	[dreg:$0x2] =	wrdreg s24  }
0xaf: {  	[dreg:$0x3] =	wrdreg $0x13BD00  }
0xb0: {  	[dreg:$0x4] =	wrdreg $0x1DBD00  }
0xb1: {  	[dreg:$0x5] =	wrdreg $0x9  }
0xb2: {  	_ =	task.clear_ibuf [dreg:s6], $0x6FFFF;
	_ =	strace $0x90000046  }
0xb3: {  	s29 =	simm.s32 $0x9;
	_ =	strace $0x80000048  }
0xb4: {  	_ =	swait.ge [sflag:s29], $0x1  }
0xb5: {  	[sflag:s29] =	ssyncadd.s32 $0xFFFFFFFF  }
0xb6: {  	_ =	strace $0x90000048  }
0xb7: {  	_ =	sfence  }
0xb8: {  	s30 =	sld [smem:$0x0];
	_ =	sdelay $0x2  }
0xb9: {  	s31 =	sshll.u32 s1, $0xD;
	s1 =	sshrl.u32 s1, $0x2  }
0xba: {  	s3 =	sand.u32 $0x4000, s31;
	s1 =	sadd.s32 s1, s30  }
0xbb: {  	s0 =	sor.u32 s3, s0;
	s1 =	sshll.u32 s1, $0x11  }
0xbc: {  	s0 =	sor.u32 s1, s0  }
0xbd: {  	s0 =	sadd.s32 $0x8F2B, s0  }
0xbe: {  	[sflag:s0] =	ssyncadd.remote.s32 $0x1  }
0xbf: {  	_ =	sfence.sel $0xFFFF  }
0xc0: {  	[dreg:$0x0] =	wrdreg $0xFFFFFFFF;
	(pc) =	sbr.abs _section_cstart, $3  }
0xc1: {  	[dreg:$0x1] =	wrdreg $0xFFFFFFFF  }
0xc2: {  	_ =	task.clear_ibuf [dreg:s6], $0x2FFFF;
	_ =	strace $0x9FFFFFFF  }
0xc3: {  	(tm) =	ssettm $0x7FFFFFFF  }
tec
execute0_lowered:
.L_overlay_start_1:
0x0: {  	(tag) =	ssettag $0x1  }
0x1: {  	s0 =	rddreg [dreg:$0x0]  }
0x2: {  	s2 =	rddreg [dreg:$0x1]  }
0x3: {  	s3 =	rddreg [dreg:$0x2];
	s12 =	stileid.u32  }
0x4: {  	s4 =	srdreg.scid;
	s1 =	smul.u32 $0xA20, s12  }
0x5: {  	s5 =	simm.s32 $0x0;
	s29 =	simm.s32 $0x50;
	s6 =	smul.u32 $0xA000, s12  }
0x6: {  	s30 =	simm.s32 $0x80;
	s31 =	simm.s32 $0x13A00;
	s21 =	smul.u32 $0x28000, s12  }
0x7: {  	s4 =	sand.u32 $0x1, s4;
	[smem:$0x7FF] =	sst s5;
	s26 =	smul.u32 $0xA00, s12  }
0x8: {  	s5 =	sadd.s32 $0xA5200, s0;
	s9 =	sadd.s32 $0xA2A00, s0;
	s7 =	smul.u32 $0xA0000, s4  }
0x9: {  	_ =	strace $0x80000047;
	s8 =	ssub.s32 $0x2, s4;
	s11 =	smul.u32 $0x5000, s4  }
0xa: {  	s1 =	sadd.s32 s1, s0;
	s10 =	sshrl.u32 s8, $0x1;
	s24 =	sshrl.u32 s21, $0x2  }
0xb: {  	s28 =	sshrl.u32 s26, $0x2;
	s21 =	simm.s32 $0x2;
	s26 =	simm.s32 $0xF200  }
0xc: {  	s7 =	sadd.s32 s6, s7;
	s20 =	ssub.s32 s8, s10;
	s22 =	sadd.s32 $0xCC00, s1  }
0xd: {  	s1 =	sadd.s32 $0x2A00, s1;
	s23 =	sshrl.u32 s11, $0x3;
	s10 =	sadd.s32 s6, s2  }
0xe: {  	s16 =	sadd.s32 s28, s3;
	s7 =	sshrl.u32 s7, $0x3;
	[dreg:$0x4] =	wrdreg s22  }
0xf: {  	[dreg:$0x5] =	wrdreg s1;
	s8 =	sadd.s32 s9, s23;
	s22 =	sor.u32 $0x2, s4  }
0x10: {  	s1 =	sadd.s32 s24, s2;
	s20 =	smax.u32 s20, $0x1;
	s23 =	simm.s32 $0xA200  }
0x11: {  	s24 =	simm.s32 $0xCA00;
	s0 =	sadd.s32 s7, s0;
	s25 =	sadd.s32 $0x500, s8  }
0x12: {  	s14 =	smul.u32 $0x5000, s22;
	s11 =	sadd.s32 $0x2000, s1;
	s12 =	sadd.s32 $0x4000, s1  }
0x13: {  	s13 =	sadd.s32 $0x6000, s1;
	v2 =	vmov s22;
	s22 =	simm.s32 $0x13A80;
	[dreg:$0x6] =	wrdreg s25  }
0x14: {  	v1 =	vlaneseq.u32;
	s17 =	sadd.s32 $0x16E00, s0;
	s19 =	sadd.s32 $0x3EE00, s0;
	s15 =	sshrl.u32 s14, $0x3  }
0x15: {  	v3 =	vimm.f32 $0.0e+00;
	v4 =	vor.u32 $0x10, v1;
	v5 =	vor.u32 $0x20, v1;
	s25 =	simm.s32 $0x11A00;
	s0 =	simm.s32 $0x1;
	s15 =	sadd.s32 s9, s15  }
0x16: {  	v6 =	vor.u32 $0x30, v1;
	v7 =	vor.u32 $0x40, v1;
	v0 =	vmov s4;
	s14 =	sadd.s32 $0x8000, s1;
	s1 =	simm.s32 $0x0;
	s18 =	sadd.s32 $0x500, s15  }
.LBB2_1:
0x17: {  	s4 =	simm.s32 $0x0;
	s6 =	rddreg [dreg:$0x4]  }
0x18: {  	[tilespmem:s4], [sflag:$0x2] =	stream.linear.gather [hbm4b:s6+s4], $0x5100, $0x38;
	[tilespmem:$0x1DE50] =	vst v63  }
0x19: {  	_ =	swait.ge [sflag:s21], $0x5100  }
0x1a: {  	[sflag:s21] =	ssyncset.done $0x0  }
0x1b: {  	s7 =	simm.s32 $0x5100;
	s28 =	rddreg [dreg:$0x5];
	[sflag:s21] =	ssyncadd.s32 $0xFFFFAF00  }
0x1c: {  	[tilespmem:s7], [sflag:$0x2] =	stream.linear.gather [hbm4b:s28+s4], $0x5100, $0x38;
	[tilespmem:$0x1DE50] =	vst v63  }
0x1d: {  	_ =	swait.ge [sflag:s21], $0x5100  }
0x1e: {  	[sflag:s21] =	ssyncset.done $0x0  }
0x1f: {  	s6 =	simm.s32 $0x100;
	s4 =	simm.s32 $0x0;
	[sflag:s21] =	ssyncadd.s32 $0xFFFFAF00  }
.LBB2_2:
0x20: {  	p0 =	sne.s32 s6, $0x7F00;
	[tilespmem:s4+$0x11A30] =	vst v3;
	s7 =	smov.u32 s6;
	s6 =	sadd.s32 $0x100, s6  }
.Ltmp0:
0x21: {  	[tilespmem:s4+$0x11A20] =	vst v3;
	(pc) =	sbr.rel @p0 .LBB2_2-.Ltmp0, $3  }
0x22: {  	[tilespmem:s4+$0x11A00] =	vst v3  }
0x23: {  	[tilespmem:s4+$0x11A10] =	vst v3;
	_ =	sdelay $0x1  }
0x24: {  	s4 =	sshra.s32 s7, $0x2  }
0x25: {  	[tilespmem:s4+$0x11A30] =	vst v3  }
0x26: {  	[tilespmem:s4+$0x11A20] =	vst v3  }
0x27: {  	[tilespmem:s4+$0x11A00] =	vst v3  }
0x28: {  	[tilespmem:s4+$0x11A10] =	vst v3  }
0x29: {  	[tilespmem:$0x13B80] =	vst v1  }
0x2a: {  	[tilespmem:$0x13B90] =	vst v4  }
0x2b: {  	[tilespmem:$0x13BA0] =	vst v5  }
0x2c: {  	[tilespmem:$0x13BB0] =	vst v6  }
0x2d: {  	s28 =	simm.s32 $0x0;
	[tilespmem:$0x13BC0] =	vst v7  }
0x2e: {  	[tilespmem:s23], [sflag:$0x2] =	stream.linear.gather [hbm4b:s8+s28], $0x2800, $0x38;
	[tilespmem:$0x1DE50] =	vst v63  }
0x2f: {  	_ =	swait.ge [sflag:s21], $0x2800  }
0x30: {  	[sflag:s21] =	ssyncset.done $0x0  }
0x31: {  	s6 =	rddreg [dreg:$0x6];
	[sflag:s21] =	ssyncadd.s32 $0xFFFFD800  }
0x32: {  	[tilespmem:s24], [sflag:$0x2] =	stream.linear.gather [hbm4b:s6+s28], $0x2800, $0x38;
	[tilespmem:$0x1DE50] =	vst v63  }
0x33: {  	_ =	swait.ge [sflag:s21], $0x2800  }
0x34: {  	[sflag:s21] =	ssyncset.done $0x0  }
0x35: {  	s4 =	simm.s32 $0x0;
	s6 =	simm.s32 $0x200;
	[sflag:s21] =	ssyncadd.s32 $0xFFFFD800  }
.LBB2_4:
0x36: {  	p0 =	sne.s32 s6, $0x9E00;
	[tilespmem:s4+$0xF270] =	vst v3  }
0x37: {  	[tilespmem:s4+$0xF200] =	vst v3  }
0x38: {  	[tilespmem:s4+$0xF210] =	vst v3  }
.Ltmp1:
0x39: {  	[tilespmem:s4+$0xF220] =	vst v3;
	(pc) =	sbr.rel @p0 .LBB2_4-.Ltmp1, $4  }
0x3a: {  	[tilespmem:s4+$0xF230] =	vst v3  }
0x3b: {  	[tilespmem:s4+$0xF240] =	vst v3  }
0x3c: {  	[tilespmem:s4+$0xF250] =	vst v3  }
0x3d: {  	[tilespmem:s4+$0xF260] =	vst v3;
	s4 =	sshra.s32 s6, $0x2;
	s6 =	sadd.s32 $0x200, s6  }
0x3e: {  	[tilespmem:s4+$0xF270] =	vst v3  }
0x3f: {  	[tilespmem:s4+$0xF200] =	vst v3  }
0x40: {  	[tilespmem:s4+$0xF210] =	vst v3  }
0x41: {  	[tilespmem:s4+$0xF220] =	vst v3  }
0x42: {  	[tilespmem:s4+$0xF230] =	vst v3  }
0x43: {  	[tilespmem:s4+$0xF240] =	vst v3  }
0x44: {  	[tilespmem:s4+$0xF250] =	vst v3  }
0x45: {  	[tilespmem:s4+$0xF260] =	vst v3  }
0x46: {  	[spmem:s10] =	stream.linear.scatter [tilespmem:s25], [sflag:$0x2], $0x2000, $0x38;
	[tilespmem:$0x1DE50] =	vst v63  }
0x47: {  	_ =	swait.ge [sflag:s21], $0x2000  }
0x48: {  	[sflag:s21] =	ssyncset.done $0x0  }
0x49: {  	[sflag:s21] =	ssyncadd.s32 $0xFFFFE000  }
0x4a: {  	[spmem:s11] =	stream.linear.scatter [tilespmem:s25], [sflag:$0x2], $0x2000, $0x38;
	[tilespmem:$0x1DE50] =	vst v63  }
0x4b: {  	_ =	swait.ge [sflag:s21], $0x2000  }
0x4c: {  	[sflag:s21] =	ssyncset.done $0x0  }
0x4d: {  	[sflag:s21] =	ssyncadd.s32 $0xFFFFE000  }
0x4e: {  	[spmem:s12] =	stream.linear.scatter [tilespmem:s25], [sflag:$0x2], $0x2000, $0x38;
	[tilespmem:$0x1DE50] =	vst v63  }
0x4f: {  	_ =	swait.ge [sflag:s21], $0x2000  }
0x50: {  	[sflag:s21] =	ssyncset.done $0x0  }
0x51: {  	[sflag:s21] =	ssyncadd.s32 $0xFFFFE000  }
0x52: {  	[spmem:s13] =	stream.linear.scatter [tilespmem:s25], [sflag:$0x2], $0x2000, $0x38;
	[tilespmem:$0x1DE50] =	vst v63  }
0x53: {  	_ =	swait.ge [sflag:s21], $0x2000  }
0x54: {  	[sflag:s21] =	ssyncset.done $0x0  }
0x55: {  	[sflag:s21] =	ssyncadd.s32 $0xFFFFE000  }
0x56: {  	[spmem:s14] =	stream.linear.scatter [tilespmem:s25], [sflag:$0x2], $0x2000, $0x38;
	[tilespmem:$0x1DE50] =	vst v63  }
0x57: {  	_ =	swait.ge [sflag:s21], $0x2000  }
0x58: {  	[sflag:s21] =	ssyncset.done $0x0  }
0x59: {  	[sflag:s21] =	ssyncadd.s32 $0xFFFFE000  }
0x5a: {  	[spmem:s16] =	stream.linear.scatter [tilespmem:s26], [sflag:$0x2], $0x280, $0x38;
	[tilespmem:$0x1DE50] =	vst v63  }
0x5b: {  	_ =	swait.ge [sflag:s21], $0x280  }
0x5c: {  	[sflag:s21] =	ssyncset.done $0x0  }
0x5d: {  	[sflag:s21] =	ssyncadd.s32 $0xFFFFFD80  }
0x5e: {  	s6 =	simm.s32 $0x0;
	[bflag:$0x0] =	sbarrier.arrive $0xFFFF  }
0x5f: {  	s4 =	simm.s32 $0x40;
	v8 =	vld [tilespmem:s6+$0x5100]  }
.LBB2_6:
0x60: {  	p0 =	sne.s32 s4, $0x143C0;
	v9 =	vld [tilespmem:s6+$0x0];
	_ =	sdelay $0x6  }
0x61: {  	v10 =	vld.idx.msk [tilespmem:v8+s24+$0x0], $0xffff  }
0x62: {  	v9 =	vld.idx.msk [tilespmem:v9+s23+$0x0], $0xffff;
	_ =	sdelay $0x5  }
0x63: {  	v9 =	vadd.f32 v10, v9;
	_ =	sdelay $0x1  }
0x64: {  	v10 =	vmul.f32 $2.000000030e-01, v9  }
0x65: {  	vm0 =	vgt.f32 v9, $0.0e+00  }
0x66: {  	v9 =	vsel vm0, v9, v10  }
0x67: {  	v9 =	vmul.f32 $1.442695020e+00, v9;
	_ =	sdelay $0x1  }
0x68: {  	(erf) = vpow2.f32 v9;
	_ =	sdelay $0x6  }
.Ltmp2:
0x69: {  	(pc) =	sbr.rel @p0 .LBB2_6-.Ltmp2, $4  }
0x6a: {  	_ = 	snop  }
0x6b: {  	v9 =	vpop (erf)  }
0x6c: {  	s6 =	sshra.s32 s4, $0x2;
	[tilespmem:v8+s26+$0x0] =	vst.idx.add.f32.msk $0xffff, v9  }
0x6d: {  	s4 =	sadd.s32 $0x40, s4;
	v8 =	vld [tilespmem:s6+$0x5100]  }
0x6e: {  	_ = 	snop  }
0x6f: {  	v9 =	vld [tilespmem:s6+$0x0];
	_ =	sdelay $0x6  }
0x70: {  	v10 =	vld.idx.msk [tilespmem:v8+s24+$0x0], $0xffff  }
0x71: {  	v9 =	vld.idx.msk [tilespmem:v9+s23+$0x0], $0xffff;
	_ =	sdelay $0x4  }
0x72: {  	v9 =	vadd.f32 v10, v9;
	_ =	sdelay $0x1  }
0x73: {  	v10 =	vmul.f32 $2.000000030e-01, v9  }
0x74: {  	vm0 =	vgt.f32 v9, $0.0e+00  }
0x75: {  	v9 =	vsel vm0, v9, v10  }
0x76: {  	v9 =	vmul.f32 $1.442695020e+00, v9;
	_ =	sdelay $0x1  }
0x77: {  	(erf) = vpow2.f32 v9;
	_ =	sdelay $0x8  }
0x78: {  	v9 =	vpop (erf)  }
0x79: {  	s4 =	simm.s32 $0x13B80;
	[tilespmem:v8+s26+$0x0] =	vst.idx.add.f32.msk $0xffff, v9  }
0x7a: {  	[spmem:s3] =	stream.indirect.scatter.add.f32 [tilespmem:s26], [sflag:$0x2], $0x80, s4, s29, $0xb8;
	[tilespmem:$0x1DE50] =	vst v63  }
0x7b: {  	_ =	swait.ge [sflag:s21], $0x2800  }
0x7c: {  	[sflag:s21] =	ssyncset.done $0x0  }
0x7d: {  	[sflag:s21] =	ssyncadd.s32 $0xFFFFD800  }
0x7e: {  	[bflag:$0x0] =	sbarrier.arrive $0xFFFF  }
0x7f: {  	[tilespmem:s26], [sflag:$0x2] =	stream.linear.gather [spmem:s3], $0x2800, $0x38;
	[tilespmem:$0x1DE50] =	vst v63  }
0x80: {  	_ =	swait.ge [sflag:s21], $0x2800  }
0x81: {  	[sflag:s21] =	ssyncset.done $0x0  }
0x82: {  	s4 =	simm.s32 $0x0;
	[sflag:s21] =	ssyncadd.s32 $0xFFFFD800  }
.LBB2_8:
0x83: {  	s6 =	sshll.u32 s4, $0x7  }
0x84: {  	v8 =	vld [tilespmem:s6+$0x0];
	_ =	sdelay $0x4  }
0x85: {  	v8 =	vshll.u32 v8, $0x2  }
0x86: {  	v8 =	vor.u32 v0, v8  }
0x87: {  	[tilespmem:$0x13A00] =	vst v8  }
0x88: {  	v8 =	vld [tilespmem:s6+$0x5100];
	_ =	sdelay $0x4  }
0x89: {  	[tilespmem:$0x13A80] =	vst v8  }
0x8a: {  	v8 =	vld [tilespmem:s6+$0x10];
	_ =	sdelay $0x4  }
0x8b: {  	v8 =	vshll.u32 v8, $0x2  }
0x8c: {  	v8 =	vor.u32 v0, v8  }
0x8d: {  	[tilespmem:$0x13A10] =	vst v8  }
0x8e: {  	v8 =	vld [tilespmem:s6+$0x5110];
	_ =	sdelay $0x4  }
0x8f: {  	[tilespmem:$0x13A90] =	vst v8  }
0x90: {  	v8 =	vld [tilespmem:s6+$0x20];
	_ =	sdelay $0x4  }
0x91: {  	v8 =	vshll.u32 v8, $0x2  }
0x92: {  	v8 =	vor.u32 v0, v8  }
0x93: {  	[tilespmem:$0x13A20] =	vst v8  }
0x94: {  	v8 =	vld [tilespmem:s6+$0x5120];
	_ =	sdelay $0x4  }
0x95: {  	[tilespmem:$0x13AA0] =	vst v8  }
0x96: {  	v8 =	vld [tilespmem:s6+$0x30];
	_ =	sdelay $0x4  }
0x97: {  	v8 =	vshll.u32 v8, $0x2  }
0x98: {  	v8 =	vor.u32 v0, v8  }
0x99: {  	[tilespmem:$0x13A30] =	vst v8  }
0x9a: {  	v8 =	vld [tilespmem:s6+$0x5130];
	_ =	sdelay $0x4  }
0x9b: {  	[tilespmem:$0x13AB0] =	vst v8  }
0x9c: {  	v8 =	vld [tilespmem:s6+$0x40];
	_ =	sdelay $0x4  }
0x9d: {  	v8 =	vshll.u32 v8, $0x2  }
0x9e: {  	v8 =	vor.u32 v0, v8  }
0x9f: {  	[tilespmem:$0x13A40] =	vst v8  }
0xa0: {  	v8 =	vld [tilespmem:s6+$0x5140];
	_ =	sdelay $0x4  }
0xa1: {  	[tilespmem:$0x13AC0] =	vst v8  }
0xa2: {  	v8 =	vld [tilespmem:s6+$0x50];
	_ =	sdelay $0x4  }
0xa3: {  	v8 =	vshll.u32 v8, $0x2  }
0xa4: {  	v8 =	vor.u32 v0, v8  }
0xa5: {  	[tilespmem:$0x13A50] =	vst v8  }
0xa6: {  	v8 =	vld [tilespmem:s6+$0x5150];
	_ =	sdelay $0x4  }
0xa7: {  	[tilespmem:$0x13AD0] =	vst v8  }
0xa8: {  	v8 =	vld [tilespmem:s6+$0x60];
	_ =	sdelay $0x4  }
0xa9: {  	v8 =	vshll.u32 v8, $0x2  }
0xaa: {  	v8 =	vor.u32 v0, v8  }
0xab: {  	[tilespmem:$0x13A60] =	vst v8  }
0xac: {  	v8 =	vld [tilespmem:s6+$0x5160];
	_ =	sdelay $0x4  }
0xad: {  	[tilespmem:$0x13AE0] =	vst v8  }
0xae: {  	v8 =	vld [tilespmem:s6+$0x70];
	_ =	sdelay $0x4  }
0xaf: {  	v8 =	vshll.u32 v8, $0x2  }
0xb0: {  	v8 =	vor.u32 v0, v8  }
0xb1: {  	[tilespmem:$0x13A70] =	vst v8  }
0xb2: {  	v8 =	vld [tilespmem:s6+$0x5170];
	_ =	sdelay $0x4  }
0xb3: {  	[tilespmem:$0x13AF0] =	vst v8  }
0xb4: {  	[tilespmem:s25], [sflag:$0x1] =	stream.indirect.gather [hbm4b:s5+s30], $0x40, s31, s30, $0xb8;
	[tilespmem:$0x1DE50] =	vst v63  }
0xb5: {  	v8 =	vld [tilespmem:s6+$0x0]  }
0xb6: {  	v9 =	vld [tilespmem:s6+$0x5100];
	_ =	sdelay $0x6  }
0xb7: {  	v8 =	vld.idx.msk [tilespmem:v8+s23+$0x0], $0xffff  }
0xb8: {  	v10 =	vld.idx.msk [tilespmem:v9+s24+$0x0], $0xffff;
	_ =	sdelay $0x4  }
0xb9: {  	v8 =	vadd.f32 v10, v8  }
0xba: {  	v9 =	vld.idx.msk [tilespmem:v9+s26+$0x0], $0xffff  }
0xbb: {  	v10 =	vmul.f32 $2.000000030e-01, v8  }
0xbc: {  	vm0 =	vgt.f32 v8, $0.0e+00  }
0xbd: {  	v8 =	vsel vm0, v8, v10  }
0xbe: {  	v8 =	vmul.f32 $1.442695020e+00, v8  }
0xbf: {  	v9 =	vadd.f32 $1.000000020e-16, v9  }
0xc0: {  	(erf) = vpow2.f32 v8  }
0xc1: {  	(erf) = vrcp.f32 v9;
	_ =	sdelay $0x7  }
0xc2: {  	v8 =	vpop (erf)  }
0xc3: {  	v9 =	vpop (erf)  }
0xc4: {  	v8 =	vmul.f32 v8, v9;
	_ =	sdelay $0x1  }
0xc5: {  	[tilespmem:$0x13B00] =	vst v8  }
0xc6: {  	v8 =	vld [tilespmem:s6+$0x10]  }
0xc7: {  	v50 =	vld [tilespmem:s6+$0x5110];
	_ =	sdelay $0x6  }
0xc8: {  	v8 =	vld.idx.msk [tilespmem:v8+s23+$0x0], $0xffff  }
0xc9: {  	v51 =	vld.idx.msk [tilespmem:v50+s24+$0x0], $0xffff;
	_ =	sdelay $0x4  }
0xca: {  	v8 =	vadd.f32 v51, v8  }
0xcb: {  	v9 =	vld.idx.msk [tilespmem:v50+s26+$0x0], $0xffff  }
0xcc: {  	v10 =	vmul.f32 $2.000000030e-01, v8  }
0xcd: {  	vm9 =	vgt.f32 v8, $0.0e+00  }
0xce: {  	v8 =	vsel vm9, v8, v10  }
0xcf: {  	v8 =	vmul.f32 $1.442695020e+00, v8  }
0xd0: {  	v9 =	vadd.f32 $1.000000020e-16, v9  }
0xd1: {  	(erf) = vpow2.f32 v8  }
0xd2: {  	(erf) = vrcp.f32 v9;
	_ =	sdelay $0x7  }
0xd3: {  	v8 =	vpop (erf)  }
0xd4: {  	v9 =	vpop (erf)  }
0xd5: {  	v8 =	vmul.f32 v8, v9;
	_ =	sdelay $0x1  }
0xd6: {  	[tilespmem:$0x13B10] =	vst v8  }
0xd7: {  	v8 =	vld [tilespmem:s6+$0x20]  }
0xd8: {  	v52 =	vld [tilespmem:s6+$0x5120];
	_ =	sdelay $0x6  }
0xd9: {  	v8 =	vld.idx.msk [tilespmem:v8+s23+$0x0], $0xffff  }
0xda: {  	v53 =	vld.idx.msk [tilespmem:v52+s24+$0x0], $0xffff;
	_ =	sdelay $0x4  }
0xdb: {  	v8 =	vadd.f32 v53, v8  }
0xdc: {  	v9 =	vld.idx.msk [tilespmem:v52+s26+$0x0], $0xffff  }
0xdd: {  	v10 =	vmul.f32 $2.000000030e-01, v8  }
0xde: {  	vm10 =	vgt.f32 v8, $0.0e+00  }
0xdf: {  	v8 =	vsel vm10, v8, v10  }
0xe0: {  	v8 =	vmul.f32 $1.442695020e+00, v8  }
0xe1: {  	v9 =	vadd.f32 $1.000000020e-16, v9  }
0xe2: {  	(erf) = vpow2.f32 v8  }
0xe3: {  	(erf) = vrcp.f32 v9;
	_ =	sdelay $0x7  }
0xe4: {  	v8 =	vpop (erf)  }
0xe5: {  	v9 =	vpop (erf)  }
0xe6: {  	v8 =	vmul.f32 v8, v9;
	_ =	sdelay $0x1  }
0xe7: {  	[tilespmem:$0x13B20] =	vst v8  }
0xe8: {  	v8 =	vld [tilespmem:s6+$0x30]  }
0xe9: {  	v54 =	vld [tilespmem:s6+$0x5130];
	_ =	sdelay $0x6  }
0xea: {  	v8 =	vld.idx.msk [tilespmem:v8+s23+$0x0], $0xffff  }
0xeb: {  	v55 =	vld.idx.msk [tilespmem:v54+s24+$0x0], $0xffff;
	_ =	sdelay $0x4  }
0xec: {  	v8 =	vadd.f32 v55, v8  }
0xed: {  	v9 =	vld.idx.msk [tilespmem:v54+s26+$0x0], $0xffff  }
0xee: {  	v10 =	vmul.f32 $2.000000030e-01, v8  }
0xef: {  	vm11 =	vgt.f32 v8, $0.0e+00  }
0xf0: {  	v8 =	vsel vm11, v8, v10  }
0xf1: {  	v8 =	vmul.f32 $1.442695020e+00, v8  }
0xf2: {  	v9 =	vadd.f32 $1.000000020e-16, v9  }
0xf3: {  	(erf) = vpow2.f32 v8  }
0xf4: {  	(erf) = vrcp.f32 v9;
	_ =	sdelay $0x7  }
0xf5: {  	v8 =	vpop (erf)  }
0xf6: {  	v9 =	vpop (erf)  }
0xf7: {  	v8 =	vmul.f32 v8, v9;
	_ =	sdelay $0x1  }
0xf8: {  	[tilespmem:$0x13B30] =	vst v8  }
0xf9: {  	v8 =	vld [tilespmem:s6+$0x40]  }
0xfa: {  	v56 =	vld [tilespmem:s6+$0x5140];
	_ =	sdelay $0x6  }
0xfb: {  	v8 =	vld.idx.msk [tilespmem:v8+s23+$0x0], $0xffff  }
0xfc: {  	v57 =	vld.idx.msk [tilespmem:v56+s24+$0x0], $0xffff;
	_ =	sdelay $0x4  }
0xfd: {  	v8 =	vadd.f32 v57, v8  }
0xfe: {  	v9 =	vld.idx.msk [tilespmem:v56+s26+$0x0], $0xffff  }
0xff: {  	v10 =	vmul.f32 $2.000000030e-01, v8  }
0x100: {  	vm12 =	vgt.f32 v8, $0.0e+00  }
0x101: {  	v8 =	vsel vm12, v8, v10  }
0x102: {  	v8 =	vmul.f32 $1.442695020e+00, v8  }
0x103: {  	v9 =	vadd.f32 $1.000000020e-16, v9  }
0x104: {  	(erf) = vpow2.f32 v8  }
0x105: {  	(erf) = vrcp.f32 v9;
	_ =	sdelay $0x7  }
0x106: {  	v8 =	vpop (erf)  }
0x107: {  	v9 =	vpop (erf)  }
0x108: {  	v8 =	vmul.f32 v8, v9;
	_ =	sdelay $0x1  }
0x109: {  	[tilespmem:$0x13B40] =	vst v8  }
0x10a: {  	v8 =	vld [tilespmem:s6+$0x50]  }
0x10b: {  	v58 =	vld [tilespmem:s6+$0x5150];
	_ =	sdelay $0x6  }
0x10c: {  	v8 =	vld.idx.msk [tilespmem:v8+s23+$0x0], $0xffff  }
0x10d: {  	v59 =	vld.idx.msk [tilespmem:v58+s24+$0x0], $0xffff;
	_ =	sdelay $0x4  }
0x10e: {  	v8 =	vadd.f32 v59, v8  }
0x10f: {  	v9 =	vld.idx.msk [tilespmem:v58+s26+$0x0], $0xffff  }
0x110: {  	v10 =	vmul.f32 $2.000000030e-01, v8  }
0x111: {  	vm13 =	vgt.f32 v8, $0.0e+00  }
0x112: {  	v8 =	vsel vm13, v8, v10  }
0x113: {  	v8 =	vmul.f32 $1.442695020e+00, v8  }
0x114: {  	v9 =	vadd.f32 $1.000000020e-16, v9  }
0x115: {  	(erf) = vpow2.f32 v8  }
0x116: {  	(erf) = vrcp.f32 v9;
	_ =	sdelay $0x7  }
0x117: {  	v8 =	vpop (erf)  }
0x118: {  	v9 =	vpop (erf)  }
0x119: {  	v8 =	vmul.f32 v8, v9;
	_ =	sdelay $0x1  }
0x11a: {  	[tilespmem:$0x13B50] =	vst v8  }
0x11b: {  	v8 =	vld [tilespmem:s6+$0x60]  }
0x11c: {  	v60 =	vld [tilespmem:s6+$0x5160];
	_ =	sdelay $0x6  }
0x11d: {  	v8 =	vld.idx.msk [tilespmem:v8+s23+$0x0], $0xffff  }
0x11e: {  	v61 =	vld.idx.msk [tilespmem:v60+s24+$0x0], $0xffff;
	_ =	sdelay $0x4  }
0x11f: {  	v8 =	vadd.f32 v61, v8  }
0x120: {  	v9 =	vld.idx.msk [tilespmem:v60+s26+$0x0], $0xffff  }
0x121: {  	v10 =	vmul.f32 $2.000000030e-01, v8  }
0x122: {  	vm14 =	vgt.f32 v8, $0.0e+00  }
0x123: {  	v8 =	vsel vm14, v8, v10  }
0x124: {  	v8 =	vmul.f32 $1.442695020e+00, v8  }
0x125: {  	v9 =	vadd.f32 $1.000000020e-16, v9  }
0x126: {  	(erf) = vpow2.f32 v8  }
0x127: {  	(erf) = vrcp.f32 v9;
	_ =	sdelay $0x7  }
0x128: {  	v8 =	vpop (erf)  }
0x129: {  	v9 =	vpop (erf)  }
0x12a: {  	v8 =	vmul.f32 v8, v9;
	_ =	sdelay $0x1  }
0x12b: {  	[tilespmem:$0x13B60] =	vst v8  }
0x12c: {  	v8 =	vld [tilespmem:s6+$0x70]  }
0x12d: {  	v62 =	vld [tilespmem:s6+$0x5170];
	_ =	sdelay $0x6  }
0x12e: {  	v8 =	vld.idx.msk [tilespmem:v8+s23+$0x0], $0xffff  }
0x12f: {  	v63 =	vld.idx.msk [tilespmem:v62+s24+$0x0], $0xffff;
	_ =	sdelay $0x4  }
0x130: {  	v8 =	vadd.f32 v63, v8  }
0x131: {  	v9 =	vld.idx.msk [tilespmem:v62+s26+$0x0], $0xffff  }
0x132: {  	v10 =	vmul.f32 $2.000000030e-01, v8  }
0x133: {  	vm15 =	vgt.f32 v8, $0.0e+00  }
0x134: {  	v8 =	vsel vm15, v8, v10  }
0x135: {  	v8 =	vmul.f32 $1.442695020e+00, v8  }
0x136: {  	v9 =	vadd.f32 $1.000000020e-16, v9  }
0x137: {  	(erf) = vpow2.f32 v8  }
0x138: {  	(erf) = vrcp.f32 v9;
	_ =	sdelay $0x7  }
0x139: {  	v8 =	vpop (erf)  }
0x13a: {  	v9 =	vpop (erf)  }
0x13b: {  	v8 =	vmul.f32 v8, v9;
	_ =	sdelay $0x1  }
0x13c: {  	[tilespmem:$0x13B70] =	vst v8  }
0x13d: {  	_ =	swait.ge [sflag:s0], $0x2000  }
0x13e: {  	[sflag:s0] =	ssyncset.done $0x0  }
0x13f: {  	s7 =	simm.s32 $0x0;
	s6 =	simm.s32 $0x11C00;
	[sflag:s0] =	ssyncadd.s32 $0xFFFFE000  }
.LBB2_9:
0x140: {  	s9 =	sshra.s32 s7, $0x2  }
0x141: {  	v8 =	vld [tilespmem:s9+$0x13B00];
	_ =	sdelay $0x1  }
0x142: {  	v9 =	vld [tilespmem:s6+$0xFFFFFE00];
	_ =	sdelay $0x1  }
0x143: {  	v39 =	vld [tilespmem:s6+$0xFFFFFE10]  }
0x144: {  	v10 =	vbroadcast v8, $0x0  }
0x145: {  	v40 =	vld [tilespmem:s6+$0xFFFFFE20]  }
0x146: {  	v9 =	vmul.f32 v10, v9  }
0x147: {  	v41 =	vld [tilespmem:s6+$0xFFFFFE30]  }
0x148: {  	[tilespmem:s6+$0xFFFFFE00] =	vst v9;
	v9 =	vmul.f32 v39, v10  }
0x149: {  	v42 =	vld [tilespmem:s6+$0xFFFFFE40]  }
0x14a: {  	[tilespmem:s6+$0xFFFFFE10] =	vst v9;
	v9 =	vmul.f32 v40, v10  }
0x14b: {  	v44 =	vld [tilespmem:s6+$0xFFFFFE50]  }
0x14c: {  	v43 =	vbroadcast v8, $0x1;
	[tilespmem:s6+$0xFFFFFE20] =	vst v9;
	v9 =	vmul.f32 v41, v10  }
0x14d: {  	v45 =	vld [tilespmem:s6+$0xFFFFFE60]  }
0x14e: {  	[tilespmem:s6+$0xFFFFFE30] =	vst v9;
	v9 =	vmul.f32 v42, v43  }
0x14f: {  	v46 =	vld [tilespmem:s6+$0xFFFFFE70]  }
0x150: {  	[tilespmem:s6+$0xFFFFFE40] =	vst v9;
	v9 =	vmul.f32 v44, v43  }
0x151: {  	v47 =	vld [tilespmem:s6+$0xFFFFFE80]  }
0x152: {  	[tilespmem:s6+$0xFFFFFE50] =	vst v9;
	v9 =	vmul.f32 v45, v43  }
0x153: {  	v49 =	vld [tilespmem:s6+$0xFFFFFE90]  }
0x154: {  	v48 =	vbroadcast v8, $0x2;
	[tilespmem:s6+$0xFFFFFE60] =	vst v9;
	v9 =	vmul.f32 v46, v43  }
0x155: {  	v50 =	vld [tilespmem:s6+$0xFFFFFEA0]  }
0x156: {  	[tilespmem:s6+$0xFFFFFE70] =	vst v9;
	v9 =	vmul.f32 v47, v48  }
0x157: {  	v51 =	vld [tilespmem:s6+$0xFFFFFEB0]  }
0x158: {  	[tilespmem:s6+$0xFFFFFE80] =	vst v9;
	v9 =	vmul.f32 v49, v48  }
0x159: {  	v52 =	vld [tilespmem:s6+$0xFFFFFEC0]  }
0x15a: {  	[tilespmem:s6+$0xFFFFFE90] =	vst v9;
	v9 =	vmul.f32 v50, v48  }
0x15b: {  	v54 =	vld [tilespmem:s6+$0xFFFFFED0]  }
0x15c: {  	v53 =	vbroadcast v8, $0x3;
	[tilespmem:s6+$0xFFFFFEA0] =	vst v9;
	v9 =	vmul.f32 v51, v48  }
0x15d: {  	v55 =	vld [tilespmem:s6+$0xFFFFFEE0]  }
0x15e: {  	[tilespmem:s6+$0xFFFFFEB0] =	vst v9;
	v9 =	vmul.f32 v52, v53  }
0x15f: {  	v56 =	vld [tilespmem:s6+$0xFFFFFEF0]  }
0x160: {  	[tilespmem:s6+$0xFFFFFEC0] =	vst v9;
	v9 =	vmul.f32 v54, v53  }
0x161: {  	v57 =	vld [tilespmem:s6+$0xFFFFFF00]  }
0x162: {  	[tilespmem:s6+$0xFFFFFED0] =	vst v9;
	v9 =	vmul.f32 v55, v53  }
0x163: {  	v59 =	vld [tilespmem:s6+$0xFFFFFF10]  }
0x164: {  	v58 =	vbroadcast v8, $0x4;
	[tilespmem:s6+$0xFFFFFEE0] =	vst v9;
	v9 =	vmul.f32 v56, v53  }
0x165: {  	v60 =	vld [tilespmem:s6+$0xFFFFFF20]  }
0x166: {  	[tilespmem:s6+$0xFFFFFEF0] =	vst v9;
	v9 =	vmul.f32 v57, v58  }
0x167: {  	v61 =	vld [tilespmem:s6+$0xFFFFFF30]  }
0x168: {  	[tilespmem:s6+$0xFFFFFF00] =	vst v9;
	v9 =	vmul.f32 v59, v58  }
0x169: {  	v62 =	vld [tilespmem:s6+$0xFFFFFF40]  }
0x16a: {  	[tilespmem:s6+$0xFFFFFF10] =	vst v9;
	v9 =	vmul.f32 v60, v58  }
0x16b: {  	v12 =	vld [tilespmem:s6+$0xFFFFFF50]  }
0x16c: {  	v63 =	vbroadcast v8, $0x5;
	[tilespmem:s6+$0xFFFFFF20] =	vst v9;
	v9 =	vmul.f32 v61, v58  }
0x16d: {  	v13 =	vld [tilespmem:s6+$0xFFFFFF60]  }
0x16e: {  	[tilespmem:s6+$0xFFFFFF30] =	vst v9;
	v9 =	vmul.f32 v62, v63  }
0x16f: {  	v14 =	vld [tilespmem:s6+$0xFFFFFF70]  }
0x170: {  	[tilespmem:s6+$0xFFFFFF40] =	vst v9;
	v9 =	vmul.f32 v12, v63  }
0x171: {  	v15 =	vld [tilespmem:s6+$0xFFFFFF80]  }
0x172: {  	[tilespmem:s6+$0xFFFFFF50] =	vst v9;
	v9 =	vmul.f32 v13, v63  }
0x173: {  	v17 =	vld [tilespmem:s6+$0xFFFFFF90]  }
0x174: {  	v16 =	vbroadcast v8, $0x6;
	[tilespmem:s6+$0xFFFFFF60] =	vst v9;
	v9 =	vmul.f32 v14, v63  }
0x175: {  	v18 =	vld [tilespmem:s6+$0xFFFFFFA0]  }
0x176: {  	[tilespmem:s6+$0xFFFFFF70] =	vst v9;
	v9 =	vmul.f32 v15, v16  }
0x177: {  	v19 =	vld [tilespmem:s6+$0xFFFFFFB0]  }
0x178: {  	[tilespmem:s6+$0xFFFFFF80] =	vst v9;
	v9 =	vmul.f32 v17, v16  }
0x179: {  	v20 =	vld [tilespmem:s6+$0xFFFFFFC0]  }
0x17a: {  	[tilespmem:s6+$0xFFFFFF90] =	vst v9;
	v9 =	vmul.f32 v18, v16  }
0x17b: {  	v22 =	vld [tilespmem:s6+$0xFFFFFFD0]  }
0x17c: {  	v21 =	vbroadcast v8, $0x7;
	[tilespmem:s6+$0xFFFFFFA0] =	vst v9;
	v9 =	vmul.f32 v19, v16  }
0x17d: {  	v23 =	vld [tilespmem:s6+$0xFFFFFFE0]  }
0x17e: {  	[tilespmem:s6+$0xFFFFFFB0] =	vst v9;
	v9 =	vmul.f32 v20, v21  }
0x17f: {  	v24 =	vld [tilespmem:s6+$0xFFFFFFF0]  }
0x180: {  	[tilespmem:s6+$0xFFFFFFC0] =	vst v9;
	v9 =	vmul.f32 v22, v21  }
0x181: {  	v25 =	vld [tilespmem:s6+$0x0]  }
0x182: {  	[tilespmem:s6+$0xFFFFFFD0] =	vst v9;
	v9 =	vmul.f32 v23, v21  }
0x183: {  	v27 =	vld [tilespmem:s6+$0x10]  }
0x184: {  	v26 =	vbroadcast v8, $0x8;
	[tilespmem:s6+$0xFFFFFFE0] =	vst v9;
	v9 =	vmul.f32 v24, v21  }
0x185: {  	v28 =	vld [tilespmem:s6+$0x20]  }
0x186: {  	[tilespmem:s6+$0xFFFFFFF0] =	vst v9;
	v9 =	vmul.f32 v25, v26  }
0x187: {  	v29 =	vld [tilespmem:s6+$0x30]  }
0x188: {  	[tilespmem:s6+$0x0] =	vst v9;
	v9 =	vmul.f32 v27, v26  }
0x189: {  	v30 =	vld [tilespmem:s6+$0x40]  }
0x18a: {  	[tilespmem:s6+$0x10] =	vst v9;
	v9 =	vmul.f32 v28, v26  }
0x18b: {  	v32 =	vld [tilespmem:s6+$0x50]  }
0x18c: {  	v31 =	vbroadcast v8, $0x9;
	[tilespmem:s6+$0x20] =	vst v9;
	v9 =	vmul.f32 v29, v26  }
0x18d: {  	v33 =	vld [tilespmem:s6+$0x60]  }
0x18e: {  	[tilespmem:s6+$0x30] =	vst v9;
	v9 =	vmul.f32 v30, v31  }
0x18f: {  	v34 =	vld [tilespmem:s6+$0x70]  }
0x190: {  	[tilespmem:s6+$0x40] =	vst v9;
	v9 =	vmul.f32 v32, v31  }
0x191: {  	v35 =	vld [tilespmem:s6+$0x80]  }
0x192: {  	[tilespmem:s6+$0x50] =	vst v9;
	v9 =	vmul.f32 v33, v31  }
0x193: {  	v37 =	vld [tilespmem:s6+$0x90]  }
0x194: {  	v36 =	vbroadcast v8, $0xA;
	[tilespmem:s6+$0x60] =	vst v9;
	v9 =	vmul.f32 v34, v31  }
0x195: {  	v38 =	vld [tilespmem:s6+$0xA0]  }
0x196: {  	[tilespmem:s6+$0x70] =	vst v9;
	v9 =	vmul.f32 v35, v36  }
0x197: {  	v39 =	vld [tilespmem:s6+$0xB0]  }
0x198: {  	[tilespmem:s6+$0x80] =	vst v9;
	v9 =	vmul.f32 v37, v36  }
0x199: {  	v40 =	vld [tilespmem:s6+$0xC0]  }
0x19a: {  	[tilespmem:s6+$0x90] =	vst v9;
	v9 =	vmul.f32 v38, v36  }
0x19b: {  	v42 =	vld [tilespmem:s6+$0xD0]  }
0x19c: {  	v41 =	vbroadcast v8, $0xB;
	[tilespmem:s6+$0xA0] =	vst v9;
	v9 =	vmul.f32 v39, v36  }
0x19d: {  	v43 =	vld [tilespmem:s6+$0xE0]  }
0x19e: {  	[tilespmem:s6+$0xB0] =	vst v9;
	v9 =	vmul.f32 v40, v41  }
0x19f: {  	v44 =	vld [tilespmem:s6+$0xF0]  }
0x1a0: {  	[tilespmem:s6+$0xC0] =	vst v9;
	v9 =	vmul.f32 v42, v41  }
0x1a1: {  	v45 =	vld [tilespmem:s6+$0x100]  }
0x1a2: {  	[tilespmem:s6+$0xD0] =	vst v9;
	v9 =	vmul.f32 v43, v41  }
0x1a3: {  	v47 =	vld [tilespmem:s6+$0x110]  }
0x1a4: {  	v46 =	vbroadcast v8, $0xC;
	[tilespmem:s6+$0xE0] =	vst v9;
	v9 =	vmul.f32 v44, v41  }
0x1a5: {  	v48 =	vld [tilespmem:s6+$0x120]  }
0x1a6: {  	[tilespmem:s6+$0xF0] =	vst v9;
	v9 =	vmul.f32 v45, v46  }
0x1a7: {  	v49 =	vld [tilespmem:s6+$0x130]  }
0x1a8: {  	[tilespmem:s6+$0x100] =	vst v9;
	v9 =	vmul.f32 v47, v46  }
0x1a9: {  	v50 =	vld [tilespmem:s6+$0x140]  }
0x1aa: {  	[tilespmem:s6+$0x110] =	vst v9;
	v9 =	vmul.f32 v48, v46  }
0x1ab: {  	v52 =	vld [tilespmem:s6+$0x150]  }
0x1ac: {  	v51 =	vbroadcast v8, $0xD;
	[tilespmem:s6+$0x120] =	vst v9;
	v9 =	vmul.f32 v49, v46  }
0x1ad: {  	v53 =	vld [tilespmem:s6+$0x160]  }
0x1ae: {  	[tilespmem:s6+$0x130] =	vst v9;
	v9 =	vmul.f32 v50, v51  }
0x1af: {  	v54 =	vld [tilespmem:s6+$0x170]  }
0x1b0: {  	[tilespmem:s6+$0x140] =	vst v9;
	v9 =	vmul.f32 v52, v51  }
0x1b1: {  	v55 =	vld [tilespmem:s6+$0x180]  }
0x1b2: {  	[tilespmem:s6+$0x150] =	vst v9;
	v9 =	vmul.f32 v53, v51  }
0x1b3: {  	v57 =	vld [tilespmem:s6+$0x190]  }
0x1b4: {  	v56 =	vbroadcast v8, $0xE;
	[tilespmem:s6+$0x160] =	vst v9;
	v9 =	vmul.f32 v54, v51  }
0x1b5: {  	v58 =	vld [tilespmem:s6+$0x1A0]  }
0x1b6: {  	[tilespmem:s6+$0x170] =	vst v9;
	v9 =	vmul.f32 v55, v56  }
0x1b7: {  	v59 =	vld [tilespmem:s6+$0x1B0]  }
0x1b8: {  	[tilespmem:s6+$0x180] =	vst v9;
	v9 =	vmul.f32 v57, v56  }
0x1b9: {  	v60 =	vld [tilespmem:s6+$0x1C0]  }
0x1ba: {  	[tilespmem:s6+$0x190] =	vst v9;
	v9 =	vmul.f32 v58, v56  }
0x1bb: {  	v61 =	vld [tilespmem:s6+$0x1D0]  }
0x1bc: {  	v8 =	vbroadcast v8, $0xF;
	[tilespmem:s6+$0x1A0] =	vst v9;
	v9 =	vmul.f32 v59, v56  }
0x1bd: {  	v62 =	vld [tilespmem:s6+$0x1E0]  }
0x1be: {  	v63 =	vld [tilespmem:s6+$0x1F0];
	[tilespmem:s6+$0x1B0] =	vst v9;
	v9 =	vmul.f32 v60, v8;
	_ =	sdelay $0x1  }
0x1bf: {  	p0 =	sne.s32 s7, $0x1C0;
	[tilespmem:s6+$0x1C0] =	vst v9;
	v9 =	vmul.f32 v61, v8  }
.Ltmp3:
0x1c0: {  	_ = 	snop;
	(pc) =	sbr.rel @p0 .LBB2_9-.Ltmp3, $4  }
0x1c1: {  	[tilespmem:s6+$0x1D0] =	vst v9;
	v9 =	vmul.f32 v62, v8  }
0x1c2: {  	v8 =	vmul.f32 v63, v8  }
0x1c3: {  	[tilespmem:s6+$0x1E0] =	vst v9  }
0x1c4: {  	s7 =	sadd.s32 $0x40, s7;
	[tilespmem:s6+$0x1F0] =	vst v8;
	s6 =	sadd.s32 $0x400, s6  }
0x1c5: {  	s4 =	sadd.s32 $0x1, s4  }
0x1c6: {  	p0 =	sne.s32 s4, $0xA2  }
.Ltmp4:
0x1c7: {  	_ = 	snop;
	(pc) =	sbr.rel @p0 .LBB2_8-.Ltmp4, $4  }
0x1c8: {  	[spmem:s2] =	stream.indirect.scatter.add.f32 [tilespmem:s25], [sflag:$0x2], $0x40, s22, s30, $0xb8;
	[tilespmem:$0x1DE50] =	vst v63  }
0x1c9: {  	_ =	swait.ge [sflag:s21], $0x2000  }
0x1ca: {  	[sflag:s21] =	ssyncset.done $0x0  }
0x1cb: {  	[sflag:s21] =	ssyncadd.s32 $0xFFFFE000  }
0x1cc: {  	s4 =	stileid.u32  }
0x1cd: {  	s4 =	sshll.u32 s4, $0x6  }
0x1ce: {  	[bflag:$0x0] =	sbarrier.arrive $0xFFFF;
	s6 =	sshrl.u32 s10, $0x3;
	s4 =	sor.u32 $0x1C02, s4  }
0x1cf: {  	[hbm:s17], [sflag:s4] =	dma.local [spmem:s6], $0x1400  }
0x1d0: {  	_ =	swait.ge [sflag:s21], $0x1400  }
0x1d1: {  	[sflag:s21] =	ssyncset.done $0x0  }
0x1d2: {  	s9 =	simm.s32 $0x100;
	s7 =	simm.s32 $0x0;
	[sflag:s21] =	ssyncadd.s32 $0xFFFFEC00  }
.LBB2_12:
0x1d3: {  	p0 =	sne.s32 s9, $0x7F00;
	[tilespmem:s7+$0x11A30] =	vst v3;
	s28 =	smov.u32 s9;
	s9 =	sadd.s32 $0x100, s9  }
.Ltmp5:
0x1d4: {  	[tilespmem:s7+$0x11A20] =	vst v3;
	(pc) =	sbr.rel @p0 .LBB2_12-.Ltmp5, $3  }
0x1d5: {  	[tilespmem:s7+$0x11A00] =	vst v3  }
0x1d6: {  	[tilespmem:s7+$0x11A10] =	vst v3;
	_ =	sdelay $0x1  }
0x1d7: {  	s7 =	sshra.s32 s28, $0x2  }
0x1d8: {  	[tilespmem:s7+$0x11A30] =	vst v3  }
0x1d9: {  	[tilespmem:s7+$0x11A20] =	vst v3  }
0x1da: {  	[tilespmem:s7+$0x11A00] =	vst v3  }
0x1db: {  	[tilespmem:s7+$0x11A10] =	vst v3;
	s28 =	simm.s32 $0x0  }
0x1dc: {  	[tilespmem:s23], [sflag:$0x2] =	stream.linear.gather [hbm4b:s15+s28], $0x2800, $0x38;
	[tilespmem:$0x1DE50] =	vst v63  }
0x1dd: {  	_ =	swait.ge [sflag:s21], $0x2800  }
0x1de: {  	[sflag:s21] =	ssyncset.done $0x0  }
0x1df: {  	[sflag:s21] =	ssyncadd.s32 $0xFFFFD800  }
0x1e0: {  	[tilespmem:s24], [sflag:$0x2] =	stream.linear.gather [hbm4b:s18+s28], $0x2800, $0x38;
	[tilespmem:$0x1DE50] =	vst v63  }
0x1e1: {  	_ =	swait.ge [sflag:s21], $0x2800  }
0x1e2: {  	[sflag:s21] =	ssyncset.done $0x0  }
0x1e3: {  	s7 =	simm.s32 $0x0;
	s9 =	simm.s32 $0x200;
	[sflag:s21] =	ssyncadd.s32 $0xFFFFD800  }
.LBB2_14:
0x1e4: {  	p0 =	sne.s32 s9, $0x9E00;
	[tilespmem:s7+$0xF270] =	vst v3  }
0x1e5: {  	[tilespmem:s7+$0xF200] =	vst v3  }
0x1e6: {  	[tilespmem:s7+$0xF210] =	vst v3  }
.Ltmp6:
0x1e7: {  	[tilespmem:s7+$0xF220] =	vst v3;
	(pc) =	sbr.rel @p0 .LBB2_14-.Ltmp6, $4  }
0x1e8: {  	[tilespmem:s7+$0xF230] =	vst v3  }
0x1e9: {  	[tilespmem:s7+$0xF240] =	vst v3  }
0x1ea: {  	[tilespmem:s7+$0xF250] =	vst v3  }
0x1eb: {  	[tilespmem:s7+$0xF260] =	vst v3;
	s7 =	sshra.s32 s9, $0x2;
	s9 =	sadd.s32 $0x200, s9  }
0x1ec: {  	[tilespmem:s7+$0xF270] =	vst v3  }
0x1ed: {  	[tilespmem:s7+$0xF200] =	vst v3  }
0x1ee: {  	[tilespmem:s7+$0xF210] =	vst v3  }
0x1ef: {  	[tilespmem:s7+$0xF220] =	vst v3  }
0x1f0: {  	[tilespmem:s7+$0xF230] =	vst v3  }
0x1f1: {  	[tilespmem:s7+$0xF240] =	vst v3  }
0x1f2: {  	[tilespmem:s7+$0xF250] =	vst v3  }
0x1f3: {  	[tilespmem:s7+$0xF260] =	vst v3  }
0x1f4: {  	[spmem:s10] =	stream.linear.scatter [tilespmem:s25], [sflag:$0x2], $0x2000, $0x38;
	[tilespmem:$0x1DE50] =	vst v63  }
0x1f5: {  	_ =	swait.ge [sflag:s21], $0x2000  }
0x1f6: {  	[sflag:s21] =	ssyncset.done $0x0  }
0x1f7: {  	[sflag:s21] =	ssyncadd.s32 $0xFFFFE000  }
0x1f8: {  	[spmem:s11] =	stream.linear.scatter [tilespmem:s25], [sflag:$0x2], $0x2000, $0x38;
	[tilespmem:$0x1DE50] =	vst v63  }
0x1f9: {  	_ =	swait.ge [sflag:s21], $0x2000  }
0x1fa: {  	[sflag:s21] =	ssyncset.done $0x0  }
0x1fb: {  	[sflag:s21] =	ssyncadd.s32 $0xFFFFE000  }
0x1fc: {  	[spmem:s12] =	stream.linear.scatter [tilespmem:s25], [sflag:$0x2], $0x2000, $0x38;
	[tilespmem:$0x1DE50] =	vst v63  }
0x1fd: {  	_ =	swait.ge [sflag:s21], $0x2000  }
0x1fe: {  	[sflag:s21] =	ssyncset.done $0x0  }
0x1ff: {  	[sflag:s21] =	ssyncadd.s32 $0xFFFFE000  }
0x200: {  	[spmem:s13] =	stream.linear.scatter [tilespmem:s25], [sflag:$0x2], $0x2000, $0x38;
	[tilespmem:$0x1DE50] =	vst v63  }
0x201: {  	_ =	swait.ge [sflag:s21], $0x2000  }
0x202: {  	[sflag:s21] =	ssyncset.done $0x0  }
0x203: {  	[sflag:s21] =	ssyncadd.s32 $0xFFFFE000  }
0x204: {  	[spmem:s14] =	stream.linear.scatter [tilespmem:s25], [sflag:$0x2], $0x2000, $0x38;
	[tilespmem:$0x1DE50] =	vst v63  }
0x205: {  	_ =	swait.ge [sflag:s21], $0x2000  }
0x206: {  	[sflag:s21] =	ssyncset.done $0x0  }
0x207: {  	[sflag:s21] =	ssyncadd.s32 $0xFFFFE000  }
0x208: {  	[spmem:s16] =	stream.linear.scatter [tilespmem:s26], [sflag:$0x2], $0x280, $0x38;
	[tilespmem:$0x1DE50] =	vst v63  }
0x209: {  	_ =	swait.ge [sflag:s21], $0x280  }
0x20a: {  	[sflag:s21] =	ssyncset.done $0x0  }
0x20b: {  	[sflag:s21] =	ssyncadd.s32 $0xFFFFFD80  }
0x20c: {  	s9 =	simm.s32 $0x0;
	[bflag:$0x0] =	sbarrier.arrive $0xFFFF  }
0x20d: {  	s7 =	simm.s32 $0x40;
	v8 =	vld [tilespmem:s9+$0x5100]  }
.LBB2_16:
0x20e: {  	p0 =	sne.s32 s7, $0x143C0;
	v9 =	vld [tilespmem:s9+$0x0];
	_ =	sdelay $0x6  }
0x20f: {  	v10 =	vld.idx.msk [tilespmem:v8+s24+$0x0], $0xffff  }
0x210: {  	v9 =	vld.idx.msk [tilespmem:v9+s23+$0x0], $0xffff;
	_ =	sdelay $0x5  }
0x211: {  	v9 =	vadd.f32 v10, v9;
	_ =	sdelay $0x1  }
0x212: {  	v10 =	vmul.f32 $2.000000030e-01, v9  }
0x213: {  	vm0 =	vgt.f32 v9, $0.0e+00  }
0x214: {  	v9 =	vsel vm0, v9, v10  }
0x215: {  	v9 =	vmul.f32 $1.442695020e+00, v9;
	_ =	sdelay $0x1  }
0x216: {  	(erf) = vpow2.f32 v9;
	_ =	sdelay $0x6  }
.Ltmp7:
0x217: {  	(pc) =	sbr.rel @p0 .LBB2_16-.Ltmp7, $4  }
0x218: {  	_ = 	snop  }
0x219: {  	v9 =	vpop (erf)  }
0x21a: {  	s9 =	sshra.s32 s7, $0x2;
	[tilespmem:v8+s26+$0x0] =	vst.idx.add.f32.msk $0xffff, v9  }
0x21b: {  	s7 =	sadd.s32 $0x40, s7;
	v8 =	vld [tilespmem:s9+$0x5100]  }
0x21c: {  	_ = 	snop  }
0x21d: {  	v9 =	vld [tilespmem:s9+$0x0];
	_ =	sdelay $0x6  }
0x21e: {  	v10 =	vld.idx.msk [tilespmem:v8+s24+$0x0], $0xffff  }
0x21f: {  	v9 =	vld.idx.msk [tilespmem:v9+s23+$0x0], $0xffff;
	_ =	sdelay $0x4  }
0x220: {  	v9 =	vadd.f32 v10, v9;
	_ =	sdelay $0x1  }
0x221: {  	v10 =	vmul.f32 $2.000000030e-01, v9  }
0x222: {  	vm0 =	vgt.f32 v9, $0.0e+00  }
0x223: {  	v9 =	vsel vm0, v9, v10  }
0x224: {  	v9 =	vmul.f32 $1.442695020e+00, v9;
	_ =	sdelay $0x1  }
0x225: {  	(erf) = vpow2.f32 v9;
	_ =	sdelay $0x8  }
0x226: {  	v9 =	vpop (erf)  }
0x227: {  	s7 =	simm.s32 $0x13B80;
	[tilespmem:v8+s26+$0x0] =	vst.idx.add.f32.msk $0xffff, v9  }
0x228: {  	[spmem:s3] =	stream.indirect.scatter.add.f32 [tilespmem:s26], [sflag:$0x2], $0x80, s7, s29, $0xb8;
	[tilespmem:$0x1DE50] =	vst v63  }
0x229: {  	_ =	swait.ge [sflag:s21], $0x2800  }
0x22a: {  	[sflag:s21] =	ssyncset.done $0x0  }
0x22b: {  	[sflag:s21] =	ssyncadd.s32 $0xFFFFD800  }
0x22c: {  	[bflag:$0x0] =	sbarrier.arrive $0xFFFF  }
0x22d: {  	[tilespmem:s26], [sflag:$0x2] =	stream.linear.gather [spmem:s3], $0x2800, $0x38;
	[tilespmem:$0x1DE50] =	vst v63  }
0x22e: {  	_ =	swait.ge [sflag:s21], $0x2800  }
0x22f: {  	[sflag:s21] =	ssyncset.done $0x0  }
0x230: {  	s7 =	simm.s32 $0x0;
	[sflag:s21] =	ssyncadd.s32 $0xFFFFD800  }
.LBB2_18:
0x231: {  	s9 =	sshll.u32 s7, $0x7  }
0x232: {  	v8 =	vld [tilespmem:s9+$0x0];
	_ =	sdelay $0x4  }
0x233: {  	v8 =	vshll.u32 v8, $0x2  }
0x234: {  	v8 =	vor.u32 v2, v8  }
0x235: {  	[tilespmem:$0x13A00] =	vst v8  }
0x236: {  	v8 =	vld [tilespmem:s9+$0x5100];
	_ =	sdelay $0x4  }
0x237: {  	[tilespmem:$0x13A80] =	vst v8  }
0x238: {  	v8 =	vld [tilespmem:s9+$0x10];
	_ =	sdelay $0x4  }
0x239: {  	v8 =	vshll.u32 v8, $0x2  }
0x23a: {  	v8 =	vor.u32 v2, v8  }
0x23b: {  	[tilespmem:$0x13A10] =	vst v8  }
0x23c: {  	v8 =	vld [tilespmem:s9+$0x5110];
	_ =	sdelay $0x4  }
0x23d: {  	[tilespmem:$0x13A90] =	vst v8  }
0x23e: {  	v8 =	vld [tilespmem:s9+$0x20];
	_ =	sdelay $0x4  }
0x23f: {  	v8 =	vshll.u32 v8, $0x2  }
0x240: {  	v8 =	vor.u32 v2, v8  }
0x241: {  	[tilespmem:$0x13A20] =	vst v8  }
0x242: {  	v8 =	vld [tilespmem:s9+$0x5120];
	_ =	sdelay $0x4  }
0x243: {  	[tilespmem:$0x13AA0] =	vst v8  }
0x244: {  	v8 =	vld [tilespmem:s9+$0x30];
	_ =	sdelay $0x4  }
0x245: {  	v8 =	vshll.u32 v8, $0x2  }
0x246: {  	v8 =	vor.u32 v2, v8  }
0x247: {  	[tilespmem:$0x13A30] =	vst v8  }
0x248: {  	v8 =	vld [tilespmem:s9+$0x5130];
	_ =	sdelay $0x4  }
0x249: {  	[tilespmem:$0x13AB0] =	vst v8  }
0x24a: {  	v8 =	vld [tilespmem:s9+$0x40];
	_ =	sdelay $0x4  }
0x24b: {  	v8 =	vshll.u32 v8, $0x2  }
0x24c: {  	v8 =	vor.u32 v2, v8  }
0x24d: {  	[tilespmem:$0x13A40] =	vst v8  }
0x24e: {  	v8 =	vld [tilespmem:s9+$0x5140];
	_ =	sdelay $0x4  }
0x24f: {  	[tilespmem:$0x13AC0] =	vst v8  }
0x250: {  	v8 =	vld [tilespmem:s9+$0x50];
	_ =	sdelay $0x4  }
0x251: {  	v8 =	vshll.u32 v8, $0x2  }
0x252: {  	v8 =	vor.u32 v2, v8  }
0x253: {  	[tilespmem:$0x13A50] =	vst v8  }
0x254: {  	v8 =	vld [tilespmem:s9+$0x5150];
	_ =	sdelay $0x4  }
0x255: {  	[tilespmem:$0x13AD0] =	vst v8  }
0x256: {  	v8 =	vld [tilespmem:s9+$0x60];
	_ =	sdelay $0x4  }
0x257: {  	v8 =	vshll.u32 v8, $0x2  }
0x258: {  	v8 =	vor.u32 v2, v8  }
0x259: {  	[tilespmem:$0x13A60] =	vst v8  }
0x25a: {  	v8 =	vld [tilespmem:s9+$0x5160];
	_ =	sdelay $0x4  }
0x25b: {  	[tilespmem:$0x13AE0] =	vst v8  }
0x25c: {  	v8 =	vld [tilespmem:s9+$0x70];
	_ =	sdelay $0x4  }
0x25d: {  	v8 =	vshll.u32 v8, $0x2  }
0x25e: {  	v8 =	vor.u32 v2, v8  }
0x25f: {  	[tilespmem:$0x13A70] =	vst v8  }
0x260: {  	v8 =	vld [tilespmem:s9+$0x5170];
	_ =	sdelay $0x4  }
0x261: {  	[tilespmem:$0x13AF0] =	vst v8  }
0x262: {  	[tilespmem:s25], [sflag:$0x1] =	stream.indirect.gather [hbm4b:s5+s30], $0x40, s31, s30, $0xb8;
	[tilespmem:$0x1DE50] =	vst v63  }
0x263: {  	v8 =	vld [tilespmem:s9+$0x0]  }
0x264: {  	v9 =	vld [tilespmem:s9+$0x5100];
	_ =	sdelay $0x6  }
0x265: {  	v8 =	vld.idx.msk [tilespmem:v8+s23+$0x0], $0xffff  }
0x266: {  	v10 =	vld.idx.msk [tilespmem:v9+s24+$0x0], $0xffff;
	_ =	sdelay $0x4  }
0x267: {  	v8 =	vadd.f32 v10, v8  }
0x268: {  	v9 =	vld.idx.msk [tilespmem:v9+s26+$0x0], $0xffff  }
0x269: {  	v10 =	vmul.f32 $2.000000030e-01, v8  }
0x26a: {  	vm0 =	vgt.f32 v8, $0.0e+00  }
0x26b: {  	v8 =	vsel vm0, v8, v10  }
0x26c: {  	v8 =	vmul.f32 $1.442695020e+00, v8  }
0x26d: {  	v9 =	vadd.f32 $1.000000020e-16, v9  }
0x26e: {  	(erf) = vpow2.f32 v8  }
0x26f: {  	(erf) = vrcp.f32 v9;
	_ =	sdelay $0x7  }
0x270: {  	v8 =	vpop (erf)  }
0x271: {  	v9 =	vpop (erf)  }
0x272: {  	v8 =	vmul.f32 v8, v9;
	_ =	sdelay $0x1  }
0x273: {  	[tilespmem:$0x13B00] =	vst v8  }
0x274: {  	v8 =	vld [tilespmem:s9+$0x10]  }
0x275: {  	v50 =	vld [tilespmem:s9+$0x5110];
	_ =	sdelay $0x6  }
0x276: {  	v8 =	vld.idx.msk [tilespmem:v8+s23+$0x0], $0xffff  }
0x277: {  	v51 =	vld.idx.msk [tilespmem:v50+s24+$0x0], $0xffff;
	_ =	sdelay $0x4  }
0x278: {  	v8 =	vadd.f32 v51, v8  }
0x279: {  	v9 =	vld.idx.msk [tilespmem:v50+s26+$0x0], $0xffff  }
0x27a: {  	v10 =	vmul.f32 $2.000000030e-01, v8  }
0x27b: {  	vm9 =	vgt.f32 v8, $0.0e+00  }
0x27c: {  	v8 =	vsel vm9, v8, v10  }
0x27d: {  	v8 =	vmul.f32 $1.442695020e+00, v8  }
0x27e: {  	v9 =	vadd.f32 $1.000000020e-16, v9  }
0x27f: {  	(erf) = vpow2.f32 v8  }
0x280: {  	(erf) = vrcp.f32 v9;
	_ =	sdelay $0x7  }
0x281: {  	v8 =	vpop (erf)  }
0x282: {  	v9 =	vpop (erf)  }
0x283: {  	v8 =	vmul.f32 v8, v9;
	_ =	sdelay $0x1  }
0x284: {  	[tilespmem:$0x13B10] =	vst v8  }
0x285: {  	v8 =	vld [tilespmem:s9+$0x20]  }
0x286: {  	v52 =	vld [tilespmem:s9+$0x5120];
	_ =	sdelay $0x6  }
0x287: {  	v8 =	vld.idx.msk [tilespmem:v8+s23+$0x0], $0xffff  }
0x288: {  	v53 =	vld.idx.msk [tilespmem:v52+s24+$0x0], $0xffff;
	_ =	sdelay $0x4  }
0x289: {  	v8 =	vadd.f32 v53, v8  }
0x28a: {  	v9 =	vld.idx.msk [tilespmem:v52+s26+$0x0], $0xffff  }
0x28b: {  	v10 =	vmul.f32 $2.000000030e-01, v8  }
0x28c: {  	vm10 =	vgt.f32 v8, $0.0e+00  }
0x28d: {  	v8 =	vsel vm10, v8, v10  }
0x28e: {  	v8 =	vmul.f32 $1.442695020e+00, v8  }
0x28f: {  	v9 =	vadd.f32 $1.000000020e-16, v9  }
0x290: {  	(erf) = vpow2.f32 v8  }
0x291: {  	(erf) = vrcp.f32 v9;
	_ =	sdelay $0x7  }
0x292: {  	v8 =	vpop (erf)  }
0x293: {  	v9 =	vpop (erf)  }
0x294: {  	v8 =	vmul.f32 v8, v9;
	_ =	sdelay $0x1  }
0x295: {  	[tilespmem:$0x13B20] =	vst v8  }
0x296: {  	v8 =	vld [tilespmem:s9+$0x30]  }
0x297: {  	v54 =	vld [tilespmem:s9+$0x5130];
	_ =	sdelay $0x6  }
0x298: {  	v8 =	vld.idx.msk [tilespmem:v8+s23+$0x0], $0xffff  }
0x299: {  	v55 =	vld.idx.msk [tilespmem:v54+s24+$0x0], $0xffff;
	_ =	sdelay $0x4  }
0x29a: {  	v8 =	vadd.f32 v55, v8  }
0x29b: {  	v9 =	vld.idx.msk [tilespmem:v54+s26+$0x0], $0xffff  }
0x29c: {  	v10 =	vmul.f32 $2.000000030e-01, v8  }
0x29d: {  	vm11 =	vgt.f32 v8, $0.0e+00  }
0x29e: {  	v8 =	vsel vm11, v8, v10  }
0x29f: {  	v8 =	vmul.f32 $1.442695020e+00, v8  }
0x2a0: {  	v9 =	vadd.f32 $1.000000020e-16, v9  }
0x2a1: {  	(erf) = vpow2.f32 v8  }
0x2a2: {  	(erf) = vrcp.f32 v9;
	_ =	sdelay $0x7  }
0x2a3: {  	v8 =	vpop (erf)  }
0x2a4: {  	v9 =	vpop (erf)  }
0x2a5: {  	v8 =	vmul.f32 v8, v9;
	_ =	sdelay $0x1  }
0x2a6: {  	[tilespmem:$0x13B30] =	vst v8  }
0x2a7: {  	v8 =	vld [tilespmem:s9+$0x40]  }
0x2a8: {  	v56 =	vld [tilespmem:s9+$0x5140];
	_ =	sdelay $0x6  }
0x2a9: {  	v8 =	vld.idx.msk [tilespmem:v8+s23+$0x0], $0xffff  }
0x2aa: {  	v57 =	vld.idx.msk [tilespmem:v56+s24+$0x0], $0xffff;
	_ =	sdelay $0x4  }
0x2ab: {  	v8 =	vadd.f32 v57, v8  }
0x2ac: {  	v9 =	vld.idx.msk [tilespmem:v56+s26+$0x0], $0xffff  }
0x2ad: {  	v10 =	vmul.f32 $2.000000030e-01, v8  }
0x2ae: {  	vm12 =	vgt.f32 v8, $0.0e+00  }
0x2af: {  	v8 =	vsel vm12, v8, v10  }
0x2b0: {  	v8 =	vmul.f32 $1.442695020e+00, v8  }
0x2b1: {  	v9 =	vadd.f32 $1.000000020e-16, v9  }
0x2b2: {  	(erf) = vpow2.f32 v8  }
0x2b3: {  	(erf) = vrcp.f32 v9;
	_ =	sdelay $0x7  }
0x2b4: {  	v8 =	vpop (erf)  }
0x2b5: {  	v9 =	vpop (erf)  }
0x2b6: {  	v8 =	vmul.f32 v8, v9;
	_ =	sdelay $0x1  }
0x2b7: {  	[tilespmem:$0x13B40] =	vst v8  }
0x2b8: {  	v8 =	vld [tilespmem:s9+$0x50]  }
0x2b9: {  	v58 =	vld [tilespmem:s9+$0x5150];
	_ =	sdelay $0x6  }
0x2ba: {  	v8 =	vld.idx.msk [tilespmem:v8+s23+$0x0], $0xffff  }
0x2bb: {  	v59 =	vld.idx.msk [tilespmem:v58+s24+$0x0], $0xffff;
	_ =	sdelay $0x4  }
0x2bc: {  	v8 =	vadd.f32 v59, v8  }
0x2bd: {  	v9 =	vld.idx.msk [tilespmem:v58+s26+$0x0], $0xffff  }
0x2be: {  	v10 =	vmul.f32 $2.000000030e-01, v8  }
0x2bf: {  	vm13 =	vgt.f32 v8, $0.0e+00  }
0x2c0: {  	v8 =	vsel vm13, v8, v10  }
0x2c1: {  	v8 =	vmul.f32 $1.442695020e+00, v8  }
0x2c2: {  	v9 =	vadd.f32 $1.000000020e-16, v9  }
0x2c3: {  	(erf) = vpow2.f32 v8  }
0x2c4: {  	(erf) = vrcp.f32 v9;
	_ =	sdelay $0x7  }
0x2c5: {  	v8 =	vpop (erf)  }
0x2c6: {  	v9 =	vpop (erf)  }
0x2c7: {  	v8 =	vmul.f32 v8, v9;
	_ =	sdelay $0x1  }
0x2c8: {  	[tilespmem:$0x13B50] =	vst v8  }
0x2c9: {  	v8 =	vld [tilespmem:s9+$0x60]  }
0x2ca: {  	v60 =	vld [tilespmem:s9+$0x5160];
	_ =	sdelay $0x6  }
0x2cb: {  	v8 =	vld.idx.msk [tilespmem:v8+s23+$0x0], $0xffff  }
0x2cc: {  	v61 =	vld.idx.msk [tilespmem:v60+s24+$0x0], $0xffff;
	_ =	sdelay $0x4  }
0x2cd: {  	v8 =	vadd.f32 v61, v8  }
0x2ce: {  	v9 =	vld.idx.msk [tilespmem:v60+s26+$0x0], $0xffff  }
0x2cf: {  	v10 =	vmul.f32 $2.000000030e-01, v8  }
0x2d0: {  	vm14 =	vgt.f32 v8, $0.0e+00  }
0x2d1: {  	v8 =	vsel vm14, v8, v10  }
0x2d2: {  	v8 =	vmul.f32 $1.442695020e+00, v8  }
0x2d3: {  	v9 =	vadd.f32 $1.000000020e-16, v9  }
0x2d4: {  	(erf) = vpow2.f32 v8  }
0x2d5: {  	(erf) = vrcp.f32 v9;
	_ =	sdelay $0x7  }
0x2d6: {  	v8 =	vpop (erf)  }
0x2d7: {  	v9 =	vpop (erf)  }
0x2d8: {  	v8 =	vmul.f32 v8, v9;
	_ =	sdelay $0x1  }
0x2d9: {  	[tilespmem:$0x13B60] =	vst v8  }
0x2da: {  	v8 =	vld [tilespmem:s9+$0x70]  }
0x2db: {  	v62 =	vld [tilespmem:s9+$0x5170];
	_ =	sdelay $0x6  }
0x2dc: {  	v8 =	vld.idx.msk [tilespmem:v8+s23+$0x0], $0xffff  }
0x2dd: {  	v63 =	vld.idx.msk [tilespmem:v62+s24+$0x0], $0xffff;
	_ =	sdelay $0x4  }
0x2de: {  	v8 =	vadd.f32 v63, v8  }
0x2df: {  	v9 =	vld.idx.msk [tilespmem:v62+s26+$0x0], $0xffff  }
0x2e0: {  	v10 =	vmul.f32 $2.000000030e-01, v8  }
0x2e1: {  	vm15 =	vgt.f32 v8, $0.0e+00  }
0x2e2: {  	v8 =	vsel vm15, v8, v10  }
0x2e3: {  	v8 =	vmul.f32 $1.442695020e+00, v8  }
0x2e4: {  	v9 =	vadd.f32 $1.000000020e-16, v9  }
0x2e5: {  	(erf) = vpow2.f32 v8  }
0x2e6: {  	(erf) = vrcp.f32 v9;
	_ =	sdelay $0x7  }
0x2e7: {  	v8 =	vpop (erf)  }
0x2e8: {  	v9 =	vpop (erf)  }
0x2e9: {  	v8 =	vmul.f32 v8, v9;
	_ =	sdelay $0x1  }
0x2ea: {  	[tilespmem:$0x13B70] =	vst v8  }
0x2eb: {  	_ =	swait.ge [sflag:s0], $0x2000  }
0x2ec: {  	[sflag:s0] =	ssyncset.done $0x0  }
0x2ed: {  	s28 =	simm.s32 $0x0;
	s9 =	simm.s32 $0x11C00;
	[sflag:s0] =	ssyncadd.s32 $0xFFFFE000  }
.LBB2_19:
0x2ee: {  	s29 =	sshra.s32 s28, $0x2  }
0x2ef: {  	v8 =	vld [tilespmem:s29+$0x13B00];
	_ =	sdelay $0x1  }
0x2f0: {  	v9 =	vld [tilespmem:s9+$0xFFFFFE00];
	_ =	sdelay $0x1  }
0x2f1: {  	v39 =	vld [tilespmem:s9+$0xFFFFFE10]  }
0x2f2: {  	v10 =	vbroadcast v8, $0x0  }
0x2f3: {  	v40 =	vld [tilespmem:s9+$0xFFFFFE20]  }
0x2f4: {  	v9 =	vmul.f32 v10, v9  }
0x2f5: {  	v41 =	vld [tilespmem:s9+$0xFFFFFE30]  }
0x2f6: {  	[tilespmem:s9+$0xFFFFFE00] =	vst v9;
	v9 =	vmul.f32 v39, v10  }
0x2f7: {  	v42 =	vld [tilespmem:s9+$0xFFFFFE40]  }
0x2f8: {  	[tilespmem:s9+$0xFFFFFE10] =	vst v9;
	v9 =	vmul.f32 v40, v10  }
0x2f9: {  	v44 =	vld [tilespmem:s9+$0xFFFFFE50]  }
0x2fa: {  	v43 =	vbroadcast v8, $0x1;
	[tilespmem:s9+$0xFFFFFE20] =	vst v9;
	v9 =	vmul.f32 v41, v10  }
0x2fb: {  	v45 =	vld [tilespmem:s9+$0xFFFFFE60]  }
0x2fc: {  	[tilespmem:s9+$0xFFFFFE30] =	vst v9;
	v9 =	vmul.f32 v42, v43  }
0x2fd: {  	v46 =	vld [tilespmem:s9+$0xFFFFFE70]  }
0x2fe: {  	[tilespmem:s9+$0xFFFFFE40] =	vst v9;
	v9 =	vmul.f32 v44, v43  }
0x2ff: {  	v47 =	vld [tilespmem:s9+$0xFFFFFE80]  }
0x300: {  	[tilespmem:s9+$0xFFFFFE50] =	vst v9;
	v9 =	vmul.f32 v45, v43  }
0x301: {  	v49 =	vld [tilespmem:s9+$0xFFFFFE90]  }
0x302: {  	v48 =	vbroadcast v8, $0x2;
	[tilespmem:s9+$0xFFFFFE60] =	vst v9;
	v9 =	vmul.f32 v46, v43  }
0x303: {  	v50 =	vld [tilespmem:s9+$0xFFFFFEA0]  }
0x304: {  	[tilespmem:s9+$0xFFFFFE70] =	vst v9;
	v9 =	vmul.f32 v47, v48  }
0x305: {  	v51 =	vld [tilespmem:s9+$0xFFFFFEB0]  }
0x306: {  	[tilespmem:s9+$0xFFFFFE80] =	vst v9;
	v9 =	vmul.f32 v49, v48  }
0x307: {  	v52 =	vld [tilespmem:s9+$0xFFFFFEC0]  }
0x308: {  	[tilespmem:s9+$0xFFFFFE90] =	vst v9;
	v9 =	vmul.f32 v50, v48  }
0x309: {  	v54 =	vld [tilespmem:s9+$0xFFFFFED0]  }
0x30a: {  	v53 =	vbroadcast v8, $0x3;
	[tilespmem:s9+$0xFFFFFEA0] =	vst v9;
	v9 =	vmul.f32 v51, v48  }
0x30b: {  	v55 =	vld [tilespmem:s9+$0xFFFFFEE0]  }
0x30c: {  	[tilespmem:s9+$0xFFFFFEB0] =	vst v9;
	v9 =	vmul.f32 v52, v53  }
0x30d: {  	v56 =	vld [tilespmem:s9+$0xFFFFFEF0]  }
0x30e: {  	[tilespmem:s9+$0xFFFFFEC0] =	vst v9;
	v9 =	vmul.f32 v54, v53  }
0x30f: {  	v57 =	vld [tilespmem:s9+$0xFFFFFF00]  }
0x310: {  	[tilespmem:s9+$0xFFFFFED0] =	vst v9;
	v9 =	vmul.f32 v55, v53  }
0x311: {  	v59 =	vld [tilespmem:s9+$0xFFFFFF10]  }
0x312: {  	v58 =	vbroadcast v8, $0x4;
	[tilespmem:s9+$0xFFFFFEE0] =	vst v9;
	v9 =	vmul.f32 v56, v53  }
0x313: {  	v60 =	vld [tilespmem:s9+$0xFFFFFF20]  }
0x314: {  	[tilespmem:s9+$0xFFFFFEF0] =	vst v9;
	v9 =	vmul.f32 v57, v58  }
0x315: {  	v61 =	vld [tilespmem:s9+$0xFFFFFF30]  }
0x316: {  	[tilespmem:s9+$0xFFFFFF00] =	vst v9;
	v9 =	vmul.f32 v59, v58  }
0x317: {  	v62 =	vld [tilespmem:s9+$0xFFFFFF40]  }
0x318: {  	[tilespmem:s9+$0xFFFFFF10] =	vst v9;
	v9 =	vmul.f32 v60, v58  }
0x319: {  	v12 =	vld [tilespmem:s9+$0xFFFFFF50]  }
0x31a: {  	v63 =	vbroadcast v8, $0x5;
	[tilespmem:s9+$0xFFFFFF20] =	vst v9;
	v9 =	vmul.f32 v61, v58  }
0x31b: {  	v13 =	vld [tilespmem:s9+$0xFFFFFF60]  }
0x31c: {  	[tilespmem:s9+$0xFFFFFF30] =	vst v9;
	v9 =	vmul.f32 v62, v63  }
0x31d: {  	v14 =	vld [tilespmem:s9+$0xFFFFFF70]  }
0x31e: {  	[tilespmem:s9+$0xFFFFFF40] =	vst v9;
	v9 =	vmul.f32 v12, v63  }
0x31f: {  	v15 =	vld [tilespmem:s9+$0xFFFFFF80]  }
0x320: {  	[tilespmem:s9+$0xFFFFFF50] =	vst v9;
	v9 =	vmul.f32 v13, v63  }
0x321: {  	v17 =	vld [tilespmem:s9+$0xFFFFFF90]  }
0x322: {  	v16 =	vbroadcast v8, $0x6;
	[tilespmem:s9+$0xFFFFFF60] =	vst v9;
	v9 =	vmul.f32 v14, v63  }
0x323: {  	v18 =	vld [tilespmem:s9+$0xFFFFFFA0]  }
0x324: {  	[tilespmem:s9+$0xFFFFFF70] =	vst v9;
	v9 =	vmul.f32 v15, v16  }
0x325: {  	v19 =	vld [tilespmem:s9+$0xFFFFFFB0]  }
0x326: {  	[tilespmem:s9+$0xFFFFFF80] =	vst v9;
	v9 =	vmul.f32 v17, v16  }
0x327: {  	v20 =	vld [tilespmem:s9+$0xFFFFFFC0]  }
0x328: {  	[tilespmem:s9+$0xFFFFFF90] =	vst v9;
	v9 =	vmul.f32 v18, v16  }
0x329: {  	v22 =	vld [tilespmem:s9+$0xFFFFFFD0]  }
0x32a: {  	v21 =	vbroadcast v8, $0x7;
	[tilespmem:s9+$0xFFFFFFA0] =	vst v9;
	v9 =	vmul.f32 v19, v16  }
0x32b: {  	v23 =	vld [tilespmem:s9+$0xFFFFFFE0]  }
0x32c: {  	[tilespmem:s9+$0xFFFFFFB0] =	vst v9;
	v9 =	vmul.f32 v20, v21  }
0x32d: {  	v24 =	vld [tilespmem:s9+$0xFFFFFFF0]  }
0x32e: {  	[tilespmem:s9+$0xFFFFFFC0] =	vst v9;
	v9 =	vmul.f32 v22, v21  }
0x32f: {  	v25 =	vld [tilespmem:s9+$0x0]  }
0x330: {  	[tilespmem:s9+$0xFFFFFFD0] =	vst v9;
	v9 =	vmul.f32 v23, v21  }
0x331: {  	v27 =	vld [tilespmem:s9+$0x10]  }
0x332: {  	v26 =	vbroadcast v8, $0x8;
	[tilespmem:s9+$0xFFFFFFE0] =	vst v9;
	v9 =	vmul.f32 v24, v21  }
0x333: {  	v28 =	vld [tilespmem:s9+$0x20]  }
0x334: {  	[tilespmem:s9+$0xFFFFFFF0] =	vst v9;
	v9 =	vmul.f32 v25, v26  }
0x335: {  	v29 =	vld [tilespmem:s9+$0x30]  }
0x336: {  	[tilespmem:s9+$0x0] =	vst v9;
	v9 =	vmul.f32 v27, v26  }
0x337: {  	v30 =	vld [tilespmem:s9+$0x40]  }
0x338: {  	[tilespmem:s9+$0x10] =	vst v9;
	v9 =	vmul.f32 v28, v26  }
0x339: {  	v32 =	vld [tilespmem:s9+$0x50]  }
0x33a: {  	v31 =	vbroadcast v8, $0x9;
	[tilespmem:s9+$0x20] =	vst v9;
	v9 =	vmul.f32 v29, v26  }
0x33b: {  	v33 =	vld [tilespmem:s9+$0x60]  }
0x33c: {  	[tilespmem:s9+$0x30] =	vst v9;
	v9 =	vmul.f32 v30, v31  }
0x33d: {  	v34 =	vld [tilespmem:s9+$0x70]  }
0x33e: {  	[tilespmem:s9+$0x40] =	vst v9;
	v9 =	vmul.f32 v32, v31  }
0x33f: {  	v35 =	vld [tilespmem:s9+$0x80]  }
0x340: {  	[tilespmem:s9+$0x50] =	vst v9;
	v9 =	vmul.f32 v33, v31  }
0x341: {  	v37 =	vld [tilespmem:s9+$0x90]  }
0x342: {  	v36 =	vbroadcast v8, $0xA;
	[tilespmem:s9+$0x60] =	vst v9;
	v9 =	vmul.f32 v34, v31  }
0x343: {  	v38 =	vld [tilespmem:s9+$0xA0]  }
0x344: {  	[tilespmem:s9+$0x70] =	vst v9;
	v9 =	vmul.f32 v35, v36  }
0x345: {  	v39 =	vld [tilespmem:s9+$0xB0]  }
0x346: {  	[tilespmem:s9+$0x80] =	vst v9;
	v9 =	vmul.f32 v37, v36  }
0x347: {  	v40 =	vld [tilespmem:s9+$0xC0]  }
0x348: {  	[tilespmem:s9+$0x90] =	vst v9;
	v9 =	vmul.f32 v38, v36  }
0x349: {  	v42 =	vld [tilespmem:s9+$0xD0]  }
0x34a: {  	v41 =	vbroadcast v8, $0xB;
	[tilespmem:s9+$0xA0] =	vst v9;
	v9 =	vmul.f32 v39, v36  }
0x34b: {  	v43 =	vld [tilespmem:s9+$0xE0]  }
0x34c: {  	[tilespmem:s9+$0xB0] =	vst v9;
	v9 =	vmul.f32 v40, v41  }
0x34d: {  	v44 =	vld [tilespmem:s9+$0xF0]  }
0x34e: {  	[tilespmem:s9+$0xC0] =	vst v9;
	v9 =	vmul.f32 v42, v41  }
0x34f: {  	v45 =	vld [tilespmem:s9+$0x100]  }
0x350: {  	[tilespmem:s9+$0xD0] =	vst v9;
	v9 =	vmul.f32 v43, v41  }
0x351: {  	v47 =	vld [tilespmem:s9+$0x110]  }
0x352: {  	v46 =	vbroadcast v8, $0xC;
	[tilespmem:s9+$0xE0] =	vst v9;
	v9 =	vmul.f32 v44, v41  }
0x353: {  	v48 =	vld [tilespmem:s9+$0x120]  }
0x354: {  	[tilespmem:s9+$0xF0] =	vst v9;
	v9 =	vmul.f32 v45, v46  }
0x355: {  	v49 =	vld [tilespmem:s9+$0x130]  }
0x356: {  	[tilespmem:s9+$0x100] =	vst v9;
	v9 =	vmul.f32 v47, v46  }
0x357: {  	v50 =	vld [tilespmem:s9+$0x140]  }
0x358: {  	[tilespmem:s9+$0x110] =	vst v9;
	v9 =	vmul.f32 v48, v46  }
0x359: {  	v52 =	vld [tilespmem:s9+$0x150]  }
0x35a: {  	v51 =	vbroadcast v8, $0xD;
	[tilespmem:s9+$0x120] =	vst v9;
	v9 =	vmul.f32 v49, v46  }
0x35b: {  	v53 =	vld [tilespmem:s9+$0x160]  }
0x35c: {  	[tilespmem:s9+$0x130] =	vst v9;
	v9 =	vmul.f32 v50, v51  }
0x35d: {  	v54 =	vld [tilespmem:s9+$0x170]  }
0x35e: {  	[tilespmem:s9+$0x140] =	vst v9;
	v9 =	vmul.f32 v52, v51  }
0x35f: {  	v55 =	vld [tilespmem:s9+$0x180]  }
0x360: {  	[tilespmem:s9+$0x150] =	vst v9;
	v9 =	vmul.f32 v53, v51  }
0x361: {  	v57 =	vld [tilespmem:s9+$0x190]  }
0x362: {  	v56 =	vbroadcast v8, $0xE;
	[tilespmem:s9+$0x160] =	vst v9;
	v9 =	vmul.f32 v54, v51  }
0x363: {  	v58 =	vld [tilespmem:s9+$0x1A0]  }
0x364: {  	[tilespmem:s9+$0x170] =	vst v9;
	v9 =	vmul.f32 v55, v56  }
0x365: {  	v59 =	vld [tilespmem:s9+$0x1B0]  }
0x366: {  	[tilespmem:s9+$0x180] =	vst v9;
	v9 =	vmul.f32 v57, v56  }
0x367: {  	v60 =	vld [tilespmem:s9+$0x1C0]  }
0x368: {  	[tilespmem:s9+$0x190] =	vst v9;
	v9 =	vmul.f32 v58, v56  }
0x369: {  	v61 =	vld [tilespmem:s9+$0x1D0]  }
0x36a: {  	v8 =	vbroadcast v8, $0xF;
	[tilespmem:s9+$0x1A0] =	vst v9;
	v9 =	vmul.f32 v59, v56  }
0x36b: {  	v62 =	vld [tilespmem:s9+$0x1E0]  }
0x36c: {  	v63 =	vld [tilespmem:s9+$0x1F0];
	[tilespmem:s9+$0x1B0] =	vst v9;
	v9 =	vmul.f32 v60, v8;
	_ =	sdelay $0x1  }
0x36d: {  	p0 =	sne.s32 s28, $0x1C0;
	[tilespmem:s9+$0x1C0] =	vst v9;
	v9 =	vmul.f32 v61, v8  }
.Ltmp8:
0x36e: {  	_ = 	snop;
	(pc) =	sbr.rel @p0 .LBB2_19-.Ltmp8, $4  }
0x36f: {  	[tilespmem:s9+$0x1D0] =	vst v9;
	v9 =	vmul.f32 v62, v8  }
0x370: {  	v8 =	vmul.f32 v63, v8  }
0x371: {  	[tilespmem:s9+$0x1E0] =	vst v9  }
0x372: {  	s28 =	sadd.s32 $0x40, s28;
	[tilespmem:s9+$0x1F0] =	vst v8;
	s9 =	sadd.s32 $0x400, s9  }
0x373: {  	s7 =	sadd.s32 $0x1, s7  }
0x374: {  	p0 =	sne.s32 s7, $0xA2  }
.Ltmp9:
0x375: {  	_ = 	snop;
	(pc) =	sbr.rel @p0 .LBB2_18-.Ltmp9, $4  }
0x376: {  	[spmem:s2] =	stream.indirect.scatter.add.f32 [tilespmem:s25], [sflag:$0x2], $0x40, s22, s30, $0xb8;
	[tilespmem:$0x1DE50] =	vst v63  }
0x377: {  	_ =	swait.ge [sflag:s21], $0x2000  }
0x378: {  	[sflag:s21] =	ssyncset.done $0x0  }
0x379: {  	[sflag:s21] =	ssyncadd.s32 $0xFFFFE000  }
0x37a: {  	s1 =	sadd.s32 $0x1, s1  }
0x37b: {  	p0 =	sne.s32 s1, s20  }
.Ltmp10:
0x37c: {  	[bflag:$0x0] =	sbarrier.arrive $0xFFFF;
	(pc) =	sbr.rel @p0 .LBB2_1-.Ltmp10, $4  }
0x37d: {  	[hbm:s19], [sflag:s4] =	dma.local [spmem:s6], $0x1400  }
0x37e: {  	_ =	swait.ge [sflag:s21], $0x1400  }
0x37f: {  	[sflag:s21] =	ssyncset.done $0x0  }
0x380: {  	s29 =	simm.s32 $0x50;
	[sflag:s21] =	ssyncadd.s32 $0xFFFFEC00  }
0x381: {  	_ =	sfence.sel $0x180000  }
0x382: {  	[bflag:$0x0] =	sbarrier.arrive $0xFFFF  }
0x383: {  	_ =	strace $0x90000047  }
0x384: {  	s0 =	stileid.u32;
	[bflag:$0x2] =	sbarrier.arrive $0xFFFF  }
0x385: {  	p0 =	sne.s32 s0, $0x0;
	s0 =	rddreg [dreg:$0x3]  }
0x386: {  	s0 =	sadd.s32 @!p0 $0x100000, s0  }
0x387: {  	[sflag:s0] =	ssyncadd.tile.s32 @!p0 $0x1;
	_ =	shalt  }
.Lfunc_end2:
_tile_overlayer_lowered:
.L_overlay_start_2:
0x388: {  	(tag) =	ssettag $0x2  }
0x389: {  	s0 =	rddreg [dreg:$0x0];
	s2 =	stileid.u32  }
0x38a: {  	s1 =	rddreg [dreg:$0x1];
	p0 =	sne.s32 s2, $0x0  }
0x38b: {  	s3 =	rddreg [dreg:$0x2];
	[bflag:$0x3] =	sbarrier.arrive $0xFFFF;
	s2 =	simm.s32 @!p0 $0x1C02  }
0x38c: {  	[timem:s3], [sflag:s2] =	dma.local @!p0 [hbm:s0], s1  }
0x38d: {  	s0 =	simm.s32 @!p0 $0x2  }
0x38e: {  	_ =	swait.ge @!p0 [sflag:s0], s1  }
0x38f: {  	s1 =	ssub.s32 @!p0 $0x0, s1;
	[sflag:s0] =	ssyncset.done @!p0 $0x0  }
0x390: {  	[sflag:s0] =	ssyncadd.s32 @!p0 s1  }
0x391: {  	[bflag:$0x3] =	sbarrier.arrive $0xFFFF  }
0x392: {  	_ =	shalt  }

</sc_bundles>
